<compile_context>
chip_gen: v7x
topology: tpu7x:2x2x1
jax: 0.10.2.dev20260603
libtpu: 0.0.44.dev20260713+nightly
codegen_flags: <defaults>
</compile_context>

<pallas_src>
import functools

import jax
import jax.numpy as jnp
from jax import lax
from jax.experimental import pallas as pl
from jax.experimental.pallas import tpu as pltpu
from jax.experimental.pallas import tpu_sc as plsc

_N = 10000
_E = 320000
_D = 128
_G = 64
_EPS = 1e-5

_NC, _NS = 2, 16
_CH = 128
_CN0 = 132
_CN1 = 27
_E0 = _CN0 * _CH * _NS
_EPAD = (_CN0 + _CN1) * _CH * _NS
_NPAD = 10112
_RPS = _NPAD // _NS

_PREC = lax.Precision.HIGHEST


def _scatter_body(x_hbm, idx_hbm, zeros_hbm, out_hbm,
                  idxr, rows0, rows1, rows2, acc, semg0, semg1, semg2):
    c = lax.axis_index("c")
    s = lax.axis_index("s")
    nch = jnp.where(c == 0, _CN0, _CN1)
    idxh = idx_hbm.at[c, s]
    rows = (rows0, rows1, rows2)
    semg = (semg0, semg1, semg2)

    def islot(h):
        return idxr.at[pl.ds(2 * h, 2)]

    pltpu.sync_copy(zeros_hbm, rows0)
    for k in range((_RPS + _CH - 1) // _CH):
        n = min(_CH, _RPS - k * _CH)
        pltpu.sync_copy(rows0.at[pl.ds(0, n)],
                        acc.at[pl.ds(s * _RPS + k * _CH, n)])
    for h in range(3):
        pltpu.sync_copy(idxh.at[pl.ds(2 * h, 2)], islot(h))
        pltpu.async_copy(x_hbm.at[islot(h).at[0]], rows[h], semg[h])
    plsc.subcore_barrier()

    def trip(q, carry):
        for h in range(3):
            k = 3 * q + h
            pltpu.make_async_copy(x_hbm.at[islot(h).at[0]],
                                  rows[h], semg[h]).wait()
            pltpu.sync_copy(rows[h], acc.at[islot(h).at[1]], add=True)
            pltpu.sync_copy(idxh.at[pl.ds(2 * k + 6, 2)], islot(h))
            pltpu.async_copy(x_hbm.at[islot(h).at[0]], rows[h], semg[h])
        return carry

    lax.fori_loop(0, nch // 3, trip, 0)
    for h in range(3):
        pltpu.make_async_copy(x_hbm.at[islot(h).at[0]],
                              rows[h], semg[h]).wait()
    plsc.subcore_barrier()

    for k in range((_RPS + _CH - 1) // _CH):
        n = min(_CH, _RPS - k * _CH)
        base = s * _RPS + k * _CH
        pltpu.sync_copy(acc.at[pl.ds(base, n)], rows0.at[pl.ds(0, n)])
        pltpu.sync_copy(rows0.at[pl.ds(0, n)], out_hbm.at[c, pl.ds(base, n)])


@functools.cache
def _make_scatter():
    return pl.kernel(
        _scatter_body,
        out_type=jax.ShapeDtypeStruct((_NC, _NPAD, _D), jnp.float32),
        mesh=plsc.VectorSubcoreMesh(core_axis_name="c", subcore_axis_name="s",
                                    num_cores=_NC, num_subcores=_NS),
        scratch_types=[
            pltpu.VMEM((6, _CH), jnp.int32),
            pltpu.VMEM((_CH, _D), jnp.float32),
            pltpu.VMEM((_CH, _D), jnp.float32),
            pltpu.VMEM((_CH, _D), jnp.float32),
            pltpu.VMEM_SHARED((_NPAD, _D), jnp.float32),
            pltpu.SemaphoreType.DMA,
            pltpu.SemaphoreType.DMA,
            pltpu.SemaphoreType.DMA,
        ],
    )


def _mlp_bn(h, Wa, ba, Wb, bb, g, be):
    z = jnp.maximum(jnp.dot(h, Wa, precision=_PREC,
                            preferred_element_type=jnp.float32) + ba, 0.0)
    z = jnp.dot(z, Wb, precision=_PREC,
                preferred_element_type=jnp.float32) + bb
    mean = jnp.mean(z, axis=0, keepdims=True)
    var = jnp.mean((z - mean) * (z - mean), axis=0, keepdims=True)
    zn = (z - mean) / jnp.sqrt(var + _EPS) * g + be
    return jnp.maximum(zn, 0.0)


def _dense1_body(x_ref, a_ref, W1_ref, b1_ref, W2_ref, b2_ref,
                 g_ref, be_ref, out_ref):
    h = x_ref[...] + a_ref[0, :_N, :] + a_ref[1, :_N, :]
    out_ref[...] = _mlp_bn(h, W1_ref[...], b1_ref[...], W2_ref[...],
                           b2_ref[...], g_ref[...], be_ref[...])


def _dense2_body(h_ref, a_ref, batch_ref, W3_ref, b3_ref, W4_ref, b4_ref,
                 g_ref, be_ref, Wf_ref, bf_ref, out_ref):
    h = h_ref[...] + a_ref[0, :_N, :] + a_ref[1, :_N, :]
    h2 = _mlp_bn(h, W3_ref[...], b3_ref[...], W4_ref[...], b4_ref[...],
                 g_ref[...], be_ref[...])
    gid = lax.broadcasted_iota(jnp.int32, (_G, _N), 0)
    onehot = (gid == batch_ref[...]).astype(jnp.float32)
    sums = jnp.dot(onehot, h2, precision=_PREC,
                   preferred_element_type=jnp.float32)
    counts = jnp.sum(onehot, axis=1, keepdims=True)
    pooled = sums / jnp.maximum(counts, 1.0)
    out_ref[...] = jnp.dot(pooled, Wf_ref[...], precision=_PREC,
                           preferred_element_type=jnp.float32) + bf_ref[...]


_dense1 = pl.pallas_call(
    _dense1_body,
    out_shape=jax.ShapeDtypeStruct((_N, _D), jnp.float32),
)

_dense2 = pl.pallas_call(
    _dense2_body,
    out_shape=jax.ShapeDtypeStruct((_G, _D), jnp.float32),
)


def kernel(x, edge_index, batch, W1, b1, W2, b2, g1, be1,
           W3, b3, W4, b4, g2, be2, Wf, bf):
    src = edge_index[0]
    dst = edge_index[1]
    pad = _EPAD - _E
    s0 = src[:_E0].reshape(_NS, _CN0, _CH)
    d0 = dst[:_E0].reshape(_NS, _CN0, _CH)
    i0 = jnp.stack([s0, d0], axis=2).reshape(_NS, 2 * _CN0, _CH)
    i0 = jnp.pad(i0, ((0, 0), (0, 6), (0, 0)))
    dummy = _N + (jnp.arange(pad, dtype=jnp.int32) % (_NPAD - _N))
    s1 = jnp.concatenate([src[_E0:], jnp.zeros((pad,), jnp.int32)])
    d1 = jnp.concatenate([dst[_E0:], dummy])
    s1 = s1.reshape(_NS, _CN1, _CH)
    d1 = d1.reshape(_NS, _CN1, _CH)
    i1 = jnp.stack([s1, d1], axis=2).reshape(_NS, 2 * _CN1, _CH)
    i1 = jnp.pad(i1, ((0, 0), (0, 2 * (_CN0 - _CN1) + 6), (0, 0)))
    idxp = jnp.stack([i0, i1], axis=0)
    zeros_t = jnp.zeros((_CH, _D), jnp.float32)
    batch2 = batch.reshape(1, _N)
    b1r, b2r, g1r, be1r = (v.reshape(1, _D) for v in (b1, b2, g1, be1))
    b3r, b4r, g2r, be2r = (v.reshape(1, _D) for v in (b3, b4, g2, be2))
    bfr = bf.reshape(1, _D)

    scatter = _make_scatter()
    a1 = scatter(x, idxp, zeros_t)
    h1 = _dense1(x, a1, W1, b1r, W2, b2r, g1r, be1r)
    a2 = scatter(h1, idxp, zeros_t)
    return _dense2(h1, a2, batch2, W3, b3r, W4, b4r, g2r, be2r, Wf, bfr)

# --- scband reference (transcript-rebuilt; emitter-appended) ---
"""Pipeline reference for scband-gin-14680198218264 (READ-ONLY COPY).

The authoritative reference and input builder live on the scoring server;
editing this copy changes nothing except your own understanding.
"""

import jax, jax.numpy as jnp
import numpy as np

N = 10000
E = 320000
D = 128
H = 128
O = 128
G = 64
BN_EPS = 1e-5


def setup_inputs(seed: int = 0) -> dict:
    key = jax.random.key(seed)
    ks = jax.random.split(key, 20)
    x = jax.random.normal(ks[0], (N, D), dtype=jnp.float32)
    edge_index = jax.random.randint(ks[1], (2, E), 0, N, dtype=jnp.int32)
    batch = jnp.sort(jax.random.randint(ks[2], (N,), 0, G, dtype=jnp.int32))
    s1 = 1.0 / np.sqrt(D)
    s2 = 1.0 / np.sqrt(H)
    # GINConv 1 MLP: Linear(D->H), ReLU, Linear(H->H)
    W1 = jax.random.normal(ks[3], (D, H), dtype=jnp.float32) * s1
    b1 = jnp.zeros((H,), dtype=jnp.float32)
    W2 = jax.random.normal(ks[4], (H, H), dtype=jnp.float32) * s2
    b2 = jnp.zeros((H,), dtype=jnp.float32)
    # BatchNorm 1
    g1 = jnp.ones((H,), dtype=jnp.float32)
    be1 = jnp.zeros((H,), dtype=jnp.float32)
    # GINConv 2 MLP: Linear(H->H), ReLU, Linear(H->H)
    W3 = jax.random.normal(ks[5], (H, H), dtype=jnp.float32) * s2
    b3 = jnp.zeros((H,), dtype=jnp.float32)
    W4 = jax.random.normal(ks[6], (H, H), dtype=jnp.float32) * s2
    b4 = jnp.zeros((H,), dtype=jnp.float32)
    # BatchNorm 2
    g2 = jnp.ones((H,), dtype=jnp.float32)
    be2 = jnp.zeros((H,), dtype=jnp.float32)
    # Final fc: Linear(H->O)
    Wf = jax.random.normal(ks[7], (H, O), dtype=jnp.float32) * s2
    bf = jnp.zeros((O,), dtype=jnp.float32)
    return {"x": x, "edge_index": edge_index, "batch": batch,
            "W1": W1, "b1": b1, "W2": W2, "b2": b2, "g1": g1, "be1": be1,
            "W3": W3, "b3": b3, "W4": W4, "b4": b4, "g2": g2, "be2": be2,
            "Wf": Wf, "bf": bf}


def _gin_conv(x, src, dst, Wa, ba, Wb, bb):
    # GINConv with eps=0: MLP((1+eps)*x + sum_{j in N(i)} x_j)
    agg = jax.ops.segment_sum(x[src], dst, num_segments=N)
    h = x + agg
    h = jnp.maximum(h @ Wa + ba, 0.0)
    h = h @ Wb + bb
    return h


def _batch_norm(h, gamma, beta):
    # training-mode BatchNorm1d (batch statistics, biased variance)
    mean = jnp.mean(h, axis=0)
    var = jnp.mean((h - mean) ** 2, axis=0)
    return (h - mean) / jnp.sqrt(var + BN_EPS) * gamma + beta


def reference(x, edge_index, batch, W1, b1, W2, b2, g1, be1,
              W3, b3, W4, b4, g2, be2, Wf, bf):
    src = edge_index[0]
    dst = edge_index[1]
    # layer 1: conv -> BN -> ReLU
    h = _gin_conv(x, src, dst, W1, b1, W2, b2)
    h = jnp.maximum(_batch_norm(h, g1, be1), 0.0)
    # layer 2: conv -> BN -> ReLU
    h = _gin_conv(h, src, dst, W3, b3, W4, b4)
    h = jnp.maximum(_batch_norm(h, g2, be2), 0.0)
    # global_mean_pool over graph ids
    sums = jax.ops.segment_sum(h, batch, num_segments=G)
    counts = jax.ops.segment_sum(jnp.ones((N,), dtype=jnp.float32), batch, num_segments=G)
    pooled = sums / jnp.maximum(counts, 1.0)[:, None]
    return pooled @ Wf + bf


if False:  # reference __main__ guard neutralized (emitter)
    inp = setup_inputs()
    out = reference(**inp)
    print(out.shape, out.dtype)

if __name__ == "__main__":
    import jax
    _d = setup_inputs()
    print(jax.jit(kernel)(*tuple(_d.values())))

</pallas_src>

<mosaic_0001>
#map = affine_map<(d0, d1) -> (0, 0)>
#map1 = affine_map<(d0, d1) -> (0, 0, 0, 0)>
#map2 = affine_map<(d0, d1) -> (0, 0, 0)>
module attributes {stable_mosaic.version = 14 : i64} {
  func.func @_scatter_body(%arg0: i32, %arg1: i32, %arg2: memref<10000x128xf32, #tpu.memory_space<hbm>>, %arg3: memref<2x16x270x128xi32, #tpu.memory_space<hbm>>, %arg4: memref<128x128xf32, #tpu.memory_space<hbm>>, %arg5: memref<2x10112x128xf32, #tpu.memory_space<hbm>>, %arg6: memref<6x128xi32, #tpu.memory_space<vmem>>, %arg7: memref<128x128xf32, #tpu.memory_space<vmem>>, %arg8: memref<128x128xf32, #tpu.memory_space<vmem>>, %arg9: memref<128x128xf32, #tpu.memory_space<vmem>>, %arg10: memref<10112x128xf32, #tpu.memory_space<vmem_shared>>, %arg11: memref<!tpu.dma_semaphore, #tpu.memory_space<semaphore_mem>>, %arg12: memref<!tpu.dma_semaphore, #tpu.memory_space<semaphore_mem>>, %arg13: memref<!tpu.dma_semaphore, #tpu.memory_space<semaphore_mem>>) attributes {dimension_semantics = [#tpu.dimension_semantics<core_parallel>, #tpu.dimension_semantics<subcore_parallel>], iteration_bounds = array<i64: 2, 16>, scalar_prefetch = 0 : i64, scratch_operands = 8 : i64, tpu.core_type = #tpu.core_type<sc_vector_subcore>, window_params = [{transform_indices = #map}, {transform_indices = #map1}, {transform_indices = #map}, {transform_indices = #map2}]} {
    %eq3A = arith.constant 0 : i32
    %eq3A_0 = arith.cmpi eq, %arg0, %eq3A : i32
    %jit3A = arith.constant 132 : i32
    %jit3A_1 = arith.constant 27 : i32
    %select_n3A = arith.select %eq3A_0, %jit3A, %jit3A_1 : i32
    "tpu.region"() ({
      %run_scoped3A = tpu.sem_alloc : memref<!tpu.dma_semaphore, #tpu.memory_space<semaphore_mem>>
      tpu.enqueue_dma source(%arg4 : memref<128x128xf32, #tpu.memory_space<hbm>>) target(%arg7 : memref<128x128xf32, #tpu.memory_space<vmem>>) target_semaphore(%run_scoped3A : memref<!tpu.dma_semaphore, #tpu.memory_space<semaphore_mem>>)
      tpu.wait_dma2 semaphore(%run_scoped3A : memref<!tpu.dma_semaphore, #tpu.memory_space<semaphore_mem>>) src(%arg4 : memref<128x128xf32, #tpu.memory_space<hbm>>) dst(%arg7 : memref<128x128xf32, #tpu.memory_space<vmem>>)
      tpu.yield
    }) : () -> ()
    %mul3A = arith.constant 632 : i32
    %mul3A_2 = arith.muli %arg1, %mul3A : i32
    %add3A = arith.constant 0 : i32
    %add3A_3 = arith.addi %mul3A_2, %add3A : i32
    "tpu.region"() ({
      %run_scoped3A = tpu.sem_alloc : memref<!tpu.dma_semaphore, #tpu.memory_space<semaphore_mem>>
      %dma_start3A_126 = arith.constant 0 : i32
      %dma_start3A_127 = arith.constant 0 : i32
      %dma_start3A_128 = tpu.memref_slice %arg7[%dma_start3A_126, %dma_start3A_127] : memref<128x128xf32, #tpu.memory_space<vmem>> -> memref<128x128xf32, #tpu.memory_space<vmem>>
      %dma_start3A_129 = arith.constant 0 : i32
      %dma_start3A_130 = tpu.memref_slice %arg10[%add3A_3, %dma_start3A_129] : memref<10112x128xf32, #tpu.memory_space<vmem_shared>> -> memref<128x128xf32, #tpu.memory_space<vmem_shared>>
      %dma_start3A_131 = arith.constant 0 : i32
      %dma_start3A_132 = tpu.memref_slice %arg10[%add3A_3, %dma_start3A_131] : memref<10112x128xf32, #tpu.memory_space<vmem_shared>> -> memref<128x128xf32, #tpu.memory_space<vmem_shared>>
      %dma_start3A_133 = arith.constant 0 : i32
      %dma_start3A_134 = arith.constant 0 : i32
      %dma_start3A_135 = tpu.memref_slice %arg7[%dma_start3A_133, %dma_start3A_134] : memref<128x128xf32, #tpu.memory_space<vmem>> -> memref<128x128xf32, #tpu.memory_space<vmem>>
      tpu.enqueue_dma source(%dma_start3A_135 : memref<128x128xf32, #tpu.memory_space<vmem>>) target(%dma_start3A_132 : memref<128x128xf32, #tpu.memory_space<vmem_shared>>) target_semaphore(%run_scoped3A : memref<!tpu.dma_semaphore, #tpu.memory_space<semaphore_mem>>)
      %dma_wait3A_136 = arith.constant 0 : i32
      %dma_wait3A_137 = arith.constant 0 : i32
      %dma_wait3A_138 = tpu.memref_slice %arg7[%dma_wait3A_136, %dma_wait3A_137] : memref<128x128xf32, #tpu.memory_space<vmem>> -> memref<128x128xf32, #tpu.memory_space<vmem>>
      %dma_wait3A_139 = arith.constant 0 : i32
      %dma_wait3A_140 = tpu.memref_slice %arg10[%add3A_3, %dma_wait3A_139] : memref<10112x128xf32, #tpu.memory_space<vmem_shared>> -> memref<128x128xf32, #tpu.memory_space<vmem_shared>>
      %dma_wait3A_141 = arith.constant 0 : i32
      %dma_wait3A_142 = tpu.memref_slice %arg10[%add3A_3, %dma_wait3A_141] : memref<10112x128xf32, #tpu.memory_space<vmem_shared>> -> memref<128x128xf32, #tpu.memory_space<vmem_shared>>
      %dma_wait3A_143 = arith.constant 0 : i32
      %dma_wait3A_144 = arith.constant 0 : i32
      %dma_wait3A_145 = tpu.memref_slice %arg7[%dma_wait3A_143, %dma_wait3A_144] : memref<128x128xf32, #tpu.memory_space<vmem>> -> memref<128x128xf32, #tpu.memory_space<vmem>>
      tpu.wait_dma2 semaphore(%run_scoped3A : memref<!tpu.dma_semaphore, #tpu.memory_space<semaphore_mem>>) src(%dma_wait3A_145 : memref<128x128xf32, #tpu.memory_space<vmem>>) dst(%dma_wait3A_142 : memref<128x128xf32, #tpu.memory_space<vmem_shared>>)
      tpu.yield
    }) : () -> ()
    %mul3A_4 = arith.constant 632 : i32
    %mul3A_5 = arith.muli %arg1, %mul3A_4 : i32
    %add3A_6 = arith.constant 128 : i32
    %add3A_7 = arith.addi %mul3A_5, %add3A_6 : i32
    "tpu.region"() ({
      %run_scoped3A = tpu.sem_alloc : memref<!tpu.dma_semaphore, #tpu.memory_space<semaphore_mem>>
      %dma_start3A_126 = arith.constant 0 : i32
      %dma_start3A_127 = arith.constant 0 : i32
      %dma_start3A_128 = tpu.memref_slice %arg7[%dma_start3A_126, %dma_start3A_127] : memref<128x128xf32, #tpu.memory_space<vmem>> -> memref<128x128xf32, #tpu.memory_space<vmem>>
      %dma_start3A_129 = arith.constant 0 : i32
      %dma_start3A_130 = tpu.memref_slice %arg10[%add3A_7, %dma_start3A_129] : memref<10112x128xf32, #tpu.memory_space<vmem_shared>> -> memref<128x128xf32, #tpu.memory_space<vmem_shared>>
      %dma_start3A_131 = arith.constant 0 : i32
      %dma_start3A_132 = tpu.memref_slice %arg10[%add3A_7, %dma_start3A_131] : memref<10112x128xf32, #tpu.memory_space<vmem_shared>> -> memref<128x128xf32, #tpu.memory_space<vmem_shared>>
      %dma_start3A_133 = arith.constant 0 : i32
      %dma_start3A_134 = arith.constant 0 : i32
      %dma_start3A_135 = tpu.memref_slice %arg7[%dma_start3A_133, %dma_start3A_134] : memref<128x128xf32, #tpu.memory_space<vmem>> -> memref<128x128xf32, #tpu.memory_space<vmem>>
      tpu.enqueue_dma source(%dma_start3A_135 : memref<128x128xf32, #tpu.memory_space<vmem>>) target(%dma_start3A_132 : memref<128x128xf32, #tpu.memory_space<vmem_shared>>) target_semaphore(%run_scoped3A : memref<!tpu.dma_semaphore, #tpu.memory_space<semaphore_mem>>)
      %dma_wait3A_136 = arith.constant 0 : i32
      %dma_wait3A_137 = arith.constant 0 : i32
      %dma_wait3A_138 = tpu.memref_slice %arg7[%dma_wait3A_136, %dma_wait3A_137] : memref<128x128xf32, #tpu.memory_space<vmem>> -> memref<128x128xf32, #tpu.memory_space<vmem>>
      %dma_wait3A_139 = arith.constant 0 : i32
      %dma_wait3A_140 = tpu.memref_slice %arg10[%add3A_7, %dma_wait3A_139] : memref<10112x128xf32, #tpu.memory_space<vmem_shared>> -> memref<128x128xf32, #tpu.memory_space<vmem_shared>>
      %dma_wait3A_141 = arith.constant 0 : i32
      %dma_wait3A_142 = tpu.memref_slice %arg10[%add3A_7, %dma_wait3A_141] : memref<10112x128xf32, #tpu.memory_space<vmem_shared>> -> memref<128x128xf32, #tpu.memory_space<vmem_shared>>
      %dma_wait3A_143 = arith.constant 0 : i32
      %dma_wait3A_144 = arith.constant 0 : i32
      %dma_wait3A_145 = tpu.memref_slice %arg7[%dma_wait3A_143, %dma_wait3A_144] : memref<128x128xf32, #tpu.memory_space<vmem>> -> memref<128x128xf32, #tpu.memory_space<vmem>>
      tpu.wait_dma2 semaphore(%run_scoped3A : memref<!tpu.dma_semaphore, #tpu.memory_space<semaphore_mem>>) src(%dma_wait3A_145 : memref<128x128xf32, #tpu.memory_space<vmem>>) dst(%dma_wait3A_142 : memref<128x128xf32, #tpu.memory_space<vmem_shared>>)
      tpu.yield
    }) : () -> ()
    %mul3A_8 = arith.constant 632 : i32
    %mul3A_9 = arith.muli %arg1, %mul3A_8 : i32
    %add3A_10 = arith.constant 256 : i32
    %add3A_11 = arith.addi %mul3A_9, %add3A_10 : i32
    "tpu.region"() ({
      %run_scoped3A = tpu.sem_alloc : memref<!tpu.dma_semaphore, #tpu.memory_space<semaphore_mem>>
      %dma_start3A_126 = arith.constant 0 : i32
      %dma_start3A_127 = arith.constant 0 : i32
      %dma_start3A_128 = tpu.memref_slice %arg7[%dma_start3A_126, %dma_start3A_127] : memref<128x128xf32, #tpu.memory_space<vmem>> -> memref<128x128xf32, #tpu.memory_space<vmem>>
      %dma_start3A_129 = arith.constant 0 : i32
      %dma_start3A_130 = tpu.memref_slice %arg10[%add3A_11, %dma_start3A_129] : memref<10112x128xf32, #tpu.memory_space<vmem_shared>> -> memref<128x128xf32, #tpu.memory_space<vmem_shared>>
      %dma_start3A_131 = arith.constant 0 : i32
      %dma_start3A_132 = tpu.memref_slice %arg10[%add3A_11, %dma_start3A_131] : memref<10112x128xf32, #tpu.memory_space<vmem_shared>> -> memref<128x128xf32, #tpu.memory_space<vmem_shared>>
      %dma_start3A_133 = arith.constant 0 : i32
      %dma_start3A_134 = arith.constant 0 : i32
      %dma_start3A_135 = tpu.memref_slice %arg7[%dma_start3A_133, %dma_start3A_134] : memref<128x128xf32, #tpu.memory_space<vmem>> -> memref<128x128xf32, #tpu.memory_space<vmem>>
      tpu.enqueue_dma source(%dma_start3A_135 : memref<128x128xf32, #tpu.memory_space<vmem>>) target(%dma_start3A_132 : memref<128x128xf32, #tpu.memory_space<vmem_shared>>) target_semaphore(%run_scoped3A : memref<!tpu.dma_semaphore, #tpu.memory_space<semaphore_mem>>)
      %dma_wait3A_136 = arith.constant 0 : i32
      %dma_wait3A_137 = arith.constant 0 : i32
      %dma_wait3A_138 = tpu.memref_slice %arg7[%dma_wait3A_136, %dma_wait3A_137] : memref<128x128xf32, #tpu.memory_space<vmem>> -> memref<128x128xf32, #tpu.memory_space<vmem>>
      %dma_wait3A_139 = arith.constant 0 : i32
      %dma_wait3A_140 = tpu.memref_slice %arg10[%add3A_11, %dma_wait3A_139] : memref<10112x128xf32, #tpu.memory_space<vmem_shared>> -> memref<128x128xf32, #tpu.memory_space<vmem_shared>>
      %dma_wait3A_141 = arith.constant 0 : i32
      %dma_wait3A_142 = tpu.memref_slice %arg10[%add3A_11, %dma_wait3A_141] : memref<10112x128xf32, #tpu.memory_space<vmem_shared>> -> memref<128x128xf32, #tpu.memory_space<vmem_shared>>
      %dma_wait3A_143 = arith.constant 0 : i32
      %dma_wait3A_144 = arith.constant 0 : i32
      %dma_wait3A_145 = tpu.memref_slice %arg7[%dma_wait3A_143, %dma_wait3A_144] : memref<128x128xf32, #tpu.memory_space<vmem>> -> memref<128x128xf32, #tpu.memory_space<vmem>>
      tpu.wait_dma2 semaphore(%run_scoped3A : memref<!tpu.dma_semaphore, #tpu.memory_space<semaphore_mem>>) src(%dma_wait3A_145 : memref<128x128xf32, #tpu.memory_space<vmem>>) dst(%dma_wait3A_142 : memref<128x128xf32, #tpu.memory_space<vmem_shared>>)
      tpu.yield
    }) : () -> ()
    %mul3A_12 = arith.constant 632 : i32
    %mul3A_13 = arith.muli %arg1, %mul3A_12 : i32
    %add3A_14 = arith.constant 384 : i32
    %add3A_15 = arith.addi %mul3A_13, %add3A_14 : i32
    "tpu.region"() ({
      %run_scoped3A = tpu.sem_alloc : memref<!tpu.dma_semaphore, #tpu.memory_space<semaphore_mem>>
      %dma_start3A_126 = arith.constant 0 : i32
      %dma_start3A_127 = arith.constant 0 : i32
      %dma_start3A_128 = tpu.memref_slice %arg7[%dma_start3A_126, %dma_start3A_127] : memref<128x128xf32, #tpu.memory_space<vmem>> -> memref<128x128xf32, #tpu.memory_space<vmem>>
      %dma_start3A_129 = arith.constant 0 : i32
      %dma_start3A_130 = tpu.memref_slice %arg10[%add3A_15, %dma_start3A_129] : memref<10112x128xf32, #tpu.memory_space<vmem_shared>> -> memref<128x128xf32, #tpu.memory_space<vmem_shared>>
      %dma_start3A_131 = arith.constant 0 : i32
      %dma_start3A_132 = tpu.memref_slice %arg10[%add3A_15, %dma_start3A_131] : memref<10112x128xf32, #tpu.memory_space<vmem_shared>> -> memref<128x128xf32, #tpu.memory_space<vmem_shared>>
      %dma_start3A_133 = arith.constant 0 : i32
      %dma_start3A_134 = arith.constant 0 : i32
      %dma_start3A_135 = tpu.memref_slice %arg7[%dma_start3A_133, %dma_start3A_134] : memref<128x128xf32, #tpu.memory_space<vmem>> -> memref<128x128xf32, #tpu.memory_space<vmem>>
      tpu.enqueue_dma source(%dma_start3A_135 : memref<128x128xf32, #tpu.memory_space<vmem>>) target(%dma_start3A_132 : memref<128x128xf32, #tpu.memory_space<vmem_shared>>) target_semaphore(%run_scoped3A : memref<!tpu.dma_semaphore, #tpu.memory_space<semaphore_mem>>)
      %dma_wait3A_136 = arith.constant 0 : i32
      %dma_wait3A_137 = arith.constant 0 : i32
      %dma_wait3A_138 = tpu.memref_slice %arg7[%dma_wait3A_136, %dma_wait3A_137] : memref<128x128xf32, #tpu.memory_space<vmem>> -> memref<128x128xf32, #tpu.memory_space<vmem>>
      %dma_wait3A_139 = arith.constant 0 : i32
      %dma_wait3A_140 = tpu.memref_slice %arg10[%add3A_15, %dma_wait3A_139] : memref<10112x128xf32, #tpu.memory_space<vmem_shared>> -> memref<128x128xf32, #tpu.memory_space<vmem_shared>>
      %dma_wait3A_141 = arith.constant 0 : i32
      %dma_wait3A_142 = tpu.memref_slice %arg10[%add3A_15, %dma_wait3A_141] : memref<10112x128xf32, #tpu.memory_space<vmem_shared>> -> memref<128x128xf32, #tpu.memory_space<vmem_shared>>
      %dma_wait3A_143 = arith.constant 0 : i32
      %dma_wait3A_144 = arith.constant 0 : i32
      %dma_wait3A_145 = tpu.memref_slice %arg7[%dma_wait3A_143, %dma_wait3A_144] : memref<128x128xf32, #tpu.memory_space<vmem>> -> memref<128x128xf32, #tpu.memory_space<vmem>>
      tpu.wait_dma2 semaphore(%run_scoped3A : memref<!tpu.dma_semaphore, #tpu.memory_space<semaphore_mem>>) src(%dma_wait3A_145 : memref<128x128xf32, #tpu.memory_space<vmem>>) dst(%dma_wait3A_142 : memref<128x128xf32, #tpu.memory_space<vmem_shared>>)
      tpu.yield
    }) : () -> ()
    %mul3A_16 = arith.constant 632 : i32
    %mul3A_17 = arith.muli %arg1, %mul3A_16 : i32
    %add3A_18 = arith.constant 512 : i32
    %add3A_19 = arith.addi %mul3A_17, %add3A_18 : i32
    "tpu.region"() ({
      %run_scoped3A = tpu.sem_alloc : memref<!tpu.dma_semaphore, #tpu.memory_space<semaphore_mem>>
      %dma_start3A_126 = arith.constant 0 : i32
      %dma_start3A_127 = arith.constant 0 : i32
      %dma_start3A_128 = tpu.memref_slice %arg7[%dma_start3A_126, %dma_start3A_127] : memref<128x128xf32, #tpu.memory_space<vmem>> -> memref<120x128xf32, #tpu.memory_space<vmem>>
      %dma_start3A_129 = arith.constant 0 : i32
      %dma_start3A_130 = tpu.memref_slice %arg10[%add3A_19, %dma_start3A_129] : memref<10112x128xf32, #tpu.memory_space<vmem_shared>> -> memref<120x128xf32, #tpu.memory_space<vmem_shared>>
      %dma_start3A_131 = arith.constant 0 : i32
      %dma_start3A_132 = tpu.memref_slice %arg10[%add3A_19, %dma_start3A_131] : memref<10112x128xf32, #tpu.memory_space<vmem_shared>> -> memref<120x128xf32, #tpu.memory_space<vmem_shared>>
      %dma_start3A_133 = arith.constant 0 : i32
      %dma_start3A_134 = arith.constant 0 : i32
      %dma_start3A_135 = tpu.memref_slice %arg7[%dma_start3A_133, %dma_start3A_134] : memref<128x128xf32, #tpu.memory_space<vmem>> -> memref<120x128xf32, #tpu.memory_space<vmem>>
      tpu.enqueue_dma source(%dma_start3A_135 : memref<120x128xf32, #tpu.memory_space<vmem>>) target(%dma_start3A_132 : memref<120x128xf32, #tpu.memory_space<vmem_shared>>) target_semaphore(%run_scoped3A : memref<!tpu.dma_semaphore, #tpu.memory_space<semaphore_mem>>)
      %dma_wait3A_136 = arith.constant 0 : i32
      %dma_wait3A_137 = arith.constant 0 : i32
      %dma_wait3A_138 = tpu.memref_slice %arg7[%dma_wait3A_136, %dma_wait3A_137] : memref<128x128xf32, #tpu.memory_space<vmem>> -> memref<120x128xf32, #tpu.memory_space<vmem>>
      %dma_wait3A_139 = arith.constant 0 : i32
      %dma_wait3A_140 = tpu.memref_slice %arg10[%add3A_19, %dma_wait3A_139] : memref<10112x128xf32, #tpu.memory_space<vmem_shared>> -> memref<120x128xf32, #tpu.memory_space<vmem_shared>>
      %dma_wait3A_141 = arith.constant 0 : i32
      %dma_wait3A_142 = tpu.memref_slice %arg10[%add3A_19, %dma_wait3A_141] : memref<10112x128xf32, #tpu.memory_space<vmem_shared>> -> memref<120x128xf32, #tpu.memory_space<vmem_shared>>
      %dma_wait3A_143 = arith.constant 0 : i32
      %dma_wait3A_144 = arith.constant 0 : i32
      %dma_wait3A_145 = tpu.memref_slice %arg7[%dma_wait3A_143, %dma_wait3A_144] : memref<128x128xf32, #tpu.memory_space<vmem>> -> memref<120x128xf32, #tpu.memory_space<vmem>>
      tpu.wait_dma2 semaphore(%run_scoped3A : memref<!tpu.dma_semaphore, #tpu.memory_space<semaphore_mem>>) src(%dma_wait3A_145 : memref<120x128xf32, #tpu.memory_space<vmem>>) dst(%dma_wait3A_142 : memref<120x128xf32, #tpu.memory_space<vmem_shared>>)
      tpu.yield
    }) : () -> ()
    "tpu.region"() ({
      %run_scoped3A = tpu.sem_alloc : memref<!tpu.dma_semaphore, #tpu.memory_space<semaphore_mem>>
      %dma_start3A_126 = arith.constant 0 : i32
      %dma_start3A_127 = arith.constant 0 : i32
      %dma_start3A_128 = tpu.memref_slice %arg6[%dma_start3A_126, %dma_start3A_127] : memref<6x128xi32, #tpu.memory_space<vmem>> -> memref<2x128xi32, #tpu.memory_space<vmem>>
      %dma_start3A_129 = arith.constant 0 : i32
      %dma_start3A_130 = arith.constant 0 : i32
      %dma_start3A_131 = tpu.memref_slice %arg3[%arg0, %arg1, %dma_start3A_129, %dma_start3A_130] : memref<2x16x270x128xi32, #tpu.memory_space<hbm>> -> memref<1x1x270x128xi32, #tpu.memory_space<hbm>>
      %dma_start3A_132 = tpu.memref_squeeze %dma_start3A_131 : memref<1x1x270x128xi32, #tpu.memory_space<hbm>> -> memref<270x128xi32, #tpu.memory_space<hbm>>
      %dma_start3A_133 = arith.constant 0 : i32
      %dma_start3A_134 = arith.constant 0 : i32
      %dma_start3A_135 = tpu.memref_slice %dma_start3A_132[%dma_start3A_133, %dma_start3A_134] : memref<270x128xi32, #tpu.memory_space<hbm>> -> memref<2x128xi32, #tpu.memory_space<hbm>>
      %dma_start3A_136 = arith.constant 0 : i32
      %dma_start3A_137 = arith.constant 0 : i32
      %dma_start3A_138 = tpu.memref_slice %arg6[%dma_start3A_136, %dma_start3A_137] : memref<6x128xi32, #tpu.memory_space<vmem>> -> memref<2x128xi32, #tpu.memory_space<vmem>>
      %dma_start3A_139 = arith.constant 0 : i32
      %dma_start3A_140 = arith.constant 0 : i32
      %dma_start3A_141 = tpu.memref_slice %arg3[%arg0, %arg1, %dma_start3A_139, %dma_start3A_140] : memref<2x16x270x128xi32, #tpu.memory_space<hbm>> -> memref<1x1x270x128xi32, #tpu.memory_space<hbm>>
      %dma_start3A_142 = tpu.memref_squeeze %dma_start3A_141 : memref<1x1x270x128xi32, #tpu.memory_space<hbm>> -> memref<270x128xi32, #tpu.memory_space<hbm>>
      %dma_start3A_143 = arith.constant 0 : i32
      %dma_start3A_144 = arith.constant 0 : i32
      %dma_start3A_145 = tpu.memref_slice %dma_start3A_142[%dma_start3A_143, %dma_start3A_144] : memref<270x128xi32, #tpu.memory_space<hbm>> -> memref<2x128xi32, #tpu.memory_space<hbm>>
      tpu.enqueue_dma source(%dma_start3A_145 : memref<2x128xi32, #tpu.memory_space<hbm>>) target(%dma_start3A_138 : memref<2x128xi32, #tpu.memory_space<vmem>>) target_semaphore(%run_scoped3A : memref<!tpu.dma_semaphore, #tpu.memory_space<semaphore_mem>>)
      %dma_wait3A_146 = arith.constant 0 : i32
      %dma_wait3A_147 = arith.constant 0 : i32
      %dma_wait3A_148 = tpu.memref_slice %arg6[%dma_wait3A_146, %dma_wait3A_147] : memref<6x128xi32, #tpu.memory_space<vmem>> -> memref<2x128xi32, #tpu.memory_space<vmem>>
      %dma_wait3A_149 = arith.constant 0 : i32
      %dma_wait3A_150 = arith.constant 0 : i32
      %dma_wait3A_151 = tpu.memref_slice %arg3[%arg0, %arg1, %dma_wait3A_149, %dma_wait3A_150] : memref<2x16x270x128xi32, #tpu.memory_space<hbm>> -> memref<1x1x270x128xi32, #tpu.memory_space<hbm>>
      %dma_wait3A_152 = tpu.memref_squeeze %dma_wait3A_151 : memref<1x1x270x128xi32, #tpu.memory_space<hbm>> -> memref<270x128xi32, #tpu.memory_space<hbm>>
      %dma_wait3A_153 = arith.constant 0 : i32
      %dma_wait3A_154 = arith.constant 0 : i32
      %dma_wait3A_155 = tpu.memref_slice %dma_wait3A_152[%dma_wait3A_153, %dma_wait3A_154] : memref<270x128xi32, #tpu.memory_space<hbm>> -> memref<2x128xi32, #tpu.memory_space<hbm>>
      %dma_wait3A_156 = arith.constant 0 : i32
      %dma_wait3A_157 = arith.constant 0 : i32
      %dma_wait3A_158 = tpu.memref_slice %arg6[%dma_wait3A_156, %dma_wait3A_157] : memref<6x128xi32, #tpu.memory_space<vmem>> -> memref<2x128xi32, #tpu.memory_space<vmem>>
      %dma_wait3A_159 = arith.constant 0 : i32
      %dma_wait3A_160 = arith.constant 0 : i32
      %dma_wait3A_161 = tpu.memref_slice %arg3[%arg0, %arg1, %dma_wait3A_159, %dma_wait3A_160] : memref<2x16x270x128xi32, #tpu.memory_space<hbm>> -> memref<1x1x270x128xi32, #tpu.memory_space<hbm>>
      %dma_wait3A_162 = tpu.memref_squeeze %dma_wait3A_161 : memref<1x1x270x128xi32, #tpu.memory_space<hbm>> -> memref<270x128xi32, #tpu.memory_space<hbm>>
      %dma_wait3A_163 = arith.constant 0 : i32
      %dma_wait3A_164 = arith.constant 0 : i32
      %dma_wait3A_165 = tpu.memref_slice %dma_wait3A_162[%dma_wait3A_163, %dma_wait3A_164] : memref<270x128xi32, #tpu.memory_space<hbm>> -> memref<2x128xi32, #tpu.memory_space<hbm>>
      tpu.wait_dma2 semaphore(%run_scoped3A : memref<!tpu.dma_semaphore, #tpu.memory_space<semaphore_mem>>) src(%dma_wait3A_165 : memref<2x128xi32, #tpu.memory_space<hbm>>) dst(%dma_wait3A_158 : memref<2x128xi32, #tpu.memory_space<vmem>>)
      tpu.yield
    }) : () -> ()
    %dma_start3A = arith.constant 0 : i32
    %dma_start3A_20 = arith.constant 0 : i32
    %dma_start3A_21 = arith.constant 0 : i32
    %dma_start3A_22 = tpu.memref_slice %arg6[%dma_start3A_20, %dma_start3A_21] : memref<6x128xi32, #tpu.memory_space<vmem>> -> memref<2x128xi32, #tpu.memory_space<vmem>>
    %dma_start3A_23 = arith.constant 0 : i32
    %dma_start3A_24 = tpu.memref_slice %dma_start3A_22[%dma_start3A, %dma_start3A_23] : memref<2x128xi32, #tpu.memory_space<vmem>> -> memref<1x128xi32, #tpu.memory_space<vmem>>
    %dma_start3A_25 = tpu.memref_squeeze %dma_start3A_24 : memref<1x128xi32, #tpu.memory_space<vmem>> -> memref<128xi32, #tpu.memory_space<vmem>>
    %dma_start3A_26 = arith.constant 0 : i32
    %dma_start3A_27 = arith.constant 0 : i32
    %dma_start3A_28 = tpu.memref_slice %arg2[%dma_start3A_26, %dma_start3A_27] : memref<10000x128xf32, #tpu.memory_space<hbm>> -> memref<10000x128xf32, #tpu.memory_space<hbm>>
    tpu.enqueue_indirect_dma source(%dma_start3A_28 : memref<10000x128xf32, #tpu.memory_space<hbm>>) target(%arg7 : memref<128x128xf32, #tpu.memory_space<vmem>>) offsets(%dma_start3A_25 : memref<128xi32, #tpu.memory_space<vmem>>) semaphore(%arg11 : memref<!tpu.dma_semaphore, #tpu.memory_space<semaphore_mem>>)
    "tpu.region"() ({
      %run_scoped3A = tpu.sem_alloc : memref<!tpu.dma_semaphore, #tpu.memory_space<semaphore_mem>>
      %dma_start3A_126 = arith.constant 2 : i32
      %dma_start3A_127 = arith.constant 0 : i32
      %dma_start3A_128 = tpu.memref_slice %arg6[%dma_start3A_126, %dma_start3A_127] : memref<6x128xi32, #tpu.memory_space<vmem>> -> memref<2x128xi32, #tpu.memory_space<vmem>>
      %dma_start3A_129 = arith.constant 0 : i32
      %dma_start3A_130 = arith.constant 0 : i32
      %dma_start3A_131 = tpu.memref_slice %arg3[%arg0, %arg1, %dma_start3A_129, %dma_start3A_130] : memref<2x16x270x128xi32, #tpu.memory_space<hbm>> -> memref<1x1x270x128xi32, #tpu.memory_space<hbm>>
      %dma_start3A_132 = tpu.memref_squeeze %dma_start3A_131 : memref<1x1x270x128xi32, #tpu.memory_space<hbm>> -> memref<270x128xi32, #tpu.memory_space<hbm>>
      %dma_start3A_133 = arith.constant 2 : i32
      %dma_start3A_134 = arith.constant 0 : i32
      %dma_start3A_135 = tpu.memref_slice %dma_start3A_132[%dma_start3A_133, %dma_start3A_134] : memref<270x128xi32, #tpu.memory_space<hbm>> -> memref<2x128xi32, #tpu.memory_space<hbm>>
      %dma_start3A_136 = arith.constant 2 : i32
      %dma_start3A_137 = arith.constant 0 : i32
      %dma_start3A_138 = tpu.memref_slice %arg6[%dma_start3A_136, %dma_start3A_137] : memref<6x128xi32, #tpu.memory_space<vmem>> -> memref<2x128xi32, #tpu.memory_space<vmem>>
      %dma_start3A_139 = arith.constant 0 : i32
      %dma_start3A_140 = arith.constant 0 : i32
      %dma_start3A_141 = tpu.memref_slice %arg3[%arg0, %arg1, %dma_start3A_139, %dma_start3A_140] : memref<2x16x270x128xi32, #tpu.memory_space<hbm>> -> memref<1x1x270x128xi32, #tpu.memory_space<hbm>>
      %dma_start3A_142 = tpu.memref_squeeze %dma_start3A_141 : memref<1x1x270x128xi32, #tpu.memory_space<hbm>> -> memref<270x128xi32, #tpu.memory_space<hbm>>
      %dma_start3A_143 = arith.constant 2 : i32
      %dma_start3A_144 = arith.constant 0 : i32
      %dma_start3A_145 = tpu.memref_slice %dma_start3A_142[%dma_start3A_143, %dma_start3A_144] : memref<270x128xi32, #tpu.memory_space<hbm>> -> memref<2x128xi32, #tpu.memory_space<hbm>>
      tpu.enqueue_dma source(%dma_start3A_145 : memref<2x128xi32, #tpu.memory_space<hbm>>) target(%dma_start3A_138 : memref<2x128xi32, #tpu.memory_space<vmem>>) target_semaphore(%run_scoped3A : memref<!tpu.dma_semaphore, #tpu.memory_space<semaphore_mem>>)
      %dma_wait3A_146 = arith.constant 2 : i32
      %dma_wait3A_147 = arith.constant 0 : i32
      %dma_wait3A_148 = tpu.memref_slice %arg6[%dma_wait3A_146, %dma_wait3A_147] : memref<6x128xi32, #tpu.memory_space<vmem>> -> memref<2x128xi32, #tpu.memory_space<vmem>>
      %dma_wait3A_149 = arith.constant 0 : i32
      %dma_wait3A_150 = arith.constant 0 : i32
      %dma_wait3A_151 = tpu.memref_slice %arg3[%arg0, %arg1, %dma_wait3A_149, %dma_wait3A_150] : memref<2x16x270x128xi32, #tpu.memory_space<hbm>> -> memref<1x1x270x128xi32, #tpu.memory_space<hbm>>
      %dma_wait3A_152 = tpu.memref_squeeze %dma_wait3A_151 : memref<1x1x270x128xi32, #tpu.memory_space<hbm>> -> memref<270x128xi32, #tpu.memory_space<hbm>>
      %dma_wait3A_153 = arith.constant 2 : i32
      %dma_wait3A_154 = arith.constant 0 : i32
      %dma_wait3A_155 = tpu.memref_slice %dma_wait3A_152[%dma_wait3A_153, %dma_wait3A_154] : memref<270x128xi32, #tpu.memory_space<hbm>> -> memref<2x128xi32, #tpu.memory_space<hbm>>
      %dma_wait3A_156 = arith.constant 2 : i32
      %dma_wait3A_157 = arith.constant 0 : i32
      %dma_wait3A_158 = tpu.memref_slice %arg6[%dma_wait3A_156, %dma_wait3A_157] : memref<6x128xi32, #tpu.memory_space<vmem>> -> memref<2x128xi32, #tpu.memory_space<vmem>>
      %dma_wait3A_159 = arith.constant 0 : i32
      %dma_wait3A_160 = arith.constant 0 : i32
      %dma_wait3A_161 = tpu.memref_slice %arg3[%arg0, %arg1, %dma_wait3A_159, %dma_wait3A_160] : memref<2x16x270x128xi32, #tpu.memory_space<hbm>> -> memref<1x1x270x128xi32, #tpu.memory_space<hbm>>
      %dma_wait3A_162 = tpu.memref_squeeze %dma_wait3A_161 : memref<1x1x270x128xi32, #tpu.memory_space<hbm>> -> memref<270x128xi32, #tpu.memory_space<hbm>>
      %dma_wait3A_163 = arith.constant 2 : i32
      %dma_wait3A_164 = arith.constant 0 : i32
      %dma_wait3A_165 = tpu.memref_slice %dma_wait3A_162[%dma_wait3A_163, %dma_wait3A_164] : memref<270x128xi32, #tpu.memory_space<hbm>> -> memref<2x128xi32, #tpu.memory_space<hbm>>
      tpu.wait_dma2 semaphore(%run_scoped3A : memref<!tpu.dma_semaphore, #tpu.memory_space<semaphore_mem>>) src(%dma_wait3A_165 : memref<2x128xi32, #tpu.memory_space<hbm>>) dst(%dma_wait3A_158 : memref<2x128xi32, #tpu.memory_space<vmem>>)
      tpu.yield
    }) : () -> ()
    %dma_start3A_29 = arith.constant 0 : i32
    %dma_start3A_30 = arith.constant 2 : i32
    %dma_start3A_31 = arith.constant 0 : i32
    %dma_start3A_32 = tpu.memref_slice %arg6[%dma_start3A_30, %dma_start3A_31] : memref<6x128xi32, #tpu.memory_space<vmem>> -> memref<2x128xi32, #tpu.memory_space<vmem>>
    %dma_start3A_33 = arith.constant 0 : i32
    %dma_start3A_34 = tpu.memref_slice %dma_start3A_32[%dma_start3A_29, %dma_start3A_33] : memref<2x128xi32, #tpu.memory_space<vmem>> -> memref<1x128xi32, #tpu.memory_space<vmem>>
    %dma_start3A_35 = tpu.memref_squeeze %dma_start3A_34 : memref<1x128xi32, #tpu.memory_space<vmem>> -> memref<128xi32, #tpu.memory_space<vmem>>
    %dma_start3A_36 = arith.constant 0 : i32
    %dma_start3A_37 = arith.constant 0 : i32
    %dma_start3A_38 = tpu.memref_slice %arg2[%dma_start3A_36, %dma_start3A_37] : memref<10000x128xf32, #tpu.memory_space<hbm>> -> memref<10000x128xf32, #tpu.memory_space<hbm>>
    tpu.enqueue_indirect_dma source(%dma_start3A_38 : memref<10000x128xf32, #tpu.memory_space<hbm>>) target(%arg8 : memref<128x128xf32, #tpu.memory_space<vmem>>) offsets(%dma_start3A_35 : memref<128xi32, #tpu.memory_space<vmem>>) semaphore(%arg12 : memref<!tpu.dma_semaphore, #tpu.memory_space<semaphore_mem>>)
    "tpu.region"() ({
      %run_scoped3A = tpu.sem_alloc : memref<!tpu.dma_semaphore, #tpu.memory_space<semaphore_mem>>
      %dma_start3A_126 = arith.constant 4 : i32
      %dma_start3A_127 = arith.constant 0 : i32
      %dma_start3A_128 = tpu.memref_slice %arg6[%dma_start3A_126, %dma_start3A_127] : memref<6x128xi32, #tpu.memory_space<vmem>> -> memref<2x128xi32, #tpu.memory_space<vmem>>
      %dma_start3A_129 = arith.constant 0 : i32
      %dma_start3A_130 = arith.constant 0 : i32
      %dma_start3A_131 = tpu.memref_slice %arg3[%arg0, %arg1, %dma_start3A_129, %dma_start3A_130] : memref<2x16x270x128xi32, #tpu.memory_space<hbm>> -> memref<1x1x270x128xi32, #tpu.memory_space<hbm>>
      %dma_start3A_132 = tpu.memref_squeeze %dma_start3A_131 : memref<1x1x270x128xi32, #tpu.memory_space<hbm>> -> memref<270x128xi32, #tpu.memory_space<hbm>>
      %dma_start3A_133 = arith.constant 4 : i32
      %dma_start3A_134 = arith.constant 0 : i32
      %dma_start3A_135 = tpu.memref_slice %dma_start3A_132[%dma_start3A_133, %dma_start3A_134] : memref<270x128xi32, #tpu.memory_space<hbm>> -> memref<2x128xi32, #tpu.memory_space<hbm>>
      %dma_start3A_136 = arith.constant 4 : i32
      %dma_start3A_137 = arith.constant 0 : i32
      %dma_start3A_138 = tpu.memref_slice %arg6[%dma_start3A_136, %dma_start3A_137] : memref<6x128xi32, #tpu.memory_space<vmem>> -> memref<2x128xi32, #tpu.memory_space<vmem>>
      %dma_start3A_139 = arith.constant 0 : i32
      %dma_start3A_140 = arith.constant 0 : i32
      %dma_start3A_141 = tpu.memref_slice %arg3[%arg0, %arg1, %dma_start3A_139, %dma_start3A_140] : memref<2x16x270x128xi32, #tpu.memory_space<hbm>> -> memref<1x1x270x128xi32, #tpu.memory_space<hbm>>
      %dma_start3A_142 = tpu.memref_squeeze %dma_start3A_141 : memref<1x1x270x128xi32, #tpu.memory_space<hbm>> -> memref<270x128xi32, #tpu.memory_space<hbm>>
      %dma_start3A_143 = arith.constant 4 : i32
      %dma_start3A_144 = arith.constant 0 : i32
      %dma_start3A_145 = tpu.memref_slice %dma_start3A_142[%dma_start3A_143, %dma_start3A_144] : memref<270x128xi32, #tpu.memory_space<hbm>> -> memref<2x128xi32, #tpu.memory_space<hbm>>
      tpu.enqueue_dma source(%dma_start3A_145 : memref<2x128xi32, #tpu.memory_space<hbm>>) target(%dma_start3A_138 : memref<2x128xi32, #tpu.memory_space<vmem>>) target_semaphore(%run_scoped3A : memref<!tpu.dma_semaphore, #tpu.memory_space<semaphore_mem>>)
      %dma_wait3A_146 = arith.constant 4 : i32
      %dma_wait3A_147 = arith.constant 0 : i32
      %dma_wait3A_148 = tpu.memref_slice %arg6[%dma_wait3A_146, %dma_wait3A_147] : memref<6x128xi32, #tpu.memory_space<vmem>> -> memref<2x128xi32, #tpu.memory_space<vmem>>
      %dma_wait3A_149 = arith.constant 0 : i32
      %dma_wait3A_150 = arith.constant 0 : i32
      %dma_wait3A_151 = tpu.memref_slice %arg3[%arg0, %arg1, %dma_wait3A_149, %dma_wait3A_150] : memref<2x16x270x128xi32, #tpu.memory_space<hbm>> -> memref<1x1x270x128xi32, #tpu.memory_space<hbm>>
      %dma_wait3A_152 = tpu.memref_squeeze %dma_wait3A_151 : memref<1x1x270x128xi32, #tpu.memory_space<hbm>> -> memref<270x128xi32, #tpu.memory_space<hbm>>
      %dma_wait3A_153 = arith.constant 4 : i32
      %dma_wait3A_154 = arith.constant 0 : i32
      %dma_wait3A_155 = tpu.memref_slice %dma_wait3A_152[%dma_wait3A_153, %dma_wait3A_154] : memref<270x128xi32, #tpu.memory_space<hbm>> -> memref<2x128xi32, #tpu.memory_space<hbm>>
      %dma_wait3A_156 = arith.constant 4 : i32
      %dma_wait3A_157 = arith.constant 0 : i32
      %dma_wait3A_158 = tpu.memref_slice %arg6[%dma_wait3A_156, %dma_wait3A_157] : memref<6x128xi32, #tpu.memory_space<vmem>> -> memref<2x128xi32, #tpu.memory_space<vmem>>
      %dma_wait3A_159 = arith.constant 0 : i32
      %dma_wait3A_160 = arith.constant 0 : i32
      %dma_wait3A_161 = tpu.memref_slice %arg3[%arg0, %arg1, %dma_wait3A_159, %dma_wait3A_160] : memref<2x16x270x128xi32, #tpu.memory_space<hbm>> -> memref<1x1x270x128xi32, #tpu.memory_space<hbm>>
      %dma_wait3A_162 = tpu.memref_squeeze %dma_wait3A_161 : memref<1x1x270x128xi32, #tpu.memory_space<hbm>> -> memref<270x128xi32, #tpu.memory_space<hbm>>
      %dma_wait3A_163 = arith.constant 4 : i32
      %dma_wait3A_164 = arith.constant 0 : i32
      %dma_wait3A_165 = tpu.memref_slice %dma_wait3A_162[%dma_wait3A_163, %dma_wait3A_164] : memref<270x128xi32, #tpu.memory_space<hbm>> -> memref<2x128xi32, #tpu.memory_space<hbm>>
      tpu.wait_dma2 semaphore(%run_scoped3A : memref<!tpu.dma_semaphore, #tpu.memory_space<semaphore_mem>>) src(%dma_wait3A_165 : memref<2x128xi32, #tpu.memory_space<hbm>>) dst(%dma_wait3A_158 : memref<2x128xi32, #tpu.memory_space<vmem>>)
      tpu.yield
    }) : () -> ()
    %dma_start3A_39 = arith.constant 0 : i32
    %dma_start3A_40 = arith.constant 4 : i32
    %dma_start3A_41 = arith.constant 0 : i32
    %dma_start3A_42 = tpu.memref_slice %arg6[%dma_start3A_40, %dma_start3A_41] : memref<6x128xi32, #tpu.memory_space<vmem>> -> memref<2x128xi32, #tpu.memory_space<vmem>>
    %dma_start3A_43 = arith.constant 0 : i32
    %dma_start3A_44 = tpu.memref_slice %dma_start3A_42[%dma_start3A_39, %dma_start3A_43] : memref<2x128xi32, #tpu.memory_space<vmem>> -> memref<1x128xi32, #tpu.memory_space<vmem>>
    %dma_start3A_45 = tpu.memref_squeeze %dma_start3A_44 : memref<1x128xi32, #tpu.memory_space<vmem>> -> memref<128xi32, #tpu.memory_space<vmem>>
    %dma_start3A_46 = arith.constant 0 : i32
    %dma_start3A_47 = arith.constant 0 : i32
    %dma_start3A_48 = tpu.memref_slice %arg2[%dma_start3A_46, %dma_start3A_47] : memref<10000x128xf32, #tpu.memory_space<hbm>> -> memref<10000x128xf32, #tpu.memory_space<hbm>>
    tpu.enqueue_indirect_dma source(%dma_start3A_48 : memref<10000x128xf32, #tpu.memory_space<hbm>>) target(%arg9 : memref<128x128xf32, #tpu.memory_space<vmem>>) offsets(%dma_start3A_45 : memref<128xi32, #tpu.memory_space<vmem>>) semaphore(%arg13 : memref<!tpu.dma_semaphore, #tpu.memory_space<semaphore_mem>>)
    %barrier3A = arith.constant 0 : index
    tpu.barrier barrier_id(%barrier3A)
    %jit3A_49 = arith.constant 3 : i32
    %div3A = arith.divsi %select_n3A, %jit3A_49 : i32
    %sign3A = arith.constant 0 : i32
    %sign3A_50 = arith.cmpi sgt, %select_n3A, %sign3A : i32
    %sign3A_51 = arith.extui %sign3A_50 : i1 to i32
    %sign3A_52 = arith.constant 0 : i32
    %sign3A_53 = arith.cmpi slt, %select_n3A, %sign3A_52 : i32
    %sign3A_54 = arith.extui %sign3A_53 : i1 to i32
    %sign3A_55 = arith.subi %sign3A_51, %sign3A_54 : i32
    %sign3A_56 = arith.constant 0 : i32
    %sign3A_57 = arith.cmpi sgt, %jit3A_49, %sign3A_56 : i32
    %sign3A_58 = arith.extui %sign3A_57 : i1 to i32
    %sign3A_59 = arith.constant 0 : i32
    %sign3A_60 = arith.cmpi slt, %jit3A_49, %sign3A_59 : i32
    %sign3A_61 = arith.extui %sign3A_60 : i1 to i32
    %sign3A_62 = arith.subi %sign3A_58, %sign3A_61 : i32
    %ne3A = arith.cmpi ne, %sign3A_55, %sign3A_62 : i32
    %rem3A = arith.remsi %select_n3A, %jit3A_49 : i32
    %ne3A_63 = arith.constant 0 : i32
    %ne3A_64 = arith.cmpi ne, %rem3A, %ne3A_63 : i32
    %and3A = arith.andi %ne3A, %ne3A_64 : i1
    %sub3A = arith.constant 1 : i32
    %sub3A_65 = arith.subi %div3A, %sub3A : i32
    %select_n3A_66 = arith.select %and3A, %sub3A_65, %div3A : i32
    %while3A = arith.constant 0 : i32
    %while3A_67 = arith.constant 0 : i32
    %while3A_68 = arith.subi %select_n3A_66, %while3A_67 : i32
    %while3A_69 = arith.addi %while3A_67, %while3A_68 : i32
    %while3A_70 = arith.constant 1 : i32
    %while3A_71 = arith.divsi %while3A_68, %while3A_70 : i32
    %while3A_72 = arith.muli %while3A_71, %while3A_70 : i32
    %while3A_73 = arith.addi %while3A_67, %while3A_72 : i32
    %while3A_74 = arith.constant 1 : i32
    scf.for %while3A_126 = %while3A_67 to %while3A_73 step %while3A_74  : i32 {
      %mul3A_127 = arith.constant 3 : i32
      %mul3A_128 = arith.muli %mul3A_127, %while3A_126 : i32
      %add3A_129 = arith.constant 0 : i32
      %add3A_130 = arith.addi %mul3A_128, %add3A_129 : i32
      %dma_wait3A_131 = arith.constant 0 : i32
      %dma_wait3A_132 = arith.constant 0 : i32
      %dma_wait3A_133 = arith.constant 0 : i32
      %dma_wait3A_134 = tpu.memref_slice %arg6[%dma_wait3A_132, %dma_wait3A_133] : memref<6x128xi32, #tpu.memory_space<vmem>> -> memref<2x128xi32, #tpu.memory_space<vmem>>
      %dma_wait3A_135 = arith.constant 0 : i32
      %dma_wait3A_136 = tpu.memref_slice %dma_wait3A_134[%dma_wait3A_131, %dma_wait3A_135] : memref<2x128xi32, #tpu.memory_space<vmem>> -> memref<1x128xi32, #tpu.memory_space<vmem>>
      %dma_wait3A_137 = tpu.memref_squeeze %dma_wait3A_136 : memref<1x128xi32, #tpu.memory_space<vmem>> -> memref<128xi32, #tpu.memory_space<vmem>>
      %dma_wait3A_138 = arith.constant 0 : i32
      %dma_wait3A_139 = arith.constant 0 : i32
      %dma_wait3A_140 = tpu.memref_slice %arg2[%dma_wait3A_138, %dma_wait3A_139] : memref<10000x128xf32, #tpu.memory_space<hbm>> -> memref<10000x128xf32, #tpu.memory_space<hbm>>
      tpu.wait_indirect_dma semaphore(%arg11 : memref<!tpu.dma_semaphore, #tpu.memory_space<semaphore_mem>>) src(%dma_wait3A_140 : memref<10000x128xf32, #tpu.memory_space<hbm>>) dst(%arg7 : memref<128x128xf32, #tpu.memory_space<vmem>>)
      %run_scoped3A = arith.constant 1 : i32
      "tpu.region"() ({
        %run_scoped3A_213 = tpu.sem_alloc : memref<!tpu.dma_semaphore, #tpu.memory_space<semaphore_mem>>
        %dma_start3A_214 = arith.constant 0 : i32
        %dma_start3A_215 = arith.constant 0 : i32
        %dma_start3A_216 = tpu.memref_slice %arg6[%dma_start3A_214, %dma_start3A_215] : memref<6x128xi32, #tpu.memory_space<vmem>> -> memref<2x128xi32, #tpu.memory_space<vmem>>
        %dma_start3A_217 = arith.constant 0 : i32
        %dma_start3A_218 = tpu.memref_slice %dma_start3A_216[%run_scoped3A, %dma_start3A_217] : memref<2x128xi32, #tpu.memory_space<vmem>> -> memref<1x128xi32, #tpu.memory_space<vmem>>
        %dma_start3A_219 = tpu.memref_squeeze %dma_start3A_218 : memref<1x128xi32, #tpu.memory_space<vmem>> -> memref<128xi32, #tpu.memory_space<vmem>>
        %dma_start3A_220 = arith.constant 0 : i32
        %dma_start3A_221 = arith.constant 0 : i32
        %dma_start3A_222 = tpu.memref_slice %arg10[%dma_start3A_220, %dma_start3A_221] : memref<10112x128xf32, #tpu.memory_space<vmem_shared>> -> memref<10112x128xf32, #tpu.memory_space<vmem_shared>>
        tpu.enqueue_indirect_dma source(%arg7 : memref<128x128xf32, #tpu.memory_space<vmem>>) target(%dma_start3A_222 : memref<10112x128xf32, #tpu.memory_space<vmem_shared>>) offsets(%dma_start3A_219 : memref<128xi32, #tpu.memory_space<vmem>>) semaphore(%run_scoped3A_213 : memref<!tpu.dma_semaphore, #tpu.memory_space<semaphore_mem>>) {add = true}
        %dma_wait3A_223 = arith.constant 0 : i32
        %dma_wait3A_224 = arith.constant 0 : i32
        %dma_wait3A_225 = tpu.memref_slice %arg6[%dma_wait3A_223, %dma_wait3A_224] : memref<6x128xi32, #tpu.memory_space<vmem>> -> memref<2x128xi32, #tpu.memory_space<vmem>>
        %dma_wait3A_226 = arith.constant 0 : i32
        %dma_wait3A_227 = tpu.memref_slice %dma_wait3A_225[%run_scoped3A, %dma_wait3A_226] : memref<2x128xi32, #tpu.memory_space<vmem>> -> memref<1x128xi32, #tpu.memory_space<vmem>>
        %dma_wait3A_228 = tpu.memref_squeeze %dma_wait3A_227 : memref<1x128xi32, #tpu.memory_space<vmem>> -> memref<128xi32, #tpu.memory_space<vmem>>
        %dma_wait3A_229 = arith.constant 0 : i32
        %dma_wait3A_230 = arith.constant 0 : i32
        %dma_wait3A_231 = tpu.memref_slice %arg10[%dma_wait3A_229, %dma_wait3A_230] : memref<10112x128xf32, #tpu.memory_space<vmem_shared>> -> memref<10112x128xf32, #tpu.memory_space<vmem_shared>>
        tpu.wait_indirect_dma semaphore(%run_scoped3A_213 : memref<!tpu.dma_semaphore, #tpu.memory_space<semaphore_mem>>) src(%arg7 : memref<128x128xf32, #tpu.memory_space<vmem>>) dst(%dma_wait3A_231 : memref<10112x128xf32, #tpu.memory_space<vmem_shared>>)
        tpu.yield
      }) : () -> ()
      %mul3A_141 = arith.constant 2 : i32
      %mul3A_142 = arith.muli %mul3A_141, %add3A_130 : i32
      %add3A_143 = arith.constant 6 : i32
      %add3A_144 = arith.addi %mul3A_142, %add3A_143 : i32
      "tpu.region"() ({
        %run_scoped3A_213 = tpu.sem_alloc : memref<!tpu.dma_semaphore, #tpu.memory_space<semaphore_mem>>
        %dma_start3A_214 = arith.constant 0 : i32
        %dma_start3A_215 = arith.constant 0 : i32
        %dma_start3A_216 = tpu.memref_slice %arg6[%dma_start3A_214, %dma_start3A_215] : memref<6x128xi32, #tpu.memory_space<vmem>> -> memref<2x128xi32, #tpu.memory_space<vmem>>
        %dma_start3A_217 = arith.constant 0 : i32
        %dma_start3A_218 = arith.constant 0 : i32
        %dma_start3A_219 = tpu.memref_slice %arg3[%arg0, %arg1, %dma_start3A_217, %dma_start3A_218] : memref<2x16x270x128xi32, #tpu.memory_space<hbm>> -> memref<1x1x270x128xi32, #tpu.memory_space<hbm>>
        %dma_start3A_220 = tpu.memref_squeeze %dma_start3A_219 : memref<1x1x270x128xi32, #tpu.memory_space<hbm>> -> memref<270x128xi32, #tpu.memory_space<hbm>>
        %dma_start3A_221 = arith.constant 0 : i32
        %dma_start3A_222 = tpu.memref_slice %dma_start3A_220[%add3A_144, %dma_start3A_221] : memref<270x128xi32, #tpu.memory_space<hbm>> -> memref<2x128xi32, #tpu.memory_space<hbm>>
        %dma_start3A_223 = arith.constant 0 : i32
        %dma_start3A_224 = arith.constant 0 : i32
        %dma_start3A_225 = tpu.memref_slice %arg6[%dma_start3A_223, %dma_start3A_224] : memref<6x128xi32, #tpu.memory_space<vmem>> -> memref<2x128xi32, #tpu.memory_space<vmem>>
        %dma_start3A_226 = arith.constant 0 : i32
        %dma_start3A_227 = arith.constant 0 : i32
        %dma_start3A_228 = tpu.memref_slice %arg3[%arg0, %arg1, %dma_start3A_226, %dma_start3A_227] : memref<2x16x270x128xi32, #tpu.memory_space<hbm>> -> memref<1x1x270x128xi32, #tpu.memory_space<hbm>>
        %dma_start3A_229 = tpu.memref_squeeze %dma_start3A_228 : memref<1x1x270x128xi32, #tpu.memory_space<hbm>> -> memref<270x128xi32, #tpu.memory_space<hbm>>
        %dma_start3A_230 = arith.constant 0 : i32
        %dma_start3A_231 = tpu.memref_slice %dma_start3A_229[%add3A_144, %dma_start3A_230] : memref<270x128xi32, #tpu.memory_space<hbm>> -> memref<2x128xi32, #tpu.memory_space<hbm>>
        tpu.enqueue_dma source(%dma_start3A_231 : memref<2x128xi32, #tpu.memory_space<hbm>>) target(%dma_start3A_225 : memref<2x128xi32, #tpu.memory_space<vmem>>) target_semaphore(%run_scoped3A_213 : memref<!tpu.dma_semaphore, #tpu.memory_space<semaphore_mem>>)
        %dma_wait3A_232 = arith.constant 0 : i32
        %dma_wait3A_233 = arith.constant 0 : i32
        %dma_wait3A_234 = tpu.memref_slice %arg6[%dma_wait3A_232, %dma_wait3A_233] : memref<6x128xi32, #tpu.memory_space<vmem>> -> memref<2x128xi32, #tpu.memory_space<vmem>>
        %dma_wait3A_235 = arith.constant 0 : i32
        %dma_wait3A_236 = arith.constant 0 : i32
        %dma_wait3A_237 = tpu.memref_slice %arg3[%arg0, %arg1, %dma_wait3A_235, %dma_wait3A_236] : memref<2x16x270x128xi32, #tpu.memory_space<hbm>> -> memref<1x1x270x128xi32, #tpu.memory_space<hbm>>
        %dma_wait3A_238 = tpu.memref_squeeze %dma_wait3A_237 : memref<1x1x270x128xi32, #tpu.memory_space<hbm>> -> memref<270x128xi32, #tpu.memory_space<hbm>>
        %dma_wait3A_239 = arith.constant 0 : i32
        %dma_wait3A_240 = tpu.memref_slice %dma_wait3A_238[%add3A_144, %dma_wait3A_239] : memref<270x128xi32, #tpu.memory_space<hbm>> -> memref<2x128xi32, #tpu.memory_space<hbm>>
        %dma_wait3A_241 = arith.constant 0 : i32
        %dma_wait3A_242 = arith.constant 0 : i32
        %dma_wait3A_243 = tpu.memref_slice %arg6[%dma_wait3A_241, %dma_wait3A_242] : memref<6x128xi32, #tpu.memory_space<vmem>> -> memref<2x128xi32, #tpu.memory_space<vmem>>
        %dma_wait3A_244 = arith.constant 0 : i32
        %dma_wait3A_245 = arith.constant 0 : i32
        %dma_wait3A_246 = tpu.memref_slice %arg3[%arg0, %arg1, %dma_wait3A_244, %dma_wait3A_245] : memref<2x16x270x128xi32, #tpu.memory_space<hbm>> -> memref<1x1x270x128xi32, #tpu.memory_space<hbm>>
        %dma_wait3A_247 = tpu.memref_squeeze %dma_wait3A_246 : memref<1x1x270x128xi32, #tpu.memory_space<hbm>> -> memref<270x128xi32, #tpu.memory_space<hbm>>
        %dma_wait3A_248 = arith.constant 0 : i32
        %dma_wait3A_249 = tpu.memref_slice %dma_wait3A_247[%add3A_144, %dma_wait3A_248] : memref<270x128xi32, #tpu.memory_space<hbm>> -> memref<2x128xi32, #tpu.memory_space<hbm>>
        tpu.wait_dma2 semaphore(%run_scoped3A_213 : memref<!tpu.dma_semaphore, #tpu.memory_space<semaphore_mem>>) src(%dma_wait3A_249 : memref<2x128xi32, #tpu.memory_space<hbm>>) dst(%dma_wait3A_243 : memref<2x128xi32, #tpu.memory_space<vmem>>)
        tpu.yield
      }) : () -> ()
      %dma_start3A_145 = arith.constant 0 : i32
      %dma_start3A_146 = arith.constant 0 : i32
      %dma_start3A_147 = arith.constant 0 : i32
      %dma_start3A_148 = tpu.memref_slice %arg6[%dma_start3A_146, %dma_start3A_147] : memref<6x128xi32, #tpu.memory_space<vmem>> -> memref<2x128xi32, #tpu.memory_space<vmem>>
      %dma_start3A_149 = arith.constant 0 : i32
      %dma_start3A_150 = tpu.memref_slice %dma_start3A_148[%dma_start3A_145, %dma_start3A_149] : memref<2x128xi32, #tpu.memory_space<vmem>> -> memref<1x128xi32, #tpu.memory_space<vmem>>
      %dma_start3A_151 = tpu.memref_squeeze %dma_start3A_150 : memref<1x128xi32, #tpu.memory_space<vmem>> -> memref<128xi32, #tpu.memory_space<vmem>>
      %dma_start3A_152 = arith.constant 0 : i32
      %dma_start3A_153 = arith.constant 0 : i32
      %dma_start3A_154 = tpu.memref_slice %arg2[%dma_start3A_152, %dma_start3A_153] : memref<10000x128xf32, #tpu.memory_space<hbm>> -> memref<10000x128xf32, #tpu.memory_space<hbm>>
      tpu.enqueue_indirect_dma source(%dma_start3A_154 : memref<10000x128xf32, #tpu.memory_space<hbm>>) target(%arg7 : memref<128x128xf32, #tpu.memory_space<vmem>>) offsets(%dma_start3A_151 : memref<128xi32, #tpu.memory_space<vmem>>) semaphore(%arg11 : memref<!tpu.dma_semaphore, #tpu.memory_space<semaphore_mem>>)
      %mul3A_155 = arith.constant 3 : i32
      %mul3A_156 = arith.muli %mul3A_155, %while3A_126 : i32
      %add3A_157 = arith.constant 1 : i32
      %add3A_158 = arith.addi %mul3A_156, %add3A_157 : i32
      %dma_wait3A_159 = arith.constant 0 : i32
      %dma_wait3A_160 = arith.constant 2 : i32
      %dma_wait3A_161 = arith.constant 0 : i32
      %dma_wait3A_162 = tpu.memref_slice %arg6[%dma_wait3A_160, %dma_wait3A_161] : memref<6x128xi32, #tpu.memory_space<vmem>> -> memref<2x128xi32, #tpu.memory_space<vmem>>
      %dma_wait3A_163 = arith.constant 0 : i32
      %dma_wait3A_164 = tpu.memref_slice %dma_wait3A_162[%dma_wait3A_159, %dma_wait3A_163] : memref<2x128xi32, #tpu.memory_space<vmem>> -> memref<1x128xi32, #tpu.memory_space<vmem>>
      %dma_wait3A_165 = tpu.memref_squeeze %dma_wait3A_164 : memref<1x128xi32, #tpu.memory_space<vmem>> -> memref<128xi32, #tpu.memory_space<vmem>>
      %dma_wait3A_166 = arith.constant 0 : i32
      %dma_wait3A_167 = arith.constant 0 : i32
      %dma_wait3A_168 = tpu.memref_slice %arg2[%dma_wait3A_166, %dma_wait3A_167] : memref<10000x128xf32, #tpu.memory_space<hbm>> -> memref<10000x128xf32, #tpu.memory_space<hbm>>
      tpu.wait_indirect_dma semaphore(%arg12 : memref<!tpu.dma_semaphore, #tpu.memory_space<semaphore_mem>>) src(%dma_wait3A_168 : memref<10000x128xf32, #tpu.memory_space<hbm>>) dst(%arg8 : memref<128x128xf32, #tpu.memory_space<vmem>>)
      %run_scoped3A_169 = arith.constant 1 : i32
      "tpu.region"() ({
        %run_scoped3A_213 = tpu.sem_alloc : memref<!tpu.dma_semaphore, #tpu.memory_space<semaphore_mem>>
        %dma_start3A_214 = arith.constant 2 : i32
        %dma_start3A_215 = arith.constant 0 : i32
        %dma_start3A_216 = tpu.memref_slice %arg6[%dma_start3A_214, %dma_start3A_215] : memref<6x128xi32, #tpu.memory_space<vmem>> -> memref<2x128xi32, #tpu.memory_space<vmem>>
        %dma_start3A_217 = arith.constant 0 : i32
        %dma_start3A_218 = tpu.memref_slice %dma_start3A_216[%run_scoped3A_169, %dma_start3A_217] : memref<2x128xi32, #tpu.memory_space<vmem>> -> memref<1x128xi32, #tpu.memory_space<vmem>>
        %dma_start3A_219 = tpu.memref_squeeze %dma_start3A_218 : memref<1x128xi32, #tpu.memory_space<vmem>> -> memref<128xi32, #tpu.memory_space<vmem>>
        %dma_start3A_220 = arith.constant 0 : i32
        %dma_start3A_221 = arith.constant 0 : i32
        %dma_start3A_222 = tpu.memref_slice %arg10[%dma_start3A_220, %dma_start3A_221] : memref<10112x128xf32, #tpu.memory_space<vmem_shared>> -> memref<10112x128xf32, #tpu.memory_space<vmem_shared>>
        tpu.enqueue_indirect_dma source(%arg8 : memref<128x128xf32, #tpu.memory_space<vmem>>) target(%dma_start3A_222 : memref<10112x128xf32, #tpu.memory_space<vmem_shared>>) offsets(%dma_start3A_219 : memref<128xi32, #tpu.memory_space<vmem>>) semaphore(%run_scoped3A_213 : memref<!tpu.dma_semaphore, #tpu.memory_space<semaphore_mem>>) {add = true}
        %dma_wait3A_223 = arith.constant 2 : i32
        %dma_wait3A_224 = arith.constant 0 : i32
        %dma_wait3A_225 = tpu.memref_slice %arg6[%dma_wait3A_223, %dma_wait3A_224] : memref<6x128xi32, #tpu.memory_space<vmem>> -> memref<2x128xi32, #tpu.memory_space<vmem>>
        %dma_wait3A_226 = arith.constant 0 : i32
        %dma_wait3A_227 = tpu.memref_slice %dma_wait3A_225[%run_scoped3A_169, %dma_wait3A_226] : memref<2x128xi32, #tpu.memory_space<vmem>> -> memref<1x128xi32, #tpu.memory_space<vmem>>
        %dma_wait3A_228 = tpu.memref_squeeze %dma_wait3A_227 : memref<1x128xi32, #tpu.memory_space<vmem>> -> memref<128xi32, #tpu.memory_space<vmem>>
        %dma_wait3A_229 = arith.constant 0 : i32
        %dma_wait3A_230 = arith.constant 0 : i32
        %dma_wait3A_231 = tpu.memref_slice %arg10[%dma_wait3A_229, %dma_wait3A_230] : memref<10112x128xf32, #tpu.memory_space<vmem_shared>> -> memref<10112x128xf32, #tpu.memory_space<vmem_shared>>
        tpu.wait_indirect_dma semaphore(%run_scoped3A_213 : memref<!tpu.dma_semaphore, #tpu.memory_space<semaphore_mem>>) src(%arg8 : memref<128x128xf32, #tpu.memory_space<vmem>>) dst(%dma_wait3A_231 : memref<10112x128xf32, #tpu.memory_space<vmem_shared>>)
        tpu.yield
      }) : () -> ()
      %mul3A_170 = arith.constant 2 : i32
      %mul3A_171 = arith.muli %mul3A_170, %add3A_158 : i32
      %add3A_172 = arith.constant 6 : i32
      %add3A_173 = arith.addi %mul3A_171, %add3A_172 : i32
      "tpu.region"() ({
        %run_scoped3A_213 = tpu.sem_alloc : memref<!tpu.dma_semaphore, #tpu.memory_space<semaphore_mem>>
        %dma_start3A_214 = arith.constant 2 : i32
        %dma_start3A_215 = arith.constant 0 : i32
        %dma_start3A_216 = tpu.memref_slice %arg6[%dma_start3A_214, %dma_start3A_215] : memref<6x128xi32, #tpu.memory_space<vmem>> -> memref<2x128xi32, #tpu.memory_space<vmem>>
        %dma_start3A_217 = arith.constant 0 : i32
        %dma_start3A_218 = arith.constant 0 : i32
        %dma_start3A_219 = tpu.memref_slice %arg3[%arg0, %arg1, %dma_start3A_217, %dma_start3A_218] : memref<2x16x270x128xi32, #tpu.memory_space<hbm>> -> memref<1x1x270x128xi32, #tpu.memory_space<hbm>>
        %dma_start3A_220 = tpu.memref_squeeze %dma_start3A_219 : memref<1x1x270x128xi32, #tpu.memory_space<hbm>> -> memref<270x128xi32, #tpu.memory_space<hbm>>
        %dma_start3A_221 = arith.constant 0 : i32
        %dma_start3A_222 = tpu.memref_slice %dma_start3A_220[%add3A_173, %dma_start3A_221] : memref<270x128xi32, #tpu.memory_space<hbm>> -> memref<2x128xi32, #tpu.memory_space<hbm>>
        %dma_start3A_223 = arith.constant 2 : i32
        %dma_start3A_224 = arith.constant 0 : i32
        %dma_start3A_225 = tpu.memref_slice %arg6[%dma_start3A_223, %dma_start3A_224] : memref<6x128xi32, #tpu.memory_space<vmem>> -> memref<2x128xi32, #tpu.memory_space<vmem>>
        %dma_start3A_226 = arith.constant 0 : i32
        %dma_start3A_227 = arith.constant 0 : i32
        %dma_start3A_228 = tpu.memref_slice %arg3[%arg0, %arg1, %dma_start3A_226, %dma_start3A_227] : memref<2x16x270x128xi32, #tpu.memory_space<hbm>> -> memref<1x1x270x128xi32, #tpu.memory_space<hbm>>
        %dma_start3A_229 = tpu.memref_squeeze %dma_start3A_228 : memref<1x1x270x128xi32, #tpu.memory_space<hbm>> -> memref<270x128xi32, #tpu.memory_space<hbm>>
        %dma_start3A_230 = arith.constant 0 : i32
        %dma_start3A_231 = tpu.memref_slice %dma_start3A_229[%add3A_173, %dma_start3A_230] : memref<270x128xi32, #tpu.memory_space<hbm>> -> memref<2x128xi32, #tpu.memory_space<hbm>>
        tpu.enqueue_dma source(%dma_start3A_231 : memref<2x128xi32, #tpu.memory_space<hbm>>) target(%dma_start3A_225 : memref<2x128xi32, #tpu.memory_space<vmem>>) target_semaphore(%run_scoped3A_213 : memref<!tpu.dma_semaphore, #tpu.memory_space<semaphore_mem>>)
        %dma_wait3A_232 = arith.constant 2 : i32
        %dma_wait3A_233 = arith.constant 0 : i32
        %dma_wait3A_234 = tpu.memref_slice %arg6[%dma_wait3A_232, %dma_wait3A_233] : memref<6x128xi32, #tpu.memory_space<vmem>> -> memref<2x128xi32, #tpu.memory_space<vmem>>
        %dma_wait3A_235 = arith.constant 0 : i32
        %dma_wait3A_236 = arith.constant 0 : i32
        %dma_wait3A_237 = tpu.memref_slice %arg3[%arg0, %arg1, %dma_wait3A_235, %dma_wait3A_236] : memref<2x16x270x128xi32, #tpu.memory_space<hbm>> -> memref<1x1x270x128xi32, #tpu.memory_space<hbm>>
        %dma_wait3A_238 = tpu.memref_squeeze %dma_wait3A_237 : memref<1x1x270x128xi32, #tpu.memory_space<hbm>> -> memref<270x128xi32, #tpu.memory_space<hbm>>
        %dma_wait3A_239 = arith.constant 0 : i32
        %dma_wait3A_240 = tpu.memref_slice %dma_wait3A_238[%add3A_173, %dma_wait3A_239] : memref<270x128xi32, #tpu.memory_space<hbm>> -> memref<2x128xi32, #tpu.memory_space<hbm>>
        %dma_wait3A_241 = arith.constant 2 : i32
        %dma_wait3A_242 = arith.constant 0 : i32
        %dma_wait3A_243 = tpu.memref_slice %arg6[%dma_wait3A_241, %dma_wait3A_242] : memref<6x128xi32, #tpu.memory_space<vmem>> -> memref<2x128xi32, #tpu.memory_space<vmem>>
        %dma_wait3A_244 = arith.constant 0 : i32
        %dma_wait3A_245 = arith.constant 0 : i32
        %dma_wait3A_246 = tpu.memref_slice %arg3[%arg0, %arg1, %dma_wait3A_244, %dma_wait3A_245] : memref<2x16x270x128xi32, #tpu.memory_space<hbm>> -> memref<1x1x270x128xi32, #tpu.memory_space<hbm>>
        %dma_wait3A_247 = tpu.memref_squeeze %dma_wait3A_246 : memref<1x1x270x128xi32, #tpu.memory_space<hbm>> -> memref<270x128xi32, #tpu.memory_space<hbm>>
        %dma_wait3A_248 = arith.constant 0 : i32
        %dma_wait3A_249 = tpu.memref_slice %dma_wait3A_247[%add3A_173, %dma_wait3A_248] : memref<270x128xi32, #tpu.memory_space<hbm>> -> memref<2x128xi32, #tpu.memory_space<hbm>>
        tpu.wait_dma2 semaphore(%run_scoped3A_213 : memref<!tpu.dma_semaphore, #tpu.memory_space<semaphore_mem>>) src(%dma_wait3A_249 : memref<2x128xi32, #tpu.memory_space<hbm>>) dst(%dma_wait3A_243 : memref<2x128xi32, #tpu.memory_space<vmem>>)
        tpu.yield
      }) : () -> ()
      %dma_start3A_174 = arith.constant 0 : i32
      %dma_start3A_175 = arith.constant 2 : i32
      %dma_start3A_176 = arith.constant 0 : i32
      %dma_start3A_177 = tpu.memref_slice %arg6[%dma_start3A_175, %dma_start3A_176] : memref<6x128xi32, #tpu.memory_space<vmem>> -> memref<2x128xi32, #tpu.memory_space<vmem>>
      %dma_start3A_178 = arith.constant 0 : i32
      %dma_start3A_179 = tpu.memref_slice %dma_start3A_177[%dma_start3A_174, %dma_start3A_178] : memref<2x128xi32, #tpu.memory_space<vmem>> -> memref<1x128xi32, #tpu.memory_space<vmem>>
      %dma_start3A_180 = tpu.memref_squeeze %dma_start3A_179 : memref<1x128xi32, #tpu.memory_space<vmem>> -> memref<128xi32, #tpu.memory_space<vmem>>
      %dma_start3A_181 = arith.constant 0 : i32
      %dma_start3A_182 = arith.constant 0 : i32
      %dma_start3A_183 = tpu.memref_slice %arg2[%dma_start3A_181, %dma_start3A_182] : memref<10000x128xf32, #tpu.memory_space<hbm>> -> memref<10000x128xf32, #tpu.memory_space<hbm>>
      tpu.enqueue_indirect_dma source(%dma_start3A_183 : memref<10000x128xf32, #tpu.memory_space<hbm>>) target(%arg8 : memref<128x128xf32, #tpu.memory_space<vmem>>) offsets(%dma_start3A_180 : memref<128xi32, #tpu.memory_space<vmem>>) semaphore(%arg12 : memref<!tpu.dma_semaphore, #tpu.memory_space<semaphore_mem>>)
      %mul3A_184 = arith.constant 3 : i32
      %mul3A_185 = arith.muli %mul3A_184, %while3A_126 : i32
      %add3A_186 = arith.constant 2 : i32
      %add3A_187 = arith.addi %mul3A_185, %add3A_186 : i32
      %dma_wait3A_188 = arith.constant 0 : i32
      %dma_wait3A_189 = arith.constant 4 : i32
      %dma_wait3A_190 = arith.constant 0 : i32
      %dma_wait3A_191 = tpu.memref_slice %arg6[%dma_wait3A_189, %dma_wait3A_190] : memref<6x128xi32, #tpu.memory_space<vmem>> -> memref<2x128xi32, #tpu.memory_space<vmem>>
      %dma_wait3A_192 = arith.constant 0 : i32
      %dma_wait3A_193 = tpu.memref_slice %dma_wait3A_191[%dma_wait3A_188, %dma_wait3A_192] : memref<2x128xi32, #tpu.memory_space<vmem>> -> memref<1x128xi32, #tpu.memory_space<vmem>>
      %dma_wait3A_194 = tpu.memref_squeeze %dma_wait3A_193 : memref<1x128xi32, #tpu.memory_space<vmem>> -> memref<128xi32, #tpu.memory_space<vmem>>
      %dma_wait3A_195 = arith.constant 0 : i32
      %dma_wait3A_196 = arith.constant 0 : i32
      %dma_wait3A_197 = tpu.memref_slice %arg2[%dma_wait3A_195, %dma_wait3A_196] : memref<10000x128xf32, #tpu.memory_space<hbm>> -> memref<10000x128xf32, #tpu.memory_space<hbm>>
      tpu.wait_indirect_dma semaphore(%arg13 : memref<!tpu.dma_semaphore, #tpu.memory_space<semaphore_mem>>) src(%dma_wait3A_197 : memref<10000x128xf32, #tpu.memory_space<hbm>>) dst(%arg9 : memref<128x128xf32, #tpu.memory_space<vmem>>)
      %run_scoped3A_198 = arith.constant 1 : i32
      "tpu.region"() ({
        %run_scoped3A_213 = tpu.sem_alloc : memref<!tpu.dma_semaphore, #tpu.memory_space<semaphore_mem>>
        %dma_start3A_214 = arith.constant 4 : i32
        %dma_start3A_215 = arith.constant 0 : i32
        %dma_start3A_216 = tpu.memref_slice %arg6[%dma_start3A_214, %dma_start3A_215] : memref<6x128xi32, #tpu.memory_space<vmem>> -> memref<2x128xi32, #tpu.memory_space<vmem>>
        %dma_start3A_217 = arith.constant 0 : i32
        %dma_start3A_218 = tpu.memref_slice %dma_start3A_216[%run_scoped3A_198, %dma_start3A_217] : memref<2x128xi32, #tpu.memory_space<vmem>> -> memref<1x128xi32, #tpu.memory_space<vmem>>
        %dma_start3A_219 = tpu.memref_squeeze %dma_start3A_218 : memref<1x128xi32, #tpu.memory_space<vmem>> -> memref<128xi32, #tpu.memory_space<vmem>>
        %dma_start3A_220 = arith.constant 0 : i32
        %dma_start3A_221 = arith.constant 0 : i32
        %dma_start3A_222 = tpu.memref_slice %arg10[%dma_start3A_220, %dma_start3A_221] : memref<10112x128xf32, #tpu.memory_space<vmem_shared>> -> memref<10112x128xf32, #tpu.memory_space<vmem_shared>>
        tpu.enqueue_indirect_dma source(%arg9 : memref<128x128xf32, #tpu.memory_space<vmem>>) target(%dma_start3A_222 : memref<10112x128xf32, #tpu.memory_space<vmem_shared>>) offsets(%dma_start3A_219 : memref<128xi32, #tpu.memory_space<vmem>>) semaphore(%run_scoped3A_213 : memref<!tpu.dma_semaphore, #tpu.memory_space<semaphore_mem>>) {add = true}
        %dma_wait3A_223 = arith.constant 4 : i32
        %dma_wait3A_224 = arith.constant 0 : i32
        %dma_wait3A_225 = tpu.memref_slice %arg6[%dma_wait3A_223, %dma_wait3A_224] : memref<6x128xi32, #tpu.memory_space<vmem>> -> memref<2x128xi32, #tpu.memory_space<vmem>>
        %dma_wait3A_226 = arith.constant 0 : i32
        %dma_wait3A_227 = tpu.memref_slice %dma_wait3A_225[%run_scoped3A_198, %dma_wait3A_226] : memref<2x128xi32, #tpu.memory_space<vmem>> -> memref<1x128xi32, #tpu.memory_space<vmem>>
        %dma_wait3A_228 = tpu.memref_squeeze %dma_wait3A_227 : memref<1x128xi32, #tpu.memory_space<vmem>> -> memref<128xi32, #tpu.memory_space<vmem>>
        %dma_wait3A_229 = arith.constant 0 : i32
        %dma_wait3A_230 = arith.constant 0 : i32
        %dma_wait3A_231 = tpu.memref_slice %arg10[%dma_wait3A_229, %dma_wait3A_230] : memref<10112x128xf32, #tpu.memory_space<vmem_shared>> -> memref<10112x128xf32, #tpu.memory_space<vmem_shared>>
        tpu.wait_indirect_dma semaphore(%run_scoped3A_213 : memref<!tpu.dma_semaphore, #tpu.memory_space<semaphore_mem>>) src(%arg9 : memref<128x128xf32, #tpu.memory_space<vmem>>) dst(%dma_wait3A_231 : memref<10112x128xf32, #tpu.memory_space<vmem_shared>>)
        tpu.yield
      }) : () -> ()
      %mul3A_199 = arith.constant 2 : i32
      %mul3A_200 = arith.muli %mul3A_199, %add3A_187 : i32
      %add3A_201 = arith.constant 6 : i32
      %add3A_202 = arith.addi %mul3A_200, %add3A_201 : i32
      "tpu.region"() ({
        %run_scoped3A_213 = tpu.sem_alloc : memref<!tpu.dma_semaphore, #tpu.memory_space<semaphore_mem>>
        %dma_start3A_214 = arith.constant 4 : i32
        %dma_start3A_215 = arith.constant 0 : i32
        %dma_start3A_216 = tpu.memref_slice %arg6[%dma_start3A_214, %dma_start3A_215] : memref<6x128xi32, #tpu.memory_space<vmem>> -> memref<2x128xi32, #tpu.memory_space<vmem>>
        %dma_start3A_217 = arith.constant 0 : i32
        %dma_start3A_218 = arith.constant 0 : i32
        %dma_start3A_219 = tpu.memref_slice %arg3[%arg0, %arg1, %dma_start3A_217, %dma_start3A_218] : memref<2x16x270x128xi32, #tpu.memory_space<hbm>> -> memref<1x1x270x128xi32, #tpu.memory_space<hbm>>
        %dma_start3A_220 = tpu.memref_squeeze %dma_start3A_219 : memref<1x1x270x128xi32, #tpu.memory_space<hbm>> -> memref<270x128xi32, #tpu.memory_space<hbm>>
        %dma_start3A_221 = arith.constant 0 : i32
        %dma_start3A_222 = tpu.memref_slice %dma_start3A_220[%add3A_202, %dma_start3A_221] : memref<270x128xi32, #tpu.memory_space<hbm>> -> memref<2x128xi32, #tpu.memory_space<hbm>>
        %dma_start3A_223 = arith.constant 4 : i32
        %dma_start3A_224 = arith.constant 0 : i32
        %dma_start3A_225 = tpu.memref_slice %arg6[%dma_start3A_223, %dma_start3A_224] : memref<6x128xi32, #tpu.memory_space<vmem>> -> memref<2x128xi32, #tpu.memory_space<vmem>>
        %dma_start3A_226 = arith.constant 0 : i32
        %dma_start3A_227 = arith.constant 0 : i32
        %dma_start3A_228 = tpu.memref_slice %arg3[%arg0, %arg1, %dma_start3A_226, %dma_start3A_227] : memref<2x16x270x128xi32, #tpu.memory_space<hbm>> -> memref<1x1x270x128xi32, #tpu.memory_space<hbm>>
        %dma_start3A_229 = tpu.memref_squeeze %dma_start3A_228 : memref<1x1x270x128xi32, #tpu.memory_space<hbm>> -> memref<270x128xi32, #tpu.memory_space<hbm>>
        %dma_start3A_230 = arith.constant 0 : i32
        %dma_start3A_231 = tpu.memref_slice %dma_start3A_229[%add3A_202, %dma_start3A_230] : memref<270x128xi32, #tpu.memory_space<hbm>> -> memref<2x128xi32, #tpu.memory_space<hbm>>
        tpu.enqueue_dma source(%dma_start3A_231 : memref<2x128xi32, #tpu.memory_space<hbm>>) target(%dma_start3A_225 : memref<2x128xi32, #tpu.memory_space<vmem>>) target_semaphore(%run_scoped3A_213 : memref<!tpu.dma_semaphore, #tpu.memory_space<semaphore_mem>>)
        %dma_wait3A_232 = arith.constant 4 : i32
        %dma_wait3A_233 = arith.constant 0 : i32
        %dma_wait3A_234 = tpu.memref_slice %arg6[%dma_wait3A_232, %dma_wait3A_233] : memref<6x128xi32, #tpu.memory_space<vmem>> -> memref<2x128xi32, #tpu.memory_space<vmem>>
        %dma_wait3A_235 = arith.constant 0 : i32
        %dma_wait3A_236 = arith.constant 0 : i32
        %dma_wait3A_237 = tpu.memref_slice %arg3[%arg0, %arg1, %dma_wait3A_235, %dma_wait3A_236] : memref<2x16x270x128xi32, #tpu.memory_space<hbm>> -> memref<1x1x270x128xi32, #tpu.memory_space<hbm>>
        %dma_wait3A_238 = tpu.memref_squeeze %dma_wait3A_237 : memref<1x1x270x128xi32, #tpu.memory_space<hbm>> -> memref<270x128xi32, #tpu.memory_space<hbm>>
        %dma_wait3A_239 = arith.constant 0 : i32
        %dma_wait3A_240 = tpu.memref_slice %dma_wait3A_238[%add3A_202, %dma_wait3A_239] : memref<270x128xi32, #tpu.memory_space<hbm>> -> memref<2x128xi32, #tpu.memory_space<hbm>>
        %dma_wait3A_241 = arith.constant 4 : i32
        %dma_wait3A_242 = arith.constant 0 : i32
        %dma_wait3A_243 = tpu.memref_slice %arg6[%dma_wait3A_241, %dma_wait3A_242] : memref<6x128xi32, #tpu.memory_space<vmem>> -> memref<2x128xi32, #tpu.memory_space<vmem>>
        %dma_wait3A_244 = arith.constant 0 : i32
        %dma_wait3A_245 = arith.constant 0 : i32
        %dma_wait3A_246 = tpu.memref_slice %arg3[%arg0, %arg1, %dma_wait3A_244, %dma_wait3A_245] : memref<2x16x270x128xi32, #tpu.memory_space<hbm>> -> memref<1x1x270x128xi32, #tpu.memory_space<hbm>>
        %dma_wait3A_247 = tpu.memref_squeeze %dma_wait3A_246 : memref<1x1x270x128xi32, #tpu.memory_space<hbm>> -> memref<270x128xi32, #tpu.memory_space<hbm>>
        %dma_wait3A_248 = arith.constant 0 : i32
        %dma_wait3A_249 = tpu.memref_slice %dma_wait3A_247[%add3A_202, %dma_wait3A_248] : memref<270x128xi32, #tpu.memory_space<hbm>> -> memref<2x128xi32, #tpu.memory_space<hbm>>
        tpu.wait_dma2 semaphore(%run_scoped3A_213 : memref<!tpu.dma_semaphore, #tpu.memory_space<semaphore_mem>>) src(%dma_wait3A_249 : memref<2x128xi32, #tpu.memory_space<hbm>>) dst(%dma_wait3A_243 : memref<2x128xi32, #tpu.memory_space<vmem>>)
        tpu.yield
      }) : () -> ()
      %dma_start3A_203 = arith.constant 0 : i32
      %dma_start3A_204 = arith.constant 4 : i32
      %dma_start3A_205 = arith.constant 0 : i32
      %dma_start3A_206 = tpu.memref_slice %arg6[%dma_start3A_204, %dma_start3A_205] : memref<6x128xi32, #tpu.memory_space<vmem>> -> memref<2x128xi32, #tpu.memory_space<vmem>>
      %dma_start3A_207 = arith.constant 0 : i32
      %dma_start3A_208 = tpu.memref_slice %dma_start3A_206[%dma_start3A_203, %dma_start3A_207] : memref<2x128xi32, #tpu.memory_space<vmem>> -> memref<1x128xi32, #tpu.memory_space<vmem>>
      %dma_start3A_209 = tpu.memref_squeeze %dma_start3A_208 : memref<1x128xi32, #tpu.memory_space<vmem>> -> memref<128xi32, #tpu.memory_space<vmem>>
      %dma_start3A_210 = arith.constant 0 : i32
      %dma_start3A_211 = arith.constant 0 : i32
      %dma_start3A_212 = tpu.memref_slice %arg2[%dma_start3A_210, %dma_start3A_211] : memref<10000x128xf32, #tpu.memory_space<hbm>> -> memref<10000x128xf32, #tpu.memory_space<hbm>>
      tpu.enqueue_indirect_dma source(%dma_start3A_212 : memref<10000x128xf32, #tpu.memory_space<hbm>>) target(%arg9 : memref<128x128xf32, #tpu.memory_space<vmem>>) offsets(%dma_start3A_209 : memref<128xi32, #tpu.memory_space<vmem>>) semaphore(%arg13 : memref<!tpu.dma_semaphore, #tpu.memory_space<semaphore_mem>>)
    }
    %while3A_75 = arith.constant 1 : i32
    scf.for %while3A_126 = %while3A_73 to %while3A_69 step %while3A_75  : i32 {
      %mul3A_127 = arith.constant 3 : i32
      %mul3A_128 = arith.muli %mul3A_127, %while3A_126 : i32
      %add3A_129 = arith.constant 0 : i32
      %add3A_130 = arith.addi %mul3A_128, %add3A_129 : i32
      %dma_wait3A_131 = arith.constant 0 : i32
      %dma_wait3A_132 = arith.constant 0 : i32
      %dma_wait3A_133 = arith.constant 0 : i32
      %dma_wait3A_134 = tpu.memref_slice %arg6[%dma_wait3A_132, %dma_wait3A_133] : memref<6x128xi32, #tpu.memory_space<vmem>> -> memref<2x128xi32, #tpu.memory_space<vmem>>
      %dma_wait3A_135 = arith.constant 0 : i32
      %dma_wait3A_136 = tpu.memref_slice %dma_wait3A_134[%dma_wait3A_131, %dma_wait3A_135] : memref<2x128xi32, #tpu.memory_space<vmem>> -> memref<1x128xi32, #tpu.memory_space<vmem>>
      %dma_wait3A_137 = tpu.memref_squeeze %dma_wait3A_136 : memref<1x128xi32, #tpu.memory_space<vmem>> -> memref<128xi32, #tpu.memory_space<vmem>>
      %dma_wait3A_138 = arith.constant 0 : i32
      %dma_wait3A_139 = arith.constant 0 : i32
      %dma_wait3A_140 = tpu.memref_slice %arg2[%dma_wait3A_138, %dma_wait3A_139] : memref<10000x128xf32, #tpu.memory_space<hbm>> -> memref<10000x128xf32, #tpu.memory_space<hbm>>
      tpu.wait_indirect_dma semaphore(%arg11 : memref<!tpu.dma_semaphore, #tpu.memory_space<semaphore_mem>>) src(%dma_wait3A_140 : memref<10000x128xf32, #tpu.memory_space<hbm>>) dst(%arg7 : memref<128x128xf32, #tpu.memory_space<vmem>>)
      %run_scoped3A = arith.constant 1 : i32
      "tpu.region"() ({
        %run_scoped3A_213 = tpu.sem_alloc : memref<!tpu.dma_semaphore, #tpu.memory_space<semaphore_mem>>
        %dma_start3A_214 = arith.constant 0 : i32
        %dma_start3A_215 = arith.constant 0 : i32
        %dma_start3A_216 = tpu.memref_slice %arg6[%dma_start3A_214, %dma_start3A_215] : memref<6x128xi32, #tpu.memory_space<vmem>> -> memref<2x128xi32, #tpu.memory_space<vmem>>
        %dma_start3A_217 = arith.constant 0 : i32
        %dma_start3A_218 = tpu.memref_slice %dma_start3A_216[%run_scoped3A, %dma_start3A_217] : memref<2x128xi32, #tpu.memory_space<vmem>> -> memref<1x128xi32, #tpu.memory_space<vmem>>
        %dma_start3A_219 = tpu.memref_squeeze %dma_start3A_218 : memref<1x128xi32, #tpu.memory_space<vmem>> -> memref<128xi32, #tpu.memory_space<vmem>>
        %dma_start3A_220 = arith.constant 0 : i32
        %dma_start3A_221 = arith.constant 0 : i32
        %dma_start3A_222 = tpu.memref_slice %arg10[%dma_start3A_220, %dma_start3A_221] : memref<10112x128xf32, #tpu.memory_space<vmem_shared>> -> memref<10112x128xf32, #tpu.memory_space<vmem_shared>>
        tpu.enqueue_indirect_dma source(%arg7 : memref<128x128xf32, #tpu.memory_space<vmem>>) target(%dma_start3A_222 : memref<10112x128xf32, #tpu.memory_space<vmem_shared>>) offsets(%dma_start3A_219 : memref<128xi32, #tpu.memory_space<vmem>>) semaphore(%run_scoped3A_213 : memref<!tpu.dma_semaphore, #tpu.memory_space<semaphore_mem>>) {add = true}
        %dma_wait3A_223 = arith.constant 0 : i32
        %dma_wait3A_224 = arith.constant 0 : i32
        %dma_wait3A_225 = tpu.memref_slice %arg6[%dma_wait3A_223, %dma_wait3A_224] : memref<6x128xi32, #tpu.memory_space<vmem>> -> memref<2x128xi32, #tpu.memory_space<vmem>>
        %dma_wait3A_226 = arith.constant 0 : i32
        %dma_wait3A_227 = tpu.memref_slice %dma_wait3A_225[%run_scoped3A, %dma_wait3A_226] : memref<2x128xi32, #tpu.memory_space<vmem>> -> memref<1x128xi32, #tpu.memory_space<vmem>>
        %dma_wait3A_228 = tpu.memref_squeeze %dma_wait3A_227 : memref<1x128xi32, #tpu.memory_space<vmem>> -> memref<128xi32, #tpu.memory_space<vmem>>
        %dma_wait3A_229 = arith.constant 0 : i32
        %dma_wait3A_230 = arith.constant 0 : i32
        %dma_wait3A_231 = tpu.memref_slice %arg10[%dma_wait3A_229, %dma_wait3A_230] : memref<10112x128xf32, #tpu.memory_space<vmem_shared>> -> memref<10112x128xf32, #tpu.memory_space<vmem_shared>>
        tpu.wait_indirect_dma semaphore(%run_scoped3A_213 : memref<!tpu.dma_semaphore, #tpu.memory_space<semaphore_mem>>) src(%arg7 : memref<128x128xf32, #tpu.memory_space<vmem>>) dst(%dma_wait3A_231 : memref<10112x128xf32, #tpu.memory_space<vmem_shared>>)
        tpu.yield
      }) : () -> ()
      %mul3A_141 = arith.constant 2 : i32
      %mul3A_142 = arith.muli %mul3A_141, %add3A_130 : i32
      %add3A_143 = arith.constant 6 : i32
      %add3A_144 = arith.addi %mul3A_142, %add3A_143 : i32
      "tpu.region"() ({
        %run_scoped3A_213 = tpu.sem_alloc : memref<!tpu.dma_semaphore, #tpu.memory_space<semaphore_mem>>
        %dma_start3A_214 = arith.constant 0 : i32
        %dma_start3A_215 = arith.constant 0 : i32
        %dma_start3A_216 = tpu.memref_slice %arg6[%dma_start3A_214, %dma_start3A_215] : memref<6x128xi32, #tpu.memory_space<vmem>> -> memref<2x128xi32, #tpu.memory_space<vmem>>
        %dma_start3A_217 = arith.constant 0 : i32
        %dma_start3A_218 = arith.constant 0 : i32
        %dma_start3A_219 = tpu.memref_slice %arg3[%arg0, %arg1, %dma_start3A_217, %dma_start3A_218] : memref<2x16x270x128xi32, #tpu.memory_space<hbm>> -> memref<1x1x270x128xi32, #tpu.memory_space<hbm>>
        %dma_start3A_220 = tpu.memref_squeeze %dma_start3A_219 : memref<1x1x270x128xi32, #tpu.memory_space<hbm>> -> memref<270x128xi32, #tpu.memory_space<hbm>>
        %dma_start3A_221 = arith.constant 0 : i32
        %dma_start3A_222 = tpu.memref_slice %dma_start3A_220[%add3A_144, %dma_start3A_221] : memref<270x128xi32, #tpu.memory_space<hbm>> -> memref<2x128xi32, #tpu.memory_space<hbm>>
        %dma_start3A_223 = arith.constant 0 : i32
        %dma_start3A_224 = arith.constant 0 : i32
        %dma_start3A_225 = tpu.memref_slice %arg6[%dma_start3A_223, %dma_start3A_224] : memref<6x128xi32, #tpu.memory_space<vmem>> -> memref<2x128xi32, #tpu.memory_space<vmem>>
        %dma_start3A_226 = arith.constant 0 : i32
        %dma_start3A_227 = arith.constant 0 : i32
        %dma_start3A_228 = tpu.memref_slice %arg3[%arg0, %arg1, %dma_start3A_226, %dma_start3A_227] : memref<2x16x270x128xi32, #tpu.memory_space<hbm>> -> memref<1x1x270x128xi32, #tpu.memory_space<hbm>>
        %dma_start3A_229 = tpu.memref_squeeze %dma_start3A_228 : memref<1x1x270x128xi32, #tpu.memory_space<hbm>> -> memref<270x128xi32, #tpu.memory_space<hbm>>
        %dma_start3A_230 = arith.constant 0 : i32
        %dma_start3A_231 = tpu.memref_slice %dma_start3A_229[%add3A_144, %dma_start3A_230] : memref<270x128xi32, #tpu.memory_space<hbm>> -> memref<2x128xi32, #tpu.memory_space<hbm>>
        tpu.enqueue_dma source(%dma_start3A_231 : memref<2x128xi32, #tpu.memory_space<hbm>>) target(%dma_start3A_225 : memref<2x128xi32, #tpu.memory_space<vmem>>) target_semaphore(%run_scoped3A_213 : memref<!tpu.dma_semaphore, #tpu.memory_space<semaphore_mem>>)
        %dma_wait3A_232 = arith.constant 0 : i32
        %dma_wait3A_233 = arith.constant 0 : i32
        %dma_wait3A_234 = tpu.memref_slice %arg6[%dma_wait3A_232, %dma_wait3A_233] : memref<6x128xi32, #tpu.memory_space<vmem>> -> memref<2x128xi32, #tpu.memory_space<vmem>>
        %dma_wait3A_235 = arith.constant 0 : i32
        %dma_wait3A_236 = arith.constant 0 : i32
        %dma_wait3A_237 = tpu.memref_slice %arg3[%arg0, %arg1, %dma_wait3A_235, %dma_wait3A_236] : memref<2x16x270x128xi32, #tpu.memory_space<hbm>> -> memref<1x1x270x128xi32, #tpu.memory_space<hbm>>
        %dma_wait3A_238 = tpu.memref_squeeze %dma_wait3A_237 : memref<1x1x270x128xi32, #tpu.memory_space<hbm>> -> memref<270x128xi32, #tpu.memory_space<hbm>>
        %dma_wait3A_239 = arith.constant 0 : i32
        %dma_wait3A_240 = tpu.memref_slice %dma_wait3A_238[%add3A_144, %dma_wait3A_239] : memref<270x128xi32, #tpu.memory_space<hbm>> -> memref<2x128xi32, #tpu.memory_space<hbm>>
        %dma_wait3A_241 = arith.constant 0 : i32
        %dma_wait3A_242 = arith.constant 0 : i32
        %dma_wait3A_243 = tpu.memref_slice %arg6[%dma_wait3A_241, %dma_wait3A_242] : memref<6x128xi32, #tpu.memory_space<vmem>> -> memref<2x128xi32, #tpu.memory_space<vmem>>
        %dma_wait3A_244 = arith.constant 0 : i32
        %dma_wait3A_245 = arith.constant 0 : i32
        %dma_wait3A_246 = tpu.memref_slice %arg3[%arg0, %arg1, %dma_wait3A_244, %dma_wait3A_245] : memref<2x16x270x128xi32, #tpu.memory_space<hbm>> -> memref<1x1x270x128xi32, #tpu.memory_space<hbm>>
        %dma_wait3A_247 = tpu.memref_squeeze %dma_wait3A_246 : memref<1x1x270x128xi32, #tpu.memory_space<hbm>> -> memref<270x128xi32, #tpu.memory_space<hbm>>
        %dma_wait3A_248 = arith.constant 0 : i32
        %dma_wait3A_249 = tpu.memref_slice %dma_wait3A_247[%add3A_144, %dma_wait3A_248] : memref<270x128xi32, #tpu.memory_space<hbm>> -> memref<2x128xi32, #tpu.memory_space<hbm>>
        tpu.wait_dma2 semaphore(%run_scoped3A_213 : memref<!tpu.dma_semaphore, #tpu.memory_space<semaphore_mem>>) src(%dma_wait3A_249 : memref<2x128xi32, #tpu.memory_space<hbm>>) dst(%dma_wait3A_243 : memref<2x128xi32, #tpu.memory_space<vmem>>)
        tpu.yield
      }) : () -> ()
      %dma_start3A_145 = arith.constant 0 : i32
      %dma_start3A_146 = arith.constant 0 : i32
      %dma_start3A_147 = arith.constant 0 : i32
      %dma_start3A_148 = tpu.memref_slice %arg6[%dma_start3A_146, %dma_start3A_147] : memref<6x128xi32, #tpu.memory_space<vmem>> -> memref<2x128xi32, #tpu.memory_space<vmem>>
      %dma_start3A_149 = arith.constant 0 : i32
      %dma_start3A_150 = tpu.memref_slice %dma_start3A_148[%dma_start3A_145, %dma_start3A_149] : memref<2x128xi32, #tpu.memory_space<vmem>> -> memref<1x128xi32, #tpu.memory_space<vmem>>
      %dma_start3A_151 = tpu.memref_squeeze %dma_start3A_150 : memref<1x128xi32, #tpu.memory_space<vmem>> -> memref<128xi32, #tpu.memory_space<vmem>>
      %dma_start3A_152 = arith.constant 0 : i32
      %dma_start3A_153 = arith.constant 0 : i32
      %dma_start3A_154 = tpu.memref_slice %arg2[%dma_start3A_152, %dma_start3A_153] : memref<10000x128xf32, #tpu.memory_space<hbm>> -> memref<10000x128xf32, #tpu.memory_space<hbm>>
      tpu.enqueue_indirect_dma source(%dma_start3A_154 : memref<10000x128xf32, #tpu.memory_space<hbm>>) target(%arg7 : memref<128x128xf32, #tpu.memory_space<vmem>>) offsets(%dma_start3A_151 : memref<128xi32, #tpu.memory_space<vmem>>) semaphore(%arg11 : memref<!tpu.dma_semaphore, #tpu.memory_space<semaphore_mem>>)
      %mul3A_155 = arith.constant 3 : i32
      %mul3A_156 = arith.muli %mul3A_155, %while3A_126 : i32
      %add3A_157 = arith.constant 1 : i32
      %add3A_158 = arith.addi %mul3A_156, %add3A_157 : i32
      %dma_wait3A_159 = arith.constant 0 : i32
      %dma_wait3A_160 = arith.constant 2 : i32
      %dma_wait3A_161 = arith.constant 0 : i32
      %dma_wait3A_162 = tpu.memref_slice %arg6[%dma_wait3A_160, %dma_wait3A_161] : memref<6x128xi32, #tpu.memory_space<vmem>> -> memref<2x128xi32, #tpu.memory_space<vmem>>
      %dma_wait3A_163 = arith.constant 0 : i32
      %dma_wait3A_164 = tpu.memref_slice %dma_wait3A_162[%dma_wait3A_159, %dma_wait3A_163] : memref<2x128xi32, #tpu.memory_space<vmem>> -> memref<1x128xi32, #tpu.memory_space<vmem>>
      %dma_wait3A_165 = tpu.memref_squeeze %dma_wait3A_164 : memref<1x128xi32, #tpu.memory_space<vmem>> -> memref<128xi32, #tpu.memory_space<vmem>>
      %dma_wait3A_166 = arith.constant 0 : i32
      %dma_wait3A_167 = arith.constant 0 : i32
      %dma_wait3A_168 = tpu.memref_slice %arg2[%dma_wait3A_166, %dma_wait3A_167] : memref<10000x128xf32, #tpu.memory_space<hbm>> -> memref<10000x128xf32, #tpu.memory_space<hbm>>
      tpu.wait_indirect_dma semaphore(%arg12 : memref<!tpu.dma_semaphore, #tpu.memory_space<semaphore_mem>>) src(%dma_wait3A_168 : memref<10000x128xf32, #tpu.memory_space<hbm>>) dst(%arg8 : memref<128x128xf32, #tpu.memory_space<vmem>>)
      %run_scoped3A_169 = arith.constant 1 : i32
      "tpu.region"() ({
        %run_scoped3A_213 = tpu.sem_alloc : memref<!tpu.dma_semaphore, #tpu.memory_space<semaphore_mem>>
        %dma_start3A_214 = arith.constant 2 : i32
        %dma_start3A_215 = arith.constant 0 : i32
        %dma_start3A_216 = tpu.memref_slice %arg6[%dma_start3A_214, %dma_start3A_215] : memref<6x128xi32, #tpu.memory_space<vmem>> -> memref<2x128xi32, #tpu.memory_space<vmem>>
        %dma_start3A_217 = arith.constant 0 : i32
        %dma_start3A_218 = tpu.memref_slice %dma_start3A_216[%run_scoped3A_169, %dma_start3A_217] : memref<2x128xi32, #tpu.memory_space<vmem>> -> memref<1x128xi32, #tpu.memory_space<vmem>>
        %dma_start3A_219 = tpu.memref_squeeze %dma_start3A_218 : memref<1x128xi32, #tpu.memory_space<vmem>> -> memref<128xi32, #tpu.memory_space<vmem>>
        %dma_start3A_220 = arith.constant 0 : i32
        %dma_start3A_221 = arith.constant 0 : i32
        %dma_start3A_222 = tpu.memref_slice %arg10[%dma_start3A_220, %dma_start3A_221] : memref<10112x128xf32, #tpu.memory_space<vmem_shared>> -> memref<10112x128xf32, #tpu.memory_space<vmem_shared>>
        tpu.enqueue_indirect_dma source(%arg8 : memref<128x128xf32, #tpu.memory_space<vmem>>) target(%dma_start3A_222 : memref<10112x128xf32, #tpu.memory_space<vmem_shared>>) offsets(%dma_start3A_219 : memref<128xi32, #tpu.memory_space<vmem>>) semaphore(%run_scoped3A_213 : memref<!tpu.dma_semaphore, #tpu.memory_space<semaphore_mem>>) {add = true}
        %dma_wait3A_223 = arith.constant 2 : i32
        %dma_wait3A_224 = arith.constant 0 : i32
        %dma_wait3A_225 = tpu.memref_slice %arg6[%dma_wait3A_223, %dma_wait3A_224] : memref<6x128xi32, #tpu.memory_space<vmem>> -> memref<2x128xi32, #tpu.memory_space<vmem>>
        %dma_wait3A_226 = arith.constant 0 : i32
        %dma_wait3A_227 = tpu.memref_slice %dma_wait3A_225[%run_scoped3A_169, %dma_wait3A_226] : memref<2x128xi32, #tpu.memory_space<vmem>> -> memref<1x128xi32, #tpu.memory_space<vmem>>
        %dma_wait3A_228 = tpu.memref_squeeze %dma_wait3A_227 : memref<1x128xi32, #tpu.memory_space<vmem>> -> memref<128xi32, #tpu.memory_space<vmem>>
        %dma_wait3A_229 = arith.constant 0 : i32
        %dma_wait3A_230 = arith.constant 0 : i32
        %dma_wait3A_231 = tpu.memref_slice %arg10[%dma_wait3A_229, %dma_wait3A_230] : memref<10112x128xf32, #tpu.memory_space<vmem_shared>> -> memref<10112x128xf32, #tpu.memory_space<vmem_shared>>
        tpu.wait_indirect_dma semaphore(%run_scoped3A_213 : memref<!tpu.dma_semaphore, #tpu.memory_space<semaphore_mem>>) src(%arg8 : memref<128x128xf32, #tpu.memory_space<vmem>>) dst(%dma_wait3A_231 : memref<10112x128xf32, #tpu.memory_space<vmem_shared>>)
        tpu.yield
      }) : () -> ()
      %mul3A_170 = arith.constant 2 : i32
      %mul3A_171 = arith.muli %mul3A_170, %add3A_158 : i32
      %add3A_172 = arith.constant 6 : i32
      %add3A_173 = arith.addi %mul3A_171, %add3A_172 : i32
      "tpu.region"() ({
        %run_scoped3A_213 = tpu.sem_alloc : memref<!tpu.dma_semaphore, #tpu.memory_space<semaphore_mem>>
        %dma_start3A_214 = arith.constant 2 : i32
        %dma_start3A_215 = arith.constant 0 : i32
        %dma_start3A_216 = tpu.memref_slice %arg6[%dma_start3A_214, %dma_start3A_215] : memref<6x128xi32, #tpu.memory_space<vmem>> -> memref<2x128xi32, #tpu.memory_space<vmem>>
        %dma_start3A_217 = arith.constant 0 : i32
        %dma_start3A_218 = arith.constant 0 : i32
        %dma_start3A_219 = tpu.memref_slice %arg3[%arg0, %arg1, %dma_start3A_217, %dma_start3A_218] : memref<2x16x270x128xi32, #tpu.memory_space<hbm>> -> memref<1x1x270x128xi32, #tpu.memory_space<hbm>>
        %dma_start3A_220 = tpu.memref_squeeze %dma_start3A_219 : memref<1x1x270x128xi32, #tpu.memory_space<hbm>> -> memref<270x128xi32, #tpu.memory_space<hbm>>
        %dma_start3A_221 = arith.constant 0 : i32
        %dma_start3A_222 = tpu.memref_slice %dma_start3A_220[%add3A_173, %dma_start3A_221] : memref<270x128xi32, #tpu.memory_space<hbm>> -> memref<2x128xi32, #tpu.memory_space<hbm>>
        %dma_start3A_223 = arith.constant 2 : i32
        %dma_start3A_224 = arith.constant 0 : i32
        %dma_start3A_225 = tpu.memref_slice %arg6[%dma_start3A_223, %dma_start3A_224] : memref<6x128xi32, #tpu.memory_space<vmem>> -> memref<2x128xi32, #tpu.memory_space<vmem>>
        %dma_start3A_226 = arith.constant 0 : i32
        %dma_start3A_227 = arith.constant 0 : i32
        %dma_start3A_228 = tpu.memref_slice %arg3[%arg0, %arg1, %dma_start3A_226, %dma_start3A_227] : memref<2x16x270x128xi32, #tpu.memory_space<hbm>> -> memref<1x1x270x128xi32, #tpu.memory_space<hbm>>
        %dma_start3A_229 = tpu.memref_squeeze %dma_start3A_228 : memref<1x1x270x128xi32, #tpu.memory_space<hbm>> -> memref<270x128xi32, #tpu.memory_space<hbm>>
        %dma_start3A_230 = arith.constant 0 : i32
        %dma_start3A_231 = tpu.memref_slice %dma_start3A_229[%add3A_173, %dma_start3A_230] : memref<270x128xi32, #tpu.memory_space<hbm>> -> memref<2x128xi32, #tpu.memory_space<hbm>>
        tpu.enqueue_dma source(%dma_start3A_231 : memref<2x128xi32, #tpu.memory_space<hbm>>) target(%dma_start3A_225 : memref<2x128xi32, #tpu.memory_space<vmem>>) target_semaphore(%run_scoped3A_213 : memref<!tpu.dma_semaphore, #tpu.memory_space<semaphore_mem>>)
        %dma_wait3A_232 = arith.constant 2 : i32
        %dma_wait3A_233 = arith.constant 0 : i32
        %dma_wait3A_234 = tpu.memref_slice %arg6[%dma_wait3A_232, %dma_wait3A_233] : memref<6x128xi32, #tpu.memory_space<vmem>> -> memref<2x128xi32, #tpu.memory_space<vmem>>
        %dma_wait3A_235 = arith.constant 0 : i32
        %dma_wait3A_236 = arith.constant 0 : i32
        %dma_wait3A_237 = tpu.memref_slice %arg3[%arg0, %arg1, %dma_wait3A_235, %dma_wait3A_236] : memref<2x16x270x128xi32, #tpu.memory_space<hbm>> -> memref<1x1x270x128xi32, #tpu.memory_space<hbm>>
        %dma_wait3A_238 = tpu.memref_squeeze %dma_wait3A_237 : memref<1x1x270x128xi32, #tpu.memory_space<hbm>> -> memref<270x128xi32, #tpu.memory_space<hbm>>
        %dma_wait3A_239 = arith.constant 0 : i32
        %dma_wait3A_240 = tpu.memref_slice %dma_wait3A_238[%add3A_173, %dma_wait3A_239] : memref<270x128xi32, #tpu.memory_space<hbm>> -> memref<2x128xi32, #tpu.memory_space<hbm>>
        %dma_wait3A_241 = arith.constant 2 : i32
        %dma_wait3A_242 = arith.constant 0 : i32
        %dma_wait3A_243 = tpu.memref_slice %arg6[%dma_wait3A_241, %dma_wait3A_242] : memref<6x128xi32, #tpu.memory_space<vmem>> -> memref<2x128xi32, #tpu.memory_space<vmem>>
        %dma_wait3A_244 = arith.constant 0 : i32
        %dma_wait3A_245 = arith.constant 0 : i32
        %dma_wait3A_246 = tpu.memref_slice %arg3[%arg0, %arg1, %dma_wait3A_244, %dma_wait3A_245] : memref<2x16x270x128xi32, #tpu.memory_space<hbm>> -> memref<1x1x270x128xi32, #tpu.memory_space<hbm>>
        %dma_wait3A_247 = tpu.memref_squeeze %dma_wait3A_246 : memref<1x1x270x128xi32, #tpu.memory_space<hbm>> -> memref<270x128xi32, #tpu.memory_space<hbm>>
        %dma_wait3A_248 = arith.constant 0 : i32
        %dma_wait3A_249 = tpu.memref_slice %dma_wait3A_247[%add3A_173, %dma_wait3A_248] : memref<270x128xi32, #tpu.memory_space<hbm>> -> memref<2x128xi32, #tpu.memory_space<hbm>>
        tpu.wait_dma2 semaphore(%run_scoped3A_213 : memref<!tpu.dma_semaphore, #tpu.memory_space<semaphore_mem>>) src(%dma_wait3A_249 : memref<2x128xi32, #tpu.memory_space<hbm>>) dst(%dma_wait3A_243 : memref<2x128xi32, #tpu.memory_space<vmem>>)
        tpu.yield
      }) : () -> ()
      %dma_start3A_174 = arith.constant 0 : i32
      %dma_start3A_175 = arith.constant 2 : i32
      %dma_start3A_176 = arith.constant 0 : i32
      %dma_start3A_177 = tpu.memref_slice %arg6[%dma_start3A_175, %dma_start3A_176] : memref<6x128xi32, #tpu.memory_space<vmem>> -> memref<2x128xi32, #tpu.memory_space<vmem>>
      %dma_start3A_178 = arith.constant 0 : i32
      %dma_start3A_179 = tpu.memref_slice %dma_start3A_177[%dma_start3A_174, %dma_start3A_178] : memref<2x128xi32, #tpu.memory_space<vmem>> -> memref<1x128xi32, #tpu.memory_space<vmem>>
      %dma_start3A_180 = tpu.memref_squeeze %dma_start3A_179 : memref<1x128xi32, #tpu.memory_space<vmem>> -> memref<128xi32, #tpu.memory_space<vmem>>
      %dma_start3A_181 = arith.constant 0 : i32
      %dma_start3A_182 = arith.constant 0 : i32
      %dma_start3A_183 = tpu.memref_slice %arg2[%dma_start3A_181, %dma_start3A_182] : memref<10000x128xf32, #tpu.memory_space<hbm>> -> memref<10000x128xf32, #tpu.memory_space<hbm>>
      tpu.enqueue_indirect_dma source(%dma_start3A_183 : memref<10000x128xf32, #tpu.memory_space<hbm>>) target(%arg8 : memref<128x128xf32, #tpu.memory_space<vmem>>) offsets(%dma_start3A_180 : memref<128xi32, #tpu.memory_space<vmem>>) semaphore(%arg12 : memref<!tpu.dma_semaphore, #tpu.memory_space<semaphore_mem>>)
      %mul3A_184 = arith.constant 3 : i32
      %mul3A_185 = arith.muli %mul3A_184, %while3A_126 : i32
      %add3A_186 = arith.constant 2 : i32
      %add3A_187 = arith.addi %mul3A_185, %add3A_186 : i32
      %dma_wait3A_188 = arith.constant 0 : i32
      %dma_wait3A_189 = arith.constant 4 : i32
      %dma_wait3A_190 = arith.constant 0 : i32
      %dma_wait3A_191 = tpu.memref_slice %arg6[%dma_wait3A_189, %dma_wait3A_190] : memref<6x128xi32, #tpu.memory_space<vmem>> -> memref<2x128xi32, #tpu.memory_space<vmem>>
      %dma_wait3A_192 = arith.constant 0 : i32
      %dma_wait3A_193 = tpu.memref_slice %dma_wait3A_191[%dma_wait3A_188, %dma_wait3A_192] : memref<2x128xi32, #tpu.memory_space<vmem>> -> memref<1x128xi32, #tpu.memory_space<vmem>>
      %dma_wait3A_194 = tpu.memref_squeeze %dma_wait3A_193 : memref<1x128xi32, #tpu.memory_space<vmem>> -> memref<128xi32, #tpu.memory_space<vmem>>
      %dma_wait3A_195 = arith.constant 0 : i32
      %dma_wait3A_196 = arith.constant 0 : i32
      %dma_wait3A_197 = tpu.memref_slice %arg2[%dma_wait3A_195, %dma_wait3A_196] : memref<10000x128xf32, #tpu.memory_space<hbm>> -> memref<10000x128xf32, #tpu.memory_space<hbm>>
      tpu.wait_indirect_dma semaphore(%arg13 : memref<!tpu.dma_semaphore, #tpu.memory_space<semaphore_mem>>) src(%dma_wait3A_197 : memref<10000x128xf32, #tpu.memory_space<hbm>>) dst(%arg9 : memref<128x128xf32, #tpu.memory_space<vmem>>)
      %run_scoped3A_198 = arith.constant 1 : i32
      "tpu.region"() ({
        %run_scoped3A_213 = tpu.sem_alloc : memref<!tpu.dma_semaphore, #tpu.memory_space<semaphore_mem>>
        %dma_start3A_214 = arith.constant 4 : i32
        %dma_start3A_215 = arith.constant 0 : i32
        %dma_start3A_216 = tpu.memref_slice %arg6[%dma_start3A_214, %dma_start3A_215] : memref<6x128xi32, #tpu.memory_space<vmem>> -> memref<2x128xi32, #tpu.memory_space<vmem>>
        %dma_start3A_217 = arith.constant 0 : i32
        %dma_start3A_218 = tpu.memref_slice %dma_start3A_216[%run_scoped3A_198, %dma_start3A_217] : memref<2x128xi32, #tpu.memory_space<vmem>> -> memref<1x128xi32, #tpu.memory_space<vmem>>
        %dma_start3A_219 = tpu.memref_squeeze %dma_start3A_218 : memref<1x128xi32, #tpu.memory_space<vmem>> -> memref<128xi32, #tpu.memory_space<vmem>>
        %dma_start3A_220 = arith.constant 0 : i32
        %dma_start3A_221 = arith.constant 0 : i32
        %dma_start3A_222 = tpu.memref_slice %arg10[%dma_start3A_220, %dma_start3A_221] : memref<10112x128xf32, #tpu.memory_space<vmem_shared>> -> memref<10112x128xf32, #tpu.memory_space<vmem_shared>>
        tpu.enqueue_indirect_dma source(%arg9 : memref<128x128xf32, #tpu.memory_space<vmem>>) target(%dma_start3A_222 : memref<10112x128xf32, #tpu.memory_space<vmem_shared>>) offsets(%dma_start3A_219 : memref<128xi32, #tpu.memory_space<vmem>>) semaphore(%run_scoped3A_213 : memref<!tpu.dma_semaphore, #tpu.memory_space<semaphore_mem>>) {add = true}
        %dma_wait3A_223 = arith.constant 4 : i32
        %dma_wait3A_224 = arith.constant 0 : i32
        %dma_wait3A_225 = tpu.memref_slice %arg6[%dma_wait3A_223, %dma_wait3A_224] : memref<6x128xi32, #tpu.memory_space<vmem>> -> memref<2x128xi32, #tpu.memory_space<vmem>>
        %dma_wait3A_226 = arith.constant 0 : i32
        %dma_wait3A_227 = tpu.memref_slice %dma_wait3A_225[%run_scoped3A_198, %dma_wait3A_226] : memref<2x128xi32, #tpu.memory_space<vmem>> -> memref<1x128xi32, #tpu.memory_space<vmem>>
        %dma_wait3A_228 = tpu.memref_squeeze %dma_wait3A_227 : memref<1x128xi32, #tpu.memory_space<vmem>> -> memref<128xi32, #tpu.memory_space<vmem>>
        %dma_wait3A_229 = arith.constant 0 : i32
        %dma_wait3A_230 = arith.constant 0 : i32
        %dma_wait3A_231 = tpu.memref_slice %arg10[%dma_wait3A_229, %dma_wait3A_230] : memref<10112x128xf32, #tpu.memory_space<vmem_shared>> -> memref<10112x128xf32, #tpu.memory_space<vmem_shared>>
        tpu.wait_indirect_dma semaphore(%run_scoped3A_213 : memref<!tpu.dma_semaphore, #tpu.memory_space<semaphore_mem>>) src(%arg9 : memref<128x128xf32, #tpu.memory_space<vmem>>) dst(%dma_wait3A_231 : memref<10112x128xf32, #tpu.memory_space<vmem_shared>>)
        tpu.yield
      }) : () -> ()
      %mul3A_199 = arith.constant 2 : i32
      %mul3A_200 = arith.muli %mul3A_199, %add3A_187 : i32
      %add3A_201 = arith.constant 6 : i32
      %add3A_202 = arith.addi %mul3A_200, %add3A_201 : i32
      "tpu.region"() ({
        %run_scoped3A_213 = tpu.sem_alloc : memref<!tpu.dma_semaphore, #tpu.memory_space<semaphore_mem>>
        %dma_start3A_214 = arith.constant 4 : i32
        %dma_start3A_215 = arith.constant 0 : i32
        %dma_start3A_216 = tpu.memref_slice %arg6[%dma_start3A_214, %dma_start3A_215] : memref<6x128xi32, #tpu.memory_space<vmem>> -> memref<2x128xi32, #tpu.memory_space<vmem>>
        %dma_start3A_217 = arith.constant 0 : i32
        %dma_start3A_218 = arith.constant 0 : i32
        %dma_start3A_219 = tpu.memref_slice %arg3[%arg0, %arg1, %dma_start3A_217, %dma_start3A_218] : memref<2x16x270x128xi32, #tpu.memory_space<hbm>> -> memref<1x1x270x128xi32, #tpu.memory_space<hbm>>
        %dma_start3A_220 = tpu.memref_squeeze %dma_start3A_219 : memref<1x1x270x128xi32, #tpu.memory_space<hbm>> -> memref<270x128xi32, #tpu.memory_space<hbm>>
        %dma_start3A_221 = arith.constant 0 : i32
        %dma_start3A_222 = tpu.memref_slice %dma_start3A_220[%add3A_202, %dma_start3A_221] : memref<270x128xi32, #tpu.memory_space<hbm>> -> memref<2x128xi32, #tpu.memory_space<hbm>>
        %dma_start3A_223 = arith.constant 4 : i32
        %dma_start3A_224 = arith.constant 0 : i32
        %dma_start3A_225 = tpu.memref_slice %arg6[%dma_start3A_223, %dma_start3A_224] : memref<6x128xi32, #tpu.memory_space<vmem>> -> memref<2x128xi32, #tpu.memory_space<vmem>>
        %dma_start3A_226 = arith.constant 0 : i32
        %dma_start3A_227 = arith.constant 0 : i32
        %dma_start3A_228 = tpu.memref_slice %arg3[%arg0, %arg1, %dma_start3A_226, %dma_start3A_227] : memref<2x16x270x128xi32, #tpu.memory_space<hbm>> -> memref<1x1x270x128xi32, #tpu.memory_space<hbm>>
        %dma_start3A_229 = tpu.memref_squeeze %dma_start3A_228 : memref<1x1x270x128xi32, #tpu.memory_space<hbm>> -> memref<270x128xi32, #tpu.memory_space<hbm>>
        %dma_start3A_230 = arith.constant 0 : i32
        %dma_start3A_231 = tpu.memref_slice %dma_start3A_229[%add3A_202, %dma_start3A_230] : memref<270x128xi32, #tpu.memory_space<hbm>> -> memref<2x128xi32, #tpu.memory_space<hbm>>
        tpu.enqueue_dma source(%dma_start3A_231 : memref<2x128xi32, #tpu.memory_space<hbm>>) target(%dma_start3A_225 : memref<2x128xi32, #tpu.memory_space<vmem>>) target_semaphore(%run_scoped3A_213 : memref<!tpu.dma_semaphore, #tpu.memory_space<semaphore_mem>>)
        %dma_wait3A_232 = arith.constant 4 : i32
        %dma_wait3A_233 = arith.constant 0 : i32
        %dma_wait3A_234 = tpu.memref_slice %arg6[%dma_wait3A_232, %dma_wait3A_233] : memref<6x128xi32, #tpu.memory_space<vmem>> -> memref<2x128xi32, #tpu.memory_space<vmem>>
        %dma_wait3A_235 = arith.constant 0 : i32
        %dma_wait3A_236 = arith.constant 0 : i32
        %dma_wait3A_237 = tpu.memref_slice %arg3[%arg0, %arg1, %dma_wait3A_235, %dma_wait3A_236] : memref<2x16x270x128xi32, #tpu.memory_space<hbm>> -> memref<1x1x270x128xi32, #tpu.memory_space<hbm>>
        %dma_wait3A_238 = tpu.memref_squeeze %dma_wait3A_237 : memref<1x1x270x128xi32, #tpu.memory_space<hbm>> -> memref<270x128xi32, #tpu.memory_space<hbm>>
        %dma_wait3A_239 = arith.constant 0 : i32
        %dma_wait3A_240 = tpu.memref_slice %dma_wait3A_238[%add3A_202, %dma_wait3A_239] : memref<270x128xi32, #tpu.memory_space<hbm>> -> memref<2x128xi32, #tpu.memory_space<hbm>>
        %dma_wait3A_241 = arith.constant 4 : i32
        %dma_wait3A_242 = arith.constant 0 : i32
        %dma_wait3A_243 = tpu.memref_slice %arg6[%dma_wait3A_241, %dma_wait3A_242] : memref<6x128xi32, #tpu.memory_space<vmem>> -> memref<2x128xi32, #tpu.memory_space<vmem>>
        %dma_wait3A_244 = arith.constant 0 : i32
        %dma_wait3A_245 = arith.constant 0 : i32
        %dma_wait3A_246 = tpu.memref_slice %arg3[%arg0, %arg1, %dma_wait3A_244, %dma_wait3A_245] : memref<2x16x270x128xi32, #tpu.memory_space<hbm>> -> memref<1x1x270x128xi32, #tpu.memory_space<hbm>>
        %dma_wait3A_247 = tpu.memref_squeeze %dma_wait3A_246 : memref<1x1x270x128xi32, #tpu.memory_space<hbm>> -> memref<270x128xi32, #tpu.memory_space<hbm>>
        %dma_wait3A_248 = arith.constant 0 : i32
        %dma_wait3A_249 = tpu.memref_slice %dma_wait3A_247[%add3A_202, %dma_wait3A_248] : memref<270x128xi32, #tpu.memory_space<hbm>> -> memref<2x128xi32, #tpu.memory_space<hbm>>
        tpu.wait_dma2 semaphore(%run_scoped3A_213 : memref<!tpu.dma_semaphore, #tpu.memory_space<semaphore_mem>>) src(%dma_wait3A_249 : memref<2x128xi32, #tpu.memory_space<hbm>>) dst(%dma_wait3A_243 : memref<2x128xi32, #tpu.memory_space<vmem>>)
        tpu.yield
      }) : () -> ()
      %dma_start3A_203 = arith.constant 0 : i32
      %dma_start3A_204 = arith.constant 4 : i32
      %dma_start3A_205 = arith.constant 0 : i32
      %dma_start3A_206 = tpu.memref_slice %arg6[%dma_start3A_204, %dma_start3A_205] : memref<6x128xi32, #tpu.memory_space<vmem>> -> memref<2x128xi32, #tpu.memory_space<vmem>>
      %dma_start3A_207 = arith.constant 0 : i32
      %dma_start3A_208 = tpu.memref_slice %dma_start3A_206[%dma_start3A_203, %dma_start3A_207] : memref<2x128xi32, #tpu.memory_space<vmem>> -> memref<1x128xi32, #tpu.memory_space<vmem>>
      %dma_start3A_209 = tpu.memref_squeeze %dma_start3A_208 : memref<1x128xi32, #tpu.memory_space<vmem>> -> memref<128xi32, #tpu.memory_space<vmem>>
      %dma_start3A_210 = arith.constant 0 : i32
      %dma_start3A_211 = arith.constant 0 : i32
      %dma_start3A_212 = tpu.memref_slice %arg2[%dma_start3A_210, %dma_start3A_211] : memref<10000x128xf32, #tpu.memory_space<hbm>> -> memref<10000x128xf32, #tpu.memory_space<hbm>>
      tpu.enqueue_indirect_dma source(%dma_start3A_212 : memref<10000x128xf32, #tpu.memory_space<hbm>>) target(%arg9 : memref<128x128xf32, #tpu.memory_space<vmem>>) offsets(%dma_start3A_209 : memref<128xi32, #tpu.memory_space<vmem>>) semaphore(%arg13 : memref<!tpu.dma_semaphore, #tpu.memory_space<semaphore_mem>>)
    }
    %dma_wait3A = arith.constant 0 : i32
    %dma_wait3A_76 = arith.constant 0 : i32
    %dma_wait3A_77 = arith.constant 0 : i32
    %dma_wait3A_78 = tpu.memref_slice %arg6[%dma_wait3A_76, %dma_wait3A_77] : memref<6x128xi32, #tpu.memory_space<vmem>> -> memref<2x128xi32, #tpu.memory_space<vmem>>
    %dma_wait3A_79 = arith.constant 0 : i32
    %dma_wait3A_80 = tpu.memref_slice %dma_wait3A_78[%dma_wait3A, %dma_wait3A_79] : memref<2x128xi32, #tpu.memory_space<vmem>> -> memref<1x128xi32, #tpu.memory_space<vmem>>
    %dma_wait3A_81 = tpu.memref_squeeze %dma_wait3A_80 : memref<1x128xi32, #tpu.memory_space<vmem>> -> memref<128xi32, #tpu.memory_space<vmem>>
    %dma_wait3A_82 = arith.constant 0 : i32
    %dma_wait3A_83 = arith.constant 0 : i32
    %dma_wait3A_84 = tpu.memref_slice %arg2[%dma_wait3A_82, %dma_wait3A_83] : memref<10000x128xf32, #tpu.memory_space<hbm>> -> memref<10000x128xf32, #tpu.memory_space<hbm>>
    tpu.wait_indirect_dma semaphore(%arg11 : memref<!tpu.dma_semaphore, #tpu.memory_space<semaphore_mem>>) src(%dma_wait3A_84 : memref<10000x128xf32, #tpu.memory_space<hbm>>) dst(%arg7 : memref<128x128xf32, #tpu.memory_space<vmem>>)
    %dma_wait3A_85 = arith.constant 0 : i32
    %dma_wait3A_86 = arith.constant 2 : i32
    %dma_wait3A_87 = arith.constant 0 : i32
    %dma_wait3A_88 = tpu.memref_slice %arg6[%dma_wait3A_86, %dma_wait3A_87] : memref<6x128xi32, #tpu.memory_space<vmem>> -> memref<2x128xi32, #tpu.memory_space<vmem>>
    %dma_wait3A_89 = arith.constant 0 : i32
    %dma_wait3A_90 = tpu.memref_slice %dma_wait3A_88[%dma_wait3A_85, %dma_wait3A_89] : memref<2x128xi32, #tpu.memory_space<vmem>> -> memref<1x128xi32, #tpu.memory_space<vmem>>
    %dma_wait3A_91 = tpu.memref_squeeze %dma_wait3A_90 : memref<1x128xi32, #tpu.memory_space<vmem>> -> memref<128xi32, #tpu.memory_space<vmem>>
    %dma_wait3A_92 = arith.constant 0 : i32
    %dma_wait3A_93 = arith.constant 0 : i32
    %dma_wait3A_94 = tpu.memref_slice %arg2[%dma_wait3A_92, %dma_wait3A_93] : memref<10000x128xf32, #tpu.memory_space<hbm>> -> memref<10000x128xf32, #tpu.memory_space<hbm>>
    tpu.wait_indirect_dma semaphore(%arg12 : memref<!tpu.dma_semaphore, #tpu.memory_space<semaphore_mem>>) src(%dma_wait3A_94 : memref<10000x128xf32, #tpu.memory_space<hbm>>) dst(%arg8 : memref<128x128xf32, #tpu.memory_space<vmem>>)
    %dma_wait3A_95 = arith.constant 0 : i32
    %dma_wait3A_96 = arith.constant 4 : i32
    %dma_wait3A_97 = arith.constant 0 : i32
    %dma_wait3A_98 = tpu.memref_slice %arg6[%dma_wait3A_96, %dma_wait3A_97] : memref<6x128xi32, #tpu.memory_space<vmem>> -> memref<2x128xi32, #tpu.memory_space<vmem>>
    %dma_wait3A_99 = arith.constant 0 : i32
    %dma_wait3A_100 = tpu.memref_slice %dma_wait3A_98[%dma_wait3A_95, %dma_wait3A_99] : memref<2x128xi32, #tpu.memory_space<vmem>> -> memref<1x128xi32, #tpu.memory_space<vmem>>
    %dma_wait3A_101 = tpu.memref_squeeze %dma_wait3A_100 : memref<1x128xi32, #tpu.memory_space<vmem>> -> memref<128xi32, #tpu.memory_space<vmem>>
    %dma_wait3A_102 = arith.constant 0 : i32
    %dma_wait3A_103 = arith.constant 0 : i32
    %dma_wait3A_104 = tpu.memref_slice %arg2[%dma_wait3A_102, %dma_wait3A_103] : memref<10000x128xf32, #tpu.memory_space<hbm>> -> memref<10000x128xf32, #tpu.memory_space<hbm>>
    tpu.wait_indirect_dma semaphore(%arg13 : memref<!tpu.dma_semaphore, #tpu.memory_space<semaphore_mem>>) src(%dma_wait3A_104 : memref<10000x128xf32, #tpu.memory_space<hbm>>) dst(%arg9 : memref<128x128xf32, #tpu.memory_space<vmem>>)
    %barrier3A_105 = arith.constant 0 : index
    tpu.barrier barrier_id(%barrier3A_105)
    %mul3A_106 = arith.constant 632 : i32
    %mul3A_107 = arith.muli %arg1, %mul3A_106 : i32
    %add3A_108 = arith.constant 0 : i32
    %add3A_109 = arith.addi %mul3A_107, %add3A_108 : i32
    "tpu.region"() ({
      %run_scoped3A = tpu.sem_alloc : memref<!tpu.dma_semaphore, #tpu.memory_space<semaphore_mem>>
      %dma_start3A_126 = arith.constant 0 : i32
      %dma_start3A_127 = arith.constant 0 : i32
      %dma_start3A_128 = tpu.memref_slice %arg7[%dma_start3A_126, %dma_start3A_127] : memref<128x128xf32, #tpu.memory_space<vmem>> -> memref<128x128xf32, #tpu.memory_space<vmem>>
      %dma_start3A_129 = arith.constant 0 : i32
      %dma_start3A_130 = tpu.memref_slice %arg10[%add3A_109, %dma_start3A_129] : memref<10112x128xf32, #tpu.memory_space<vmem_shared>> -> memref<128x128xf32, #tpu.memory_space<vmem_shared>>
      %dma_start3A_131 = arith.constant 0 : i32
      %dma_start3A_132 = arith.constant 0 : i32
      %dma_start3A_133 = tpu.memref_slice %arg7[%dma_start3A_131, %dma_start3A_132] : memref<128x128xf32, #tpu.memory_space<vmem>> -> memref<128x128xf32, #tpu.memory_space<vmem>>
      %dma_start3A_134 = arith.constant 0 : i32
      %dma_start3A_135 = tpu.memref_slice %arg10[%add3A_109, %dma_start3A_134] : memref<10112x128xf32, #tpu.memory_space<vmem_shared>> -> memref<128x128xf32, #tpu.memory_space<vmem_shared>>
      tpu.enqueue_dma source(%dma_start3A_135 : memref<128x128xf32, #tpu.memory_space<vmem_shared>>) target(%dma_start3A_133 : memref<128x128xf32, #tpu.memory_space<vmem>>) target_semaphore(%run_scoped3A : memref<!tpu.dma_semaphore, #tpu.memory_space<semaphore_mem>>)
      %dma_wait3A_136 = arith.constant 0 : i32
      %dma_wait3A_137 = arith.constant 0 : i32
      %dma_wait3A_138 = tpu.memref_slice %arg7[%dma_wait3A_136, %dma_wait3A_137] : memref<128x128xf32, #tpu.memory_space<vmem>> -> memref<128x128xf32, #tpu.memory_space<vmem>>
      %dma_wait3A_139 = arith.constant 0 : i32
      %dma_wait3A_140 = tpu.memref_slice %arg10[%add3A_109, %dma_wait3A_139] : memref<10112x128xf32, #tpu.memory_space<vmem_shared>> -> memref<128x128xf32, #tpu.memory_space<vmem_shared>>
      %dma_wait3A_141 = arith.constant 0 : i32
      %dma_wait3A_142 = arith.constant 0 : i32
      %dma_wait3A_143 = tpu.memref_slice %arg7[%dma_wait3A_141, %dma_wait3A_142] : memref<128x128xf32, #tpu.memory_space<vmem>> -> memref<128x128xf32, #tpu.memory_space<vmem>>
      %dma_wait3A_144 = arith.constant 0 : i32
      %dma_wait3A_145 = tpu.memref_slice %arg10[%add3A_109, %dma_wait3A_144] : memref<10112x128xf32, #tpu.memory_space<vmem_shared>> -> memref<128x128xf32, #tpu.memory_space<vmem_shared>>
      tpu.wait_dma2 semaphore(%run_scoped3A : memref<!tpu.dma_semaphore, #tpu.memory_space<semaphore_mem>>) src(%dma_wait3A_145 : memref<128x128xf32, #tpu.memory_space<vmem_shared>>) dst(%dma_wait3A_143 : memref<128x128xf32, #tpu.memory_space<vmem>>)
      tpu.yield
    }) : () -> ()
    "tpu.region"() ({
      %run_scoped3A = tpu.sem_alloc : memref<!tpu.dma_semaphore, #tpu.memory_space<semaphore_mem>>
      %dma_start3A_126 = arith.constant 0 : i32
      %dma_start3A_127 = arith.constant 0 : i32
      %dma_start3A_128 = tpu.memref_slice %arg7[%dma_start3A_126, %dma_start3A_127] : memref<128x128xf32, #tpu.memory_space<vmem>> -> memref<128x128xf32, #tpu.memory_space<vmem>>
      %dma_start3A_129 = arith.constant 0 : i32
      %dma_start3A_130 = tpu.memref_slice %arg5[%arg0, %add3A_109, %dma_start3A_129] : memref<2x10112x128xf32, #tpu.memory_space<hbm>> -> memref<1x128x128xf32, #tpu.memory_space<hbm>>
      %dma_start3A_131 = tpu.memref_squeeze %dma_start3A_130 : memref<1x128x128xf32, #tpu.memory_space<hbm>> -> memref<128x128xf32, #tpu.memory_space<hbm>>
      %dma_start3A_132 = arith.constant 0 : i32
      %dma_start3A_133 = tpu.memref_slice %arg5[%arg0, %add3A_109, %dma_start3A_132] : memref<2x10112x128xf32, #tpu.memory_space<hbm>> -> memref<1x128x128xf32, #tpu.memory_space<hbm>>
      %dma_start3A_134 = tpu.memref_squeeze %dma_start3A_133 : memref<1x128x128xf32, #tpu.memory_space<hbm>> -> memref<128x128xf32, #tpu.memory_space<hbm>>
      %dma_start3A_135 = arith.constant 0 : i32
      %dma_start3A_136 = arith.constant 0 : i32
      %dma_start3A_137 = tpu.memref_slice %arg7[%dma_start3A_135, %dma_start3A_136] : memref<128x128xf32, #tpu.memory_space<vmem>> -> memref<128x128xf32, #tpu.memory_space<vmem>>
      tpu.enqueue_dma source(%dma_start3A_137 : memref<128x128xf32, #tpu.memory_space<vmem>>) target(%dma_start3A_134 : memref<128x128xf32, #tpu.memory_space<hbm>>) target_semaphore(%run_scoped3A : memref<!tpu.dma_semaphore, #tpu.memory_space<semaphore_mem>>)
      %dma_wait3A_138 = arith.constant 0 : i32
      %dma_wait3A_139 = arith.constant 0 : i32
      %dma_wait3A_140 = tpu.memref_slice %arg7[%dma_wait3A_138, %dma_wait3A_139] : memref<128x128xf32, #tpu.memory_space<vmem>> -> memref<128x128xf32, #tpu.memory_space<vmem>>
      %dma_wait3A_141 = arith.constant 0 : i32
      %dma_wait3A_142 = tpu.memref_slice %arg5[%arg0, %add3A_109, %dma_wait3A_141] : memref<2x10112x128xf32, #tpu.memory_space<hbm>> -> memref<1x128x128xf32, #tpu.memory_space<hbm>>
      %dma_wait3A_143 = tpu.memref_squeeze %dma_wait3A_142 : memref<1x128x128xf32, #tpu.memory_space<hbm>> -> memref<128x128xf32, #tpu.memory_space<hbm>>
      %dma_wait3A_144 = arith.constant 0 : i32
      %dma_wait3A_145 = tpu.memref_slice %arg5[%arg0, %add3A_109, %dma_wait3A_144] : memref<2x10112x128xf32, #tpu.memory_space<hbm>> -> memref<1x128x128xf32, #tpu.memory_space<hbm>>
      %dma_wait3A_146 = tpu.memref_squeeze %dma_wait3A_145 : memref<1x128x128xf32, #tpu.memory_space<hbm>> -> memref<128x128xf32, #tpu.memory_space<hbm>>
      %dma_wait3A_147 = arith.constant 0 : i32
      %dma_wait3A_148 = arith.constant 0 : i32
      %dma_wait3A_149 = tpu.memref_slice %arg7[%dma_wait3A_147, %dma_wait3A_148] : memref<128x128xf32, #tpu.memory_space<vmem>> -> memref<128x128xf32, #tpu.memory_space<vmem>>
      tpu.wait_dma2 semaphore(%run_scoped3A : memref<!tpu.dma_semaphore, #tpu.memory_space<semaphore_mem>>) src(%dma_wait3A_149 : memref<128x128xf32, #tpu.memory_space<vmem>>) dst(%dma_wait3A_146 : memref<128x128xf32, #tpu.memory_space<hbm>>)
      tpu.yield
    }) : () -> ()
    %mul3A_110 = arith.constant 632 : i32
    %mul3A_111 = arith.muli %arg1, %mul3A_110 : i32
    %add3A_112 = arith.constant 128 : i32
    %add3A_113 = arith.addi %mul3A_111, %add3A_112 : i32
    "tpu.region"() ({
      %run_scoped3A = tpu.sem_alloc : memref<!tpu.dma_semaphore, #tpu.memory_space<semaphore_mem>>
      %dma_start3A_126 = arith.constant 0 : i32
      %dma_start3A_127 = arith.constant 0 : i32
      %dma_start3A_128 = tpu.memref_slice %arg7[%dma_start3A_126, %dma_start3A_127] : memref<128x128xf32, #tpu.memory_space<vmem>> -> memref<128x128xf32, #tpu.memory_space<vmem>>
      %dma_start3A_129 = arith.constant 0 : i32
      %dma_start3A_130 = tpu.memref_slice %arg10[%add3A_113, %dma_start3A_129] : memref<10112x128xf32, #tpu.memory_space<vmem_shared>> -> memref<128x128xf32, #tpu.memory_space<vmem_shared>>
      %dma_start3A_131 = arith.constant 0 : i32
      %dma_start3A_132 = arith.constant 0 : i32
      %dma_start3A_133 = tpu.memref_slice %arg7[%dma_start3A_131, %dma_start3A_132] : memref<128x128xf32, #tpu.memory_space<vmem>> -> memref<128x128xf32, #tpu.memory_space<vmem>>
      %dma_start3A_134 = arith.constant 0 : i32
      %dma_start3A_135 = tpu.memref_slice %arg10[%add3A_113, %dma_start3A_134] : memref<10112x128xf32, #tpu.memory_space<vmem_shared>> -> memref<128x128xf32, #tpu.memory_space<vmem_shared>>
      tpu.enqueue_dma source(%dma_start3A_135 : memref<128x128xf32, #tpu.memory_space<vmem_shared>>) target(%dma_start3A_133 : memref<128x128xf32, #tpu.memory_space<vmem>>) target_semaphore(%run_scoped3A : memref<!tpu.dma_semaphore, #tpu.memory_space<semaphore_mem>>)
      %dma_wait3A_136 = arith.constant 0 : i32
      %dma_wait3A_137 = arith.constant 0 : i32
      %dma_wait3A_138 = tpu.memref_slice %arg7[%dma_wait3A_136, %dma_wait3A_137] : memref<128x128xf32, #tpu.memory_space<vmem>> -> memref<128x128xf32, #tpu.memory_space<vmem>>
      %dma_wait3A_139 = arith.constant 0 : i32
      %dma_wait3A_140 = tpu.memref_slice %arg10[%add3A_113, %dma_wait3A_139] : memref<10112x128xf32, #tpu.memory_space<vmem_shared>> -> memref<128x128xf32, #tpu.memory_space<vmem_shared>>
      %dma_wait3A_141 = arith.constant 0 : i32
      %dma_wait3A_142 = arith.constant 0 : i32
      %dma_wait3A_143 = tpu.memref_slice %arg7[%dma_wait3A_141, %dma_wait3A_142] : memref<128x128xf32, #tpu.memory_space<vmem>> -> memref<128x128xf32, #tpu.memory_space<vmem>>
      %dma_wait3A_144 = arith.constant 0 : i32
      %dma_wait3A_145 = tpu.memref_slice %arg10[%add3A_113, %dma_wait3A_144] : memref<10112x128xf32, #tpu.memory_space<vmem_shared>> -> memref<128x128xf32, #tpu.memory_space<vmem_shared>>
      tpu.wait_dma2 semaphore(%run_scoped3A : memref<!tpu.dma_semaphore, #tpu.memory_space<semaphore_mem>>) src(%dma_wait3A_145 : memref<128x128xf32, #tpu.memory_space<vmem_shared>>) dst(%dma_wait3A_143 : memref<128x128xf32, #tpu.memory_space<vmem>>)
      tpu.yield
    }) : () -> ()
    "tpu.region"() ({
      %run_scoped3A = tpu.sem_alloc : memref<!tpu.dma_semaphore, #tpu.memory_space<semaphore_mem>>
      %dma_start3A_126 = arith.constant 0 : i32
      %dma_start3A_127 = arith.constant 0 : i32
      %dma_start3A_128 = tpu.memref_slice %arg7[%dma_start3A_126, %dma_start3A_127] : memref<128x128xf32, #tpu.memory_space<vmem>> -> memref<128x128xf32, #tpu.memory_space<vmem>>
      %dma_start3A_129 = arith.constant 0 : i32
      %dma_start3A_130 = tpu.memref_slice %arg5[%arg0, %add3A_113, %dma_start3A_129] : memref<2x10112x128xf32, #tpu.memory_space<hbm>> -> memref<1x128x128xf32, #tpu.memory_space<hbm>>
      %dma_start3A_131 = tpu.memref_squeeze %dma_start3A_130 : memref<1x128x128xf32, #tpu.memory_space<hbm>> -> memref<128x128xf32, #tpu.memory_space<hbm>>
      %dma_start3A_132 = arith.constant 0 : i32
      %dma_start3A_133 = tpu.memref_slice %arg5[%arg0, %add3A_113, %dma_start3A_132] : memref<2x10112x128xf32, #tpu.memory_space<hbm>> -> memref<1x128x128xf32, #tpu.memory_space<hbm>>
      %dma_start3A_134 = tpu.memref_squeeze %dma_start3A_133 : memref<1x128x128xf32, #tpu.memory_space<hbm>> -> memref<128x128xf32, #tpu.memory_space<hbm>>
      %dma_start3A_135 = arith.constant 0 : i32
      %dma_start3A_136 = arith.constant 0 : i32
      %dma_start3A_137 = tpu.memref_slice %arg7[%dma_start3A_135, %dma_start3A_136] : memref<128x128xf32, #tpu.memory_space<vmem>> -> memref<128x128xf32, #tpu.memory_space<vmem>>
      tpu.enqueue_dma source(%dma_start3A_137 : memref<128x128xf32, #tpu.memory_space<vmem>>) target(%dma_start3A_134 : memref<128x128xf32, #tpu.memory_space<hbm>>) target_semaphore(%run_scoped3A : memref<!tpu.dma_semaphore, #tpu.memory_space<semaphore_mem>>)
      %dma_wait3A_138 = arith.constant 0 : i32
      %dma_wait3A_139 = arith.constant 0 : i32
      %dma_wait3A_140 = tpu.memref_slice %arg7[%dma_wait3A_138, %dma_wait3A_139] : memref<128x128xf32, #tpu.memory_space<vmem>> -> memref<128x128xf32, #tpu.memory_space<vmem>>
      %dma_wait3A_141 = arith.constant 0 : i32
      %dma_wait3A_142 = tpu.memref_slice %arg5[%arg0, %add3A_113, %dma_wait3A_141] : memref<2x10112x128xf32, #tpu.memory_space<hbm>> -> memref<1x128x128xf32, #tpu.memory_space<hbm>>
      %dma_wait3A_143 = tpu.memref_squeeze %dma_wait3A_142 : memref<1x128x128xf32, #tpu.memory_space<hbm>> -> memref<128x128xf32, #tpu.memory_space<hbm>>
      %dma_wait3A_144 = arith.constant 0 : i32
      %dma_wait3A_145 = tpu.memref_slice %arg5[%arg0, %add3A_113, %dma_wait3A_144] : memref<2x10112x128xf32, #tpu.memory_space<hbm>> -> memref<1x128x128xf32, #tpu.memory_space<hbm>>
      %dma_wait3A_146 = tpu.memref_squeeze %dma_wait3A_145 : memref<1x128x128xf32, #tpu.memory_space<hbm>> -> memref<128x128xf32, #tpu.memory_space<hbm>>
      %dma_wait3A_147 = arith.constant 0 : i32
      %dma_wait3A_148 = arith.constant 0 : i32
      %dma_wait3A_149 = tpu.memref_slice %arg7[%dma_wait3A_147, %dma_wait3A_148] : memref<128x128xf32, #tpu.memory_space<vmem>> -> memref<128x128xf32, #tpu.memory_space<vmem>>
      tpu.wait_dma2 semaphore(%run_scoped3A : memref<!tpu.dma_semaphore, #tpu.memory_space<semaphore_mem>>) src(%dma_wait3A_149 : memref<128x128xf32, #tpu.memory_space<vmem>>) dst(%dma_wait3A_146 : memref<128x128xf32, #tpu.memory_space<hbm>>)
      tpu.yield
    }) : () -> ()
    %mul3A_114 = arith.constant 632 : i32
    %mul3A_115 = arith.muli %arg1, %mul3A_114 : i32
    %add3A_116 = arith.constant 256 : i32
    %add3A_117 = arith.addi %mul3A_115, %add3A_116 : i32
    "tpu.region"() ({
      %run_scoped3A = tpu.sem_alloc : memref<!tpu.dma_semaphore, #tpu.memory_space<semaphore_mem>>
      %dma_start3A_126 = arith.constant 0 : i32
      %dma_start3A_127 = arith.constant 0 : i32
      %dma_start3A_128 = tpu.memref_slice %arg7[%dma_start3A_126, %dma_start3A_127] : memref<128x128xf32, #tpu.memory_space<vmem>> -> memref<128x128xf32, #tpu.memory_space<vmem>>
      %dma_start3A_129 = arith.constant 0 : i32
      %dma_start3A_130 = tpu.memref_slice %arg10[%add3A_117, %dma_start3A_129] : memref<10112x128xf32, #tpu.memory_space<vmem_shared>> -> memref<128x128xf32, #tpu.memory_space<vmem_shared>>
      %dma_start3A_131 = arith.constant 0 : i32
      %dma_start3A_132 = arith.constant 0 : i32
      %dma_start3A_133 = tpu.memref_slice %arg7[%dma_start3A_131, %dma_start3A_132] : memref<128x128xf32, #tpu.memory_space<vmem>> -> memref<128x128xf32, #tpu.memory_space<vmem>>
      %dma_start3A_134 = arith.constant 0 : i32
      %dma_start3A_135 = tpu.memref_slice %arg10[%add3A_117, %dma_start3A_134] : memref<10112x128xf32, #tpu.memory_space<vmem_shared>> -> memref<128x128xf32, #tpu.memory_space<vmem_shared>>
      tpu.enqueue_dma source(%dma_start3A_135 : memref<128x128xf32, #tpu.memory_space<vmem_shared>>) target(%dma_start3A_133 : memref<128x128xf32, #tpu.memory_space<vmem>>) target_semaphore(%run_scoped3A : memref<!tpu.dma_semaphore, #tpu.memory_space<semaphore_mem>>)
      %dma_wait3A_136 = arith.constant 0 : i32
      %dma_wait3A_137 = arith.constant 0 : i32
      %dma_wait3A_138 = tpu.memref_slice %arg7[%dma_wait3A_136, %dma_wait3A_137] : memref<128x128xf32, #tpu.memory_space<vmem>> -> memref<128x128xf32, #tpu.memory_space<vmem>>
      %dma_wait3A_139 = arith.constant 0 : i32
      %dma_wait3A_140 = tpu.memref_slice %arg10[%add3A_117, %dma_wait3A_139] : memref<10112x128xf32, #tpu.memory_space<vmem_shared>> -> memref<128x128xf32, #tpu.memory_space<vmem_shared>>
      %dma_wait3A_141 = arith.constant 0 : i32
      %dma_wait3A_142 = arith.constant 0 : i32
      %dma_wait3A_143 = tpu.memref_slice %arg7[%dma_wait3A_141, %dma_wait3A_142] : memref<128x128xf32, #tpu.memory_space<vmem>> -> memref<128x128xf32, #tpu.memory_space<vmem>>
      %dma_wait3A_144 = arith.constant 0 : i32
      %dma_wait3A_145 = tpu.memref_slice %arg10[%add3A_117, %dma_wait3A_144] : memref<10112x128xf32, #tpu.memory_space<vmem_shared>> -> memref<128x128xf32, #tpu.memory_space<vmem_shared>>
      tpu.wait_dma2 semaphore(%run_scoped3A : memref<!tpu.dma_semaphore, #tpu.memory_space<semaphore_mem>>) src(%dma_wait3A_145 : memref<128x128xf32, #tpu.memory_space<vmem_shared>>) dst(%dma_wait3A_143 : memref<128x128xf32, #tpu.memory_space<vmem>>)
      tpu.yield
    }) : () -> ()
    "tpu.region"() ({
      %run_scoped3A = tpu.sem_alloc : memref<!tpu.dma_semaphore, #tpu.memory_space<semaphore_mem>>
      %dma_start3A_126 = arith.constant 0 : i32
      %dma_start3A_127 = arith.constant 0 : i32
      %dma_start3A_128 = tpu.memref_slice %arg7[%dma_start3A_126, %dma_start3A_127] : memref<128x128xf32, #tpu.memory_space<vmem>> -> memref<128x128xf32, #tpu.memory_space<vmem>>
      %dma_start3A_129 = arith.constant 0 : i32
      %dma_start3A_130 = tpu.memref_slice %arg5[%arg0, %add3A_117, %dma_start3A_129] : memref<2x10112x128xf32, #tpu.memory_space<hbm>> -> memref<1x128x128xf32, #tpu.memory_space<hbm>>
      %dma_start3A_131 = tpu.memref_squeeze %dma_start3A_130 : memref<1x128x128xf32, #tpu.memory_space<hbm>> -> memref<128x128xf32, #tpu.memory_space<hbm>>
      %dma_start3A_132 = arith.constant 0 : i32
      %dma_start3A_133 = tpu.memref_slice %arg5[%arg0, %add3A_117, %dma_start3A_132] : memref<2x10112x128xf32, #tpu.memory_space<hbm>> -> memref<1x128x128xf32, #tpu.memory_space<hbm>>
      %dma_start3A_134 = tpu.memref_squeeze %dma_start3A_133 : memref<1x128x128xf32, #tpu.memory_space<hbm>> -> memref<128x128xf32, #tpu.memory_space<hbm>>
      %dma_start3A_135 = arith.constant 0 : i32
      %dma_start3A_136 = arith.constant 0 : i32
      %dma_start3A_137 = tpu.memref_slice %arg7[%dma_start3A_135, %dma_start3A_136] : memref<128x128xf32, #tpu.memory_space<vmem>> -> memref<128x128xf32, #tpu.memory_space<vmem>>
      tpu.enqueue_dma source(%dma_start3A_137 : memref<128x128xf32, #tpu.memory_space<vmem>>) target(%dma_start3A_134 : memref<128x128xf32, #tpu.memory_space<hbm>>) target_semaphore(%run_scoped3A : memref<!tpu.dma_semaphore, #tpu.memory_space<semaphore_mem>>)
      %dma_wait3A_138 = arith.constant 0 : i32
      %dma_wait3A_139 = arith.constant 0 : i32
      %dma_wait3A_140 = tpu.memref_slice %arg7[%dma_wait3A_138, %dma_wait3A_139] : memref<128x128xf32, #tpu.memory_space<vmem>> -> memref<128x128xf32, #tpu.memory_space<vmem>>
      %dma_wait3A_141 = arith.constant 0 : i32
      %dma_wait3A_142 = tpu.memref_slice %arg5[%arg0, %add3A_117, %dma_wait3A_141] : memref<2x10112x128xf32, #tpu.memory_space<hbm>> -> memref<1x128x128xf32, #tpu.memory_space<hbm>>
      %dma_wait3A_143 = tpu.memref_squeeze %dma_wait3A_142 : memref<1x128x128xf32, #tpu.memory_space<hbm>> -> memref<128x128xf32, #tpu.memory_space<hbm>>
      %dma_wait3A_144 = arith.constant 0 : i32
      %dma_wait3A_145 = tpu.memref_slice %arg5[%arg0, %add3A_117, %dma_wait3A_144] : memref<2x10112x128xf32, #tpu.memory_space<hbm>> -> memref<1x128x128xf32, #tpu.memory_space<hbm>>
      %dma_wait3A_146 = tpu.memref_squeeze %dma_wait3A_145 : memref<1x128x128xf32, #tpu.memory_space<hbm>> -> memref<128x128xf32, #tpu.memory_space<hbm>>
      %dma_wait3A_147 = arith.constant 0 : i32
      %dma_wait3A_148 = arith.constant 0 : i32
      %dma_wait3A_149 = tpu.memref_slice %arg7[%dma_wait3A_147, %dma_wait3A_148] : memref<128x128xf32, #tpu.memory_space<vmem>> -> memref<128x128xf32, #tpu.memory_space<vmem>>
      tpu.wait_dma2 semaphore(%run_scoped3A : memref<!tpu.dma_semaphore, #tpu.memory_space<semaphore_mem>>) src(%dma_wait3A_149 : memref<128x128xf32, #tpu.memory_space<vmem>>) dst(%dma_wait3A_146 : memref<128x128xf32, #tpu.memory_space<hbm>>)
      tpu.yield
    }) : () -> ()
    %mul3A_118 = arith.constant 632 : i32
    %mul3A_119 = arith.muli %arg1, %mul3A_118 : i32
    %add3A_120 = arith.constant 384 : i32
    %add3A_121 = arith.addi %mul3A_119, %add3A_120 : i32
    "tpu.region"() ({
      %run_scoped3A = tpu.sem_alloc : memref<!tpu.dma_semaphore, #tpu.memory_space<semaphore_mem>>
      %dma_start3A_126 = arith.constant 0 : i32
      %dma_start3A_127 = arith.constant 0 : i32
      %dma_start3A_128 = tpu.memref_slice %arg7[%dma_start3A_126, %dma_start3A_127] : memref<128x128xf32, #tpu.memory_space<vmem>> -> memref<128x128xf32, #tpu.memory_space<vmem>>
      %dma_start3A_129 = arith.constant 0 : i32
      %dma_start3A_130 = tpu.memref_slice %arg10[%add3A_121, %dma_start3A_129] : memref<10112x128xf32, #tpu.memory_space<vmem_shared>> -> memref<128x128xf32, #tpu.memory_space<vmem_shared>>
      %dma_start3A_131 = arith.constant 0 : i32
      %dma_start3A_132 = arith.constant 0 : i32
      %dma_start3A_133 = tpu.memref_slice %arg7[%dma_start3A_131, %dma_start3A_132] : memref<128x128xf32, #tpu.memory_space<vmem>> -> memref<128x128xf32, #tpu.memory_space<vmem>>
      %dma_start3A_134 = arith.constant 0 : i32
      %dma_start3A_135 = tpu.memref_slice %arg10[%add3A_121, %dma_start3A_134] : memref<10112x128xf32, #tpu.memory_space<vmem_shared>> -> memref<128x128xf32, #tpu.memory_space<vmem_shared>>
      tpu.enqueue_dma source(%dma_start3A_135 : memref<128x128xf32, #tpu.memory_space<vmem_shared>>) target(%dma_start3A_133 : memref<128x128xf32, #tpu.memory_space<vmem>>) target_semaphore(%run_scoped3A : memref<!tpu.dma_semaphore, #tpu.memory_space<semaphore_mem>>)
      %dma_wait3A_136 = arith.constant 0 : i32
      %dma_wait3A_137 = arith.constant 0 : i32
      %dma_wait3A_138 = tpu.memref_slice %arg7[%dma_wait3A_136, %dma_wait3A_137] : memref<128x128xf32, #tpu.memory_space<vmem>> -> memref<128x128xf32, #tpu.memory_space<vmem>>
      %dma_wait3A_139 = arith.constant 0 : i32
      %dma_wait3A_140 = tpu.memref_slice %arg10[%add3A_121, %dma_wait3A_139] : memref<10112x128xf32, #tpu.memory_space<vmem_shared>> -> memref<128x128xf32, #tpu.memory_space<vmem_shared>>
      %dma_wait3A_141 = arith.constant 0 : i32
      %dma_wait3A_142 = arith.constant 0 : i32
      %dma_wait3A_143 = tpu.memref_slice %arg7[%dma_wait3A_141, %dma_wait3A_142] : memref<128x128xf32, #tpu.memory_space<vmem>> -> memref<128x128xf32, #tpu.memory_space<vmem>>
      %dma_wait3A_144 = arith.constant 0 : i32
      %dma_wait3A_145 = tpu.memref_slice %arg10[%add3A_121, %dma_wait3A_144] : memref<10112x128xf32, #tpu.memory_space<vmem_shared>> -> memref<128x128xf32, #tpu.memory_space<vmem_shared>>
      tpu.wait_dma2 semaphore(%run_scoped3A : memref<!tpu.dma_semaphore, #tpu.memory_space<semaphore_mem>>) src(%dma_wait3A_145 : memref<128x128xf32, #tpu.memory_space<vmem_shared>>) dst(%dma_wait3A_143 : memref<128x128xf32, #tpu.memory_space<vmem>>)
      tpu.yield
    }) : () -> ()
    "tpu.region"() ({
      %run_scoped3A = tpu.sem_alloc : memref<!tpu.dma_semaphore, #tpu.memory_space<semaphore_mem>>
      %dma_start3A_126 = arith.constant 0 : i32
      %dma_start3A_127 = arith.constant 0 : i32
      %dma_start3A_128 = tpu.memref_slice %arg7[%dma_start3A_126, %dma_start3A_127] : memref<128x128xf32, #tpu.memory_space<vmem>> -> memref<128x128xf32, #tpu.memory_space<vmem>>
      %dma_start3A_129 = arith.constant 0 : i32
      %dma_start3A_130 = tpu.memref_slice %arg5[%arg0, %add3A_121, %dma_start3A_129] : memref<2x10112x128xf32, #tpu.memory_space<hbm>> -> memref<1x128x128xf32, #tpu.memory_space<hbm>>
      %dma_start3A_131 = tpu.memref_squeeze %dma_start3A_130 : memref<1x128x128xf32, #tpu.memory_space<hbm>> -> memref<128x128xf32, #tpu.memory_space<hbm>>
      %dma_start3A_132 = arith.constant 0 : i32
      %dma_start3A_133 = tpu.memref_slice %arg5[%arg0, %add3A_121, %dma_start3A_132] : memref<2x10112x128xf32, #tpu.memory_space<hbm>> -> memref<1x128x128xf32, #tpu.memory_space<hbm>>
      %dma_start3A_134 = tpu.memref_squeeze %dma_start3A_133 : memref<1x128x128xf32, #tpu.memory_space<hbm>> -> memref<128x128xf32, #tpu.memory_space<hbm>>
      %dma_start3A_135 = arith.constant 0 : i32
      %dma_start3A_136 = arith.constant 0 : i32
      %dma_start3A_137 = tpu.memref_slice %arg7[%dma_start3A_135, %dma_start3A_136] : memref<128x128xf32, #tpu.memory_space<vmem>> -> memref<128x128xf32, #tpu.memory_space<vmem>>
      tpu.enqueue_dma source(%dma_start3A_137 : memref<128x128xf32, #tpu.memory_space<vmem>>) target(%dma_start3A_134 : memref<128x128xf32, #tpu.memory_space<hbm>>) target_semaphore(%run_scoped3A : memref<!tpu.dma_semaphore, #tpu.memory_space<semaphore_mem>>)
      %dma_wait3A_138 = arith.constant 0 : i32
      %dma_wait3A_139 = arith.constant 0 : i32
      %dma_wait3A_140 = tpu.memref_slice %arg7[%dma_wait3A_138, %dma_wait3A_139] : memref<128x128xf32, #tpu.memory_space<vmem>> -> memref<128x128xf32, #tpu.memory_space<vmem>>
      %dma_wait3A_141 = arith.constant 0 : i32
      %dma_wait3A_142 = tpu.memref_slice %arg5[%arg0, %add3A_121, %dma_wait3A_141] : memref<2x10112x128xf32, #tpu.memory_space<hbm>> -> memref<1x128x128xf32, #tpu.memory_space<hbm>>
      %dma_wait3A_143 = tpu.memref_squeeze %dma_wait3A_142 : memref<1x128x128xf32, #tpu.memory_space<hbm>> -> memref<128x128xf32, #tpu.memory_space<hbm>>
      %dma_wait3A_144 = arith.constant 0 : i32
      %dma_wait3A_145 = tpu.memref_slice %arg5[%arg0, %add3A_121, %dma_wait3A_144] : memref<2x10112x128xf32, #tpu.memory_space<hbm>> -> memref<1x128x128xf32, #tpu.memory_space<hbm>>
      %dma_wait3A_146 = tpu.memref_squeeze %dma_wait3A_145 : memref<1x128x128xf32, #tpu.memory_space<hbm>> -> memref<128x128xf32, #tpu.memory_space<hbm>>
      %dma_wait3A_147 = arith.constant 0 : i32
      %dma_wait3A_148 = arith.constant 0 : i32
      %dma_wait3A_149 = tpu.memref_slice %arg7[%dma_wait3A_147, %dma_wait3A_148] : memref<128x128xf32, #tpu.memory_space<vmem>> -> memref<128x128xf32, #tpu.memory_space<vmem>>
      tpu.wait_dma2 semaphore(%run_scoped3A : memref<!tpu.dma_semaphore, #tpu.memory_space<semaphore_mem>>) src(%dma_wait3A_149 : memref<128x128xf32, #tpu.memory_space<vmem>>) dst(%dma_wait3A_146 : memref<128x128xf32, #tpu.memory_space<hbm>>)
      tpu.yield
    }) : () -> ()
    %mul3A_122 = arith.constant 632 : i32
    %mul3A_123 = arith.muli %arg1, %mul3A_122 : i32
    %add3A_124 = arith.constant 512 : i32
    %add3A_125 = arith.addi %mul3A_123, %add3A_124 : i32
    "tpu.region"() ({
      %run_scoped3A = tpu.sem_alloc : memref<!tpu.dma_semaphore, #tpu.memory_space<semaphore_mem>>
      %dma_start3A_126 = arith.constant 0 : i32
      %dma_start3A_127 = arith.constant 0 : i32
      %dma_start3A_128 = tpu.memref_slice %arg7[%dma_start3A_126, %dma_start3A_127] : memref<128x128xf32, #tpu.memory_space<vmem>> -> memref<120x128xf32, #tpu.memory_space<vmem>>
      %dma_start3A_129 = arith.constant 0 : i32
      %dma_start3A_130 = tpu.memref_slice %arg10[%add3A_125, %dma_start3A_129] : memref<10112x128xf32, #tpu.memory_space<vmem_shared>> -> memref<120x128xf32, #tpu.memory_space<vmem_shared>>
      %dma_start3A_131 = arith.constant 0 : i32
      %dma_start3A_132 = arith.constant 0 : i32
      %dma_start3A_133 = tpu.memref_slice %arg7[%dma_start3A_131, %dma_start3A_132] : memref<128x128xf32, #tpu.memory_space<vmem>> -> memref<120x128xf32, #tpu.memory_space<vmem>>
      %dma_start3A_134 = arith.constant 0 : i32
      %dma_start3A_135 = tpu.memref_slice %arg10[%add3A_125, %dma_start3A_134] : memref<10112x128xf32, #tpu.memory_space<vmem_shared>> -> memref<120x128xf32, #tpu.memory_space<vmem_shared>>
      tpu.enqueue_dma source(%dma_start3A_135 : memref<120x128xf32, #tpu.memory_space<vmem_shared>>) target(%dma_start3A_133 : memref<120x128xf32, #tpu.memory_space<vmem>>) target_semaphore(%run_scoped3A : memref<!tpu.dma_semaphore, #tpu.memory_space<semaphore_mem>>)
      %dma_wait3A_136 = arith.constant 0 : i32
      %dma_wait3A_137 = arith.constant 0 : i32
      %dma_wait3A_138 = tpu.memref_slice %arg7[%dma_wait3A_136, %dma_wait3A_137] : memref<128x128xf32, #tpu.memory_space<vmem>> -> memref<120x128xf32, #tpu.memory_space<vmem>>
      %dma_wait3A_139 = arith.constant 0 : i32
      %dma_wait3A_140 = tpu.memref_slice %arg10[%add3A_125, %dma_wait3A_139] : memref<10112x128xf32, #tpu.memory_space<vmem_shared>> -> memref<120x128xf32, #tpu.memory_space<vmem_shared>>
      %dma_wait3A_141 = arith.constant 0 : i32
      %dma_wait3A_142 = arith.constant 0 : i32
      %dma_wait3A_143 = tpu.memref_slice %arg7[%dma_wait3A_141, %dma_wait3A_142] : memref<128x128xf32, #tpu.memory_space<vmem>> -> memref<120x128xf32, #tpu.memory_space<vmem>>
      %dma_wait3A_144 = arith.constant 0 : i32
      %dma_wait3A_145 = tpu.memref_slice %arg10[%add3A_125, %dma_wait3A_144] : memref<10112x128xf32, #tpu.memory_space<vmem_shared>> -> memref<120x128xf32, #tpu.memory_space<vmem_shared>>
      tpu.wait_dma2 semaphore(%run_scoped3A : memref<!tpu.dma_semaphore, #tpu.memory_space<semaphore_mem>>) src(%dma_wait3A_145 : memref<120x128xf32, #tpu.memory_space<vmem_shared>>) dst(%dma_wait3A_143 : memref<120x128xf32, #tpu.memory_space<vmem>>)
      tpu.yield
    }) : () -> ()
    "tpu.region"() ({
      %run_scoped3A = tpu.sem_alloc : memref<!tpu.dma_semaphore, #tpu.memory_space<semaphore_mem>>
      %dma_start3A_126 = arith.constant 0 : i32
      %dma_start3A_127 = arith.constant 0 : i32
      %dma_start3A_128 = tpu.memref_slice %arg7[%dma_start3A_126, %dma_start3A_127] : memref<128x128xf32, #tpu.memory_space<vmem>> -> memref<120x128xf32, #tpu.memory_space<vmem>>
      %dma_start3A_129 = arith.constant 0 : i32
      %dma_start3A_130 = tpu.memref_slice %arg5[%arg0, %add3A_125, %dma_start3A_129] : memref<2x10112x128xf32, #tpu.memory_space<hbm>> -> memref<1x120x128xf32, #tpu.memory_space<hbm>>
      %dma_start3A_131 = tpu.memref_squeeze %dma_start3A_130 : memref<1x120x128xf32, #tpu.memory_space<hbm>> -> memref<120x128xf32, #tpu.memory_space<hbm>>
      %dma_start3A_132 = arith.constant 0 : i32
      %dma_start3A_133 = tpu.memref_slice %arg5[%arg0, %add3A_125, %dma_start3A_132] : memref<2x10112x128xf32, #tpu.memory_space<hbm>> -> memref<1x120x128xf32, #tpu.memory_space<hbm>>
      %dma_start3A_134 = tpu.memref_squeeze %dma_start3A_133 : memref<1x120x128xf32, #tpu.memory_space<hbm>> -> memref<120x128xf32, #tpu.memory_space<hbm>>
      %dma_start3A_135 = arith.constant 0 : i32
      %dma_start3A_136 = arith.constant 0 : i32
      %dma_start3A_137 = tpu.memref_slice %arg7[%dma_start3A_135, %dma_start3A_136] : memref<128x128xf32, #tpu.memory_space<vmem>> -> memref<120x128xf32, #tpu.memory_space<vmem>>
      tpu.enqueue_dma source(%dma_start3A_137 : memref<120x128xf32, #tpu.memory_space<vmem>>) target(%dma_start3A_134 : memref<120x128xf32, #tpu.memory_space<hbm>>) target_semaphore(%run_scoped3A : memref<!tpu.dma_semaphore, #tpu.memory_space<semaphore_mem>>)
      %dma_wait3A_138 = arith.constant 0 : i32
      %dma_wait3A_139 = arith.constant 0 : i32
      %dma_wait3A_140 = tpu.memref_slice %arg7[%dma_wait3A_138, %dma_wait3A_139] : memref<128x128xf32, #tpu.memory_space<vmem>> -> memref<120x128xf32, #tpu.memory_space<vmem>>
      %dma_wait3A_141 = arith.constant 0 : i32
      %dma_wait3A_142 = tpu.memref_slice %arg5[%arg0, %add3A_125, %dma_wait3A_141] : memref<2x10112x128xf32, #tpu.memory_space<hbm>> -> memref<1x120x128xf32, #tpu.memory_space<hbm>>
      %dma_wait3A_143 = tpu.memref_squeeze %dma_wait3A_142 : memref<1x120x128xf32, #tpu.memory_space<hbm>> -> memref<120x128xf32, #tpu.memory_space<hbm>>
      %dma_wait3A_144 = arith.constant 0 : i32
      %dma_wait3A_145 = tpu.memref_slice %arg5[%arg0, %add3A_125, %dma_wait3A_144] : memref<2x10112x128xf32, #tpu.memory_space<hbm>> -> memref<1x120x128xf32, #tpu.memory_space<hbm>>
      %dma_wait3A_146 = tpu.memref_squeeze %dma_wait3A_145 : memref<1x120x128xf32, #tpu.memory_space<hbm>> -> memref<120x128xf32, #tpu.memory_space<hbm>>
      %dma_wait3A_147 = arith.constant 0 : i32
      %dma_wait3A_148 = arith.constant 0 : i32
      %dma_wait3A_149 = tpu.memref_slice %arg7[%dma_wait3A_147, %dma_wait3A_148] : memref<128x128xf32, #tpu.memory_space<vmem>> -> memref<120x128xf32, #tpu.memory_space<vmem>>
      tpu.wait_dma2 semaphore(%run_scoped3A : memref<!tpu.dma_semaphore, #tpu.memory_space<semaphore_mem>>) src(%dma_wait3A_149 : memref<120x128xf32, #tpu.memory_space<vmem>>) dst(%dma_wait3A_146 : memref<120x128xf32, #tpu.memory_space<hbm>>)
      tpu.yield
    }) : () -> ()
    return
  }
}

#map = affine_map<(d0, d1) -> (0, 0)>
#map1 = affine_map<(d0, d1) -> (0, 0, 0, 0)>
#map2 = affine_map<(d0, d1) -> (0, 0, 0)>
module attributes {stable_mosaic.version = 14 : i64} {
  func.func @_scatter_body(%arg0: i32, %arg1: i32, %arg2: memref<10000x128xf32, #tpu.memory_space<hbm>>, %arg3: memref<2x16x270x128xi32, #tpu.memory_space<hbm>>, %arg4: memref<128x128xf32, #tpu.memory_space<hbm>>, %arg5: memref<2x10112x128xf32, #tpu.memory_space<hbm>>, %arg6: memref<6x128xi32, #tpu.memory_space<vmem>>, %arg7: memref<128x128xf32, #tpu.memory_space<vmem>>, %arg8: memref<128x128xf32, #tpu.memory_space<vmem>>, %arg9: memref<128x128xf32, #tpu.memory_space<vmem>>, %arg10: memref<10112x128xf32, #tpu.memory_space<vmem_shared>>, %arg11: memref<!tpu.dma_semaphore, #tpu.memory_space<semaphore_mem>>, %arg12: memref<!tpu.dma_semaphore, #tpu.memory_space<semaphore_mem>>, %arg13: memref<!tpu.dma_semaphore, #tpu.memory_space<semaphore_mem>>) attributes {dimension_semantics = [#tpu.dimension_semantics<core_parallel>, #tpu.dimension_semantics<subcore_parallel>], iteration_bounds = array<i64: 2, 16>, scalar_prefetch = 0 : i64, scratch_operands = 8 : i64, tpu.core_type = #tpu.core_type<sc_vector_subcore>, window_params = [{transform_indices = #map}, {transform_indices = #map1}, {transform_indices = #map}, {transform_indices = #map2}]} {
    %eq3A = arith.constant 0 : i32
    %eq3A_0 = arith.cmpi eq, %arg0, %eq3A : i32
    %jit3A = arith.constant 132 : i32
    %jit3A_1 = arith.constant 27 : i32
    %select_n3A = arith.select %eq3A_0, %jit3A, %jit3A_1 : i32
    "tpu.region"() ({
      %run_scoped3A = tpu.sem_alloc : memref<!tpu.dma_semaphore, #tpu.memory_space<semaphore_mem>>
      tpu.enqueue_dma source(%arg4 : memref<128x128xf32, #tpu.memory_space<hbm>>) target(%arg7 : memref<128x128xf32, #tpu.memory_space<vmem>>) target_semaphore(%run_scoped3A : memref<!tpu.dma_semaphore, #tpu.memory_space<semaphore_mem>>)
      tpu.wait_dma2 semaphore(%run_scoped3A : memref<!tpu.dma_semaphore, #tpu.memory_space<semaphore_mem>>) src(%arg4 : memref<128x128xf32, #tpu.memory_space<hbm>>) dst(%arg7 : memref<128x128xf32, #tpu.memory_space<vmem>>)
      tpu.yield
    }) : () -> ()
    %mul3A = arith.constant 632 : i32
    %mul3A_2 = arith.muli %arg1, %mul3A : i32
    %add3A = arith.constant 0 : i32
    %add3A_3 = arith.addi %mul3A_2, %add3A : i32
    "tpu.region"() ({
      %run_scoped3A = tpu.sem_alloc : memref<!tpu.dma_semaphore, #tpu.memory_space<semaphore_mem>>
      %dma_start3A_126 = arith.constant 0 : i32
      %dma_start3A_127 = arith.constant 0 : i32
      %dma_start3A_128 = tpu.memref_slice %arg7[%dma_start3A_126, %dma_start3A_127] : memref<128x128xf32, #tpu.memory_space<vmem>> -> memref<128x128xf32, #tpu.memory_space<vmem>>
      %dma_start3A_129 = arith.constant 0 : i32
      %dma_start3A_130 = tpu.memref_slice %arg10[%add3A_3, %dma_start3A_129] : memref<10112x128xf32, #tpu.memory_space<vmem_shared>> -> memref<128x128xf32, #tpu.memory_space<vmem_shared>>
      %dma_start3A_131 = arith.constant 0 : i32
      %dma_start3A_132 = tpu.memref_slice %arg10[%add3A_3, %dma_start3A_131] : memref<10112x128xf32, #tpu.memory_space<vmem_shared>> -> memref<128x128xf32, #tpu.memory_space<vmem_shared>>
      %dma_start3A_133 = arith.constant 0 : i32
      %dma_start3A_134 = arith.constant 0 : i32
      %dma_start3A_135 = tpu.memref_slice %arg7[%dma_start3A_133, %dma_start3A_134] : memref<128x128xf32, #tpu.memory_space<vmem>> -> memref<128x128xf32, #tpu.memory_space<vmem>>
      tpu.enqueue_dma source(%dma_start3A_135 : memref<128x128xf32, #tpu.memory_space<vmem>>) target(%dma_start3A_132 : memref<128x128xf32, #tpu.memory_space<vmem_shared>>) target_semaphore(%run_scoped3A : memref<!tpu.dma_semaphore, #tpu.memory_space<semaphore_mem>>)
      %dma_wait3A_136 = arith.constant 0 : i32
      %dma_wait3A_137 = arith.constant 0 : i32
      %dma_wait3A_138 = tpu.memref_slice %arg7[%dma_wait3A_136, %dma_wait3A_137] : memref<128x128xf32, #tpu.memory_space<vmem>> -> memref<128x128xf32, #tpu.memory_space<vmem>>
      %dma_wait3A_139 = arith.constant 0 : i32
      %dma_wait3A_140 = tpu.memref_slice %arg10[%add3A_3, %dma_wait3A_139] : memref<10112x128xf32, #tpu.memory_space<vmem_shared>> -> memref<128x128xf32, #tpu.memory_space<vmem_shared>>
      %dma_wait3A_141 = arith.constant 0 : i32
      %dma_wait3A_142 = tpu.memref_slice %arg10[%add3A_3, %dma_wait3A_141] : memref<10112x128xf32, #tpu.memory_space<vmem_shared>> -> memref<128x128xf32, #tpu.memory_space<vmem_shared>>
      %dma_wait3A_143 = arith.constant 0 : i32
      %dma_wait3A_144 = arith.constant 0 : i32
      %dma_wait3A_145 = tpu.memref_slice %arg7[%dma_wait3A_143, %dma_wait3A_144] : memref<128x128xf32, #tpu.memory_space<vmem>> -> memref<128x128xf32, #tpu.memory_space<vmem>>
      tpu.wait_dma2 semaphore(%run_scoped3A : memref<!tpu.dma_semaphore, #tpu.memory_space<semaphore_mem>>) src(%dma_wait3A_145 : memref<128x128xf32, #tpu.memory_space<vmem>>) dst(%dma_wait3A_142 : memref<128x128xf32, #tpu.memory_space<vmem_shared>>)
      tpu.yield
    }) : () -> ()
    %mul3A_4 = arith.constant 632 : i32
    %mul3A_5 = arith.muli %arg1, %mul3A_4 : i32
    %add3A_6 = arith.constant 128 : i32
    %add3A_7 = arith.addi %mul3A_5, %add3A_6 : i32
    "tpu.region"() ({
      %run_scoped3A = tpu.sem_alloc : memref<!tpu.dma_semaphore, #tpu.memory_space<semaphore_mem>>
      %dma_start3A_126 = arith.constant 0 : i32
      %dma_start3A_127 = arith.constant 0 : i32
      %dma_start3A_128 = tpu.memref_slice %arg7[%dma_start3A_126, %dma_start3A_127] : memref<128x128xf32, #tpu.memory_space<vmem>> -> memref<128x128xf32, #tpu.memory_space<vmem>>
      %dma_start3A_129 = arith.constant 0 : i32
      %dma_start3A_130 = tpu.memref_slice %arg10[%add3A_7, %dma_start3A_129] : memref<10112x128xf32, #tpu.memory_space<vmem_shared>> -> memref<128x128xf32, #tpu.memory_space<vmem_shared>>
      %dma_start3A_131 = arith.constant 0 : i32
      %dma_start3A_132 = tpu.memref_slice %arg10[%add3A_7, %dma_start3A_131] : memref<10112x128xf32, #tpu.memory_space<vmem_shared>> -> memref<128x128xf32, #tpu.memory_space<vmem_shared>>
      %dma_start3A_133 = arith.constant 0 : i32
      %dma_start3A_134 = arith.constant 0 : i32
      %dma_start3A_135 = tpu.memref_slice %arg7[%dma_start3A_133, %dma_start3A_134] : memref<128x128xf32, #tpu.memory_space<vmem>> -> memref<128x128xf32, #tpu.memory_space<vmem>>
      tpu.enqueue_dma source(%dma_start3A_135 : memref<128x128xf32, #tpu.memory_space<vmem>>) target(%dma_start3A_132 : memref<128x128xf32, #tpu.memory_space<vmem_shared>>) target_semaphore(%run_scoped3A : memref<!tpu.dma_semaphore, #tpu.memory_space<semaphore_mem>>)
      %dma_wait3A_136 = arith.constant 0 : i32
      %dma_wait3A_137 = arith.constant 0 : i32
      %dma_wait3A_138 = tpu.memref_slice %arg7[%dma_wait3A_136, %dma_wait3A_137] : memref<128x128xf32, #tpu.memory_space<vmem>> -> memref<128x128xf32, #tpu.memory_space<vmem>>
      %dma_wait3A_139 = arith.constant 0 : i32
      %dma_wait3A_140 = tpu.memref_slice %arg10[%add3A_7, %dma_wait3A_139] : memref<10112x128xf32, #tpu.memory_space<vmem_shared>> -> memref<128x128xf32, #tpu.memory_space<vmem_shared>>
      %dma_wait3A_141 = arith.constant 0 : i32
      %dma_wait3A_142 = tpu.memref_slice %arg10[%add3A_7, %dma_wait3A_141] : memref<10112x128xf32, #tpu.memory_space<vmem_shared>> -> memref<128x128xf32, #tpu.memory_space<vmem_shared>>
      %dma_wait3A_143 = arith.constant 0 : i32
      %dma_wait3A_144 = arith.constant 0 : i32
      %dma_wait3A_145 = tpu.memref_slice %arg7[%dma_wait3A_143, %dma_wait3A_144] : memref<128x128xf32, #tpu.memory_space<vmem>> -> memref<128x128xf32, #tpu.memory_space<vmem>>
      tpu.wait_dma2 semaphore(%run_scoped3A : memref<!tpu.dma_semaphore, #tpu.memory_space<semaphore_mem>>) src(%dma_wait3A_145 : memref<128x128xf32, #tpu.memory_space<vmem>>) dst(%dma_wait3A_142 : memref<128x128xf32, #tpu.memory_space<vmem_shared>>)
      tpu.yield
    }) : () -> ()
    %mul3A_8 = arith.constant 632 : i32
    %mul3A_9 = arith.muli %arg1, %mul3A_8 : i32
    %add3A_10 = arith.constant 256 : i32
    %add3A_11 = arith.addi %mul3A_9, %add3A_10 : i32
    "tpu.region"() ({
      %run_scoped3A = tpu.sem_alloc : memref<!tpu.dma_semaphore, #tpu.memory_space<semaphore_mem>>
      %dma_start3A_126 = arith.constant 0 : i32
      %dma_start3A_127 = arith.constant 0 : i32
      %dma_start3A_128 = tpu.memref_slice %arg7[%dma_start3A_126, %dma_start3A_127] : memref<128x128xf32, #tpu.memory_space<vmem>> -> memref<128x128xf32, #tpu.memory_space<vmem>>
      %dma_start3A_129 = arith.constant 0 : i32
      %dma_start3A_130 = tpu.memref_slice %arg10[%add3A_11, %dma_start3A_129] : memref<10112x128xf32, #tpu.memory_space<vmem_shared>> -> memref<128x128xf32, #tpu.memory_space<vmem_shared>>
      %dma_start3A_131 = arith.constant 0 : i32
      %dma_start3A_132 = tpu.memref_slice %arg10[%add3A_11, %dma_start3A_131] : memref<10112x128xf32, #tpu.memory_space<vmem_shared>> -> memref<128x128xf32, #tpu.memory_space<vmem_shared>>
      %dma_start3A_133 = arith.constant 0 : i32
      %dma_start3A_134 = arith.constant 0 : i32
      %dma_start3A_135 = tpu.memref_slice %arg7[%dma_start3A_133, %dma_start3A_134] : memref<128x128xf32, #tpu.memory_space<vmem>> -> memref<128x128xf32, #tpu.memory_space<vmem>>
      tpu.enqueue_dma source(%dma_start3A_135 : memref<128x128xf32, #tpu.memory_space<vmem>>) target(%dma_start3A_132 : memref<128x128xf32, #tpu.memory_space<vmem_shared>>) target_semaphore(%run_scoped3A : memref<!tpu.dma_semaphore, #tpu.memory_space<semaphore_mem>>)
      %dma_wait3A_136 = arith.constant 0 : i32
      %dma_wait3A_137 = arith.constant 0 : i32
      %dma_wait3A_138 = tpu.memref_slice %arg7[%dma_wait3A_136, %dma_wait3A_137] : memref<128x128xf32, #tpu.memory_space<vmem>> -> memref<128x128xf32, #tpu.memory_space<vmem>>
      %dma_wait3A_139 = arith.constant 0 : i32
      %dma_wait3A_140 = tpu.memref_slice %arg10[%add3A_11, %dma_wait3A_139] : memref<10112x128xf32, #tpu.memory_space<vmem_shared>> -> memref<128x128xf32, #tpu.memory_space<vmem_shared>>
      %dma_wait3A_141 = arith.constant 0 : i32
      %dma_wait3A_142 = tpu.memref_slice %arg10[%add3A_11, %dma_wait3A_141] : memref<10112x128xf32, #tpu.memory_space<vmem_shared>> -> memref<128x128xf32, #tpu.memory_space<vmem_shared>>
      %dma_wait3A_143 = arith.constant 0 : i32
      %dma_wait3A_144 = arith.constant 0 : i32
      %dma_wait3A_145 = tpu.memref_slice %arg7[%dma_wait3A_143, %dma_wait3A_144] : memref<128x128xf32, #tpu.memory_space<vmem>> -> memref<128x128xf32, #tpu.memory_space<vmem>>
      tpu.wait_dma2 semaphore(%run_scoped3A : memref<!tpu.dma_semaphore, #tpu.memory_space<semaphore_mem>>) src(%dma_wait3A_145 : memref<128x128xf32, #tpu.memory_space<vmem>>) dst(%dma_wait3A_142 : memref<128x128xf32, #tpu.memory_space<vmem_shared>>)
      tpu.yield
    }) : () -> ()
    %mul3A_12 = arith.constant 632 : i32
    %mul3A_13 = arith.muli %arg1, %mul3A_12 : i32
    %add3A_14 = arith.constant 384 : i32
    %add3A_15 = arith.addi %mul3A_13, %add3A_14 : i32
    "tpu.region"() ({
      %run_scoped3A = tpu.sem_alloc : memref<!tpu.dma_semaphore, #tpu.memory_space<semaphore_mem>>
      %dma_start3A_126 = arith.constant 0 : i32
      %dma_start3A_127 = arith.constant 0 : i32
      %dma_start3A_128 = tpu.memref_slice %arg7[%dma_start3A_126, %dma_start3A_127] : memref<128x128xf32, #tpu.memory_space<vmem>> -> memref<128x128xf32, #tpu.memory_space<vmem>>
      %dma_start3A_129 = arith.constant 0 : i32
      %dma_start3A_130 = tpu.memref_slice %arg10[%add3A_15, %dma_start3A_129] : memref<10112x128xf32, #tpu.memory_space<vmem_shared>> -> memref<128x128xf32, #tpu.memory_space<vmem_shared>>
      %dma_start3A_131 = arith.constant 0 : i32
      %dma_start3A_132 = tpu.memref_slice %arg10[%add3A_15, %dma_start3A_131] : memref<10112x128xf32, #tpu.memory_space<vmem_shared>> -> memref<128x128xf32, #tpu.memory_space<vmem_shared>>
      %dma_start3A_133 = arith.constant 0 : i32
      %dma_start3A_134 = arith.constant 0 : i32
      %dma_start3A_135 = tpu.memref_slice %arg7[%dma_start3A_133, %dma_start3A_134] : memref<128x128xf32, #tpu.memory_space<vmem>> -> memref<128x128xf32, #tpu.memory_space<vmem>>
      tpu.enqueue_dma source(%dma_start3A_135 : memref<128x128xf32, #tpu.memory_space<vmem>>) target(%dma_start3A_132 : memref<128x128xf32, #tpu.memory_space<vmem_shared>>) target_semaphore(%run_scoped3A : memref<!tpu.dma_semaphore, #tpu.memory_space<semaphore_mem>>)
      %dma_wait3A_136 = arith.constant 0 : i32
      %dma_wait3A_137 = arith.constant 0 : i32
      %dma_wait3A_138 = tpu.memref_slice %arg7[%dma_wait3A_136, %dma_wait3A_137] : memref<128x128xf32, #tpu.memory_space<vmem>> -> memref<128x128xf32, #tpu.memory_space<vmem>>
      %dma_wait3A_139 = arith.constant 0 : i32
      %dma_wait3A_140 = tpu.memref_slice %arg10[%add3A_15, %dma_wait3A_139] : memref<10112x128xf32, #tpu.memory_space<vmem_shared>> -> memref<128x128xf32, #tpu.memory_space<vmem_shared>>
      %dma_wait3A_141 = arith.constant 0 : i32
      %dma_wait3A_142 = tpu.memref_slice %arg10[%add3A_15, %dma_wait3A_141] : memref<10112x128xf32, #tpu.memory_space<vmem_shared>> -> memref<128x128xf32, #tpu.memory_space<vmem_shared>>
      %dma_wait3A_143 = arith.constant 0 : i32
      %dma_wait3A_144 = arith.constant 0 : i32
      %dma_wait3A_145 = tpu.memref_slice %arg7[%dma_wait3A_143, %dma_wait3A_144] : memref<128x128xf32, #tpu.memory_space<vmem>> -> memref<128x128xf32, #tpu.memory_space<vmem>>
      tpu.wait_dma2 semaphore(%run_scoped3A : memref<!tpu.dma_semaphore, #tpu.memory_space<semaphore_mem>>) src(%dma_wait3A_145 : memref<128x128xf32, #tpu.memory_space<vmem>>) dst(%dma_wait3A_142 : memref<128x128xf32, #tpu.memory_space<vmem_shared>>)
      tpu.yield
    }) : () -> ()
    %mul3A_16 = arith.constant 632 : i32
    %mul3A_17 = arith.muli %arg1, %mul3A_16 : i32
    %add3A_18 = arith.constant 512 : i32
    %add3A_19 = arith.addi %mul3A_17, %add3A_18 : i32
    "tpu.region"() ({
      %run_scoped3A = tpu.sem_alloc : memref<!tpu.dma_semaphore, #tpu.memory_space<semaphore_mem>>
      %dma_start3A_126 = arith.constant 0 : i32
      %dma_start3A_127 = arith.constant 0 : i32
      %dma_start3A_128 = tpu.memref_slice %arg7[%dma_start3A_126, %dma_start3A_127] : memref<128x128xf32, #tpu.memory_space<vmem>> -> memref<120x128xf32, #tpu.memory_space<vmem>>
      %dma_start3A_129 = arith.constant 0 : i32
      %dma_start3A_130 = tpu.memref_slice %arg10[%add3A_19, %dma_start3A_129] : memref<10112x128xf32, #tpu.memory_space<vmem_shared>> -> memref<120x128xf32, #tpu.memory_space<vmem_shared>>
      %dma_start3A_131 = arith.constant 0 : i32
      %dma_start3A_132 = tpu.memref_slice %arg10[%add3A_19, %dma_start3A_131] : memref<10112x128xf32, #tpu.memory_space<vmem_shared>> -> memref<120x128xf32, #tpu.memory_space<vmem_shared>>
      %dma_start3A_133 = arith.constant 0 : i32
      %dma_start3A_134 = arith.constant 0 : i32
      %dma_start3A_135 = tpu.memref_slice %arg7[%dma_start3A_133, %dma_start3A_134] : memref<128x128xf32, #tpu.memory_space<vmem>> -> memref<120x128xf32, #tpu.memory_space<vmem>>
      tpu.enqueue_dma source(%dma_start3A_135 : memref<120x128xf32, #tpu.memory_space<vmem>>) target(%dma_start3A_132 : memref<120x128xf32, #tpu.memory_space<vmem_shared>>) target_semaphore(%run_scoped3A : memref<!tpu.dma_semaphore, #tpu.memory_space<semaphore_mem>>)
      %dma_wait3A_136 = arith.constant 0 : i32
      %dma_wait3A_137 = arith.constant 0 : i32
      %dma_wait3A_138 = tpu.memref_slice %arg7[%dma_wait3A_136, %dma_wait3A_137] : memref<128x128xf32, #tpu.memory_space<vmem>> -> memref<120x128xf32, #tpu.memory_space<vmem>>
      %dma_wait3A_139 = arith.constant 0 : i32
      %dma_wait3A_140 = tpu.memref_slice %arg10[%add3A_19, %dma_wait3A_139] : memref<10112x128xf32, #tpu.memory_space<vmem_shared>> -> memref<120x128xf32, #tpu.memory_space<vmem_shared>>
      %dma_wait3A_141 = arith.constant 0 : i32
      %dma_wait3A_142 = tpu.memref_slice %arg10[%add3A_19, %dma_wait3A_141] : memref<10112x128xf32, #tpu.memory_space<vmem_shared>> -> memref<120x128xf32, #tpu.memory_space<vmem_shared>>
      %dma_wait3A_143 = arith.constant 0 : i32
      %dma_wait3A_144 = arith.constant 0 : i32
      %dma_wait3A_145 = tpu.memref_slice %arg7[%dma_wait3A_143, %dma_wait3A_144] : memref<128x128xf32, #tpu.memory_space<vmem>> -> memref<120x128xf32, #tpu.memory_space<vmem>>
      tpu.wait_dma2 semaphore(%run_scoped3A : memref<!tpu.dma_semaphore, #tpu.memory_space<semaphore_mem>>) src(%dma_wait3A_145 : memref<120x128xf32, #tpu.memory_space<vmem>>) dst(%dma_wait3A_142 : memref<120x128xf32, #tpu.memory_space<vmem_shared>>)
      tpu.yield
    }) : () -> ()
    "tpu.region"() ({
      %run_scoped3A = tpu.sem_alloc : memref<!tpu.dma_semaphore, #tpu.memory_space<semaphore_mem>>
      %dma_start3A_126 = arith.constant 0 : i32
      %dma_start3A_127 = arith.constant 0 : i32
      %dma_start3A_128 = tpu.memref_slice %arg6[%dma_start3A_126, %dma_start3A_127] : memref<6x128xi32, #tpu.memory_space<vmem>> -> memref<2x128xi32, #tpu.memory_space<vmem>>
      %dma_start3A_129 = arith.constant 0 : i32
      %dma_start3A_130 = arith.constant 0 : i32
      %dma_start3A_131 = tpu.memref_slice %arg3[%arg0, %arg1, %dma_start3A_129, %dma_start3A_130] : memref<2x16x270x128xi32, #tpu.memory_space<hbm>> -> memref<1x1x270x128xi32, #tpu.memory_space<hbm>>
      %dma_start3A_132 = tpu.memref_squeeze %dma_start3A_131 : memref<1x1x270x128xi32, #tpu.memory_space<hbm>> -> memref<270x128xi32, #tpu.memory_space<hbm>>
      %dma_start3A_133 = arith.constant 0 : i32
      %dma_start3A_134 = arith.constant 0 : i32
      %dma_start3A_135 = tpu.memref_slice %dma_start3A_132[%dma_start3A_133, %dma_start3A_134] : memref<270x128xi32, #tpu.memory_space<hbm>> -> memref<2x128xi32, #tpu.memory_space<hbm>>
      %dma_start3A_136 = arith.constant 0 : i32
      %dma_start3A_137 = arith.constant 0 : i32
      %dma_start3A_138 = tpu.memref_slice %arg6[%dma_start3A_136, %dma_start3A_137] : memref<6x128xi32, #tpu.memory_space<vmem>> -> memref<2x128xi32, #tpu.memory_space<vmem>>
      %dma_start3A_139 = arith.constant 0 : i32
      %dma_start3A_140 = arith.constant 0 : i32
      %dma_start3A_141 = tpu.memref_slice %arg3[%arg0, %arg1, %dma_start3A_139, %dma_start3A_140] : memref<2x16x270x128xi32, #tpu.memory_space<hbm>> -> memref<1x1x270x128xi32, #tpu.memory_space<hbm>>
      %dma_start3A_142 = tpu.memref_squeeze %dma_start3A_141 : memref<1x1x270x128xi32, #tpu.memory_space<hbm>> -> memref<270x128xi32, #tpu.memory_space<hbm>>
      %dma_start3A_143 = arith.constant 0 : i32
      %dma_start3A_144 = arith.constant 0 : i32
      %dma_start3A_145 = tpu.memref_slice %dma_start3A_142[%dma_start3A_143, %dma_start3A_144] : memref<270x128xi32, #tpu.memory_space<hbm>> -> memref<2x128xi32, #tpu.memory_space<hbm>>
      tpu.enqueue_dma source(%dma_start3A_145 : memref<2x128xi32, #tpu.memory_space<hbm>>) target(%dma_start3A_138 : memref<2x128xi32, #tpu.memory_space<vmem>>) target_semaphore(%run_scoped3A : memref<!tpu.dma_semaphore, #tpu.memory_space<semaphore_mem>>)
      %dma_wait3A_146 = arith.constant 0 : i32
      %dma_wait3A_147 = arith.constant 0 : i32
      %dma_wait3A_148 = tpu.memref_slice %arg6[%dma_wait3A_146, %dma_wait3A_147] : memref<6x128xi32, #tpu.memory_space<vmem>> -> memref<2x128xi32, #tpu.memory_space<vmem>>
      %dma_wait3A_149 = arith.constant 0 : i32
      %dma_wait3A_150 = arith.constant 0 : i32
      %dma_wait3A_151 = tpu.memref_slice %arg3[%arg0, %arg1, %dma_wait3A_149, %dma_wait3A_150] : memref<2x16x270x128xi32, #tpu.memory_space<hbm>> -> memref<1x1x270x128xi32, #tpu.memory_space<hbm>>
      %dma_wait3A_152 = tpu.memref_squeeze %dma_wait3A_151 : memref<1x1x270x128xi32, #tpu.memory_space<hbm>> -> memref<270x128xi32, #tpu.memory_space<hbm>>
      %dma_wait3A_153 = arith.constant 0 : i32
      %dma_wait3A_154 = arith.constant 0 : i32
      %dma_wait3A_155 = tpu.memref_slice %dma_wait3A_152[%dma_wait3A_153, %dma_wait3A_154] : memref<270x128xi32, #tpu.memory_space<hbm>> -> memref<2x128xi32, #tpu.memory_space<hbm>>
      %dma_wait3A_156 = arith.constant 0 : i32
      %dma_wait3A_157 = arith.constant 0 : i32
      %dma_wait3A_158 = tpu.memref_slice %arg6[%dma_wait3A_156, %dma_wait3A_157] : memref<6x128xi32, #tpu.memory_space<vmem>> -> memref<2x128xi32, #tpu.memory_space<vmem>>
      %dma_wait3A_159 = arith.constant 0 : i32
      %dma_wait3A_160 = arith.constant 0 : i32
      %dma_wait3A_161 = tpu.memref_slice %arg3[%arg0, %arg1, %dma_wait3A_159, %dma_wait3A_160] : memref<2x16x270x128xi32, #tpu.memory_space<hbm>> -> memref<1x1x270x128xi32, #tpu.memory_space<hbm>>
      %dma_wait3A_162 = tpu.memref_squeeze %dma_wait3A_161 : memref<1x1x270x128xi32, #tpu.memory_space<hbm>> -> memref<270x128xi32, #tpu.memory_space<hbm>>
      %dma_wait3A_163 = arith.constant 0 : i32
      %dma_wait3A_164 = arith.constant 0 : i32
      %dma_wait3A_165 = tpu.memref_slice %dma_wait3A_162[%dma_wait3A_163, %dma_wait3A_164] : memref<270x128xi32, #tpu.memory_space<hbm>> -> memref<2x128xi32, #tpu.memory_space<hbm>>
      tpu.wait_dma2 semaphore(%run_scoped3A : memref<!tpu.dma_semaphore, #tpu.memory_space<semaphore_mem>>) src(%dma_wait3A_165 : memref<2x128xi32, #tpu.memory_space<hbm>>) dst(%dma_wait3A_158 : memref<2x128xi32, #tpu.memory_space<vmem>>)
      tpu.yield
    }) : () -> ()
    %dma_start3A = arith.constant 0 : i32
    %dma_start3A_20 = arith.constant 0 : i32
    %dma_start3A_21 = arith.constant 0 : i32
    %dma_start3A_22 = tpu.memref_slice %arg6[%dma_start3A_20, %dma_start3A_21] : memref<6x128xi32, #tpu.memory_space<vmem>> -> memref<2x128xi32, #tpu.memory_space<vmem>>
    %dma_start3A_23 = arith.constant 0 : i32
    %dma_start3A_24 = tpu.memref_slice %dma_start3A_22[%dma_start3A, %dma_start3A_23] : memref<2x128xi32, #tpu.memory_space<vmem>> -> memref<1x128xi32, #tpu.memory_space<vmem>>
    %dma_start3A_25 = tpu.memref_squeeze %dma_start3A_24 : memref<1x128xi32, #tpu.memory_space<vmem>> -> memref<128xi32, #tpu.memory_space<vmem>>
    %dma_start3A_26 = arith.constant 0 : i32
    %dma_start3A_27 = arith.constant 0 : i32
    %dma_start3A_28 = tpu.memref_slice %arg2[%dma_start3A_26, %dma_start3A_27] : memref<10000x128xf32, #tpu.memory_space<hbm>> -> memref<10000x128xf32, #tpu.memory_space<hbm>>
    tpu.enqueue_indirect_dma source(%dma_start3A_28 : memref<10000x128xf32, #tpu.memory_space<hbm>>) target(%arg7 : memref<128x128xf32, #tpu.memory_space<vmem>>) offsets(%dma_start3A_25 : memref<128xi32, #tpu.memory_space<vmem>>) semaphore(%arg11 : memref<!tpu.dma_semaphore, #tpu.memory_space<semaphore_mem>>)
    "tpu.region"() ({
      %run_scoped3A = tpu.sem_alloc : memref<!tpu.dma_semaphore, #tpu.memory_space<semaphore_mem>>
      %dma_start3A_126 = arith.constant 2 : i32
      %dma_start3A_127 = arith.constant 0 : i32
      %dma_start3A_128 = tpu.memref_slice %arg6[%dma_start3A_126, %dma_start3A_127] : memref<6x128xi32, #tpu.memory_space<vmem>> -> memref<2x128xi32, #tpu.memory_space<vmem>>
      %dma_start3A_129 = arith.constant 0 : i32
      %dma_start3A_130 = arith.constant 0 : i32
      %dma_start3A_131 = tpu.memref_slice %arg3[%arg0, %arg1, %dma_start3A_129, %dma_start3A_130] : memref<2x16x270x128xi32, #tpu.memory_space<hbm>> -> memref<1x1x270x128xi32, #tpu.memory_space<hbm>>
      %dma_start3A_132 = tpu.memref_squeeze %dma_start3A_131 : memref<1x1x270x128xi32, #tpu.memory_space<hbm>> -> memref<270x128xi32, #tpu.memory_space<hbm>>
      %dma_start3A_133 = arith.constant 2 : i32
      %dma_start3A_134 = arith.constant 0 : i32
      %dma_start3A_135 = tpu.memref_slice %dma_start3A_132[%dma_start3A_133, %dma_start3A_134] : memref<270x128xi32, #tpu.memory_space<hbm>> -> memref<2x128xi32, #tpu.memory_space<hbm>>
      %dma_start3A_136 = arith.constant 2 : i32
      %dma_start3A_137 = arith.constant 0 : i32
      %dma_start3A_138 = tpu.memref_slice %arg6[%dma_start3A_136, %dma_start3A_137] : memref<6x128xi32, #tpu.memory_space<vmem>> -> memref<2x128xi32, #tpu.memory_space<vmem>>
      %dma_start3A_139 = arith.constant 0 : i32
      %dma_start3A_140 = arith.constant 0 : i32
      %dma_start3A_141 = tpu.memref_slice %arg3[%arg0, %arg1, %dma_start3A_139, %dma_start3A_140] : memref<2x16x270x128xi32, #tpu.memory_space<hbm>> -> memref<1x1x270x128xi32, #tpu.memory_space<hbm>>
      %dma_start3A_142 = tpu.memref_squeeze %dma_start3A_141 : memref<1x1x270x128xi32, #tpu.memory_space<hbm>> -> memref<270x128xi32, #tpu.memory_space<hbm>>
      %dma_start3A_143 = arith.constant 2 : i32
      %dma_start3A_144 = arith.constant 0 : i32
      %dma_start3A_145 = tpu.memref_slice %dma_start3A_142[%dma_start3A_143, %dma_start3A_144] : memref<270x128xi32, #tpu.memory_space<hbm>> -> memref<2x128xi32, #tpu.memory_space<hbm>>
      tpu.enqueue_dma source(%dma_start3A_145 : memref<2x128xi32, #tpu.memory_space<hbm>>) target(%dma_start3A_138 : memref<2x128xi32, #tpu.memory_space<vmem>>) target_semaphore(%run_scoped3A : memref<!tpu.dma_semaphore, #tpu.memory_space<semaphore_mem>>)
      %dma_wait3A_146 = arith.constant 2 : i32
      %dma_wait3A_147 = arith.constant 0 : i32
      %dma_wait3A_148 = tpu.memref_slice %arg6[%dma_wait3A_146, %dma_wait3A_147] : memref<6x128xi32, #tpu.memory_space<vmem>> -> memref<2x128xi32, #tpu.memory_space<vmem>>
      %dma_wait3A_149 = arith.constant 0 : i32
      %dma_wait3A_150 = arith.constant 0 : i32
      %dma_wait3A_151 = tpu.memref_slice %arg3[%arg0, %arg1, %dma_wait3A_149, %dma_wait3A_150] : memref<2x16x270x128xi32, #tpu.memory_space<hbm>> -> memref<1x1x270x128xi32, #tpu.memory_space<hbm>>
      %dma_wait3A_152 = tpu.memref_squeeze %dma_wait3A_151 : memref<1x1x270x128xi32, #tpu.memory_space<hbm>> -> memref<270x128xi32, #tpu.memory_space<hbm>>
      %dma_wait3A_153 = arith.constant 2 : i32
      %dma_wait3A_154 = arith.constant 0 : i32
      %dma_wait3A_155 = tpu.memref_slice %dma_wait3A_152[%dma_wait3A_153, %dma_wait3A_154] : memref<270x128xi32, #tpu.memory_space<hbm>> -> memref<2x128xi32, #tpu.memory_space<hbm>>
      %dma_wait3A_156 = arith.constant 2 : i32
      %dma_wait3A_157 = arith.constant 0 : i32
      %dma_wait3A_158 = tpu.memref_slice %arg6[%dma_wait3A_156, %dma_wait3A_157] : memref<6x128xi32, #tpu.memory_space<vmem>> -> memref<2x128xi32, #tpu.memory_space<vmem>>
      %dma_wait3A_159 = arith.constant 0 : i32
      %dma_wait3A_160 = arith.constant 0 : i32
      %dma_wait3A_161 = tpu.memref_slice %arg3[%arg0, %arg1, %dma_wait3A_159, %dma_wait3A_160] : memref<2x16x270x128xi32, #tpu.memory_space<hbm>> -> memref<1x1x270x128xi32, #tpu.memory_space<hbm>>
      %dma_wait3A_162 = tpu.memref_squeeze %dma_wait3A_161 : memref<1x1x270x128xi32, #tpu.memory_space<hbm>> -> memref<270x128xi32, #tpu.memory_space<hbm>>
      %dma_wait3A_163 = arith.constant 2 : i32
      %dma_wait3A_164 = arith.constant 0 : i32
      %dma_wait3A_165 = tpu.memref_slice %dma_wait3A_162[%dma_wait3A_163, %dma_wait3A_164] : memref<270x128xi32, #tpu.memory_space<hbm>> -> memref<2x128xi32, #tpu.memory_space<hbm>>
      tpu.wait_dma2 semaphore(%run_scoped3A : memref<!tpu.dma_semaphore, #tpu.memory_space<semaphore_mem>>) src(%dma_wait3A_165 : memref<2x128xi32, #tpu.memory_space<hbm>>) dst(%dma_wait3A_158 : memref<2x128xi32, #tpu.memory_space<vmem>>)
      tpu.yield
    }) : () -> ()
    %dma_start3A_29 = arith.constant 0 : i32
    %dma_start3A_30 = arith.constant 2 : i32
    %dma_start3A_31 = arith.constant 0 : i32
    %dma_start3A_32 = tpu.memref_slice %arg6[%dma_start3A_30, %dma_start3A_31] : memref<6x128xi32, #tpu.memory_space<vmem>> -> memref<2x128xi32, #tpu.memory_space<vmem>>
    %dma_start3A_33 = arith.constant 0 : i32
    %dma_start3A_34 = tpu.memref_slice %dma_start3A_32[%dma_start3A_29, %dma_start3A_33] : memref<2x128xi32, #tpu.memory_space<vmem>> -> memref<1x128xi32, #tpu.memory_space<vmem>>
    %dma_start3A_35 = tpu.memref_squeeze %dma_start3A_34 : memref<1x128xi32, #tpu.memory_space<vmem>> -> memref<128xi32, #tpu.memory_space<vmem>>
    %dma_start3A_36 = arith.constant 0 : i32
    %dma_start3A_37 = arith.constant 0 : i32
    %dma_start3A_38 = tpu.memref_slice %arg2[%dma_start3A_36, %dma_start3A_37] : memref<10000x128xf32, #tpu.memory_space<hbm>> -> memref<10000x128xf32, #tpu.memory_space<hbm>>
    tpu.enqueue_indirect_dma source(%dma_start3A_38 : memref<10000x128xf32, #tpu.memory_space<hbm>>) target(%arg8 : memref<128x128xf32, #tpu.memory_space<vmem>>) offsets(%dma_start3A_35 : memref<128xi32, #tpu.memory_space<vmem>>) semaphore(%arg12 : memref<!tpu.dma_semaphore, #tpu.memory_space<semaphore_mem>>)
    "tpu.region"() ({
      %run_scoped3A = tpu.sem_alloc : memref<!tpu.dma_semaphore, #tpu.memory_space<semaphore_mem>>
      %dma_start3A_126 = arith.constant 4 : i32
      %dma_start3A_127 = arith.constant 0 : i32
      %dma_start3A_128 = tpu.memref_slice %arg6[%dma_start3A_126, %dma_start3A_127] : memref<6x128xi32, #tpu.memory_space<vmem>> -> memref<2x128xi32, #tpu.memory_space<vmem>>
      %dma_start3A_129 = arith.constant 0 : i32
      %dma_start3A_130 = arith.constant 0 : i32
      %dma_start3A_131 = tpu.memref_slice %arg3[%arg0, %arg1, %dma_start3A_129, %dma_start3A_130] : memref<2x16x270x128xi32, #tpu.memory_space<hbm>> -> memref<1x1x270x128xi32, #tpu.memory_space<hbm>>
      %dma_start3A_132 = tpu.memref_squeeze %dma_start3A_131 : memref<1x1x270x128xi32, #tpu.memory_space<hbm>> -> memref<270x128xi32, #tpu.memory_space<hbm>>
      %dma_start3A_133 = arith.constant 4 : i32
      %dma_start3A_134 = arith.constant 0 : i32
      %dma_start3A_135 = tpu.memref_slice %dma_start3A_132[%dma_start3A_133, %dma_start3A_134] : memref<270x128xi32, #tpu.memory_space<hbm>> -> memref<2x128xi32, #tpu.memory_space<hbm>>
      %dma_start3A_136 = arith.constant 4 : i32
      %dma_start3A_137 = arith.constant 0 : i32
      %dma_start3A_138 = tpu.memref_slice %arg6[%dma_start3A_136, %dma_start3A_137] : memref<6x128xi32, #tpu.memory_space<vmem>> -> memref<2x128xi32, #tpu.memory_space<vmem>>
      %dma_start3A_139 = arith.constant 0 : i32
      %dma_start3A_140 = arith.constant 0 : i32
      %dma_start3A_141 = tpu.memref_slice %arg3[%arg0, %arg1, %dma_start3A_139, %dma_start3A_140] : memref<2x16x270x128xi32, #tpu.memory_space<hbm>> -> memref<1x1x270x128xi32, #tpu.memory_space<hbm>>
      %dma_start3A_142 = tpu.memref_squeeze %dma_start3A_141 : memref<1x1x270x128xi32, #tpu.memory_space<hbm>> -> memref<270x128xi32, #tpu.memory_space<hbm>>
      %dma_start3A_143 = arith.constant 4 : i32
      %dma_start3A_144 = arith.constant 0 : i32
      %dma_start3A_145 = tpu.memref_slice %dma_start3A_142[%dma_start3A_143, %dma_start3A_144] : memref<270x128xi32, #tpu.memory_space<hbm>> -> memref<2x128xi32, #tpu.memory_space<hbm>>
      tpu.enqueue_dma source(%dma_start3A_145 : memref<2x128xi32, #tpu.memory_space<hbm>>) target(%dma_start3A_138 : memref<2x128xi32, #tpu.memory_space<vmem>>) target_semaphore(%run_scoped3A : memref<!tpu.dma_semaphore, #tpu.memory_space<semaphore_mem>>)
      %dma_wait3A_146 = arith.constant 4 : i32
      %dma_wait3A_147 = arith.constant 0 : i32
      %dma_wait3A_148 = tpu.memref_slice %arg6[%dma_wait3A_146, %dma_wait3A_147] : memref<6x128xi32, #tpu.memory_space<vmem>> -> memref<2x128xi32, #tpu.memory_space<vmem>>
      %dma_wait3A_149 = arith.constant 0 : i32
      %dma_wait3A_150 = arith.constant 0 : i32
      %dma_wait3A_151 = tpu.memref_slice %arg3[%arg0, %arg1, %dma_wait3A_149, %dma_wait3A_150] : memref<2x16x270x128xi32, #tpu.memory_space<hbm>> -> memref<1x1x270x128xi32, #tpu.memory_space<hbm>>
      %dma_wait3A_152 = tpu.memref_squeeze %dma_wait3A_151 : memref<1x1x270x128xi32, #tpu.memory_space<hbm>> -> memref<270x128xi32, #tpu.memory_space<hbm>>
      %dma_wait3A_153 = arith.constant 4 : i32
      %dma_wait3A_154 = arith.constant 0 : i32
      %dma_wait3A_155 = tpu.memref_slice %dma_wait3A_152[%dma_wait3A_153, %dma_wait3A_154] : memref<270x128xi32, #tpu.memory_space<hbm>> -> memref<2x128xi32, #tpu.memory_space<hbm>>
      %dma_wait3A_156 = arith.constant 4 : i32
      %dma_wait3A_157 = arith.constant 0 : i32
      %dma_wait3A_158 = tpu.memref_slice %arg6[%dma_wait3A_156, %dma_wait3A_157] : memref<6x128xi32, #tpu.memory_space<vmem>> -> memref<2x128xi32, #tpu.memory_space<vmem>>
      %dma_wait3A_159 = arith.constant 0 : i32
      %dma_wait3A_160 = arith.constant 0 : i32
      %dma_wait3A_161 = tpu.memref_slice %arg3[%arg0, %arg1, %dma_wait3A_159, %dma_wait3A_160] : memref<2x16x270x128xi32, #tpu.memory_space<hbm>> -> memref<1x1x270x128xi32, #tpu.memory_space<hbm>>
      %dma_wait3A_162 = tpu.memref_squeeze %dma_wait3A_161 : memref<1x1x270x128xi32, #tpu.memory_space<hbm>> -> memref<270x128xi32, #tpu.memory_space<hbm>>
      %dma_wait3A_163 = arith.constant 4 : i32
      %dma_wait3A_164 = arith.constant 0 : i32
      %dma_wait3A_165 = tpu.memref_slice %dma_wait3A_162[%dma_wait3A_163, %dma_wait3A_164] : memref<270x128xi32, #tpu.memory_space<hbm>> -> memref<2x128xi32, #tpu.memory_space<hbm>>
      tpu.wait_dma2 semaphore(%run_scoped3A : memref<!tpu.dma_semaphore, #tpu.memory_space<semaphore_mem>>) src(%dma_wait3A_165 : memref<2x128xi32, #tpu.memory_space<hbm>>) dst(%dma_wait3A_158 : memref<2x128xi32, #tpu.memory_space<vmem>>)
      tpu.yield
    }) : () -> ()
    %dma_start3A_39 = arith.constant 0 : i32
    %dma_start3A_40 = arith.constant 4 : i32
    %dma_start3A_41 = arith.constant 0 : i32
    %dma_start3A_42 = tpu.memref_slice %arg6[%dma_start3A_40, %dma_start3A_41] : memref<6x128xi32, #tpu.memory_space<vmem>> -> memref<2x128xi32, #tpu.memory_space<vmem>>
    %dma_start3A_43 = arith.constant 0 : i32
    %dma_start3A_44 = tpu.memref_slice %dma_start3A_42[%dma_start3A_39, %dma_start3A_43] : memref<2x128xi32, #tpu.memory_space<vmem>> -> memref<1x128xi32, #tpu.memory_space<vmem>>
    %dma_start3A_45 = tpu.memref_squeeze %dma_start3A_44 : memref<1x128xi32, #tpu.memory_space<vmem>> -> memref<128xi32, #tpu.memory_space<vmem>>
    %dma_start3A_46 = arith.constant 0 : i32
    %dma_start3A_47 = arith.constant 0 : i32
    %dma_start3A_48 = tpu.memref_slice %arg2[%dma_start3A_46, %dma_start3A_47] : memref<10000x128xf32, #tpu.memory_space<hbm>> -> memref<10000x128xf32, #tpu.memory_space<hbm>>
    tpu.enqueue_indirect_dma source(%dma_start3A_48 : memref<10000x128xf32, #tpu.memory_space<hbm>>) target(%arg9 : memref<128x128xf32, #tpu.memory_space<vmem>>) offsets(%dma_start3A_45 : memref<128xi32, #tpu.memory_space<vmem>>) semaphore(%arg13 : memref<!tpu.dma_semaphore, #tpu.memory_space<semaphore_mem>>)
    %barrier3A = arith.constant 0 : index
    tpu.barrier barrier_id(%barrier3A)
    %jit3A_49 = arith.constant 3 : i32
    %div3A = arith.divsi %select_n3A, %jit3A_49 : i32
    %sign3A = arith.constant 0 : i32
    %sign3A_50 = arith.cmpi sgt, %select_n3A, %sign3A : i32
    %sign3A_51 = arith.extui %sign3A_50 : i1 to i32
    %sign3A_52 = arith.constant 0 : i32
    %sign3A_53 = arith.cmpi slt, %select_n3A, %sign3A_52 : i32
    %sign3A_54 = arith.extui %sign3A_53 : i1 to i32
    %sign3A_55 = arith.subi %sign3A_51, %sign3A_54 : i32
    %sign3A_56 = arith.constant 0 : i32
    %sign3A_57 = arith.cmpi sgt, %jit3A_49, %sign3A_56 : i32
    %sign3A_58 = arith.extui %sign3A_57 : i1 to i32
    %sign3A_59 = arith.constant 0 : i32
    %sign3A_60 = arith.cmpi slt, %jit3A_49, %sign3A_59 : i32
    %sign3A_61 = arith.extui %sign3A_60 : i1 to i32
    %sign3A_62 = arith.subi %sign3A_58, %sign3A_61 : i32
    %ne3A = arith.cmpi ne, %sign3A_55, %sign3A_62 : i32
    %rem3A = arith.remsi %select_n3A, %jit3A_49 : i32
    %ne3A_63 = arith.constant 0 : i32
    %ne3A_64 = arith.cmpi ne, %rem3A, %ne3A_63 : i32
    %and3A = arith.andi %ne3A, %ne3A_64 : i1
    %sub3A = arith.constant 1 : i32
    %sub3A_65 = arith.subi %div3A, %sub3A : i32
    %select_n3A_66 = arith.select %and3A, %sub3A_65, %div3A : i32
    %while3A = arith.constant 0 : i32
    %while3A_67 = arith.constant 0 : i32
    %while3A_68 = arith.subi %select_n3A_66, %while3A_67 : i32
    %while3A_69 = arith.addi %while3A_67, %while3A_68 : i32
    %while3A_70 = arith.constant 1 : i32
    %while3A_71 = arith.divsi %while3A_68, %while3A_70 : i32
    %while3A_72 = arith.muli %while3A_71, %while3A_70 : i32
    %while3A_73 = arith.addi %while3A_67, %while3A_72 : i32
    %while3A_74 = arith.constant 1 : i32
    scf.for %while3A_126 = %while3A_67 to %while3A_73 step %while3A_74  : i32 {
      %mul3A_127 = arith.constant 3 : i32
      %mul3A_128 = arith.muli %mul3A_127, %while3A_126 : i32
      %add3A_129 = arith.constant 0 : i32
      %add3A_130 = arith.addi %mul3A_128, %add3A_129 : i32
      %dma_wait3A_131 = arith.constant 0 : i32
      %dma_wait3A_132 = arith.constant 0 : i32
      %dma_wait3A_133 = arith.constant 0 : i32
      %dma_wait3A_134 = tpu.memref_slice %arg6[%dma_wait3A_132, %dma_wait3A_133] : memref<6x128xi32, #tpu.memory_space<vmem>> -> memref<2x128xi32, #tpu.memory_space<vmem>>
      %dma_wait3A_135 = arith.constant 0 : i32
      %dma_wait3A_136 = tpu.memref_slice %dma_wait3A_134[%dma_wait3A_131, %dma_wait3A_135] : memref<2x128xi32, #tpu.memory_space<vmem>> -> memref<1x128xi32, #tpu.memory_space<vmem>>
      %dma_wait3A_137 = tpu.memref_squeeze %dma_wait3A_136 : memref<1x128xi32, #tpu.memory_space<vmem>> -> memref<128xi32, #tpu.memory_space<vmem>>
      %dma_wait3A_138 = arith.constant 0 : i32
      %dma_wait3A_139 = arith.constant 0 : i32
      %dma_wait3A_140 = tpu.memref_slice %arg2[%dma_wait3A_138, %dma_wait3A_139] : memref<10000x128xf32, #tpu.memory_space<hbm>> -> memref<10000x128xf32, #tpu.memory_space<hbm>>
      tpu.wait_indirect_dma semaphore(%arg11 : memref<!tpu.dma_semaphore, #tpu.memory_space<semaphore_mem>>) src(%dma_wait3A_140 : memref<10000x128xf32, #tpu.memory_space<hbm>>) dst(%arg7 : memref<128x128xf32, #tpu.memory_space<vmem>>)
      %run_scoped3A = arith.constant 1 : i32
      "tpu.region"() ({
        %run_scoped3A_213 = tpu.sem_alloc : memref<!tpu.dma_semaphore, #tpu.memory_space<semaphore_mem>>
        %dma_start3A_214 = arith.constant 0 : i32
        %dma_start3A_215 = arith.constant 0 : i32
        %dma_start3A_216 = tpu.memref_slice %arg6[%dma_start3A_214, %dma_start3A_215] : memref<6x128xi32, #tpu.memory_space<vmem>> -> memref<2x128xi32, #tpu.memory_space<vmem>>
        %dma_start3A_217 = arith.constant 0 : i32
        %dma_start3A_218 = tpu.memref_slice %dma_start3A_216[%run_scoped3A, %dma_start3A_217] : memref<2x128xi32, #tpu.memory_space<vmem>> -> memref<1x128xi32, #tpu.memory_space<vmem>>
        %dma_start3A_219 = tpu.memref_squeeze %dma_start3A_218 : memref<1x128xi32, #tpu.memory_space<vmem>> -> memref<128xi32, #tpu.memory_space<vmem>>
        %dma_start3A_220 = arith.constant 0 : i32
        %dma_start3A_221 = arith.constant 0 : i32
        %dma_start3A_222 = tpu.memref_slice %arg10[%dma_start3A_220, %dma_start3A_221] : memref<10112x128xf32, #tpu.memory_space<vmem_shared>> -> memref<10112x128xf32, #tpu.memory_space<vmem_shared>>
        tpu.enqueue_indirect_dma source(%arg7 : memref<128x128xf32, #tpu.memory_space<vmem>>) target(%dma_start3A_222 : memref<10112x128xf32, #tpu.memory_space<vmem_shared>>) offsets(%dma_start3A_219 : memref<128xi32, #tpu.memory_space<vmem>>) semaphore(%run_scoped3A_213 : memref<!tpu.dma_semaphore, #tpu.memory_space<semaphore_mem>>) {add = true}
        %dma_wait3A_223 = arith.constant 0 : i32
        %dma_wait3A_224 = arith.constant 0 : i32
        %dma_wait3A_225 = tpu.memref_slice %arg6[%dma_wait3A_223, %dma_wait3A_224] : memref<6x128xi32, #tpu.memory_space<vmem>> -> memref<2x128xi32, #tpu.memory_space<vmem>>
        %dma_wait3A_226 = arith.constant 0 : i32
        %dma_wait3A_227 = tpu.memref_slice %dma_wait3A_225[%run_scoped3A, %dma_wait3A_226] : memref<2x128xi32, #tpu.memory_space<vmem>> -> memref<1x128xi32, #tpu.memory_space<vmem>>
        %dma_wait3A_228 = tpu.memref_squeeze %dma_wait3A_227 : memref<1x128xi32, #tpu.memory_space<vmem>> -> memref<128xi32, #tpu.memory_space<vmem>>
        %dma_wait3A_229 = arith.constant 0 : i32
        %dma_wait3A_230 = arith.constant 0 : i32
        %dma_wait3A_231 = tpu.memref_slice %arg10[%dma_wait3A_229, %dma_wait3A_230] : memref<10112x128xf32, #tpu.memory_space<vmem_shared>> -> memref<10112x128xf32, #tpu.memory_space<vmem_shared>>
        tpu.wait_indirect_dma semaphore(%run_scoped3A_213 : memref<!tpu.dma_semaphore, #tpu.memory_space<semaphore_mem>>) src(%arg7 : memref<128x128xf32, #tpu.memory_space<vmem>>) dst(%dma_wait3A_231 : memref<10112x128xf32, #tpu.memory_space<vmem_shared>>)
        tpu.yield
      }) : () -> ()
      %mul3A_141 = arith.constant 2 : i32
      %mul3A_142 = arith.muli %mul3A_141, %add3A_130 : i32
      %add3A_143 = arith.constant 6 : i32
      %add3A_144 = arith.addi %mul3A_142, %add3A_143 : i32
      "tpu.region"() ({
        %run_scoped3A_213 = tpu.sem_alloc : memref<!tpu.dma_semaphore, #tpu.memory_space<semaphore_mem>>
        %dma_start3A_214 = arith.constant 0 : i32
        %dma_start3A_215 = arith.constant 0 : i32
        %dma_start3A_216 = tpu.memref_slice %arg6[%dma_start3A_214, %dma_start3A_215] : memref<6x128xi32, #tpu.memory_space<vmem>> -> memref<2x128xi32, #tpu.memory_space<vmem>>
        %dma_start3A_217 = arith.constant 0 : i32
        %dma_start3A_218 = arith.constant 0 : i32
        %dma_start3A_219 = tpu.memref_slice %arg3[%arg0, %arg1, %dma_start3A_217, %dma_start3A_218] : memref<2x16x270x128xi32, #tpu.memory_space<hbm>> -> memref<1x1x270x128xi32, #tpu.memory_space<hbm>>
        %dma_start3A_220 = tpu.memref_squeeze %dma_start3A_219 : memref<1x1x270x128xi32, #tpu.memory_space<hbm>> -> memref<270x128xi32, #tpu.memory_space<hbm>>
        %dma_start3A_221 = arith.constant 0 : i32
        %dma_start3A_222 = tpu.memref_slice %dma_start3A_220[%add3A_144, %dma_start3A_221] : memref<270x128xi32, #tpu.memory_space<hbm>> -> memref<2x128xi32, #tpu.memory_space<hbm>>
        %dma_start3A_223 = arith.constant 0 : i32
        %dma_start3A_224 = arith.constant 0 : i32
        %dma_start3A_225 = tpu.memref_slice %arg6[%dma_start3A_223, %dma_start3A_224] : memref<6x128xi32, #tpu.memory_space<vmem>> -> memref<2x128xi32, #tpu.memory_space<vmem>>
        %dma_start3A_226 = arith.constant 0 : i32
        %dma_start3A_227 = arith.constant 0 : i32
        %dma_start3A_228 = tpu.memref_slice %arg3[%arg0, %arg1, %dma_start3A_226, %dma_start3A_227] : memref<2x16x270x128xi32, #tpu.memory_space<hbm>> -> memref<1x1x270x128xi32, #tpu.memory_space<hbm>>
        %dma_start3A_229 = tpu.memref_squeeze %dma_start3A_228 : memref<1x1x270x128xi32, #tpu.memory_space<hbm>> -> memref<270x128xi32, #tpu.memory_space<hbm>>
        %dma_start3A_230 = arith.constant 0 : i32
        %dma_start3A_231 = tpu.memref_slice %dma_start3A_229[%add3A_144, %dma_start3A_230] : memref<270x128xi32, #tpu.memory_space<hbm>> -> memref<2x128xi32, #tpu.memory_space<hbm>>
        tpu.enqueue_dma source(%dma_start3A_231 : memref<2x128xi32, #tpu.memory_space<hbm>>) target(%dma_start3A_225 : memref<2x128xi32, #tpu.memory_space<vmem>>) target_semaphore(%run_scoped3A_213 : memref<!tpu.dma_semaphore, #tpu.memory_space<semaphore_mem>>)
        %dma_wait3A_232 = arith.constant 0 : i32
        %dma_wait3A_233 = arith.constant 0 : i32
        %dma_wait3A_234 = tpu.memref_slice %arg6[%dma_wait3A_232, %dma_wait3A_233] : memref<6x128xi32, #tpu.memory_space<vmem>> -> memref<2x128xi32, #tpu.memory_space<vmem>>
        %dma_wait3A_235 = arith.constant 0 : i32
        %dma_wait3A_236 = arith.constant 0 : i32
        %dma_wait3A_237 = tpu.memref_slice %arg3[%arg0, %arg1, %dma_wait3A_235, %dma_wait3A_236] : memref<2x16x270x128xi32, #tpu.memory_space<hbm>> -> memref<1x1x270x128xi32, #tpu.memory_space<hbm>>
        %dma_wait3A_238 = tpu.memref_squeeze %dma_wait3A_237 : memref<1x1x270x128xi32, #tpu.memory_space<hbm>> -> memref<270x128xi32, #tpu.memory_space<hbm>>
        %dma_wait3A_239 = arith.constant 0 : i32
        %dma_wait3A_240 = tpu.memref_slice %dma_wait3A_238[%add3A_144, %dma_wait3A_239] : memref<270x128xi32, #tpu.memory_space<hbm>> -> memref<2x128xi32, #tpu.memory_space<hbm>>
        %dma_wait3A_241 = arith.constant 0 : i32
        %dma_wait3A_242 = arith.constant 0 : i32
        %dma_wait3A_243 = tpu.memref_slice %arg6[%dma_wait3A_241, %dma_wait3A_242] : memref<6x128xi32, #tpu.memory_space<vmem>> -> memref<2x128xi32, #tpu.memory_space<vmem>>
        %dma_wait3A_244 = arith.constant 0 : i32
        %dma_wait3A_245 = arith.constant 0 : i32
        %dma_wait3A_246 = tpu.memref_slice %arg3[%arg0, %arg1, %dma_wait3A_244, %dma_wait3A_245] : memref<2x16x270x128xi32, #tpu.memory_space<hbm>> -> memref<1x1x270x128xi32, #tpu.memory_space<hbm>>
        %dma_wait3A_247 = tpu.memref_squeeze %dma_wait3A_246 : memref<1x1x270x128xi32, #tpu.memory_space<hbm>> -> memref<270x128xi32, #tpu.memory_space<hbm>>
        %dma_wait3A_248 = arith.constant 0 : i32
        %dma_wait3A_249 = tpu.memref_slice %dma_wait3A_247[%add3A_144, %dma_wait3A_248] : memref<270x128xi32, #tpu.memory_space<hbm>> -> memref<2x128xi32, #tpu.memory_space<hbm>>
        tpu.wait_dma2 semaphore(%run_scoped3A_213 : memref<!tpu.dma_semaphore, #tpu.memory_space<semaphore_mem>>) src(%dma_wait3A_249 : memref<2x128xi32, #tpu.memory_space<hbm>>) dst(%dma_wait3A_243 : memref<2x128xi32, #tpu.memory_space<vmem>>)
        tpu.yield
      }) : () -> ()
      %dma_start3A_145 = arith.constant 0 : i32
      %dma_start3A_146 = arith.constant 0 : i32
      %dma_start3A_147 = arith.constant 0 : i32
      %dma_start3A_148 = tpu.memref_slice %arg6[%dma_start3A_146, %dma_start3A_147] : memref<6x128xi32, #tpu.memory_space<vmem>> -> memref<2x128xi32, #tpu.memory_space<vmem>>
      %dma_start3A_149 = arith.constant 0 : i32
      %dma_start3A_150 = tpu.memref_slice %dma_start3A_148[%dma_start3A_145, %dma_start3A_149] : memref<2x128xi32, #tpu.memory_space<vmem>> -> memref<1x128xi32, #tpu.memory_space<vmem>>
      %dma_start3A_151 = tpu.memref_squeeze %dma_start3A_150 : memref<1x128xi32, #tpu.memory_space<vmem>> -> memref<128xi32, #tpu.memory_space<vmem>>
      %dma_start3A_152 = arith.constant 0 : i32
      %dma_start3A_153 = arith.constant 0 : i32
      %dma_start3A_154 = tpu.memref_slice %arg2[%dma_start3A_152, %dma_start3A_153] : memref<10000x128xf32, #tpu.memory_space<hbm>> -> memref<10000x128xf32, #tpu.memory_space<hbm>>
      tpu.enqueue_indirect_dma source(%dma_start3A_154 : memref<10000x128xf32, #tpu.memory_space<hbm>>) target(%arg7 : memref<128x128xf32, #tpu.memory_space<vmem>>) offsets(%dma_start3A_151 : memref<128xi32, #tpu.memory_space<vmem>>) semaphore(%arg11 : memref<!tpu.dma_semaphore, #tpu.memory_space<semaphore_mem>>)
      %mul3A_155 = arith.constant 3 : i32
      %mul3A_156 = arith.muli %mul3A_155, %while3A_126 : i32
      %add3A_157 = arith.constant 1 : i32
      %add3A_158 = arith.addi %mul3A_156, %add3A_157 : i32
      %dma_wait3A_159 = arith.constant 0 : i32
      %dma_wait3A_160 = arith.constant 2 : i32
      %dma_wait3A_161 = arith.constant 0 : i32
      %dma_wait3A_162 = tpu.memref_slice %arg6[%dma_wait3A_160, %dma_wait3A_161] : memref<6x128xi32, #tpu.memory_space<vmem>> -> memref<2x128xi32, #tpu.memory_space<vmem>>
      %dma_wait3A_163 = arith.constant 0 : i32
      %dma_wait3A_164 = tpu.memref_slice %dma_wait3A_162[%dma_wait3A_159, %dma_wait3A_163] : memref<2x128xi32, #tpu.memory_space<vmem>> -> memref<1x128xi32, #tpu.memory_space<vmem>>
      %dma_wait3A_165 = tpu.memref_squeeze %dma_wait3A_164 : memref<1x128xi32, #tpu.memory_space<vmem>> -> memref<128xi32, #tpu.memory_space<vmem>>
      %dma_wait3A_166 = arith.constant 0 : i32
      %dma_wait3A_167 = arith.constant 0 : i32
      %dma_wait3A_168 = tpu.memref_slice %arg2[%dma_wait3A_166, %dma_wait3A_167] : memref<10000x128xf32, #tpu.memory_space<hbm>> -> memref<10000x128xf32, #tpu.memory_space<hbm>>
      tpu.wait_indirect_dma semaphore(%arg12 : memref<!tpu.dma_semaphore, #tpu.memory_space<semaphore_mem>>) src(%dma_wait3A_168 : memref<10000x128xf32, #tpu.memory_space<hbm>>) dst(%arg8 : memref<128x128xf32, #tpu.memory_space<vmem>>)
      %run_scoped3A_169 = arith.constant 1 : i32
      "tpu.region"() ({
        %run_scoped3A_213 = tpu.sem_alloc : memref<!tpu.dma_semaphore, #tpu.memory_space<semaphore_mem>>
        %dma_start3A_214 = arith.constant 2 : i32
        %dma_start3A_215 = arith.constant 0 : i32
        %dma_start3A_216 = tpu.memref_slice %arg6[%dma_start3A_214, %dma_start3A_215] : memref<6x128xi32, #tpu.memory_space<vmem>> -> memref<2x128xi32, #tpu.memory_space<vmem>>
        %dma_start3A_217 = arith.constant 0 : i32
        %dma_start3A_218 = tpu.memref_slice %dma_start3A_216[%run_scoped3A_169, %dma_start3A_217] : memref<2x128xi32, #tpu.memory_space<vmem>> -> memref<1x128xi32, #tpu.memory_space<vmem>>
        %dma_start3A_219 = tpu.memref_squeeze %dma_start3A_218 : memref<1x128xi32, #tpu.memory_space<vmem>> -> memref<128xi32, #tpu.memory_space<vmem>>
        %dma_start3A_220 = arith.constant 0 : i32
        %dma_start3A_221 = arith.constant 0 : i32
        %dma_start3A_222 = tpu.memref_slice %arg10[%dma_start3A_220, %dma_start3A_221] : memref<10112x128xf32, #tpu.memory_space<vmem_shared>> -> memref<10112x128xf32, #tpu.memory_space<vmem_shared>>
        tpu.enqueue_indirect_dma source(%arg8 : memref<128x128xf32, #tpu.memory_space<vmem>>) target(%dma_start3A_222 : memref<10112x128xf32, #tpu.memory_space<vmem_shared>>) offsets(%dma_start3A_219 : memref<128xi32, #tpu.memory_space<vmem>>) semaphore(%run_scoped3A_213 : memref<!tpu.dma_semaphore, #tpu.memory_space<semaphore_mem>>) {add = true}
        %dma_wait3A_223 = arith.constant 2 : i32
        %dma_wait3A_224 = arith.constant 0 : i32
        %dma_wait3A_225 = tpu.memref_slice %arg6[%dma_wait3A_223, %dma_wait3A_224] : memref<6x128xi32, #tpu.memory_space<vmem>> -> memref<2x128xi32, #tpu.memory_space<vmem>>
        %dma_wait3A_226 = arith.constant 0 : i32
        %dma_wait3A_227 = tpu.memref_slice %dma_wait3A_225[%run_scoped3A_169, %dma_wait3A_226] : memref<2x128xi32, #tpu.memory_space<vmem>> -> memref<1x128xi32, #tpu.memory_space<vmem>>
        %dma_wait3A_228 = tpu.memref_squeeze %dma_wait3A_227 : memref<1x128xi32, #tpu.memory_space<vmem>> -> memref<128xi32, #tpu.memory_space<vmem>>
        %dma_wait3A_229 = arith.constant 0 : i32
        %dma_wait3A_230 = arith.constant 0 : i32
        %dma_wait3A_231 = tpu.memref_slice %arg10[%dma_wait3A_229, %dma_wait3A_230] : memref<10112x128xf32, #tpu.memory_space<vmem_shared>> -> memref<10112x128xf32, #tpu.memory_space<vmem_shared>>
        tpu.wait_indirect_dma semaphore(%run_scoped3A_213 : memref<!tpu.dma_semaphore, #tpu.memory_space<semaphore_mem>>) src(%arg8 : memref<128x128xf32, #tpu.memory_space<vmem>>) dst(%dma_wait3A_231 : memref<10112x128xf32, #tpu.memory_space<vmem_shared>>)
        tpu.yield
      }) : () -> ()
      %mul3A_170 = arith.constant 2 : i32
      %mul3A_171 = arith.muli %mul3A_170, %add3A_158 : i32
      %add3A_172 = arith.constant 6 : i32
      %add3A_173 = arith.addi %mul3A_171, %add3A_172 : i32
      "tpu.region"() ({
        %run_scoped3A_213 = tpu.sem_alloc : memref<!tpu.dma_semaphore, #tpu.memory_space<semaphore_mem>>
        %dma_start3A_214 = arith.constant 2 : i32
        %dma_start3A_215 = arith.constant 0 : i32
        %dma_start3A_216 = tpu.memref_slice %arg6[%dma_start3A_214, %dma_start3A_215] : memref<6x128xi32, #tpu.memory_space<vmem>> -> memref<2x128xi32, #tpu.memory_space<vmem>>
        %dma_start3A_217 = arith.constant 0 : i32
        %dma_start3A_218 = arith.constant 0 : i32
        %dma_start3A_219 = tpu.memref_slice %arg3[%arg0, %arg1, %dma_start3A_217, %dma_start3A_218] : memref<2x16x270x128xi32, #tpu.memory_space<hbm>> -> memref<1x1x270x128xi32, #tpu.memory_space<hbm>>
        %dma_start3A_220 = tpu.memref_squeeze %dma_start3A_219 : memref<1x1x270x128xi32, #tpu.memory_space<hbm>> -> memref<270x128xi32, #tpu.memory_space<hbm>>
        %dma_start3A_221 = arith.constant 0 : i32
        %dma_start3A_222 = tpu.memref_slice %dma_start3A_220[%add3A_173, %dma_start3A_221] : memref<270x128xi32, #tpu.memory_space<hbm>> -> memref<2x128xi32, #tpu.memory_space<hbm>>
        %dma_start3A_223 = arith.constant 2 : i32
        %dma_start3A_224 = arith.constant 0 : i32
        %dma_start3A_225 = tpu.memref_slice %arg6[%dma_start3A_223, %dma_start3A_224] : memref<6x128xi32, #tpu.memory_space<vmem>> -> memref<2x128xi32, #tpu.memory_space<vmem>>
        %dma_start3A_226 = arith.constant 0 : i32
        %dma_start3A_227 = arith.constant 0 : i32
        %dma_start3A_228 = tpu.memref_slice %arg3[%arg0, %arg1, %dma_start3A_226, %dma_start3A_227] : memref<2x16x270x128xi32, #tpu.memory_space<hbm>> -> memref<1x1x270x128xi32, #tpu.memory_space<hbm>>
        %dma_start3A_229 = tpu.memref_squeeze %dma_start3A_228 : memref<1x1x270x128xi32, #tpu.memory_space<hbm>> -> memref<270x128xi32, #tpu.memory_space<hbm>>
        %dma_start3A_230 = arith.constant 0 : i32
        %dma_start3A_231 = tpu.memref_slice %dma_start3A_229[%add3A_173, %dma_start3A_230] : memref<270x128xi32, #tpu.memory_space<hbm>> -> memref<2x128xi32, #tpu.memory_space<hbm>>
        tpu.enqueue_dma source(%dma_start3A_231 : memref<2x128xi32, #tpu.memory_space<hbm>>) target(%dma_start3A_225 : memref<2x128xi32, #tpu.memory_space<vmem>>) target_semaphore(%run_scoped3A_213 : memref<!tpu.dma_semaphore, #tpu.memory_space<semaphore_mem>>)
        %dma_wait3A_232 = arith.constant 2 : i32
        %dma_wait3A_233 = arith.constant 0 : i32
        %dma_wait3A_234 = tpu.memref_slice %arg6[%dma_wait3A_232, %dma_wait3A_233] : memref<6x128xi32, #tpu.memory_space<vmem>> -> memref<2x128xi32, #tpu.memory_space<vmem>>
        %dma_wait3A_235 = arith.constant 0 : i32
        %dma_wait3A_236 = arith.constant 0 : i32
        %dma_wait3A_237 = tpu.memref_slice %arg3[%arg0, %arg1, %dma_wait3A_235, %dma_wait3A_236] : memref<2x16x270x128xi32, #tpu.memory_space<hbm>> -> memref<1x1x270x128xi32, #tpu.memory_space<hbm>>
        %dma_wait3A_238 = tpu.memref_squeeze %dma_wait3A_237 : memref<1x1x270x128xi32, #tpu.memory_space<hbm>> -> memref<270x128xi32, #tpu.memory_space<hbm>>
        %dma_wait3A_239 = arith.constant 0 : i32
        %dma_wait3A_240 = tpu.memref_slice %dma_wait3A_238[%add3A_173, %dma_wait3A_239] : memref<270x128xi32, #tpu.memory_space<hbm>> -> memref<2x128xi32, #tpu.memory_space<hbm>>
        %dma_wait3A_241 = arith.constant 2 : i32
        %dma_wait3A_242 = arith.constant 0 : i32
        %dma_wait3A_243 = tpu.memref_slice %arg6[%dma_wait3A_241, %dma_wait3A_242] : memref<6x128xi32, #tpu.memory_space<vmem>> -> memref<2x128xi32, #tpu.memory_space<vmem>>
        %dma_wait3A_244 = arith.constant 0 : i32
        %dma_wait3A_245 = arith.constant 0 : i32
        %dma_wait3A_246 = tpu.memref_slice %arg3[%arg0, %arg1, %dma_wait3A_244, %dma_wait3A_245] : memref<2x16x270x128xi32, #tpu.memory_space<hbm>> -> memref<1x1x270x128xi32, #tpu.memory_space<hbm>>
        %dma_wait3A_247 = tpu.memref_squeeze %dma_wait3A_246 : memref<1x1x270x128xi32, #tpu.memory_space<hbm>> -> memref<270x128xi32, #tpu.memory_space<hbm>>
        %dma_wait3A_248 = arith.constant 0 : i32
        %dma_wait3A_249 = tpu.memref_slice %dma_wait3A_247[%add3A_173, %dma_wait3A_248] : memref<270x128xi32, #tpu.memory_space<hbm>> -> memref<2x128xi32, #tpu.memory_space<hbm>>
        tpu.wait_dma2 semaphore(%run_scoped3A_213 : memref<!tpu.dma_semaphore, #tpu.memory_space<semaphore_mem>>) src(%dma_wait3A_249 : memref<2x128xi32, #tpu.memory_space<hbm>>) dst(%dma_wait3A_243 : memref<2x128xi32, #tpu.memory_space<vmem>>)
        tpu.yield
      }) : () -> ()
      %dma_start3A_174 = arith.constant 0 : i32
      %dma_start3A_175 = arith.constant 2 : i32
      %dma_start3A_176 = arith.constant 0 : i32
      %dma_start3A_177 = tpu.memref_slice %arg6[%dma_start3A_175, %dma_start3A_176] : memref<6x128xi32, #tpu.memory_space<vmem>> -> memref<2x128xi32, #tpu.memory_space<vmem>>
      %dma_start3A_178 = arith.constant 0 : i32
      %dma_start3A_179 = tpu.memref_slice %dma_start3A_177[%dma_start3A_174, %dma_start3A_178] : memref<2x128xi32, #tpu.memory_space<vmem>> -> memref<1x128xi32, #tpu.memory_space<vmem>>
      %dma_start3A_180 = tpu.memref_squeeze %dma_start3A_179 : memref<1x128xi32, #tpu.memory_space<vmem>> -> memref<128xi32, #tpu.memory_space<vmem>>
      %dma_start3A_181 = arith.constant 0 : i32
      %dma_start3A_182 = arith.constant 0 : i32
      %dma_start3A_183 = tpu.memref_slice %arg2[%dma_start3A_181, %dma_start3A_182] : memref<10000x128xf32, #tpu.memory_space<hbm>> -> memref<10000x128xf32, #tpu.memory_space<hbm>>
      tpu.enqueue_indirect_dma source(%dma_start3A_183 : memref<10000x128xf32, #tpu.memory_space<hbm>>) target(%arg8 : memref<128x128xf32, #tpu.memory_space<vmem>>) offsets(%dma_start3A_180 : memref<128xi32, #tpu.memory_space<vmem>>) semaphore(%arg12 : memref<!tpu.dma_semaphore, #tpu.memory_space<semaphore_mem>>)
      %mul3A_184 = arith.constant 3 : i32
      %mul3A_185 = arith.muli %mul3A_184, %while3A_126 : i32
      %add3A_186 = arith.constant 2 : i32
      %add3A_187 = arith.addi %mul3A_185, %add3A_186 : i32
      %dma_wait3A_188 = arith.constant 0 : i32
      %dma_wait3A_189 = arith.constant 4 : i32
      %dma_wait3A_190 = arith.constant 0 : i32
      %dma_wait3A_191 = tpu.memref_slice %arg6[%dma_wait3A_189, %dma_wait3A_190] : memref<6x128xi32, #tpu.memory_space<vmem>> -> memref<2x128xi32, #tpu.memory_space<vmem>>
      %dma_wait3A_192 = arith.constant 0 : i32
      %dma_wait3A_193 = tpu.memref_slice %dma_wait3A_191[%dma_wait3A_188, %dma_wait3A_192] : memref<2x128xi32, #tpu.memory_space<vmem>> -> memref<1x128xi32, #tpu.memory_space<vmem>>
      %dma_wait3A_194 = tpu.memref_squeeze %dma_wait3A_193 : memref<1x128xi32, #tpu.memory_space<vmem>> -> memref<128xi32, #tpu.memory_space<vmem>>
      %dma_wait3A_195 = arith.constant 0 : i32
      %dma_wait3A_196 = arith.constant 0 : i32
      %dma_wait3A_197 = tpu.memref_slice %arg2[%dma_wait3A_195, %dma_wait3A_196] : memref<10000x128xf32, #tpu.memory_space<hbm>> -> memref<10000x128xf32, #tpu.memory_space<hbm>>
      tpu.wait_indirect_dma semaphore(%arg13 : memref<!tpu.dma_semaphore, #tpu.memory_space<semaphore_mem>>) src(%dma_wait3A_197 : memref<10000x128xf32, #tpu.memory_space<hbm>>) dst(%arg9 : memref<128x128xf32, #tpu.memory_space<vmem>>)
      %run_scoped3A_198 = arith.constant 1 : i32
      "tpu.region"() ({
        %run_scoped3A_213 = tpu.sem_alloc : memref<!tpu.dma_semaphore, #tpu.memory_space<semaphore_mem>>
        %dma_start3A_214 = arith.constant 4 : i32
        %dma_start3A_215 = arith.constant 0 : i32
        %dma_start3A_216 = tpu.memref_slice %arg6[%dma_start3A_214, %dma_start3A_215] : memref<6x128xi32, #tpu.memory_space<vmem>> -> memref<2x128xi32, #tpu.memory_space<vmem>>
        %dma_start3A_217 = arith.constant 0 : i32
        %dma_start3A_218 = tpu.memref_slice %dma_start3A_216[%run_scoped3A_198, %dma_start3A_217] : memref<2x128xi32, #tpu.memory_space<vmem>> -> memref<1x128xi32, #tpu.memory_space<vmem>>
        %dma_start3A_219 = tpu.memref_squeeze %dma_start3A_218 : memref<1x128xi32, #tpu.memory_space<vmem>> -> memref<128xi32, #tpu.memory_space<vmem>>
        %dma_start3A_220 = arith.constant 0 : i32
        %dma_start3A_221 = arith.constant 0 : i32
        %dma_start3A_222 = tpu.memref_slice %arg10[%dma_start3A_220, %dma_start3A_221] : memref<10112x128xf32, #tpu.memory_space<vmem_shared>> -> memref<10112x128xf32, #tpu.memory_space<vmem_shared>>
        tpu.enqueue_indirect_dma source(%arg9 : memref<128x128xf32, #tpu.memory_space<vmem>>) target(%dma_start3A_222 : memref<10112x128xf32, #tpu.memory_space<vmem_shared>>) offsets(%dma_start3A_219 : memref<128xi32, #tpu.memory_space<vmem>>) semaphore(%run_scoped3A_213 : memref<!tpu.dma_semaphore, #tpu.memory_space<semaphore_mem>>) {add = true}
        %dma_wait3A_223 = arith.constant 4 : i32
        %dma_wait3A_224 = arith.constant 0 : i32
        %dma_wait3A_225 = tpu.memref_slice %arg6[%dma_wait3A_223, %dma_wait3A_224] : memref<6x128xi32, #tpu.memory_space<vmem>> -> memref<2x128xi32, #tpu.memory_space<vmem>>
        %dma_wait3A_226 = arith.constant 0 : i32
        %dma_wait3A_227 = tpu.memref_slice %dma_wait3A_225[%run_scoped3A_198, %dma_wait3A_226] : memref<2x128xi32, #tpu.memory_space<vmem>> -> memref<1x128xi32, #tpu.memory_space<vmem>>
        %dma_wait3A_228 = tpu.memref_squeeze %dma_wait3A_227 : memref<1x128xi32, #tpu.memory_space<vmem>> -> memref<128xi32, #tpu.memory_space<vmem>>
        %dma_wait3A_229 = arith.constant 0 : i32
        %dma_wait3A_230 = arith.constant 0 : i32
        %dma_wait3A_231 = tpu.memref_slice %arg10[%dma_wait3A_229, %dma_wait3A_230] : memref<10112x128xf32, #tpu.memory_space<vmem_shared>> -> memref<10112x128xf32, #tpu.memory_space<vmem_shared>>
        tpu.wait_indirect_dma semaphore(%run_scoped3A_213 : memref<!tpu.dma_semaphore, #tpu.memory_space<semaphore_mem>>) src(%arg9 : memref<128x128xf32, #tpu.memory_space<vmem>>) dst(%dma_wait3A_231 : memref<10112x128xf32, #tpu.memory_space<vmem_shared>>)
        tpu.yield
      }) : () -> ()
      %mul3A_199 = arith.constant 2 : i32
      %mul3A_200 = arith.muli %mul3A_199, %add3A_187 : i32
      %add3A_201 = arith.constant 6 : i32
      %add3A_202 = arith.addi %mul3A_200, %add3A_201 : i32
      "tpu.region"() ({
        %run_scoped3A_213 = tpu.sem_alloc : memref<!tpu.dma_semaphore, #tpu.memory_space<semaphore_mem>>
        %dma_start3A_214 = arith.constant 4 : i32
        %dma_start3A_215 = arith.constant 0 : i32
        %dma_start3A_216 = tpu.memref_slice %arg6[%dma_start3A_214, %dma_start3A_215] : memref<6x128xi32, #tpu.memory_space<vmem>> -> memref<2x128xi32, #tpu.memory_space<vmem>>
        %dma_start3A_217 = arith.constant 0 : i32
        %dma_start3A_218 = arith.constant 0 : i32
        %dma_start3A_219 = tpu.memref_slice %arg3[%arg0, %arg1, %dma_start3A_217, %dma_start3A_218] : memref<2x16x270x128xi32, #tpu.memory_space<hbm>> -> memref<1x1x270x128xi32, #tpu.memory_space<hbm>>
        %dma_start3A_220 = tpu.memref_squeeze %dma_start3A_219 : memref<1x1x270x128xi32, #tpu.memory_space<hbm>> -> memref<270x128xi32, #tpu.memory_space<hbm>>
        %dma_start3A_221 = arith.constant 0 : i32
        %dma_start3A_222 = tpu.memref_slice %dma_start3A_220[%add3A_202, %dma_start3A_221] : memref<270x128xi32, #tpu.memory_space<hbm>> -> memref<2x128xi32, #tpu.memory_space<hbm>>
        %dma_start3A_223 = arith.constant 4 : i32
        %dma_start3A_224 = arith.constant 0 : i32
        %dma_start3A_225 = tpu.memref_slice %arg6[%dma_start3A_223, %dma_start3A_224] : memref<6x128xi32, #tpu.memory_space<vmem>> -> memref<2x128xi32, #tpu.memory_space<vmem>>
        %dma_start3A_226 = arith.constant 0 : i32
        %dma_start3A_227 = arith.constant 0 : i32
        %dma_start3A_228 = tpu.memref_slice %arg3[%arg0, %arg1, %dma_start3A_226, %dma_start3A_227] : memref<2x16x270x128xi32, #tpu.memory_space<hbm>> -> memref<1x1x270x128xi32, #tpu.memory_space<hbm>>
        %dma_start3A_229 = tpu.memref_squeeze %dma_start3A_228 : memref<1x1x270x128xi32, #tpu.memory_space<hbm>> -> memref<270x128xi32, #tpu.memory_space<hbm>>
        %dma_start3A_230 = arith.constant 0 : i32
        %dma_start3A_231 = tpu.memref_slice %dma_start3A_229[%add3A_202, %dma_start3A_230] : memref<270x128xi32, #tpu.memory_space<hbm>> -> memref<2x128xi32, #tpu.memory_space<hbm>>
        tpu.enqueue_dma source(%dma_start3A_231 : memref<2x128xi32, #tpu.memory_space<hbm>>) target(%dma_start3A_225 : memref<2x128xi32, #tpu.memory_space<vmem>>) target_semaphore(%run_scoped3A_213 : memref<!tpu.dma_semaphore, #tpu.memory_space<semaphore_mem>>)
        %dma_wait3A_232 = arith.constant 4 : i32
        %dma_wait3A_233 = arith.constant 0 : i32
        %dma_wait3A_234 = tpu.memref_slice %arg6[%dma_wait3A_232, %dma_wait3A_233] : memref<6x128xi32, #tpu.memory_space<vmem>> -> memref<2x128xi32, #tpu.memory_space<vmem>>
        %dma_wait3A_235 = arith.constant 0 : i32
        %dma_wait3A_236 = arith.constant 0 : i32
        %dma_wait3A_237 = tpu.memref_slice %arg3[%arg0, %arg1, %dma_wait3A_235, %dma_wait3A_236] : memref<2x16x270x128xi32, #tpu.memory_space<hbm>> -> memref<1x1x270x128xi32, #tpu.memory_space<hbm>>
        %dma_wait3A_238 = tpu.memref_squeeze %dma_wait3A_237 : memref<1x1x270x128xi32, #tpu.memory_space<hbm>> -> memref<270x128xi32, #tpu.memory_space<hbm>>
        %dma_wait3A_239 = arith.constant 0 : i32
        %dma_wait3A_240 = tpu.memref_slice %dma_wait3A_238[%add3A_202, %dma_wait3A_239] : memref<270x128xi32, #tpu.memory_space<hbm>> -> memref<2x128xi32, #tpu.memory_space<hbm>>
        %dma_wait3A_241 = arith.constant 4 : i32
        %dma_wait3A_242 = arith.constant 0 : i32
        %dma_wait3A_243 = tpu.memref_slice %arg6[%dma_wait3A_241, %dma_wait3A_242] : memref<6x128xi32, #tpu.memory_space<vmem>> -> memref<2x128xi32, #tpu.memory_space<vmem>>
        %dma_wait3A_244 = arith.constant 0 : i32
        %dma_wait3A_245 = arith.constant 0 : i32
        %dma_wait3A_246 = tpu.memref_slice %arg3[%arg0, %arg1, %dma_wait3A_244, %dma_wait3A_245] : memref<2x16x270x128xi32, #tpu.memory_space<hbm>> -> memref<1x1x270x128xi32, #tpu.memory_space<hbm>>
        %dma_wait3A_247 = tpu.memref_squeeze %dma_wait3A_246 : memref<1x1x270x128xi32, #tpu.memory_space<hbm>> -> memref<270x128xi32, #tpu.memory_space<hbm>>
        %dma_wait3A_248 = arith.constant 0 : i32
        %dma_wait3A_249 = tpu.memref_slice %dma_wait3A_247[%add3A_202, %dma_wait3A_248] : memref<270x128xi32, #tpu.memory_space<hbm>> -> memref<2x128xi32, #tpu.memory_space<hbm>>
        tpu.wait_dma2 semaphore(%run_scoped3A_213 : memref<!tpu.dma_semaphore, #tpu.memory_space<semaphore_mem>>) src(%dma_wait3A_249 : memref<2x128xi32, #tpu.memory_space<hbm>>) dst(%dma_wait3A_243 : memref<2x128xi32, #tpu.memory_space<vmem>>)
        tpu.yield
      }) : () -> ()
      %dma_start3A_203 = arith.constant 0 : i32
      %dma_start3A_204 = arith.constant 4 : i32
      %dma_start3A_205 = arith.constant 0 : i32
      %dma_start3A_206 = tpu.memref_slice %arg6[%dma_start3A_204, %dma_start3A_205] : memref<6x128xi32, #tpu.memory_space<vmem>> -> memref<2x128xi32, #tpu.memory_space<vmem>>
      %dma_start3A_207 = arith.constant 0 : i32
      %dma_start3A_208 = tpu.memref_slice %dma_start3A_206[%dma_start3A_203, %dma_start3A_207] : memref<2x128xi32, #tpu.memory_space<vmem>> -> memref<1x128xi32, #tpu.memory_space<vmem>>
      %dma_start3A_209 = tpu.memref_squeeze %dma_start3A_208 : memref<1x128xi32, #tpu.memory_space<vmem>> -> memref<128xi32, #tpu.memory_space<vmem>>
      %dma_start3A_210 = arith.constant 0 : i32
      %dma_start3A_211 = arith.constant 0 : i32
      %dma_start3A_212 = tpu.memref_slice %arg2[%dma_start3A_210, %dma_start3A_211] : memref<10000x128xf32, #tpu.memory_space<hbm>> -> memref<10000x128xf32, #tpu.memory_space<hbm>>
      tpu.enqueue_indirect_dma source(%dma_start3A_212 : memref<10000x128xf32, #tpu.memory_space<hbm>>) target(%arg9 : memref<128x128xf32, #tpu.memory_space<vmem>>) offsets(%dma_start3A_209 : memref<128xi32, #tpu.memory_space<vmem>>) semaphore(%arg13 : memref<!tpu.dma_semaphore, #tpu.memory_space<semaphore_mem>>)
    }
    %while3A_75 = arith.constant 1 : i32
    scf.for %while3A_126 = %while3A_73 to %while3A_69 step %while3A_75  : i32 {
      %mul3A_127 = arith.constant 3 : i32
      %mul3A_128 = arith.muli %mul3A_127, %while3A_126 : i32
      %add3A_129 = arith.constant 0 : i32
      %add3A_130 = arith.addi %mul3A_128, %add3A_129 : i32
      %dma_wait3A_131 = arith.constant 0 : i32
      %dma_wait3A_132 = arith.constant 0 : i32
      %dma_wait3A_133 = arith.constant 0 : i32
      %dma_wait3A_134 = tpu.memref_slice %arg6[%dma_wait3A_132, %dma_wait3A_133] : memref<6x128xi32, #tpu.memory_space<vmem>> -> memref<2x128xi32, #tpu.memory_space<vmem>>
      %dma_wait3A_135 = arith.constant 0 : i32
      %dma_wait3A_136 = tpu.memref_slice %dma_wait3A_134[%dma_wait3A_131, %dma_wait3A_135] : memref<2x128xi32, #tpu.memory_space<vmem>> -> memref<1x128xi32, #tpu.memory_space<vmem>>
      %dma_wait3A_137 = tpu.memref_squeeze %dma_wait3A_136 : memref<1x128xi32, #tpu.memory_space<vmem>> -> memref<128xi32, #tpu.memory_space<vmem>>
      %dma_wait3A_138 = arith.constant 0 : i32
      %dma_wait3A_139 = arith.constant 0 : i32
      %dma_wait3A_140 = tpu.memref_slice %arg2[%dma_wait3A_138, %dma_wait3A_139] : memref<10000x128xf32, #tpu.memory_space<hbm>> -> memref<10000x128xf32, #tpu.memory_space<hbm>>
      tpu.wait_indirect_dma semaphore(%arg11 : memref<!tpu.dma_semaphore, #tpu.memory_space<semaphore_mem>>) src(%dma_wait3A_140 : memref<10000x128xf32, #tpu.memory_space<hbm>>) dst(%arg7 : memref<128x128xf32, #tpu.memory_space<vmem>>)
      %run_scoped3A = arith.constant 1 : i32
      "tpu.region"() ({
        %run_scoped3A_213 = tpu.sem_alloc : memref<!tpu.dma_semaphore, #tpu.memory_space<semaphore_mem>>
        %dma_start3A_214 = arith.constant 0 : i32
        %dma_start3A_215 = arith.constant 0 : i32
        %dma_start3A_216 = tpu.memref_slice %arg6[%dma_start3A_214, %dma_start3A_215] : memref<6x128xi32, #tpu.memory_space<vmem>> -> memref<2x128xi32, #tpu.memory_space<vmem>>
        %dma_start3A_217 = arith.constant 0 : i32
        %dma_start3A_218 = tpu.memref_slice %dma_start3A_216[%run_scoped3A, %dma_start3A_217] : memref<2x128xi32, #tpu.memory_space<vmem>> -> memref<1x128xi32, #tpu.memory_space<vmem>>
        %dma_start3A_219 = tpu.memref_squeeze %dma_start3A_218 : memref<1x128xi32, #tpu.memory_space<vmem>> -> memref<128xi32, #tpu.memory_space<vmem>>
        %dma_start3A_220 = arith.constant 0 : i32
        %dma_start3A_221 = arith.constant 0 : i32
        %dma_start3A_222 = tpu.memref_slice %arg10[%dma_start3A_220, %dma_start3A_221] : memref<10112x128xf32, #tpu.memory_space<vmem_shared>> -> memref<10112x128xf32, #tpu.memory_space<vmem_shared>>
        tpu.enqueue_indirect_dma source(%arg7 : memref<128x128xf32, #tpu.memory_space<vmem>>) target(%dma_start3A_222 : memref<10112x128xf32, #tpu.memory_space<vmem_shared>>) offsets(%dma_start3A_219 : memref<128xi32, #tpu.memory_space<vmem>>) semaphore(%run_scoped3A_213 : memref<!tpu.dma_semaphore, #tpu.memory_space<semaphore_mem>>) {add = true}
        %dma_wait3A_223 = arith.constant 0 : i32
        %dma_wait3A_224 = arith.constant 0 : i32
        %dma_wait3A_225 = tpu.memref_slice %arg6[%dma_wait3A_223, %dma_wait3A_224] : memref<6x128xi32, #tpu.memory_space<vmem>> -> memref<2x128xi32, #tpu.memory_space<vmem>>
        %dma_wait3A_226 = arith.constant 0 : i32
        %dma_wait3A_227 = tpu.memref_slice %dma_wait3A_225[%run_scoped3A, %dma_wait3A_226] : memref<2x128xi32, #tpu.memory_space<vmem>> -> memref<1x128xi32, #tpu.memory_space<vmem>>
        %dma_wait3A_228 = tpu.memref_squeeze %dma_wait3A_227 : memref<1x128xi32, #tpu.memory_space<vmem>> -> memref<128xi32, #tpu.memory_space<vmem>>
        %dma_wait3A_229 = arith.constant 0 : i32
        %dma_wait3A_230 = arith.constant 0 : i32
        %dma_wait3A_231 = tpu.memref_slice %arg10[%dma_wait3A_229, %dma_wait3A_230] : memref<10112x128xf32, #tpu.memory_space<vmem_shared>> -> memref<10112x128xf32, #tpu.memory_space<vmem_shared>>
        tpu.wait_indirect_dma semaphore(%run_scoped3A_213 : memref<!tpu.dma_semaphore, #tpu.memory_space<semaphore_mem>>) src(%arg7 : memref<128x128xf32, #tpu.memory_space<vmem>>) dst(%dma_wait3A_231 : memref<10112x128xf32, #tpu.memory_space<vmem_shared>>)
        tpu.yield
      }) : () -> ()
      %mul3A_141 = arith.constant 2 : i32
      %mul3A_142 = arith.muli %mul3A_141, %add3A_130 : i32
      %add3A_143 = arith.constant 6 : i32
      %add3A_144 = arith.addi %mul3A_142, %add3A_143 : i32
      "tpu.region"() ({
        %run_scoped3A_213 = tpu.sem_alloc : memref<!tpu.dma_semaphore, #tpu.memory_space<semaphore_mem>>
        %dma_start3A_214 = arith.constant 0 : i32
        %dma_start3A_215 = arith.constant 0 : i32
        %dma_start3A_216 = tpu.memref_slice %arg6[%dma_start3A_214, %dma_start3A_215] : memref<6x128xi32, #tpu.memory_space<vmem>> -> memref<2x128xi32, #tpu.memory_space<vmem>>
        %dma_start3A_217 = arith.constant 0 : i32
        %dma_start3A_218 = arith.constant 0 : i32
        %dma_start3A_219 = tpu.memref_slice %arg3[%arg0, %arg1, %dma_start3A_217, %dma_start3A_218] : memref<2x16x270x128xi32, #tpu.memory_space<hbm>> -> memref<1x1x270x128xi32, #tpu.memory_space<hbm>>
        %dma_start3A_220 = tpu.memref_squeeze %dma_start3A_219 : memref<1x1x270x128xi32, #tpu.memory_space<hbm>> -> memref<270x128xi32, #tpu.memory_space<hbm>>
        %dma_start3A_221 = arith.constant 0 : i32
        %dma_start3A_222 = tpu.memref_slice %dma_start3A_220[%add3A_144, %dma_start3A_221] : memref<270x128xi32, #tpu.memory_space<hbm>> -> memref<2x128xi32, #tpu.memory_space<hbm>>
        %dma_start3A_223 = arith.constant 0 : i32
        %dma_start3A_224 = arith.constant 0 : i32
        %dma_start3A_225 = tpu.memref_slice %arg6[%dma_start3A_223, %dma_start3A_224] : memref<6x128xi32, #tpu.memory_space<vmem>> -> memref<2x128xi32, #tpu.memory_space<vmem>>
        %dma_start3A_226 = arith.constant 0 : i32
        %dma_start3A_227 = arith.constant 0 : i32
        %dma_start3A_228 = tpu.memref_slice %arg3[%arg0, %arg1, %dma_start3A_226, %dma_start3A_227] : memref<2x16x270x128xi32, #tpu.memory_space<hbm>> -> memref<1x1x270x128xi32, #tpu.memory_space<hbm>>
        %dma_start3A_229 = tpu.memref_squeeze %dma_start3A_228 : memref<1x1x270x128xi32, #tpu.memory_space<hbm>> -> memref<270x128xi32, #tpu.memory_space<hbm>>
        %dma_start3A_230 = arith.constant 0 : i32
        %dma_start3A_231 = tpu.memref_slice %dma_start3A_229[%add3A_144, %dma_start3A_230] : memref<270x128xi32, #tpu.memory_space<hbm>> -> memref<2x128xi32, #tpu.memory_space<hbm>>
        tpu.enqueue_dma source(%dma_start3A_231 : memref<2x128xi32, #tpu.memory_space<hbm>>) target(%dma_start3A_225 : memref<2x128xi32, #tpu.memory_space<vmem>>) target_semaphore(%run_scoped3A_213 : memref<!tpu.dma_semaphore, #tpu.memory_space<semaphore_mem>>)
        %dma_wait3A_232 = arith.constant 0 : i32
        %dma_wait3A_233 = arith.constant 0 : i32
        %dma_wait3A_234 = tpu.memref_slice %arg6[%dma_wait3A_232, %dma_wait3A_233] : memref<6x128xi32, #tpu.memory_space<vmem>> -> memref<2x128xi32, #tpu.memory_space<vmem>>
        %dma_wait3A_235 = arith.constant 0 : i32
        %dma_wait3A_236 = arith.constant 0 : i32
        %dma_wait3A_237 = tpu.memref_slice %arg3[%arg0, %arg1, %dma_wait3A_235, %dma_wait3A_236] : memref<2x16x270x128xi32, #tpu.memory_space<hbm>> -> memref<1x1x270x128xi32, #tpu.memory_space<hbm>>
        %dma_wait3A_238 = tpu.memref_squeeze %dma_wait3A_237 : memref<1x1x270x128xi32, #tpu.memory_space<hbm>> -> memref<270x128xi32, #tpu.memory_space<hbm>>
        %dma_wait3A_239 = arith.constant 0 : i32
        %dma_wait3A_240 = tpu.memref_slice %dma_wait3A_238[%add3A_144, %dma_wait3A_239] : memref<270x128xi32, #tpu.memory_space<hbm>> -> memref<2x128xi32, #tpu.memory_space<hbm>>
        %dma_wait3A_241 = arith.constant 0 : i32
        %dma_wait3A_242 = arith.constant 0 : i32
        %dma_wait3A_243 = tpu.memref_slice %arg6[%dma_wait3A_241, %dma_wait3A_242] : memref<6x128xi32, #tpu.memory_space<vmem>> -> memref<2x128xi32, #tpu.memory_space<vmem>>
        %dma_wait3A_244 = arith.constant 0 : i32
        %dma_wait3A_245 = arith.constant 0 : i32
        %dma_wait3A_246 = tpu.memref_slice %arg3[%arg0, %arg1, %dma_wait3A_244, %dma_wait3A_245] : memref<2x16x270x128xi32, #tpu.memory_space<hbm>> -> memref<1x1x270x128xi32, #tpu.memory_space<hbm>>
        %dma_wait3A_247 = tpu.memref_squeeze %dma_wait3A_246 : memref<1x1x270x128xi32, #tpu.memory_space<hbm>> -> memref<270x128xi32, #tpu.memory_space<hbm>>
        %dma_wait3A_248 = arith.constant 0 : i32
        %dma_wait3A_249 = tpu.memref_slice %dma_wait3A_247[%add3A_144, %dma_wait3A_248] : memref<270x128xi32, #tpu.memory_space<hbm>> -> memref<2x128xi32, #tpu.memory_space<hbm>>
        tpu.wait_dma2 semaphore(%run_scoped3A_213 : memref<!tpu.dma_semaphore, #tpu.memory_space<semaphore_mem>>) src(%dma_wait3A_249 : memref<2x128xi32, #tpu.memory_space<hbm>>) dst(%dma_wait3A_243 : memref<2x128xi32, #tpu.memory_space<vmem>>)
        tpu.yield
      }) : () -> ()
      %dma_start3A_145 = arith.constant 0 : i32
      %dma_start3A_146 = arith.constant 0 : i32
      %dma_start3A_147 = arith.constant 0 : i32
      %dma_start3A_148 = tpu.memref_slice %arg6[%dma_start3A_146, %dma_start3A_147] : memref<6x128xi32, #tpu.memory_space<vmem>> -> memref<2x128xi32, #tpu.memory_space<vmem>>
      %dma_start3A_149 = arith.constant 0 : i32
      %dma_start3A_150 = tpu.memref_slice %dma_start3A_148[%dma_start3A_145, %dma_start3A_149] : memref<2x128xi32, #tpu.memory_space<vmem>> -> memref<1x128xi32, #tpu.memory_space<vmem>>
      %dma_start3A_151 = tpu.memref_squeeze %dma_start3A_150 : memref<1x128xi32, #tpu.memory_space<vmem>> -> memref<128xi32, #tpu.memory_space<vmem>>
      %dma_start3A_152 = arith.constant 0 : i32
      %dma_start3A_153 = arith.constant 0 : i32
      %dma_start3A_154 = tpu.memref_slice %arg2[%dma_start3A_152, %dma_start3A_153] : memref<10000x128xf32, #tpu.memory_space<hbm>> -> memref<10000x128xf32, #tpu.memory_space<hbm>>
      tpu.enqueue_indirect_dma source(%dma_start3A_154 : memref<10000x128xf32, #tpu.memory_space<hbm>>) target(%arg7 : memref<128x128xf32, #tpu.memory_space<vmem>>) offsets(%dma_start3A_151 : memref<128xi32, #tpu.memory_space<vmem>>) semaphore(%arg11 : memref<!tpu.dma_semaphore, #tpu.memory_space<semaphore_mem>>)
      %mul3A_155 = arith.constant 3 : i32
      %mul3A_156 = arith.muli %mul3A_155, %while3A_126 : i32
      %add3A_157 = arith.constant 1 : i32
      %add3A_158 = arith.addi %mul3A_156, %add3A_157 : i32
      %dma_wait3A_159 = arith.constant 0 : i32
      %dma_wait3A_160 = arith.constant 2 : i32
      %dma_wait3A_161 = arith.constant 0 : i32
      %dma_wait3A_162 = tpu.memref_slice %arg6[%dma_wait3A_160, %dma_wait3A_161] : memref<6x128xi32, #tpu.memory_space<vmem>> -> memref<2x128xi32, #tpu.memory_space<vmem>>
      %dma_wait3A_163 = arith.constant 0 : i32
      %dma_wait3A_164 = tpu.memref_slice %dma_wait3A_162[%dma_wait3A_159, %dma_wait3A_163] : memref<2x128xi32, #tpu.memory_space<vmem>> -> memref<1x128xi32, #tpu.memory_space<vmem>>
      %dma_wait3A_165 = tpu.memref_squeeze %dma_wait3A_164 : memref<1x128xi32, #tpu.memory_space<vmem>> -> memref<128xi32, #tpu.memory_space<vmem>>
      %dma_wait3A_166 = arith.constant 0 : i32
      %dma_wait3A_167 = arith.constant 0 : i32
      %dma_wait3A_168 = tpu.memref_slice %arg2[%dma_wait3A_166, %dma_wait3A_167] : memref<10000x128xf32, #tpu.memory_space<hbm>> -> memref<10000x128xf32, #tpu.memory_space<hbm>>
      tpu.wait_indirect_dma semaphore(%arg12 : memref<!tpu.dma_semaphore, #tpu.memory_space<semaphore_mem>>) src(%dma_wait3A_168 : memref<10000x128xf32, #tpu.memory_space<hbm>>) dst(%arg8 : memref<128x128xf32, #tpu.memory_space<vmem>>)
      %run_scoped3A_169 = arith.constant 1 : i32
      "tpu.region"() ({
        %run_scoped3A_213 = tpu.sem_alloc : memref<!tpu.dma_semaphore, #tpu.memory_space<semaphore_mem>>
        %dma_start3A_214 = arith.constant 2 : i32
        %dma_start3A_215 = arith.constant 0 : i32
        %dma_start3A_216 = tpu.memref_slice %arg6[%dma_start3A_214, %dma_start3A_215] : memref<6x128xi32, #tpu.memory_space<vmem>> -> memref<2x128xi32, #tpu.memory_space<vmem>>
        %dma_start3A_217 = arith.constant 0 : i32
        %dma_start3A_218 = tpu.memref_slice %dma_start3A_216[%run_scoped3A_169, %dma_start3A_217] : memref<2x128xi32, #tpu.memory_space<vmem>> -> memref<1x128xi32, #tpu.memory_space<vmem>>
        %dma_start3A_219 = tpu.memref_squeeze %dma_start3A_218 : memref<1x128xi32, #tpu.memory_space<vmem>> -> memref<128xi32, #tpu.memory_space<vmem>>
        %dma_start3A_220 = arith.constant 0 : i32
        %dma_start3A_221 = arith.constant 0 : i32
        %dma_start3A_222 = tpu.memref_slice %arg10[%dma_start3A_220, %dma_start3A_221] : memref<10112x128xf32, #tpu.memory_space<vmem_shared>> -> memref<10112x128xf32, #tpu.memory_space<vmem_shared>>
        tpu.enqueue_indirect_dma source(%arg8 : memref<128x128xf32, #tpu.memory_space<vmem>>) target(%dma_start3A_222 : memref<10112x128xf32, #tpu.memory_space<vmem_shared>>) offsets(%dma_start3A_219 : memref<128xi32, #tpu.memory_space<vmem>>) semaphore(%run_scoped3A_213 : memref<!tpu.dma_semaphore, #tpu.memory_space<semaphore_mem>>) {add = true}
        %dma_wait3A_223 = arith.constant 2 : i32
        %dma_wait3A_224 = arith.constant 0 : i32
        %dma_wait3A_225 = tpu.memref_slice %arg6[%dma_wait3A_223, %dma_wait3A_224] : memref<6x128xi32, #tpu.memory_space<vmem>> -> memref<2x128xi32, #tpu.memory_space<vmem>>
        %dma_wait3A_226 = arith.constant 0 : i32
        %dma_wait3A_227 = tpu.memref_slice %dma_wait3A_225[%run_scoped3A_169, %dma_wait3A_226] : memref<2x128xi32, #tpu.memory_space<vmem>> -> memref<1x128xi32, #tpu.memory_space<vmem>>
        %dma_wait3A_228 = tpu.memref_squeeze %dma_wait3A_227 : memref<1x128xi32, #tpu.memory_space<vmem>> -> memref<128xi32, #tpu.memory_space<vmem>>
        %dma_wait3A_229 = arith.constant 0 : i32
        %dma_wait3A_230 = arith.constant 0 : i32
        %dma_wait3A_231 = tpu.memref_slice %arg10[%dma_wait3A_229, %dma_wait3A_230] : memref<10112x128xf32, #tpu.memory_space<vmem_shared>> -> memref<10112x128xf32, #tpu.memory_space<vmem_shared>>
        tpu.wait_indirect_dma semaphore(%run_scoped3A_213 : memref<!tpu.dma_semaphore, #tpu.memory_space<semaphore_mem>>) src(%arg8 : memref<128x128xf32, #tpu.memory_space<vmem>>) dst(%dma_wait3A_231 : memref<10112x128xf32, #tpu.memory_space<vmem_shared>>)
        tpu.yield
      }) : () -> ()
      %mul3A_170 = arith.constant 2 : i32
      %mul3A_171 = arith.muli %mul3A_170, %add3A_158 : i32
      %add3A_172 = arith.constant 6 : i32
      %add3A_173 = arith.addi %mul3A_171, %add3A_172 : i32
      "tpu.region"() ({
        %run_scoped3A_213 = tpu.sem_alloc : memref<!tpu.dma_semaphore, #tpu.memory_space<semaphore_mem>>
        %dma_start3A_214 = arith.constant 2 : i32
        %dma_start3A_215 = arith.constant 0 : i32
        %dma_start3A_216 = tpu.memref_slice %arg6[%dma_start3A_214, %dma_start3A_215] : memref<6x128xi32, #tpu.memory_space<vmem>> -> memref<2x128xi32, #tpu.memory_space<vmem>>
        %dma_start3A_217 = arith.constant 0 : i32
        %dma_start3A_218 = arith.constant 0 : i32
        %dma_start3A_219 = tpu.memref_slice %arg3[%arg0, %arg1, %dma_start3A_217, %dma_start3A_218] : memref<2x16x270x128xi32, #tpu.memory_space<hbm>> -> memref<1x1x270x128xi32, #tpu.memory_space<hbm>>
        %dma_start3A_220 = tpu.memref_squeeze %dma_start3A_219 : memref<1x1x270x128xi32, #tpu.memory_space<hbm>> -> memref<270x128xi32, #tpu.memory_space<hbm>>
        %dma_start3A_221 = arith.constant 0 : i32
        %dma_start3A_222 = tpu.memref_slice %dma_start3A_220[%add3A_173, %dma_start3A_221] : memref<270x128xi32, #tpu.memory_space<hbm>> -> memref<2x128xi32, #tpu.memory_space<hbm>>
        %dma_start3A_223 = arith.constant 2 : i32
        %dma_start3A_224 = arith.constant 0 : i32
        %dma_start3A_225 = tpu.memref_slice %arg6[%dma_start3A_223, %dma_start3A_224] : memref<6x128xi32, #tpu.memory_space<vmem>> -> memref<2x128xi32, #tpu.memory_space<vmem>>
        %dma_start3A_226 = arith.constant 0 : i32
        %dma_start3A_227 = arith.constant 0 : i32
        %dma_start3A_228 = tpu.memref_slice %arg3[%arg0, %arg1, %dma_start3A_226, %dma_start3A_227] : memref<2x16x270x128xi32, #tpu.memory_space<hbm>> -> memref<1x1x270x128xi32, #tpu.memory_space<hbm>>
        %dma_start3A_229 = tpu.memref_squeeze %dma_start3A_228 : memref<1x1x270x128xi32, #tpu.memory_space<hbm>> -> memref<270x128xi32, #tpu.memory_space<hbm>>
        %dma_start3A_230 = arith.constant 0 : i32
        %dma_start3A_231 = tpu.memref_slice %dma_start3A_229[%add3A_173, %dma_start3A_230] : memref<270x128xi32, #tpu.memory_space<hbm>> -> memref<2x128xi32, #tpu.memory_space<hbm>>
        tpu.enqueue_dma source(%dma_start3A_231 : memref<2x128xi32, #tpu.memory_space<hbm>>) target(%dma_start3A_225 : memref<2x128xi32, #tpu.memory_space<vmem>>) target_semaphore(%run_scoped3A_213 : memref<!tpu.dma_semaphore, #tpu.memory_space<semaphore_mem>>)
        %dma_wait3A_232 = arith.constant 2 : i32
        %dma_wait3A_233 = arith.constant 0 : i32
        %dma_wait3A_234 = tpu.memref_slice %arg6[%dma_wait3A_232, %dma_wait3A_233] : memref<6x128xi32, #tpu.memory_space<vmem>> -> memref<2x128xi32, #tpu.memory_space<vmem>>
        %dma_wait3A_235 = arith.constant 0 : i32
        %dma_wait3A_236 = arith.constant 0 : i32
        %dma_wait3A_237 = tpu.memref_slice %arg3[%arg0, %arg1, %dma_wait3A_235, %dma_wait3A_236] : memref<2x16x270x128xi32, #tpu.memory_space<hbm>> -> memref<1x1x270x128xi32, #tpu.memory_space<hbm>>
        %dma_wait3A_238 = tpu.memref_squeeze %dma_wait3A_237 : memref<1x1x270x128xi32, #tpu.memory_space<hbm>> -> memref<270x128xi32, #tpu.memory_space<hbm>>
        %dma_wait3A_239 = arith.constant 0 : i32
        %dma_wait3A_240 = tpu.memref_slice %dma_wait3A_238[%add3A_173, %dma_wait3A_239] : memref<270x128xi32, #tpu.memory_space<hbm>> -> memref<2x128xi32, #tpu.memory_space<hbm>>
        %dma_wait3A_241 = arith.constant 2 : i32
        %dma_wait3A_242 = arith.constant 0 : i32
        %dma_wait3A_243 = tpu.memref_slice %arg6[%dma_wait3A_241, %dma_wait3A_242] : memref<6x128xi32, #tpu.memory_space<vmem>> -> memref<2x128xi32, #tpu.memory_space<vmem>>
        %dma_wait3A_244 = arith.constant 0 : i32
        %dma_wait3A_245 = arith.constant 0 : i32
        %dma_wait3A_246 = tpu.memref_slice %arg3[%arg0, %arg1, %dma_wait3A_244, %dma_wait3A_245] : memref<2x16x270x128xi32, #tpu.memory_space<hbm>> -> memref<1x1x270x128xi32, #tpu.memory_space<hbm>>
        %dma_wait3A_247 = tpu.memref_squeeze %dma_wait3A_246 : memref<1x1x270x128xi32, #tpu.memory_space<hbm>> -> memref<270x128xi32, #tpu.memory_space<hbm>>
        %dma_wait3A_248 = arith.constant 0 : i32
        %dma_wait3A_249 = tpu.memref_slice %dma_wait3A_247[%add3A_173, %dma_wait3A_248] : memref<270x128xi32, #tpu.memory_space<hbm>> -> memref<2x128xi32, #tpu.memory_space<hbm>>
        tpu.wait_dma2 semaphore(%run_scoped3A_213 : memref<!tpu.dma_semaphore, #tpu.memory_space<semaphore_mem>>) src(%dma_wait3A_249 : memref<2x128xi32, #tpu.memory_space<hbm>>) dst(%dma_wait3A_243 : memref<2x128xi32, #tpu.memory_space<vmem>>)
        tpu.yield
      }) : () -> ()
      %dma_start3A_174 = arith.constant 0 : i32
      %dma_start3A_175 = arith.constant 2 : i32
      %dma_start3A_176 = arith.constant 0 : i32
      %dma_start3A_177 = tpu.memref_slice %arg6[%dma_start3A_175, %dma_start3A_176] : memref<6x128xi32, #tpu.memory_space<vmem>> -> memref<2x128xi32, #tpu.memory_space<vmem>>
      %dma_start3A_178 = arith.constant 0 : i32
      %dma_start3A_179 = tpu.memref_slice %dma_start3A_177[%dma_start3A_174, %dma_start3A_178] : memref<2x128xi32, #tpu.memory_space<vmem>> -> memref<1x128xi32, #tpu.memory_space<vmem>>
      %dma_start3A_180 = tpu.memref_squeeze %dma_start3A_179 : memref<1x128xi32, #tpu.memory_space<vmem>> -> memref<128xi32, #tpu.memory_space<vmem>>
      %dma_start3A_181 = arith.constant 0 : i32
      %dma_start3A_182 = arith.constant 0 : i32
      %dma_start3A_183 = tpu.memref_slice %arg2[%dma_start3A_181, %dma_start3A_182] : memref<10000x128xf32, #tpu.memory_space<hbm>> -> memref<10000x128xf32, #tpu.memory_space<hbm>>
      tpu.enqueue_indirect_dma source(%dma_start3A_183 : memref<10000x128xf32, #tpu.memory_space<hbm>>) target(%arg8 : memref<128x128xf32, #tpu.memory_space<vmem>>) offsets(%dma_start3A_180 : memref<128xi32, #tpu.memory_space<vmem>>) semaphore(%arg12 : memref<!tpu.dma_semaphore, #tpu.memory_space<semaphore_mem>>)
      %mul3A_184 = arith.constant 3 : i32
      %mul3A_185 = arith.muli %mul3A_184, %while3A_126 : i32
      %add3A_186 = arith.constant 2 : i32
      %add3A_187 = arith.addi %mul3A_185, %add3A_186 : i32
      %dma_wait3A_188 = arith.constant 0 : i32
      %dma_wait3A_189 = arith.constant 4 : i32
      %dma_wait3A_190 = arith.constant 0 : i32
      %dma_wait3A_191 = tpu.memref_slice %arg6[%dma_wait3A_189, %dma_wait3A_190] : memref<6x128xi32, #tpu.memory_space<vmem>> -> memref<2x128xi32, #tpu.memory_space<vmem>>
      %dma_wait3A_192 = arith.constant 0 : i32
      %dma_wait3A_193 = tpu.memref_slice %dma_wait3A_191[%dma_wait3A_188, %dma_wait3A_192] : memref<2x128xi32, #tpu.memory_space<vmem>> -> memref<1x128xi32, #tpu.memory_space<vmem>>
      %dma_wait3A_194 = tpu.memref_squeeze %dma_wait3A_193 : memref<1x128xi32, #tpu.memory_space<vmem>> -> memref<128xi32, #tpu.memory_space<vmem>>
      %dma_wait3A_195 = arith.constant 0 : i32
      %dma_wait3A_196 = arith.constant 0 : i32
      %dma_wait3A_197 = tpu.memref_slice %arg2[%dma_wait3A_195, %dma_wait3A_196] : memref<10000x128xf32, #tpu.memory_space<hbm>> -> memref<10000x128xf32, #tpu.memory_space<hbm>>
      tpu.wait_indirect_dma semaphore(%arg13 : memref<!tpu.dma_semaphore, #tpu.memory_space<semaphore_mem>>) src(%dma_wait3A_197 : memref<10000x128xf32, #tpu.memory_space<hbm>>) dst(%arg9 : memref<128x128xf32, #tpu.memory_space<vmem>>)
      %run_scoped3A_198 = arith.constant 1 : i32
      "tpu.region"() ({
        %run_scoped3A_213 = tpu.sem_alloc : memref<!tpu.dma_semaphore, #tpu.memory_space<semaphore_mem>>
        %dma_start3A_214 = arith.constant 4 : i32
        %dma_start3A_215 = arith.constant 0 : i32
        %dma_start3A_216 = tpu.memref_slice %arg6[%dma_start3A_214, %dma_start3A_215] : memref<6x128xi32, #tpu.memory_space<vmem>> -> memref<2x128xi32, #tpu.memory_space<vmem>>
        %dma_start3A_217 = arith.constant 0 : i32
        %dma_start3A_218 = tpu.memref_slice %dma_start3A_216[%run_scoped3A_198, %dma_start3A_217] : memref<2x128xi32, #tpu.memory_space<vmem>> -> memref<1x128xi32, #tpu.memory_space<vmem>>
        %dma_start3A_219 = tpu.memref_squeeze %dma_start3A_218 : memref<1x128xi32, #tpu.memory_space<vmem>> -> memref<128xi32, #tpu.memory_space<vmem>>
        %dma_start3A_220 = arith.constant 0 : i32
        %dma_start3A_221 = arith.constant 0 : i32
        %dma_start3A_222 = tpu.memref_slice %arg10[%dma_start3A_220, %dma_start3A_221] : memref<10112x128xf32, #tpu.memory_space<vmem_shared>> -> memref<10112x128xf32, #tpu.memory_space<vmem_shared>>
        tpu.enqueue_indirect_dma source(%arg9 : memref<128x128xf32, #tpu.memory_space<vmem>>) target(%dma_start3A_222 : memref<10112x128xf32, #tpu.memory_space<vmem_shared>>) offsets(%dma_start3A_219 : memref<128xi32, #tpu.memory_space<vmem>>) semaphore(%run_scoped3A_213 : memref<!tpu.dma_semaphore, #tpu.memory_space<semaphore_mem>>) {add = true}
        %dma_wait3A_223 = arith.constant 4 : i32
        %dma_wait3A_224 = arith.constant 0 : i32
        %dma_wait3A_225 = tpu.memref_slice %arg6[%dma_wait3A_223, %dma_wait3A_224] : memref<6x128xi32, #tpu.memory_space<vmem>> -> memref<2x128xi32, #tpu.memory_space<vmem>>
        %dma_wait3A_226 = arith.constant 0 : i32
        %dma_wait3A_227 = tpu.memref_slice %dma_wait3A_225[%run_scoped3A_198, %dma_wait3A_226] : memref<2x128xi32, #tpu.memory_space<vmem>> -> memref<1x128xi32, #tpu.memory_space<vmem>>
        %dma_wait3A_228 = tpu.memref_squeeze %dma_wait3A_227 : memref<1x128xi32, #tpu.memory_space<vmem>> -> memref<128xi32, #tpu.memory_space<vmem>>
        %dma_wait3A_229 = arith.constant 0 : i32
        %dma_wait3A_230 = arith.constant 0 : i32
        %dma_wait3A_231 = tpu.memref_slice %arg10[%dma_wait3A_229, %dma_wait3A_230] : memref<10112x128xf32, #tpu.memory_space<vmem_shared>> -> memref<10112x128xf32, #tpu.memory_space<vmem_shared>>
        tpu.wait_indirect_dma semaphore(%run_scoped3A_213 : memref<!tpu.dma_semaphore, #tpu.memory_space<semaphore_mem>>) src(%arg9 : memref<128x128xf32, #tpu.memory_space<vmem>>) dst(%dma_wait3A_231 : memref<10112x128xf32, #tpu.memory_space<vmem_shared>>)
        tpu.yield
      }) : () -> ()
      %mul3A_199 = arith.constant 2 : i32
      %mul3A_200 = arith.muli %mul3A_199, %add3A_187 : i32
      %add3A_201 = arith.constant 6 : i32
      %add3A_202 = arith.addi %mul3A_200, %add3A_201 : i32
      "tpu.region"() ({
        %run_scoped3A_213 = tpu.sem_alloc : memref<!tpu.dma_semaphore, #tpu.memory_space<semaphore_mem>>
        %dma_start3A_214 = arith.constant 4 : i32
        %dma_start3A_215 = arith.constant 0 : i32
        %dma_start3A_216 = tpu.memref_slice %arg6[%dma_start3A_214, %dma_start3A_215] : memref<6x128xi32, #tpu.memory_space<vmem>> -> memref<2x128xi32, #tpu.memory_space<vmem>>
        %dma_start3A_217 = arith.constant 0 : i32
        %dma_start3A_218 = arith.constant 0 : i32
        %dma_start3A_219 = tpu.memref_slice %arg3[%arg0, %arg1, %dma_start3A_217, %dma_start3A_218] : memref<2x16x270x128xi32, #tpu.memory_space<hbm>> -> memref<1x1x270x128xi32, #tpu.memory_space<hbm>>
        %dma_start3A_220 = tpu.memref_squeeze %dma_start3A_219 : memref<1x1x270x128xi32, #tpu.memory_space<hbm>> -> memref<270x128xi32, #tpu.memory_space<hbm>>
        %dma_start3A_221 = arith.constant 0 : i32
        %dma_start3A_222 = tpu.memref_slice %dma_start3A_220[%add3A_202, %dma_start3A_221] : memref<270x128xi32, #tpu.memory_space<hbm>> -> memref<2x128xi32, #tpu.memory_space<hbm>>
        %dma_start3A_223 = arith.constant 4 : i32
        %dma_start3A_224 = arith.constant 0 : i32
        %dma_start3A_225 = tpu.memref_slice %arg6[%dma_start3A_223, %dma_start3A_224] : memref<6x128xi32, #tpu.memory_space<vmem>> -> memref<2x128xi32, #tpu.memory_space<vmem>>
        %dma_start3A_226 = arith.constant 0 : i32
        %dma_start3A_227 = arith.constant 0 : i32
        %dma_start3A_228 = tpu.memref_slice %arg3[%arg0, %arg1, %dma_start3A_226, %dma_start3A_227] : memref<2x16x270x128xi32, #tpu.memory_space<hbm>> -> memref<1x1x270x128xi32, #tpu.memory_space<hbm>>
        %dma_start3A_229 = tpu.memref_squeeze %dma_start3A_228 : memref<1x1x270x128xi32, #tpu.memory_space<hbm>> -> memref<270x128xi32, #tpu.memory_space<hbm>>
        %dma_start3A_230 = arith.constant 0 : i32
        %dma_start3A_231 = tpu.memref_slice %dma_start3A_229[%add3A_202, %dma_start3A_230] : memref<270x128xi32, #tpu.memory_space<hbm>> -> memref<2x128xi32, #tpu.memory_space<hbm>>
        tpu.enqueue_dma source(%dma_start3A_231 : memref<2x128xi32, #tpu.memory_space<hbm>>) target(%dma_start3A_225 : memref<2x128xi32, #tpu.memory_space<vmem>>) target_semaphore(%run_scoped3A_213 : memref<!tpu.dma_semaphore, #tpu.memory_space<semaphore_mem>>)
        %dma_wait3A_232 = arith.constant 4 : i32
        %dma_wait3A_233 = arith.constant 0 : i32
        %dma_wait3A_234 = tpu.memref_slice %arg6[%dma_wait3A_232, %dma_wait3A_233] : memref<6x128xi32, #tpu.memory_space<vmem>> -> memref<2x128xi32, #tpu.memory_space<vmem>>
        %dma_wait3A_235 = arith.constant 0 : i32
        %dma_wait3A_236 = arith.constant 0 : i32
        %dma_wait3A_237 = tpu.memref_slice %arg3[%arg0, %arg1, %dma_wait3A_235, %dma_wait3A_236] : memref<2x16x270x128xi32, #tpu.memory_space<hbm>> -> memref<1x1x270x128xi32, #tpu.memory_space<hbm>>
        %dma_wait3A_238 = tpu.memref_squeeze %dma_wait3A_237 : memref<1x1x270x128xi32, #tpu.memory_space<hbm>> -> memref<270x128xi32, #tpu.memory_space<hbm>>
        %dma_wait3A_239 = arith.constant 0 : i32
        %dma_wait3A_240 = tpu.memref_slice %dma_wait3A_238[%add3A_202, %dma_wait3A_239] : memref<270x128xi32, #tpu.memory_space<hbm>> -> memref<2x128xi32, #tpu.memory_space<hbm>>
        %dma_wait3A_241 = arith.constant 4 : i32
        %dma_wait3A_242 = arith.constant 0 : i32
        %dma_wait3A_243 = tpu.memref_slice %arg6[%dma_wait3A_241, %dma_wait3A_242] : memref<6x128xi32, #tpu.memory_space<vmem>> -> memref<2x128xi32, #tpu.memory_space<vmem>>
        %dma_wait3A_244 = arith.constant 0 : i32
        %dma_wait3A_245 = arith.constant 0 : i32
        %dma_wait3A_246 = tpu.memref_slice %arg3[%arg0, %arg1, %dma_wait3A_244, %dma_wait3A_245] : memref<2x16x270x128xi32, #tpu.memory_space<hbm>> -> memref<1x1x270x128xi32, #tpu.memory_space<hbm>>
        %dma_wait3A_247 = tpu.memref_squeeze %dma_wait3A_246 : memref<1x1x270x128xi32, #tpu.memory_space<hbm>> -> memref<270x128xi32, #tpu.memory_space<hbm>>
        %dma_wait3A_248 = arith.constant 0 : i32
        %dma_wait3A_249 = tpu.memref_slice %dma_wait3A_247[%add3A_202, %dma_wait3A_248] : memref<270x128xi32, #tpu.memory_space<hbm>> -> memref<2x128xi32, #tpu.memory_space<hbm>>
        tpu.wait_dma2 semaphore(%run_scoped3A_213 : memref<!tpu.dma_semaphore, #tpu.memory_space<semaphore_mem>>) src(%dma_wait3A_249 : memref<2x128xi32, #tpu.memory_space<hbm>>) dst(%dma_wait3A_243 : memref<2x128xi32, #tpu.memory_space<vmem>>)
        tpu.yield
      }) : () -> ()
      %dma_start3A_203 = arith.constant 0 : i32
      %dma_start3A_204 = arith.constant 4 : i32
      %dma_start3A_205 = arith.constant 0 : i32
      %dma_start3A_206 = tpu.memref_slice %arg6[%dma_start3A_204, %dma_start3A_205] : memref<6x128xi32, #tpu.memory_space<vmem>> -> memref<2x128xi32, #tpu.memory_space<vmem>>
      %dma_start3A_207 = arith.constant 0 : i32
      %dma_start3A_208 = tpu.memref_slice %dma_start3A_206[%dma_start3A_203, %dma_start3A_207] : memref<2x128xi32, #tpu.memory_space<vmem>> -> memref<1x128xi32, #tpu.memory_space<vmem>>
      %dma_start3A_209 = tpu.memref_squeeze %dma_start3A_208 : memref<1x128xi32, #tpu.memory_space<vmem>> -> memref<128xi32, #tpu.memory_space<vmem>>
      %dma_start3A_210 = arith.constant 0 : i32
      %dma_start3A_211 = arith.constant 0 : i32
      %dma_start3A_212 = tpu.memref_slice %arg2[%dma_start3A_210, %dma_start3A_211] : memref<10000x128xf32, #tpu.memory_space<hbm>> -> memref<10000x128xf32, #tpu.memory_space<hbm>>
      tpu.enqueue_indirect_dma source(%dma_start3A_212 : memref<10000x128xf32, #tpu.memory_space<hbm>>) target(%arg9 : memref<128x128xf32, #tpu.memory_space<vmem>>) offsets(%dma_start3A_209 : memref<128xi32, #tpu.memory_space<vmem>>) semaphore(%arg13 : memref<!tpu.dma_semaphore, #tpu.memory_space<semaphore_mem>>)
    }
    %dma_wait3A = arith.constant 0 : i32
    %dma_wait3A_76 = arith.constant 0 : i32
    %dma_wait3A_77 = arith.constant 0 : i32
    %dma_wait3A_78 = tpu.memref_slice %arg6[%dma_wait3A_76, %dma_wait3A_77] : memref<6x128xi32, #tpu.memory_space<vmem>> -> memref<2x128xi32, #tpu.memory_space<vmem>>
    %dma_wait3A_79 = arith.constant 0 : i32
    %dma_wait3A_80 = tpu.memref_slice %dma_wait3A_78[%dma_wait3A, %dma_wait3A_79] : memref<2x128xi32, #tpu.memory_space<vmem>> -> memref<1x128xi32, #tpu.memory_space<vmem>>
    %dma_wait3A_81 = tpu.memref_squeeze %dma_wait3A_80 : memref<1x128xi32, #tpu.memory_space<vmem>> -> memref<128xi32, #tpu.memory_space<vmem>>
    %dma_wait3A_82 = arith.constant 0 : i32
    %dma_wait3A_83 = arith.constant 0 : i32
    %dma_wait3A_84 = tpu.memref_slice %arg2[%dma_wait3A_82, %dma_wait3A_83] : memref<10000x128xf32, #tpu.memory_space<hbm>> -> memref<10000x128xf32, #tpu.memory_space<hbm>>
    tpu.wait_indirect_dma semaphore(%arg11 : memref<!tpu.dma_semaphore, #tpu.memory_space<semaphore_mem>>) src(%dma_wait3A_84 : memref<10000x128xf32, #tpu.memory_space<hbm>>) dst(%arg7 : memref<128x128xf32, #tpu.memory_space<vmem>>)
    %dma_wait3A_85 = arith.constant 0 : i32
    %dma_wait3A_86 = arith.constant 2 : i32
    %dma_wait3A_87 = arith.constant 0 : i32
    %dma_wait3A_88 = tpu.memref_slice %arg6[%dma_wait3A_86, %dma_wait3A_87] : memref<6x128xi32, #tpu.memory_space<vmem>> -> memref<2x128xi32, #tpu.memory_space<vmem>>
    %dma_wait3A_89 = arith.constant 0 : i32
    %dma_wait3A_90 = tpu.memref_slice %dma_wait3A_88[%dma_wait3A_85, %dma_wait3A_89] : memref<2x128xi32, #tpu.memory_space<vmem>> -> memref<1x128xi32, #tpu.memory_space<vmem>>
    %dma_wait3A_91 = tpu.memref_squeeze %dma_wait3A_90 : memref<1x128xi32, #tpu.memory_space<vmem>> -> memref<128xi32, #tpu.memory_space<vmem>>
    %dma_wait3A_92 = arith.constant 0 : i32
    %dma_wait3A_93 = arith.constant 0 : i32
    %dma_wait3A_94 = tpu.memref_slice %arg2[%dma_wait3A_92, %dma_wait3A_93] : memref<10000x128xf32, #tpu.memory_space<hbm>> -> memref<10000x128xf32, #tpu.memory_space<hbm>>
    tpu.wait_indirect_dma semaphore(%arg12 : memref<!tpu.dma_semaphore, #tpu.memory_space<semaphore_mem>>) src(%dma_wait3A_94 : memref<10000x128xf32, #tpu.memory_space<hbm>>) dst(%arg8 : memref<128x128xf32, #tpu.memory_space<vmem>>)
    %dma_wait3A_95 = arith.constant 0 : i32
    %dma_wait3A_96 = arith.constant 4 : i32
    %dma_wait3A_97 = arith.constant 0 : i32
    %dma_wait3A_98 = tpu.memref_slice %arg6[%dma_wait3A_96, %dma_wait3A_97] : memref<6x128xi32, #tpu.memory_space<vmem>> -> memref<2x128xi32, #tpu.memory_space<vmem>>
    %dma_wait3A_99 = arith.constant 0 : i32
    %dma_wait3A_100 = tpu.memref_slice %dma_wait3A_98[%dma_wait3A_95, %dma_wait3A_99] : memref<2x128xi32, #tpu.memory_space<vmem>> -> memref<1x128xi32, #tpu.memory_space<vmem>>
    %dma_wait3A_101 = tpu.memref_squeeze %dma_wait3A_100 : memref<1x128xi32, #tpu.memory_space<vmem>> -> memref<128xi32, #tpu.memory_space<vmem>>
    %dma_wait3A_102 = arith.constant 0 : i32
    %dma_wait3A_103 = arith.constant 0 : i32
    %dma_wait3A_104 = tpu.memref_slice %arg2[%dma_wait3A_102, %dma_wait3A_103] : memref<10000x128xf32, #tpu.memory_space<hbm>> -> memref<10000x128xf32, #tpu.memory_space<hbm>>
    tpu.wait_indirect_dma semaphore(%arg13 : memref<!tpu.dma_semaphore, #tpu.memory_space<semaphore_mem>>) src(%dma_wait3A_104 : memref<10000x128xf32, #tpu.memory_space<hbm>>) dst(%arg9 : memref<128x128xf32, #tpu.memory_space<vmem>>)
    %barrier3A_105 = arith.constant 0 : index
    tpu.barrier barrier_id(%barrier3A_105)
    %mul3A_106 = arith.constant 632 : i32
    %mul3A_107 = arith.muli %arg1, %mul3A_106 : i32
    %add3A_108 = arith.constant 0 : i32
    %add3A_109 = arith.addi %mul3A_107, %add3A_108 : i32
    "tpu.region"() ({
      %run_scoped3A = tpu.sem_alloc : memref<!tpu.dma_semaphore, #tpu.memory_space<semaphore_mem>>
      %dma_start3A_126 = arith.constant 0 : i32
      %dma_start3A_127 = arith.constant 0 : i32
      %dma_start3A_128 = tpu.memref_slice %arg7[%dma_start3A_126, %dma_start3A_127] : memref<128x128xf32, #tpu.memory_space<vmem>> -> memref<128x128xf32, #tpu.memory_space<vmem>>
      %dma_start3A_129 = arith.constant 0 : i32
      %dma_start3A_130 = tpu.memref_slice %arg10[%add3A_109, %dma_start3A_129] : memref<10112x128xf32, #tpu.memory_space<vmem_shared>> -> memref<128x128xf32, #tpu.memory_space<vmem_shared>>
      %dma_start3A_131 = arith.constant 0 : i32
      %dma_start3A_132 = arith.constant 0 : i32
      %dma_start3A_133 = tpu.memref_slice %arg7[%dma_start3A_131, %dma_start3A_132] : memref<128x128xf32, #tpu.memory_space<vmem>> -> memref<128x128xf32, #tpu.memory_space<vmem>>
      %dma_start3A_134 = arith.constant 0 : i32
      %dma_start3A_135 = tpu.memref_slice %arg10[%add3A_109, %dma_start3A_134] : memref<10112x128xf32, #tpu.memory_space<vmem_shared>> -> memref<128x128xf32, #tpu.memory_space<vmem_shared>>
      tpu.enqueue_dma source(%dma_start3A_135 : memref<128x128xf32, #tpu.memory_space<vmem_shared>>) target(%dma_start3A_133 : memref<128x128xf32, #tpu.memory_space<vmem>>) target_semaphore(%run_scoped3A : memref<!tpu.dma_semaphore, #tpu.memory_space<semaphore_mem>>)
      %dma_wait3A_136 = arith.constant 0 : i32
      %dma_wait3A_137 = arith.constant 0 : i32
      %dma_wait3A_138 = tpu.memref_slice %arg7[%dma_wait3A_136, %dma_wait3A_137] : memref<128x128xf32, #tpu.memory_space<vmem>> -> memref<128x128xf32, #tpu.memory_space<vmem>>
      %dma_wait3A_139 = arith.constant 0 : i32
      %dma_wait3A_140 = tpu.memref_slice %arg10[%add3A_109, %dma_wait3A_139] : memref<10112x128xf32, #tpu.memory_space<vmem_shared>> -> memref<128x128xf32, #tpu.memory_space<vmem_shared>>
      %dma_wait3A_141 = arith.constant 0 : i32
      %dma_wait3A_142 = arith.constant 0 : i32
      %dma_wait3A_143 = tpu.memref_slice %arg7[%dma_wait3A_141, %dma_wait3A_142] : memref<128x128xf32, #tpu.memory_space<vmem>> -> memref<128x128xf32, #tpu.memory_space<vmem>>
      %dma_wait3A_144 = arith.constant 0 : i32
      %dma_wait3A_145 = tpu.memref_slice %arg10[%add3A_109, %dma_wait3A_144] : memref<10112x128xf32, #tpu.memory_space<vmem_shared>> -> memref<128x128xf32, #tpu.memory_space<vmem_shared>>
      tpu.wait_dma2 semaphore(%run_scoped3A : memref<!tpu.dma_semaphore, #tpu.memory_space<semaphore_mem>>) src(%dma_wait3A_145 : memref<128x128xf32, #tpu.memory_space<vmem_shared>>) dst(%dma_wait3A_143 : memref<128x128xf32, #tpu.memory_space<vmem>>)
      tpu.yield
    }) : () -> ()
    "tpu.region"() ({
      %run_scoped3A = tpu.sem_alloc : memref<!tpu.dma_semaphore, #tpu.memory_space<semaphore_mem>>
      %dma_start3A_126 = arith.constant 0 : i32
      %dma_start3A_127 = arith.constant 0 : i32
      %dma_start3A_128 = tpu.memref_slice %arg7[%dma_start3A_126, %dma_start3A_127] : memref<128x128xf32, #tpu.memory_space<vmem>> -> memref<128x128xf32, #tpu.memory_space<vmem>>
      %dma_start3A_129 = arith.constant 0 : i32
      %dma_start3A_130 = tpu.memref_slice %arg5[%arg0, %add3A_109, %dma_start3A_129] : memref<2x10112x128xf32, #tpu.memory_space<hbm>> -> memref<1x128x128xf32, #tpu.memory_space<hbm>>
      %dma_start3A_131 = tpu.memref_squeeze %dma_start3A_130 : memref<1x128x128xf32, #tpu.memory_space<hbm>> -> memref<128x128xf32, #tpu.memory_space<hbm>>
      %dma_start3A_132 = arith.constant 0 : i32
      %dma_start3A_133 = tpu.memref_slice %arg5[%arg0, %add3A_109, %dma_start3A_132] : memref<2x10112x128xf32, #tpu.memory_space<hbm>> -> memref<1x128x128xf32, #tpu.memory_space<hbm>>
      %dma_start3A_134 = tpu.memref_squeeze %dma_start3A_133 : memref<1x128x128xf32, #tpu.memory_space<hbm>> -> memref<128x128xf32, #tpu.memory_space<hbm>>
      %dma_start3A_135 = arith.constant 0 : i32
      %dma_start3A_136 = arith.constant 0 : i32
      %dma_start3A_137 = tpu.memref_slice %arg7[%dma_start3A_135, %dma_start3A_136] : memref<128x128xf32, #tpu.memory_space<vmem>> -> memref<128x128xf32, #tpu.memory_space<vmem>>
      tpu.enqueue_dma source(%dma_start3A_137 : memref<128x128xf32, #tpu.memory_space<vmem>>) target(%dma_start3A_134 : memref<128x128xf32, #tpu.memory_space<hbm>>) target_semaphore(%run_scoped3A : memref<!tpu.dma_semaphore, #tpu.memory_space<semaphore_mem>>)
      %dma_wait3A_138 = arith.constant 0 : i32
      %dma_wait3A_139 = arith.constant 0 : i32
      %dma_wait3A_140 = tpu.memref_slice %arg7[%dma_wait3A_138, %dma_wait3A_139] : memref<128x128xf32, #tpu.memory_space<vmem>> -> memref<128x128xf32, #tpu.memory_space<vmem>>
      %dma_wait3A_141 = arith.constant 0 : i32
      %dma_wait3A_142 = tpu.memref_slice %arg5[%arg0, %add3A_109, %dma_wait3A_141] : memref<2x10112x128xf32, #tpu.memory_space<hbm>> -> memref<1x128x128xf32, #tpu.memory_space<hbm>>
      %dma_wait3A_143 = tpu.memref_squeeze %dma_wait3A_142 : memref<1x128x128xf32, #tpu.memory_space<hbm>> -> memref<128x128xf32, #tpu.memory_space<hbm>>
      %dma_wait3A_144 = arith.constant 0 : i32
      %dma_wait3A_145 = tpu.memref_slice %arg5[%arg0, %add3A_109, %dma_wait3A_144] : memref<2x10112x128xf32, #tpu.memory_space<hbm>> -> memref<1x128x128xf32, #tpu.memory_space<hbm>>
      %dma_wait3A_146 = tpu.memref_squeeze %dma_wait3A_145 : memref<1x128x128xf32, #tpu.memory_space<hbm>> -> memref<128x128xf32, #tpu.memory_space<hbm>>
      %dma_wait3A_147 = arith.constant 0 : i32
      %dma_wait3A_148 = arith.constant 0 : i32
      %dma_wait3A_149 = tpu.memref_slice %arg7[%dma_wait3A_147, %dma_wait3A_148] : memref<128x128xf32, #tpu.memory_space<vmem>> -> memref<128x128xf32, #tpu.memory_space<vmem>>
      tpu.wait_dma2 semaphore(%run_scoped3A : memref<!tpu.dma_semaphore, #tpu.memory_space<semaphore_mem>>) src(%dma_wait3A_149 : memref<128x128xf32, #tpu.memory_space<vmem>>) dst(%dma_wait3A_146 : memref<128x128xf32, #tpu.memory_space<hbm>>)
      tpu.yield
    }) : () -> ()
    %mul3A_110 = arith.constant 632 : i32
    %mul3A_111 = arith.muli %arg1, %mul3A_110 : i32
    %add3A_112 = arith.constant 128 : i32
    %add3A_113 = arith.addi %mul3A_111, %add3A_112 : i32
    "tpu.region"() ({
      %run_scoped3A = tpu.sem_alloc : memref<!tpu.dma_semaphore, #tpu.memory_space<semaphore_mem>>
      %dma_start3A_126 = arith.constant 0 : i32
      %dma_start3A_127 = arith.constant 0 : i32
      %dma_start3A_128 = tpu.memref_slice %arg7[%dma_start3A_126, %dma_start3A_127] : memref<128x128xf32, #tpu.memory_space<vmem>> -> memref<128x128xf32, #tpu.memory_space<vmem>>
      %dma_start3A_129 = arith.constant 0 : i32
      %dma_start3A_130 = tpu.memref_slice %arg10[%add3A_113, %dma_start3A_129] : memref<10112x128xf32, #tpu.memory_space<vmem_shared>> -> memref<128x128xf32, #tpu.memory_space<vmem_shared>>
      %dma_start3A_131 = arith.constant 0 : i32
      %dma_start3A_132 = arith.constant 0 : i32
      %dma_start3A_133 = tpu.memref_slice %arg7[%dma_start3A_131, %dma_start3A_132] : memref<128x128xf32, #tpu.memory_space<vmem>> -> memref<128x128xf32, #tpu.memory_space<vmem>>
      %dma_start3A_134 = arith.constant 0 : i32
      %dma_start3A_135 = tpu.memref_slice %arg10[%add3A_113, %dma_start3A_134] : memref<10112x128xf32, #tpu.memory_space<vmem_shared>> -> memref<128x128xf32, #tpu.memory_space<vmem_shared>>
      tpu.enqueue_dma source(%dma_start3A_135 : memref<128x128xf32, #tpu.memory_space<vmem_shared>>) target(%dma_start3A_133 : memref<128x128xf32, #tpu.memory_space<vmem>>) target_semaphore(%run_scoped3A : memref<!tpu.dma_semaphore, #tpu.memory_space<semaphore_mem>>)
      %dma_wait3A_136 = arith.constant 0 : i32
      %dma_wait3A_137 = arith.constant 0 : i32
      %dma_wait3A_138 = tpu.memref_slice %arg7[%dma_wait3A_136, %dma_wait3A_137] : memref<128x128xf32, #tpu.memory_space<vmem>> -> memref<128x128xf32, #tpu.memory_space<vmem>>
      %dma_wait3A_139 = arith.constant 0 : i32
      %dma_wait3A_140 = tpu.memref_slice %arg10[%add3A_113, %dma_wait3A_139] : memref<10112x128xf32, #tpu.memory_space<vmem_shared>> -> memref<128x128xf32, #tpu.memory_space<vmem_shared>>
      %dma_wait3A_141 = arith.constant 0 : i32
      %dma_wait3A_142 = arith.constant 0 : i32
      %dma_wait3A_143 = tpu.memref_slice %arg7[%dma_wait3A_141, %dma_wait3A_142] : memref<128x128xf32, #tpu.memory_space<vmem>> -> memref<128x128xf32, #tpu.memory_space<vmem>>
      %dma_wait3A_144 = arith.constant 0 : i32
      %dma_wait3A_145 = tpu.memref_slice %arg10[%add3A_113, %dma_wait3A_144] : memref<10112x128xf32, #tpu.memory_space<vmem_shared>> -> memref<128x128xf32, #tpu.memory_space<vmem_shared>>
      tpu.wait_dma2 semaphore(%run_scoped3A : memref<!tpu.dma_semaphore, #tpu.memory_space<semaphore_mem>>) src(%dma_wait3A_145 : memref<128x128xf32, #tpu.memory_space<vmem_shared>>) dst(%dma_wait3A_143 : memref<128x128xf32, #tpu.memory_space<vmem>>)
      tpu.yield
    }) : () -> ()
    "tpu.region"() ({
      %run_scoped3A = tpu.sem_alloc : memref<!tpu.dma_semaphore, #tpu.memory_space<semaphore_mem>>
      %dma_start3A_126 = arith.constant 0 : i32
      %dma_start3A_127 = arith.constant 0 : i32
      %dma_start3A_128 = tpu.memref_slice %arg7[%dma_start3A_126, %dma_start3A_127] : memref<128x128xf32, #tpu.memory_space<vmem>> -> memref<128x128xf32, #tpu.memory_space<vmem>>
      %dma_start3A_129 = arith.constant 0 : i32
      %dma_start3A_130 = tpu.memref_slice %arg5[%arg0, %add3A_113, %dma_start3A_129] : memref<2x10112x128xf32, #tpu.memory_space<hbm>> -> memref<1x128x128xf32, #tpu.memory_space<hbm>>
      %dma_start3A_131 = tpu.memref_squeeze %dma_start3A_130 : memref<1x128x128xf32, #tpu.memory_space<hbm>> -> memref<128x128xf32, #tpu.memory_space<hbm>>
      %dma_start3A_132 = arith.constant 0 : i32
      %dma_start3A_133 = tpu.memref_slice %arg5[%arg0, %add3A_113, %dma_start3A_132] : memref<2x10112x128xf32, #tpu.memory_space<hbm>> -> memref<1x128x128xf32, #tpu.memory_space<hbm>>
      %dma_start3A_134 = tpu.memref_squeeze %dma_start3A_133 : memref<1x128x128xf32, #tpu.memory_space<hbm>> -> memref<128x128xf32, #tpu.memory_space<hbm>>
      %dma_start3A_135 = arith.constant 0 : i32
      %dma_start3A_136 = arith.constant 0 : i32
      %dma_start3A_137 = tpu.memref_slice %arg7[%dma_start3A_135, %dma_start3A_136] : memref<128x128xf32, #tpu.memory_space<vmem>> -> memref<128x128xf32, #tpu.memory_space<vmem>>
      tpu.enqueue_dma source(%dma_start3A_137 : memref<128x128xf32, #tpu.memory_space<vmem>>) target(%dma_start3A_134 : memref<128x128xf32, #tpu.memory_space<hbm>>) target_semaphore(%run_scoped3A : memref<!tpu.dma_semaphore, #tpu.memory_space<semaphore_mem>>)
      %dma_wait3A_138 = arith.constant 0 : i32
      %dma_wait3A_139 = arith.constant 0 : i32
      %dma_wait3A_140 = tpu.memref_slice %arg7[%dma_wait3A_138, %dma_wait3A_139] : memref<128x128xf32, #tpu.memory_space<vmem>> -> memref<128x128xf32, #tpu.memory_space<vmem>>
      %dma_wait3A_141 = arith.constant 0 : i32
      %dma_wait3A_142 = tpu.memref_slice %arg5[%arg0, %add3A_113, %dma_wait3A_141] : memref<2x10112x128xf32, #tpu.memory_space<hbm>> -> memref<1x128x128xf32, #tpu.memory_space<hbm>>
      %dma_wait3A_143 = tpu.memref_squeeze %dma_wait3A_142 : memref<1x128x128xf32, #tpu.memory_space<hbm>> -> memref<128x128xf32, #tpu.memory_space<hbm>>
      %dma_wait3A_144 = arith.constant 0 : i32
      %dma_wait3A_145 = tpu.memref_slice %arg5[%arg0, %add3A_113, %dma_wait3A_144] : memref<2x10112x128xf32, #tpu.memory_space<hbm>> -> memref<1x128x128xf32, #tpu.memory_space<hbm>>
      %dma_wait3A_146 = tpu.memref_squeeze %dma_wait3A_145 : memref<1x128x128xf32, #tpu.memory_space<hbm>> -> memref<128x128xf32, #tpu.memory_space<hbm>>
      %dma_wait3A_147 = arith.constant 0 : i32
      %dma_wait3A_148 = arith.constant 0 : i32
      %dma_wait3A_149 = tpu.memref_slice %arg7[%dma_wait3A_147, %dma_wait3A_148] : memref<128x128xf32, #tpu.memory_space<vmem>> -> memref<128x128xf32, #tpu.memory_space<vmem>>
      tpu.wait_dma2 semaphore(%run_scoped3A : memref<!tpu.dma_semaphore, #tpu.memory_space<semaphore_mem>>) src(%dma_wait3A_149 : memref<128x128xf32, #tpu.memory_space<vmem>>) dst(%dma_wait3A_146 : memref<128x128xf32, #tpu.memory_space<hbm>>)
      tpu.yield
    }) : () -> ()
    %mul3A_114 = arith.constant 632 : i32
    %mul3A_115 = arith.muli %arg1, %mul3A_114 : i32
    %add3A_116 = arith.constant 256 : i32
    %add3A_117 = arith.addi %mul3A_115, %add3A_116 : i32
    "tpu.region"() ({
      %run_scoped3A = tpu.sem_alloc : memref<!tpu.dma_semaphore, #tpu.memory_space<semaphore_mem>>
      %dma_start3A_126 = arith.constant 0 : i32
      %dma_start3A_127 = arith.constant 0 : i32
      %dma_start3A_128 = tpu.memref_slice %arg7[%dma_start3A_126, %dma_start3A_127] : memref<128x128xf32, #tpu.memory_space<vmem>> -> memref<128x128xf32, #tpu.memory_space<vmem>>
      %dma_start3A_129 = arith.constant 0 : i32
      %dma_start3A_130 = tpu.memref_slice %arg10[%add3A_117, %dma_start3A_129] : memref<10112x128xf32, #tpu.memory_space<vmem_shared>> -> memref<128x128xf32, #tpu.memory_space<vmem_shared>>
      %dma_start3A_131 = arith.constant 0 : i32
      %dma_start3A_132 = arith.constant 0 : i32
      %dma_start3A_133 = tpu.memref_slice %arg7[%dma_start3A_131, %dma_start3A_132] : memref<128x128xf32, #tpu.memory_space<vmem>> -> memref<128x128xf32, #tpu.memory_space<vmem>>
      %dma_start3A_134 = arith.constant 0 : i32
      %dma_start3A_135 = tpu.memref_slice %arg10[%add3A_117, %dma_start3A_134] : memref<10112x128xf32, #tpu.memory_space<vmem_shared>> -> memref<128x128xf32, #tpu.memory_space<vmem_shared>>
      tpu.enqueue_dma source(%dma_start3A_135 : memref<128x128xf32, #tpu.memory_space<vmem_shared>>) target(%dma_start3A_133 : memref<128x128xf32, #tpu.memory_space<vmem>>) target_semaphore(%run_scoped3A : memref<!tpu.dma_semaphore, #tpu.memory_space<semaphore_mem>>)
      %dma_wait3A_136 = arith.constant 0 : i32
      %dma_wait3A_137 = arith.constant 0 : i32
      %dma_wait3A_138 = tpu.memref_slice %arg7[%dma_wait3A_136, %dma_wait3A_137] : memref<128x128xf32, #tpu.memory_space<vmem>> -> memref<128x128xf32, #tpu.memory_space<vmem>>
      %dma_wait3A_139 = arith.constant 0 : i32
      %dma_wait3A_140 = tpu.memref_slice %arg10[%add3A_117, %dma_wait3A_139] : memref<10112x128xf32, #tpu.memory_space<vmem_shared>> -> memref<128x128xf32, #tpu.memory_space<vmem_shared>>
      %dma_wait3A_141 = arith.constant 0 : i32
      %dma_wait3A_142 = arith.constant 0 : i32
      %dma_wait3A_143 = tpu.memref_slice %arg7[%dma_wait3A_141, %dma_wait3A_142] : memref<128x128xf32, #tpu.memory_space<vmem>> -> memref<128x128xf32, #tpu.memory_space<vmem>>
      %dma_wait3A_144 = arith.constant 0 : i32
      %dma_wait3A_145 = tpu.memref_slice %arg10[%add3A_117, %dma_wait3A_144] : memref<10112x128xf32, #tpu.memory_space<vmem_shared>> -> memref<128x128xf32, #tpu.memory_space<vmem_shared>>
      tpu.wait_dma2 semaphore(%run_scoped3A : memref<!tpu.dma_semaphore, #tpu.memory_space<semaphore_mem>>) src(%dma_wait3A_145 : memref<128x128xf32, #tpu.memory_space<vmem_shared>>) dst(%dma_wait3A_143 : memref<128x128xf32, #tpu.memory_space<vmem>>)
      tpu.yield
    }) : () -> ()
    "tpu.region"() ({
      %run_scoped3A = tpu.sem_alloc : memref<!tpu.dma_semaphore, #tpu.memory_space<semaphore_mem>>
      %dma_start3A_126 = arith.constant 0 : i32
      %dma_start3A_127 = arith.constant 0 : i32
      %dma_start3A_128 = tpu.memref_slice %arg7[%dma_start3A_126, %dma_start3A_127] : memref<128x128xf32, #tpu.memory_space<vmem>> -> memref<128x128xf32, #tpu.memory_space<vmem>>
      %dma_start3A_129 = arith.constant 0 : i32
      %dma_start3A_130 = tpu.memref_slice %arg5[%arg0, %add3A_117, %dma_start3A_129] : memref<2x10112x128xf32, #tpu.memory_space<hbm>> -> memref<1x128x128xf32, #tpu.memory_space<hbm>>
      %dma_start3A_131 = tpu.memref_squeeze %dma_start3A_130 : memref<1x128x128xf32, #tpu.memory_space<hbm>> -> memref<128x128xf32, #tpu.memory_space<hbm>>
      %dma_start3A_132 = arith.constant 0 : i32
      %dma_start3A_133 = tpu.memref_slice %arg5[%arg0, %add3A_117, %dma_start3A_132] : memref<2x10112x128xf32, #tpu.memory_space<hbm>> -> memref<1x128x128xf32, #tpu.memory_space<hbm>>
      %dma_start3A_134 = tpu.memref_squeeze %dma_start3A_133 : memref<1x128x128xf32, #tpu.memory_space<hbm>> -> memref<128x128xf32, #tpu.memory_space<hbm>>
      %dma_start3A_135 = arith.constant 0 : i32
      %dma_start3A_136 = arith.constant 0 : i32
      %dma_start3A_137 = tpu.memref_slice %arg7[%dma_start3A_135, %dma_start3A_136] : memref<128x128xf32, #tpu.memory_space<vmem>> -> memref<128x128xf32, #tpu.memory_space<vmem>>
      tpu.enqueue_dma source(%dma_start3A_137 : memref<128x128xf32, #tpu.memory_space<vmem>>) target(%dma_start3A_134 : memref<128x128xf32, #tpu.memory_space<hbm>>) target_semaphore(%run_scoped3A : memref<!tpu.dma_semaphore, #tpu.memory_space<semaphore_mem>>)
      %dma_wait3A_138 = arith.constant 0 : i32
      %dma_wait3A_139 = arith.constant 0 : i32
      %dma_wait3A_140 = tpu.memref_slice %arg7[%dma_wait3A_138, %dma_wait3A_139] : memref<128x128xf32, #tpu.memory_space<vmem>> -> memref<128x128xf32, #tpu.memory_space<vmem>>
      %dma_wait3A_141 = arith.constant 0 : i32
      %dma_wait3A_142 = tpu.memref_slice %arg5[%arg0, %add3A_117, %dma_wait3A_141] : memref<2x10112x128xf32, #tpu.memory_space<hbm>> -> memref<1x128x128xf32, #tpu.memory_space<hbm>>
      %dma_wait3A_143 = tpu.memref_squeeze %dma_wait3A_142 : memref<1x128x128xf32, #tpu.memory_space<hbm>> -> memref<128x128xf32, #tpu.memory_space<hbm>>
      %dma_wait3A_144 = arith.constant 0 : i32
      %dma_wait3A_145 = tpu.memref_slice %arg5[%arg0, %add3A_117, %dma_wait3A_144] : memref<2x10112x128xf32, #tpu.memory_space<hbm>> -> memref<1x128x128xf32, #tpu.memory_space<hbm>>
      %dma_wait3A_146 = tpu.memref_squeeze %dma_wait3A_145 : memref<1x128x128xf32, #tpu.memory_space<hbm>> -> memref<128x128xf32, #tpu.memory_space<hbm>>
      %dma_wait3A_147 = arith.constant 0 : i32
      %dma_wait3A_148 = arith.constant 0 : i32
      %dma_wait3A_149 = tpu.memref_slice %arg7[%dma_wait3A_147, %dma_wait3A_148] : memref<128x128xf32, #tpu.memory_space<vmem>> -> memref<128x128xf32, #tpu.memory_space<vmem>>
      tpu.wait_dma2 semaphore(%run_scoped3A : memref<!tpu.dma_semaphore, #tpu.memory_space<semaphore_mem>>) src(%dma_wait3A_149 : memref<128x128xf32, #tpu.memory_space<vmem>>) dst(%dma_wait3A_146 : memref<128x128xf32, #tpu.memory_space<hbm>>)
      tpu.yield
    }) : () -> ()
    %mul3A_118 = arith.constant 632 : i32
    %mul3A_119 = arith.muli %arg1, %mul3A_118 : i32
    %add3A_120 = arith.constant 384 : i32
    %add3A_121 = arith.addi %mul3A_119, %add3A_120 : i32
    "tpu.region"() ({
      %run_scoped3A = tpu.sem_alloc : memref<!tpu.dma_semaphore, #tpu.memory_space<semaphore_mem>>
      %dma_start3A_126 = arith.constant 0 : i32
      %dma_start3A_127 = arith.constant 0 : i32
      %dma_start3A_128 = tpu.memref_slice %arg7[%dma_start3A_126, %dma_start3A_127] : memref<128x128xf32, #tpu.memory_space<vmem>> -> memref<128x128xf32, #tpu.memory_space<vmem>>
      %dma_start3A_129 = arith.constant 0 : i32
      %dma_start3A_130 = tpu.memref_slice %arg10[%add3A_121, %dma_start3A_129] : memref<10112x128xf32, #tpu.memory_space<vmem_shared>> -> memref<128x128xf32, #tpu.memory_space<vmem_shared>>
      %dma_start3A_131 = arith.constant 0 : i32
      %dma_start3A_132 = arith.constant 0 : i32
      %dma_start3A_133 = tpu.memref_slice %arg7[%dma_start3A_131, %dma_start3A_132] : memref<128x128xf32, #tpu.memory_space<vmem>> -> memref<128x128xf32, #tpu.memory_space<vmem>>
      %dma_start3A_134 = arith.constant 0 : i32
      %dma_start3A_135 = tpu.memref_slice %arg10[%add3A_121, %dma_start3A_134] : memref<10112x128xf32, #tpu.memory_space<vmem_shared>> -> memref<128x128xf32, #tpu.memory_space<vmem_shared>>
      tpu.enqueue_dma source(%dma_start3A_135 : memref<128x128xf32, #tpu.memory_space<vmem_shared>>) target(%dma_start3A_133 : memref<128x128xf32, #tpu.memory_space<vmem>>) target_semaphore(%run_scoped3A : memref<!tpu.dma_semaphore, #tpu.memory_space<semaphore_mem>>)
      %dma_wait3A_136 = arith.constant 0 : i32
      %dma_wait3A_137 = arith.constant 0 : i32
      %dma_wait3A_138 = tpu.memref_slice %arg7[%dma_wait3A_136, %dma_wait3A_137] : memref<128x128xf32, #tpu.memory_space<vmem>> -> memref<128x128xf32, #tpu.memory_space<vmem>>
      %dma_wait3A_139 = arith.constant 0 : i32
      %dma_wait3A_140 = tpu.memref_slice %arg10[%add3A_121, %dma_wait3A_139] : memref<10112x128xf32, #tpu.memory_space<vmem_shared>> -> memref<128x128xf32, #tpu.memory_space<vmem_shared>>
      %dma_wait3A_141 = arith.constant 0 : i32
      %dma_wait3A_142 = arith.constant 0 : i32
      %dma_wait3A_143 = tpu.memref_slice %arg7[%dma_wait3A_141, %dma_wait3A_142] : memref<128x128xf32, #tpu.memory_space<vmem>> -> memref<128x128xf32, #tpu.memory_space<vmem>>
      %dma_wait3A_144 = arith.constant 0 : i32
      %dma_wait3A_145 = tpu.memref_slice %arg10[%add3A_121, %dma_wait3A_144] : memref<10112x128xf32, #tpu.memory_space<vmem_shared>> -> memref<128x128xf32, #tpu.memory_space<vmem_shared>>
      tpu.wait_dma2 semaphore(%run_scoped3A : memref<!tpu.dma_semaphore, #tpu.memory_space<semaphore_mem>>) src(%dma_wait3A_145 : memref<128x128xf32, #tpu.memory_space<vmem_shared>>) dst(%dma_wait3A_143 : memref<128x128xf32, #tpu.memory_space<vmem>>)
      tpu.yield
    }) : () -> ()
    "tpu.region"() ({
      %run_scoped3A = tpu.sem_alloc : memref<!tpu.dma_semaphore, #tpu.memory_space<semaphore_mem>>
      %dma_start3A_126 = arith.constant 0 : i32
      %dma_start3A_127 = arith.constant 0 : i32
      %dma_start3A_128 = tpu.memref_slice %arg7[%dma_start3A_126, %dma_start3A_127] : memref<128x128xf32, #tpu.memory_space<vmem>> -> memref<128x128xf32, #tpu.memory_space<vmem>>
      %dma_start3A_129 = arith.constant 0 : i32
      %dma_start3A_130 = tpu.memref_slice %arg5[%arg0, %add3A_121, %dma_start3A_129] : memref<2x10112x128xf32, #tpu.memory_space<hbm>> -> memref<1x128x128xf32, #tpu.memory_space<hbm>>
      %dma_start3A_131 = tpu.memref_squeeze %dma_start3A_130 : memref<1x128x128xf32, #tpu.memory_space<hbm>> -> memref<128x128xf32, #tpu.memory_space<hbm>>
      %dma_start3A_132 = arith.constant 0 : i32
      %dma_start3A_133 = tpu.memref_slice %arg5[%arg0, %add3A_121, %dma_start3A_132] : memref<2x10112x128xf32, #tpu.memory_space<hbm>> -> memref<1x128x128xf32, #tpu.memory_space<hbm>>
      %dma_start3A_134 = tpu.memref_squeeze %dma_start3A_133 : memref<1x128x128xf32, #tpu.memory_space<hbm>> -> memref<128x128xf32, #tpu.memory_space<hbm>>
      %dma_start3A_135 = arith.constant 0 : i32
      %dma_start3A_136 = arith.constant 0 : i32
      %dma_start3A_137 = tpu.memref_slice %arg7[%dma_start3A_135, %dma_start3A_136] : memref<128x128xf32, #tpu.memory_space<vmem>> -> memref<128x128xf32, #tpu.memory_space<vmem>>
      tpu.enqueue_dma source(%dma_start3A_137 : memref<128x128xf32, #tpu.memory_space<vmem>>) target(%dma_start3A_134 : memref<128x128xf32, #tpu.memory_space<hbm>>) target_semaphore(%run_scoped3A : memref<!tpu.dma_semaphore, #tpu.memory_space<semaphore_mem>>)
      %dma_wait3A_138 = arith.constant 0 : i32
      %dma_wait3A_139 = arith.constant 0 : i32
      %dma_wait3A_140 = tpu.memref_slice %arg7[%dma_wait3A_138, %dma_wait3A_139] : memref<128x128xf32, #tpu.memory_space<vmem>> -> memref<128x128xf32, #tpu.memory_space<vmem>>
      %dma_wait3A_141 = arith.constant 0 : i32
      %dma_wait3A_142 = tpu.memref_slice %arg5[%arg0, %add3A_121, %dma_wait3A_141] : memref<2x10112x128xf32, #tpu.memory_space<hbm>> -> memref<1x128x128xf32, #tpu.memory_space<hbm>>
      %dma_wait3A_143 = tpu.memref_squeeze %dma_wait3A_142 : memref<1x128x128xf32, #tpu.memory_space<hbm>> -> memref<128x128xf32, #tpu.memory_space<hbm>>
      %dma_wait3A_144 = arith.constant 0 : i32
      %dma_wait3A_145 = tpu.memref_slice %arg5[%arg0, %add3A_121, %dma_wait3A_144] : memref<2x10112x128xf32, #tpu.memory_space<hbm>> -> memref<1x128x128xf32, #tpu.memory_space<hbm>>
      %dma_wait3A_146 = tpu.memref_squeeze %dma_wait3A_145 : memref<1x128x128xf32, #tpu.memory_space<hbm>> -> memref<128x128xf32, #tpu.memory_space<hbm>>
      %dma_wait3A_147 = arith.constant 0 : i32
      %dma_wait3A_148 = arith.constant 0 : i32
      %dma_wait3A_149 = tpu.memref_slice %arg7[%dma_wait3A_147, %dma_wait3A_148] : memref<128x128xf32, #tpu.memory_space<vmem>> -> memref<128x128xf32, #tpu.memory_space<vmem>>
      tpu.wait_dma2 semaphore(%run_scoped3A : memref<!tpu.dma_semaphore, #tpu.memory_space<semaphore_mem>>) src(%dma_wait3A_149 : memref<128x128xf32, #tpu.memory_space<vmem>>) dst(%dma_wait3A_146 : memref<128x128xf32, #tpu.memory_space<hbm>>)
      tpu.yield
    }) : () -> ()
    %mul3A_122 = arith.constant 632 : i32
    %mul3A_123 = arith.muli %arg1, %mul3A_122 : i32
    %add3A_124 = arith.constant 512 : i32
    %add3A_125 = arith.addi %mul3A_123, %add3A_124 : i32
    "tpu.region"() ({
      %run_scoped3A = tpu.sem_alloc : memref<!tpu.dma_semaphore, #tpu.memory_space<semaphore_mem>>
      %dma_start3A_126 = arith.constant 0 : i32
      %dma_start3A_127 = arith.constant 0 : i32
      %dma_start3A_128 = tpu.memref_slice %arg7[%dma_start3A_126, %dma_start3A_127] : memref<128x128xf32, #tpu.memory_space<vmem>> -> memref<120x128xf32, #tpu.memory_space<vmem>>
      %dma_start3A_129 = arith.constant 0 : i32
      %dma_start3A_130 = tpu.memref_slice %arg10[%add3A_125, %dma_start3A_129] : memref<10112x128xf32, #tpu.memory_space<vmem_shared>> -> memref<120x128xf32, #tpu.memory_space<vmem_shared>>
      %dma_start3A_131 = arith.constant 0 : i32
      %dma_start3A_132 = arith.constant 0 : i32
      %dma_start3A_133 = tpu.memref_slice %arg7[%dma_start3A_131, %dma_start3A_132] : memref<128x128xf32, #tpu.memory_space<vmem>> -> memref<120x128xf32, #tpu.memory_space<vmem>>
      %dma_start3A_134 = arith.constant 0 : i32
      %dma_start3A_135 = tpu.memref_slice %arg10[%add3A_125, %dma_start3A_134] : memref<10112x128xf32, #tpu.memory_space<vmem_shared>> -> memref<120x128xf32, #tpu.memory_space<vmem_shared>>
      tpu.enqueue_dma source(%dma_start3A_135 : memref<120x128xf32, #tpu.memory_space<vmem_shared>>) target(%dma_start3A_133 : memref<120x128xf32, #tpu.memory_space<vmem>>) target_semaphore(%run_scoped3A : memref<!tpu.dma_semaphore, #tpu.memory_space<semaphore_mem>>)
      %dma_wait3A_136 = arith.constant 0 : i32
      %dma_wait3A_137 = arith.constant 0 : i32
      %dma_wait3A_138 = tpu.memref_slice %arg7[%dma_wait3A_136, %dma_wait3A_137] : memref<128x128xf32, #tpu.memory_space<vmem>> -> memref<120x128xf32, #tpu.memory_space<vmem>>
      %dma_wait3A_139 = arith.constant 0 : i32
      %dma_wait3A_140 = tpu.memref_slice %arg10[%add3A_125, %dma_wait3A_139] : memref<10112x128xf32, #tpu.memory_space<vmem_shared>> -> memref<120x128xf32, #tpu.memory_space<vmem_shared>>
      %dma_wait3A_141 = arith.constant 0 : i32
      %dma_wait3A_142 = arith.constant 0 : i32
      %dma_wait3A_143 = tpu.memref_slice %arg7[%dma_wait3A_141, %dma_wait3A_142] : memref<128x128xf32, #tpu.memory_space<vmem>> -> memref<120x128xf32, #tpu.memory_space<vmem>>
      %dma_wait3A_144 = arith.constant 0 : i32
      %dma_wait3A_145 = tpu.memref_slice %arg10[%add3A_125, %dma_wait3A_144] : memref<10112x128xf32, #tpu.memory_space<vmem_shared>> -> memref<120x128xf32, #tpu.memory_space<vmem_shared>>
      tpu.wait_dma2 semaphore(%run_scoped3A : memref<!tpu.dma_semaphore, #tpu.memory_space<semaphore_mem>>) src(%dma_wait3A_145 : memref<120x128xf32, #tpu.memory_space<vmem_shared>>) dst(%dma_wait3A_143 : memref<120x128xf32, #tpu.memory_space<vmem>>)
      tpu.yield
    }) : () -> ()
    "tpu.region"() ({
      %run_scoped3A = tpu.sem_alloc : memref<!tpu.dma_semaphore, #tpu.memory_space<semaphore_mem>>
      %dma_start3A_126 = arith.constant 0 : i32
      %dma_start3A_127 = arith.constant 0 : i32
      %dma_start3A_128 = tpu.memref_slice %arg7[%dma_start3A_126, %dma_start3A_127] : memref<128x128xf32, #tpu.memory_space<vmem>> -> memref<120x128xf32, #tpu.memory_space<vmem>>
      %dma_start3A_129 = arith.constant 0 : i32
      %dma_start3A_130 = tpu.memref_slice %arg5[%arg0, %add3A_125, %dma_start3A_129] : memref<2x10112x128xf32, #tpu.memory_space<hbm>> -> memref<1x120x128xf32, #tpu.memory_space<hbm>>
      %dma_start3A_131 = tpu.memref_squeeze %dma_start3A_130 : memref<1x120x128xf32, #tpu.memory_space<hbm>> -> memref<120x128xf32, #tpu.memory_space<hbm>>
      %dma_start3A_132 = arith.constant 0 : i32
      %dma_start3A_133 = tpu.memref_slice %arg5[%arg0, %add3A_125, %dma_start3A_132] : memref<2x10112x128xf32, #tpu.memory_space<hbm>> -> memref<1x120x128xf32, #tpu.memory_space<hbm>>
      %dma_start3A_134 = tpu.memref_squeeze %dma_start3A_133 : memref<1x120x128xf32, #tpu.memory_space<hbm>> -> memref<120x128xf32, #tpu.memory_space<hbm>>
      %dma_start3A_135 = arith.constant 0 : i32
      %dma_start3A_136 = arith.constant 0 : i32
      %dma_start3A_137 = tpu.memref_slice %arg7[%dma_start3A_135, %dma_start3A_136] : memref<128x128xf32, #tpu.memory_space<vmem>> -> memref<120x128xf32, #tpu.memory_space<vmem>>
      tpu.enqueue_dma source(%dma_start3A_137 : memref<120x128xf32, #tpu.memory_space<vmem>>) target(%dma_start3A_134 : memref<120x128xf32, #tpu.memory_space<hbm>>) target_semaphore(%run_scoped3A : memref<!tpu.dma_semaphore, #tpu.memory_space<semaphore_mem>>)
      %dma_wait3A_138 = arith.constant 0 : i32
      %dma_wait3A_139 = arith.constant 0 : i32
      %dma_wait3A_140 = tpu.memref_slice %arg7[%dma_wait3A_138, %dma_wait3A_139] : memref<128x128xf32, #tpu.memory_space<vmem>> -> memref<120x128xf32, #tpu.memory_space<vmem>>
      %dma_wait3A_141 = arith.constant 0 : i32
      %dma_wait3A_142 = tpu.memref_slice %arg5[%arg0, %add3A_125, %dma_wait3A_141] : memref<2x10112x128xf32, #tpu.memory_space<hbm>> -> memref<1x120x128xf32, #tpu.memory_space<hbm>>
      %dma_wait3A_143 = tpu.memref_squeeze %dma_wait3A_142 : memref<1x120x128xf32, #tpu.memory_space<hbm>> -> memref<120x128xf32, #tpu.memory_space<hbm>>
      %dma_wait3A_144 = arith.constant 0 : i32
      %dma_wait3A_145 = tpu.memref_slice %arg5[%arg0, %add3A_125, %dma_wait3A_144] : memref<2x10112x128xf32, #tpu.memory_space<hbm>> -> memref<1x120x128xf32, #tpu.memory_space<hbm>>
      %dma_wait3A_146 = tpu.memref_squeeze %dma_wait3A_145 : memref<1x120x128xf32, #tpu.memory_space<hbm>> -> memref<120x128xf32, #tpu.memory_space<hbm>>
      %dma_wait3A_147 = arith.constant 0 : i32
      %dma_wait3A_148 = arith.constant 0 : i32
      %dma_wait3A_149 = tpu.memref_slice %arg7[%dma_wait3A_147, %dma_wait3A_148] : memref<128x128xf32, #tpu.memory_space<vmem>> -> memref<120x128xf32, #tpu.memory_space<vmem>>
      tpu.wait_dma2 semaphore(%run_scoped3A : memref<!tpu.dma_semaphore, #tpu.memory_space<semaphore_mem>>) src(%dma_wait3A_149 : memref<120x128xf32, #tpu.memory_space<vmem>>) dst(%dma_wait3A_146 : memref<120x128xf32, #tpu.memory_space<hbm>>)
      tpu.yield
    }) : () -> ()
    return
  }
}

module attributes {stable_mosaic.version = 14 : i64} {
  func.func @_dense1_body(%arg0: memref<10000x128xf32, #tpu.memory_space<vmem>>, %arg1: memref<2x10112x128xf32, #tpu.memory_space<vmem>>, %arg2: memref<128x128xf32, #tpu.memory_space<vmem>>, %arg3: memref<1x128xf32, #tpu.memory_space<vmem>>, %arg4: memref<128x128xf32, #tpu.memory_space<vmem>>, %arg5: memref<1x128xf32, #tpu.memory_space<vmem>>, %arg6: memref<1x128xf32, #tpu.memory_space<vmem>>, %arg7: memref<1x128xf32, #tpu.memory_space<vmem>>, %arg8: memref<10000x128xf32, #tpu.memory_space<vmem>>) attributes {dimension_semantics = [], scalar_prefetch = 0 : i64, scratch_operands = 0 : i64, tpu.core_type = #tpu.core_type<tc>} {
    %get3A = arith.constant 0 : index
    %get3A_0 = arith.constant 0 : index
    %get3A_1 = vector.load %arg0[%get3A, %get3A_0] : memref<10000x128xf32, #tpu.memory_space<vmem>>, vector<10000x128xf32>
    %get3A_2 = arith.constant 0 : index
    %get3A_3 = arith.constant 0 : index
    %get3A_4 = arith.constant 0 : index
    %get3A_5 = vector.load %arg1[%get3A_2, %get3A_3, %get3A_4] : memref<2x10112x128xf32, #tpu.memory_space<vmem>>, vector<1x10000x128xf32>
    %get3A_6 = vector.shape_cast %get3A_5 : vector<1x10000x128xf32> to vector<10000x128xf32>
    %add3A = arith.addf %get3A_1, %get3A_6 : vector<10000x128xf32>
    %get3A_7 = arith.constant 1 : index
    %get3A_8 = arith.constant 0 : index
    %get3A_9 = arith.constant 0 : index
    %get3A_10 = vector.load %arg1[%get3A_7, %get3A_8, %get3A_9] : memref<2x10112x128xf32, #tpu.memory_space<vmem>>, vector<1x10000x128xf32>
    %get3A_11 = vector.shape_cast %get3A_10 : vector<1x10000x128xf32> to vector<10000x128xf32>
    %add3A_12 = arith.addf %add3A, %get3A_11 : vector<10000x128xf32>
    %get3A_13 = arith.constant 0 : index
    %get3A_14 = arith.constant 0 : index
    %get3A_15 = vector.load %arg2[%get3A_13, %get3A_14] : memref<128x128xf32, #tpu.memory_space<vmem>>, vector<128x128xf32>
    %get3A_16 = arith.constant 0 : index
    %get3A_17 = arith.constant 0 : index
    %get3A_18 = vector.load %arg3[%get3A_16, %get3A_17] : memref<1x128xf32, #tpu.memory_space<vmem>>, vector<1x128xf32>
    %get3A_19 = arith.constant 0 : index
    %get3A_20 = arith.constant 0 : index
    %get3A_21 = vector.load %arg4[%get3A_19, %get3A_20] : memref<128x128xf32, #tpu.memory_space<vmem>>, vector<128x128xf32>
    %get3A_22 = arith.constant 0 : index
    %get3A_23 = arith.constant 0 : index
    %get3A_24 = vector.load %arg5[%get3A_22, %get3A_23] : memref<1x128xf32, #tpu.memory_space<vmem>>, vector<1x128xf32>
    %get3A_25 = arith.constant 0 : index
    %get3A_26 = arith.constant 0 : index
    %get3A_27 = vector.load %arg6[%get3A_25, %get3A_26] : memref<1x128xf32, #tpu.memory_space<vmem>>, vector<1x128xf32>
    %get3A_28 = arith.constant 0 : index
    %get3A_29 = arith.constant 0 : index
    %get3A_30 = vector.load %arg7[%get3A_28, %get3A_29] : memref<1x128xf32, #tpu.memory_space<vmem>>, vector<1x128xf32>
    %dot_general3A = arith.constant dense<0.000000e+00> : vector<10000x128xf32>
    %dot_general3A_31 = tpu.matmul %add3A_12, %get3A_15, %dot_general3A {dimension_numbers = #tpu.dot_dimension_numbers<[1], [0], [0], [1], [0, 0, 1, 1], [], []>, precision = #tpu.contract_precision<fp32>, transpose_lhs_hint = false} : vector<10000x128xf32>, vector<128x128xf32>, vector<10000x128xf32> -> vector<10000x128xf32>
    %add3A_32 = vector.broadcast %get3A_18 : vector<1x128xf32> to vector<10000x128xf32>
    %add3A_33 = arith.addf %dot_general3A_31, %add3A_32 : vector<10000x128xf32>
    %max3A = arith.constant 0.000000e+00 : f32
    %max3A_34 = vector.broadcast %max3A : f32 to vector<10000x128xf32>
    %max3A_35 = arith.maximumf %add3A_33, %max3A_34 : vector<10000x128xf32>
    %dot_general3A_36 = arith.constant dense<0.000000e+00> : vector<10000x128xf32>
    %dot_general3A_37 = tpu.matmul %max3A_35, %get3A_21, %dot_general3A_36 {dimension_numbers = #tpu.dot_dimension_numbers<[1], [0], [0], [1], [0, 0, 1, 1], [], []>, precision = #tpu.contract_precision<fp32>, transpose_lhs_hint = false} : vector<10000x128xf32>, vector<128x128xf32>, vector<10000x128xf32> -> vector<10000x128xf32>
    %add3A_38 = vector.broadcast %get3A_24 : vector<1x128xf32> to vector<10000x128xf32>
    %add3A_39 = arith.addf %dot_general3A_37, %add3A_38 : vector<10000x128xf32>
    %reduce_sum3A = arith.constant dense<0.000000e+00> : vector<128xf32>
    %reduce_sum3A_40 = vector.multi_reduction <add>, %add3A_39, %reduce_sum3A [0] : vector<10000x128xf32> to vector<128xf32>
    %broadcast_in_dim3A = vector.shape_cast %reduce_sum3A_40 : vector<128xf32> to vector<1x128xf32>
    %div3A = arith.constant 1.000000e+04 : f32
    %div3A_41 = vector.broadcast %div3A : f32 to vector<1x128xf32>
    %div3A_42 = arith.divf %broadcast_in_dim3A, %div3A_41 : vector<1x128xf32>
    %sub3A = vector.broadcast %div3A_42 : vector<1x128xf32> to vector<10000x128xf32>
    %sub3A_43 = arith.subf %add3A_39, %sub3A : vector<10000x128xf32>
    %sub3A_44 = vector.broadcast %div3A_42 : vector<1x128xf32> to vector<10000x128xf32>
    %sub3A_45 = arith.subf %add3A_39, %sub3A_44 : vector<10000x128xf32>
    %mul3A = arith.mulf %sub3A_43, %sub3A_45 : vector<10000x128xf32>
    %reduce_sum3A_46 = arith.constant dense<0.000000e+00> : vector<128xf32>
    %reduce_sum3A_47 = vector.multi_reduction <add>, %mul3A, %reduce_sum3A_46 [0] : vector<10000x128xf32> to vector<128xf32>
    %broadcast_in_dim3A_48 = vector.shape_cast %reduce_sum3A_47 : vector<128xf32> to vector<1x128xf32>
    %div3A_49 = arith.constant 1.000000e+04 : f32
    %div3A_50 = vector.broadcast %div3A_49 : f32 to vector<1x128xf32>
    %div3A_51 = arith.divf %broadcast_in_dim3A_48, %div3A_50 : vector<1x128xf32>
    %sub3A_52 = vector.broadcast %div3A_42 : vector<1x128xf32> to vector<10000x128xf32>
    %sub3A_53 = arith.subf %add3A_39, %sub3A_52 : vector<10000x128xf32>
    %add3A_54 = arith.constant 9.99999974E-6 : f32
    %add3A_55 = vector.broadcast %add3A_54 : f32 to vector<1x128xf32>
    %add3A_56 = arith.addf %div3A_51, %add3A_55 : vector<1x128xf32>
    %sqrt3A = math.sqrt %add3A_56 : vector<1x128xf32>
    %div3A_57 = vector.broadcast %sqrt3A : vector<1x128xf32> to vector<10000x128xf32>
    %div3A_58 = arith.divf %sub3A_53, %div3A_57 : vector<10000x128xf32>
    %mul3A_59 = vector.broadcast %get3A_27 : vector<1x128xf32> to vector<10000x128xf32>
    %mul3A_60 = arith.mulf %div3A_58, %mul3A_59 : vector<10000x128xf32>
    %add3A_61 = vector.broadcast %get3A_30 : vector<1x128xf32> to vector<10000x128xf32>
    %add3A_62 = arith.addf %mul3A_60, %add3A_61 : vector<10000x128xf32>
    %max3A_63 = arith.constant 0.000000e+00 : f32
    %max3A_64 = vector.broadcast %max3A_63 : f32 to vector<10000x128xf32>
    %max3A_65 = arith.maximumf %add3A_62, %max3A_64 : vector<10000x128xf32>
    %swap3A = arith.constant 0 : index
    %swap3A_66 = arith.constant 0 : index
    %swap3A_67 = vector.load %arg8[%swap3A, %swap3A_66] : memref<10000x128xf32, #tpu.memory_space<vmem>>, vector<10000x128xf32>
    tpu.vector_store %arg8[%swap3A, %swap3A_66], %max3A_65 {strides = array<i32>} : memref<10000x128xf32, #tpu.memory_space<vmem>>, vector<10000x128xf32>,
    return
  }
}

module attributes {stable_mosaic.version = 14 : i64} {
  func.func @_dense2_body(%arg0: memref<10000x128xf32, #tpu.memory_space<vmem>>, %arg1: memref<2x10112x128xf32, #tpu.memory_space<vmem>>, %arg2: memref<1x10000xi32, #tpu.memory_space<vmem>>, %arg3: memref<128x128xf32, #tpu.memory_space<vmem>>, %arg4: memref<1x128xf32, #tpu.memory_space<vmem>>, %arg5: memref<128x128xf32, #tpu.memory_space<vmem>>, %arg6: memref<1x128xf32, #tpu.memory_space<vmem>>, %arg7: memref<1x128xf32, #tpu.memory_space<vmem>>, %arg8: memref<1x128xf32, #tpu.memory_space<vmem>>, %arg9: memref<128x128xf32, #tpu.memory_space<vmem>>, %arg10: memref<1x128xf32, #tpu.memory_space<vmem>>, %arg11: memref<64x128xf32, #tpu.memory_space<vmem>>) attributes {dimension_semantics = [], scalar_prefetch = 0 : i64, scratch_operands = 0 : i64, tpu.core_type = #tpu.core_type<tc>} {
    %get3A = arith.constant 0 : index
    %get3A_0 = arith.constant 0 : index
    %get3A_1 = vector.load %arg0[%get3A, %get3A_0] : memref<10000x128xf32, #tpu.memory_space<vmem>>, vector<10000x128xf32>
    %get3A_2 = arith.constant 0 : index
    %get3A_3 = arith.constant 0 : index
    %get3A_4 = arith.constant 0 : index
    %get3A_5 = vector.load %arg1[%get3A_2, %get3A_3, %get3A_4] : memref<2x10112x128xf32, #tpu.memory_space<vmem>>, vector<1x10000x128xf32>
    %get3A_6 = vector.shape_cast %get3A_5 : vector<1x10000x128xf32> to vector<10000x128xf32>
    %add3A = arith.addf %get3A_1, %get3A_6 : vector<10000x128xf32>
    %get3A_7 = arith.constant 1 : index
    %get3A_8 = arith.constant 0 : index
    %get3A_9 = arith.constant 0 : index
    %get3A_10 = vector.load %arg1[%get3A_7, %get3A_8, %get3A_9] : memref<2x10112x128xf32, #tpu.memory_space<vmem>>, vector<1x10000x128xf32>
    %get3A_11 = vector.shape_cast %get3A_10 : vector<1x10000x128xf32> to vector<10000x128xf32>
    %add3A_12 = arith.addf %add3A, %get3A_11 : vector<10000x128xf32>
    %get3A_13 = arith.constant 0 : index
    %get3A_14 = arith.constant 0 : index
    %get3A_15 = vector.load %arg3[%get3A_13, %get3A_14] : memref<128x128xf32, #tpu.memory_space<vmem>>, vector<128x128xf32>
    %get3A_16 = arith.constant 0 : index
    %get3A_17 = arith.constant 0 : index
    %get3A_18 = vector.load %arg4[%get3A_16, %get3A_17] : memref<1x128xf32, #tpu.memory_space<vmem>>, vector<1x128xf32>
    %get3A_19 = arith.constant 0 : index
    %get3A_20 = arith.constant 0 : index
    %get3A_21 = vector.load %arg5[%get3A_19, %get3A_20] : memref<128x128xf32, #tpu.memory_space<vmem>>, vector<128x128xf32>
    %get3A_22 = arith.constant 0 : index
    %get3A_23 = arith.constant 0 : index
    %get3A_24 = vector.load %arg6[%get3A_22, %get3A_23] : memref<1x128xf32, #tpu.memory_space<vmem>>, vector<1x128xf32>
    %get3A_25 = arith.constant 0 : index
    %get3A_26 = arith.constant 0 : index
    %get3A_27 = vector.load %arg7[%get3A_25, %get3A_26] : memref<1x128xf32, #tpu.memory_space<vmem>>, vector<1x128xf32>
    %get3A_28 = arith.constant 0 : index
    %get3A_29 = arith.constant 0 : index
    %get3A_30 = vector.load %arg8[%get3A_28, %get3A_29] : memref<1x128xf32, #tpu.memory_space<vmem>>, vector<1x128xf32>
    %dot_general3A = arith.constant dense<0.000000e+00> : vector<10000x128xf32>
    %dot_general3A_31 = tpu.matmul %add3A_12, %get3A_15, %dot_general3A {dimension_numbers = #tpu.dot_dimension_numbers<[1], [0], [0], [1], [0, 0, 1, 1], [], []>, precision = #tpu.contract_precision<fp32>, transpose_lhs_hint = false} : vector<10000x128xf32>, vector<128x128xf32>, vector<10000x128xf32> -> vector<10000x128xf32>
    %add3A_32 = vector.broadcast %get3A_18 : vector<1x128xf32> to vector<10000x128xf32>
    %add3A_33 = arith.addf %dot_general3A_31, %add3A_32 : vector<10000x128xf32>
    %max3A = arith.constant 0.000000e+00 : f32
    %max3A_34 = vector.broadcast %max3A : f32 to vector<10000x128xf32>
    %max3A_35 = arith.maximumf %add3A_33, %max3A_34 : vector<10000x128xf32>
    %dot_general3A_36 = arith.constant dense<0.000000e+00> : vector<10000x128xf32>
    %dot_general3A_37 = tpu.matmul %max3A_35, %get3A_21, %dot_general3A_36 {dimension_numbers = #tpu.dot_dimension_numbers<[1], [0], [0], [1], [0, 0, 1, 1], [], []>, precision = #tpu.contract_precision<fp32>, transpose_lhs_hint = false} : vector<10000x128xf32>, vector<128x128xf32>, vector<10000x128xf32> -> vector<10000x128xf32>
    %add3A_38 = vector.broadcast %get3A_24 : vector<1x128xf32> to vector<10000x128xf32>
    %add3A_39 = arith.addf %dot_general3A_37, %add3A_38 : vector<10000x128xf32>
    %reduce_sum3A = arith.constant dense<0.000000e+00> : vector<128xf32>
    %reduce_sum3A_40 = vector.multi_reduction <add>, %add3A_39, %reduce_sum3A [0] : vector<10000x128xf32> to vector<128xf32>
    %broadcast_in_dim3A = vector.shape_cast %reduce_sum3A_40 : vector<128xf32> to vector<1x128xf32>
    %div3A = arith.constant 1.000000e+04 : f32
    %div3A_41 = vector.broadcast %div3A : f32 to vector<1x128xf32>
    %div3A_42 = arith.divf %broadcast_in_dim3A, %div3A_41 : vector<1x128xf32>
    %sub3A = vector.broadcast %div3A_42 : vector<1x128xf32> to vector<10000x128xf32>
    %sub3A_43 = arith.subf %add3A_39, %sub3A : vector<10000x128xf32>
    %sub3A_44 = vector.broadcast %div3A_42 : vector<1x128xf32> to vector<10000x128xf32>
    %sub3A_45 = arith.subf %add3A_39, %sub3A_44 : vector<10000x128xf32>
    %mul3A = arith.mulf %sub3A_43, %sub3A_45 : vector<10000x128xf32>
    %reduce_sum3A_46 = arith.constant dense<0.000000e+00> : vector<128xf32>
    %reduce_sum3A_47 = vector.multi_reduction <add>, %mul3A, %reduce_sum3A_46 [0] : vector<10000x128xf32> to vector<128xf32>
    %broadcast_in_dim3A_48 = vector.shape_cast %reduce_sum3A_47 : vector<128xf32> to vector<1x128xf32>
    %div3A_49 = arith.constant 1.000000e+04 : f32
    %div3A_50 = vector.broadcast %div3A_49 : f32 to vector<1x128xf32>
    %div3A_51 = arith.divf %broadcast_in_dim3A_48, %div3A_50 : vector<1x128xf32>
    %sub3A_52 = vector.broadcast %div3A_42 : vector<1x128xf32> to vector<10000x128xf32>
    %sub3A_53 = arith.subf %add3A_39, %sub3A_52 : vector<10000x128xf32>
    %add3A_54 = arith.constant 9.99999974E-6 : f32
    %add3A_55 = vector.broadcast %add3A_54 : f32 to vector<1x128xf32>
    %add3A_56 = arith.addf %div3A_51, %add3A_55 : vector<1x128xf32>
    %sqrt3A = math.sqrt %add3A_56 : vector<1x128xf32>
    %div3A_57 = vector.broadcast %sqrt3A : vector<1x128xf32> to vector<10000x128xf32>
    %div3A_58 = arith.divf %sub3A_53, %div3A_57 : vector<10000x128xf32>
    %mul3A_59 = vector.broadcast %get3A_27 : vector<1x128xf32> to vector<10000x128xf32>
    %mul3A_60 = arith.mulf %div3A_58, %mul3A_59 : vector<10000x128xf32>
    %add3A_61 = vector.broadcast %get3A_30 : vector<1x128xf32> to vector<10000x128xf32>
    %add3A_62 = arith.addf %mul3A_60, %add3A_61 : vector<10000x128xf32>
    %max3A_63 = arith.constant 0.000000e+00 : f32
    %max3A_64 = vector.broadcast %max3A_63 : f32 to vector<10000x128xf32>
    %max3A_65 = arith.maximumf %add3A_62, %max3A_64 : vector<10000x128xf32>
    %iota3A = tpu.iota {dimensions = array<i32: 0>} : vector<64x10000xi32>
    %get3A_66 = arith.constant 0 : index
    %get3A_67 = arith.constant 0 : index
    %get3A_68 = vector.load %arg2[%get3A_66, %get3A_67] : memref<1x10000xi32, #tpu.memory_space<vmem>>, vector<1x10000xi32>
    %eq3A = vector.broadcast %get3A_68 : vector<1x10000xi32> to vector<64x10000xi32>
    %eq3A_69 = arith.cmpi eq, %iota3A, %eq3A : vector<64x10000xi32>
    %convert_element_type3A = arith.extui %eq3A_69 : vector<64x10000xi1> to vector<64x10000xi32>
    %convert_element_type3A_70 = arith.sitofp %convert_element_type3A : vector<64x10000xi32> to vector<64x10000xf32>
    %dot_general3A_71 = arith.constant dense<0.000000e+00> : vector<64x128xf32>
    %dot_general3A_72 = tpu.matmul %convert_element_type3A_70, %max3A_65, %dot_general3A_71 {dimension_numbers = #tpu.dot_dimension_numbers<[1], [0], [0], [1], [0, 0, 1, 1], [], []>, precision = #tpu.contract_precision<fp32>, transpose_lhs_hint = false} : vector<64x10000xf32>, vector<10000x128xf32>, vector<64x128xf32> -> vector<64x128xf32>
    %reduce_sum3A_73 = arith.constant dense<0.000000e+00> : vector<64xf32>
    %reduce_sum3A_74 = vector.multi_reduction <add>, %convert_element_type3A_70, %reduce_sum3A_73 [1] : vector<64x10000xf32> to vector<64xf32>
    %broadcast_in_dim3A_75 = vector.shape_cast %reduce_sum3A_74 : vector<64xf32> to vector<64x1xf32>
    %max3A_76 = arith.constant 1.000000e+00 : f32
    %max3A_77 = vector.broadcast %max3A_76 : f32 to vector<64x1xf32>
    %max3A_78 = arith.maximumf %broadcast_in_dim3A_75, %max3A_77 : vector<64x1xf32>
    %div3A_79 = vector.broadcast %max3A_78 : vector<64x1xf32> to vector<64x128xf32>
    %div3A_80 = arith.divf %dot_general3A_72, %div3A_79 : vector<64x128xf32>
    %get3A_81 = arith.constant 0 : index
    %get3A_82 = arith.constant 0 : index
    %get3A_83 = vector.load %arg9[%get3A_81, %get3A_82] : memref<128x128xf32, #tpu.memory_space<vmem>>, vector<128x128xf32>
    %dot_general3A_84 = arith.constant dense<0.000000e+00> : vector<64x128xf32>
    %dot_general3A_85 = tpu.matmul %div3A_80, %get3A_83, %dot_general3A_84 {dimension_numbers = #tpu.dot_dimension_numbers<[1], [0], [0], [1], [0, 0, 1, 1], [], []>, precision = #tpu.contract_precision<fp32>, transpose_lhs_hint = false} : vector<64x128xf32>, vector<128x128xf32>, vector<64x128xf32> -> vector<64x128xf32>
    %get3A_86 = arith.constant 0 : index
    %get3A_87 = arith.constant 0 : index
    %get3A_88 = vector.load %arg10[%get3A_86, %get3A_87] : memref<1x128xf32, #tpu.memory_space<vmem>>, vector<1x128xf32>
    %add3A_89 = vector.broadcast %get3A_88 : vector<1x128xf32> to vector<64x128xf32>
    %add3A_90 = arith.addf %dot_general3A_85, %add3A_89 : vector<64x128xf32>
    %swap3A = arith.constant 0 : index
    %swap3A_91 = arith.constant 0 : index
    %swap3A_92 = vector.load %arg11[%swap3A, %swap3A_91] : memref<64x128xf32, #tpu.memory_space<vmem>>, vector<64x128xf32>
    tpu.vector_store %arg11[%swap3A, %swap3A_91], %add3A_90 {strides = array<i32>} : memref<64x128xf32, #tpu.memory_space<vmem>>, vector<64x128xf32>,
    return
  }
}

</mosaic_0001>

<sc_bundles>
// kernel: kernel.6.cloned.1.call-start
scs
__scs_entry_jumppad:
0x0: {  	(pc) =	sbr.rel $0x88, $3  }
0x1: {  	(tag) =	ssettag $0x0;
	lr =	simm.s32 $0x1  }
0x2: {  	[smem:$0x3F90] =	sst lr;
	_ =	strace $0xD0000000  }
0x3: {  	_ = 	snop  }
0x4: {  	_ = 	snop  }
0x5: {  	_ = 	snop  }
0x6: {  	_ = 	snop  }
0x7: {  	_ = 	snop  }
__scs_overlays_trampoline_lowered:
0x8: {  	[smem:$0x3F9F] =	sst s0  }
0x9: {  	[smem:$0x3FA0] =	sst s1  }
0xa: {  	[smem:$0x3FA1] =	sst s2  }
0xb: {  	[smem:$0x3FA2] =	sst s3  }
0xc: {  	[smem:$0x3FA3] =	sst s4  }
0xd: {  	[smem:$0x3FA4] =	sst s5  }
0xe: {  	[smem:$0x3FA5] =	sst s6  }
0xf: {  	[smem:$0x3FA6] =	sst s7  }
0x10: {  	[smem:$0x3FA7] =	sst s8  }
0x11: {  	[smem:$0x3FA8] =	sst s9;
	s0 =	simm.s32 @!p0 $0x0  }
0x12: {  	s1 =	sld [smem:$0x3F8E];
	s0 =	simm.s32 @p0 $0x1  }
0x13: {  	[smem:$0x3FA9] =	sst s0;
	s0 =	simm.s32 @!p1 $0x0  }
0x14: {  	s2 =	sld [smem:$0x3F8D];
	s0 =	simm.s32 @p1 $0x1  }
0x15: {  	[smem:$0x3FAA] =	sst s0;
	s0 =	simm.s32 @!p2 $0x0  }
0x16: {  	s3 =	sld [smem:$0x3FDB];
	s0 =	simm.s32 @p2 $0x1  }
0x17: {  	s4 =	simm.s32 $0x1BF5;
	[smem:$0x3FAC] =	sst s0  }
0x18: {  	s0 =	sld [smem:$0x3F8F];
	_ =	swait.ge [sflag:s4], $0x0  }
0x19: {  	s7 =	sld [smem:$0x3F90]  }
0x1a: {  	s8 =	sadd.s32 $0xFFFFE003, lr  }
0x1b: {  	s9 =	sadd.s32 $0xFFFFFEF7, lr;
	s5 =	simm.s32 $0xFFFFFFFF;
	p2 =	slt.u32 s8, $0xFFFFF086  }
0x1c: {  	p1 =	slt.u32 s9, $0xF7A;
	s5 =	simm.s32 @!p2 $0x0  }
0x1d: {  	s5 =	simm.s32 @p1 $0x1;
	p0 =	seq.s32 s7, s2  }
0x1e: {  	s7 =	smul.u32 @!p0 $0xF7A, s2;
	p2 =	seq.s32 @!p0 s5, $0x0  }
0x1f: {  	s9 =	smul.u32 $0xF7A, s1;
	s8 =	simm.s32 @!p0 $0x1BF5;
	p2 =	por !p2, p0  }
0x20: {  	[sflag:s8] =	ssyncset.s32 @!p0 $0xFFFFF086;
	s6 =	sadd.s32 @!p0 s3, s7;
	s7 =	simm.s32 @!p0 $0x108  }
0x21: {  	s3 =	sadd.s32 s3, s9;
	s6 =	sadd.s32 @!p0 $0x88, s6;
	s7 =	simm.s32 @p2 $0x1082  }
0x22: {  	[simem:s7], [sflag:s8] =	dma.local @!p0 [hbm:s6], $0xF7A  }
0x23: {  	s9 =	sor.u32 $0xD0000000, s2;
	s6 =	simm.s32 $0x108;
	_ =	swait.ge @!p0 [sflag:s8], $0x0  }
0x24: {  	s3 =	sadd.s32 $0x88, s3;
	s6 =	simm.s32 @!p1 $0x1082;
	[sflag:s4] =	ssyncset.s32 $0xFFFFF086  }
0x25: {  	[simem:s6], [sflag:s4] =	dma.local [hbm:s3], $0xF7A  }
0x26: {  	[smem:$0x3F90] =	sst s1;
	(tag) =	ssettag s2;
	_ =	strace s9  }
0x27: {  	s1 =	sld [smem:$0x3FA0]  }
0x28: {  	s2 =	sld [smem:$0x3FA1]  }
0x29: {  	s4 =	sld [smem:$0x3FA3]  }
0x2a: {  	p0 =	seq.s32 s5, $0x0;
	s5 =	sld [smem:$0x3FA4]  }
0x2b: {  	s6 =	sld [smem:$0x3FA5]  }
0x2c: {  	s7 =	sld [smem:$0x3FA6]  }
0x2d: {  	s3 =	simm.s32 $0x108;
	s8 =	sld [smem:$0x3FA7]  }
0x2e: {  	s3 =	simm.s32 @!p0 $0x1082;
	s9 =	sld [smem:$0x3FA8]  }
0x2f: {  	lr =	sadd.s32 s0, s3;
	s0 =	sld [smem:$0x3F9F]  }
0x30: {  	s3 =	sld [smem:$0x3FA2]  }
0x31: {  	[smem:$0x3FAB] =	sst s10  }
0x32: {  	s10 =	sld [smem:$0x3FA9];
	_ =	sdelay $0x3  }
0x33: {  	p0 =	seq.s32 s10, $0x1;
	s10 =	sld [smem:$0x3FAB];
	_ =	sdelay $0x3  }
0x34: {  	[smem:$0x3FAB] =	sst s10  }
0x35: {  	s10 =	sld [smem:$0x3FAA];
	_ =	sdelay $0x3  }
0x36: {  	p1 =	seq.s32 s10, $0x1;
	s10 =	sld [smem:$0x3FAB];
	_ =	sdelay $0x3  }
0x37: {  	[smem:$0x3FAB] =	sst s10  }
0x38: {  	s10 =	sld [smem:$0x3FAC]  }
0x39: {  	_ = 	snop;
	(pc) =	sbr.ind lr, $3  }
0x3a: {  	_ = 	snop  }
0x3b: {  	_ = 	snop  }
0x3c: {  	p2 =	seq.s32 s10, $0x1;
	s10 =	sld [smem:$0x3FAB]  }
0x3d: {  	_ =	shalt  }
0x3e: {  	_ =	shalt  }
0x3f: {  	_ =	shalt  }
0x40: {  	_ =	shalt  }
0x41: {  	_ =	shalt  }
0x42: {  	_ =	shalt  }
0x43: {  	_ =	shalt  }
0x44: {  	_ =	shalt  }
0x45: {  	_ =	shalt  }
0x46: {  	_ =	shalt  }
0x47: {  	_ =	shalt  }
0x48: {  	_ =	shalt  }
0x49: {  	_ =	shalt  }
0x4a: {  	_ =	shalt  }
0x4b: {  	_ =	shalt  }
0x4c: {  	_ =	shalt  }
0x4d: {  	_ =	shalt  }
0x4e: {  	_ =	shalt  }
0x4f: {  	_ =	shalt  }
0x50: {  	_ =	shalt  }
0x51: {  	_ =	shalt  }
0x52: {  	_ =	shalt  }
0x53: {  	_ =	shalt  }
0x54: {  	_ =	shalt  }
0x55: {  	_ =	shalt  }
0x56: {  	_ =	shalt  }
0x57: {  	_ =	shalt  }
0x58: {  	_ =	shalt  }
0x59: {  	_ =	shalt  }
0x5a: {  	_ =	shalt  }
0x5b: {  	_ =	shalt  }
0x5c: {  	_ =	shalt  }
0x5d: {  	_ =	shalt  }
0x5e: {  	_ =	shalt  }
0x5f: {  	_ =	shalt  }
0x60: {  	_ =	shalt  }
0x61: {  	_ =	shalt  }
0x62: {  	_ =	shalt  }
0x63: {  	_ =	shalt  }
0x64: {  	_ =	shalt  }
0x65: {  	_ =	shalt  }
0x66: {  	_ =	shalt  }
0x67: {  	_ =	shalt  }
0x68: {  	_ =	shalt  }
0x69: {  	_ =	shalt  }
0x6a: {  	_ =	shalt  }
0x6b: {  	_ =	shalt  }
0x6c: {  	_ =	shalt  }
0x6d: {  	_ =	shalt  }
0x6e: {  	_ =	shalt  }
0x6f: {  	_ =	shalt  }
0x70: {  	_ =	shalt  }
0x71: {  	_ =	shalt  }
0x72: {  	_ =	shalt  }
0x73: {  	_ =	shalt  }
0x74: {  	_ =	shalt  }
0x75: {  	_ =	shalt  }
0x76: {  	_ =	shalt  }
0x77: {  	_ =	shalt  }
0x78: {  	_ =	shalt  }
0x79: {  	_ =	shalt  }
0x7a: {  	_ =	shalt  }
0x7b: {  	_ =	shalt  }
0x7c: {  	_ =	shalt  }
0x7d: {  	_ =	shalt  }
0x7e: {  	_ =	shalt  }
0x7f: {  	_ =	shalt  }
0x80: {  	_ =	shalt  }
0x81: {  	_ =	shalt  }
0x82: {  	_ =	shalt  }
0x83: {  	_ =	shalt  }
0x84: {  	_ =	shalt  }
0x85: {  	_ =	shalt  }
0x86: {  	_ =	shalt  }
0x87: {  	_ =	shalt  }
.Lfunc_end0:
.L_simem_size_0:
called_computation_lowered:
.L_overlay_start_0:
0x88: {  	s2 =	sld [smem:$0x3FD9]  }
0x89: {  	s3 =	sld [smem:$0x3FFE];
	_ =	sdelay $0x1  }
0x8a: {  	s1 =	srdreg.scid  }
0x8b: {  	s0 =	sand.u32 $0x1, s1  }
0x8c: {  	s17 =	sshll.u32 s0, $0xA;
	s2 =	sadd.s32 s3, s2  }
0x8d: {  	s2 =	sadd.s32 s2, s17  }
0x8e: {  	[smem:$0x3FB7] =	sst s2  }
0x8f: {  	_ = 	snop  }
0x90: {  	s2 =	sld [smem:$0x3FC9];
	(tm) =	ssettm $0x1  }
0x91: {  	s18 =	sld [smem:$0x3FFB];
	_ =	sdelay $0x3  }
0x92: {  	_ =	strace s18  }
0x93: {  	s3 =	sld [smem:$0x3FFC];
	_ =	sdelay $0x3  }
0x94: {  	_ =	strace s3  }
0x95: {  	s3 =	sld [smem:$0x3FFD];
	_ =	sdelay $0x3  }
0x96: {  	_ =	strace s3  }
0x97: {  	_ =	strace $0x8FFFFFFF  }
0x98: {  	s19 =	sld [smem:$0x3FDB];
	_ =	sdelay $0x1  }
0x99: {  	s4 =	simm.s32 $_scs_section_size  }
0x9a: {  	s5 =	simm.s32 $_size__tile_overlayer_lowered;
	s6 =	simm.s32 $_tile_overlayer_lowered  }
0x9b: {  	s22 =	simm.s32 $0x1BFF;
	s21 =	sshll.u32 s6, $0x1;
	s3 =	sadd.s32 s4, s19  }
0x9c: {  	s7 =	simm.s32 $0x0;
	s20 =	sshll.u32 s5, $0x1;
	s5 =	sadd.s32 s21, s3  }
0x9d: {  	[timem:s7], [sflag:s22] =	dma.local [hbm:s5], s20  }
0x9e: {  	_ =	swait.ge [sflag:s22], s20  }
0x9f: {  	s4 =	ssub.s32 $0x0, s20;
	[sflag:s22] =	ssyncset.done $0x0  }
0xa0: {  	[sflag:s22] =	ssyncadd.s32 s4;
	_ =	sdelay $0x1  }
0xa1: {  	s23 =	simm.s32 $0x1B8B  }
0xa2: {  	_ =	swait.ge [sflag:s23], $0x1  }
0xa3: {  	[sflag:s23] =	ssyncset.done $0x0  }
0xa4: {  	s25 =	simm.s32 $0x1B8E;
	s24 =	sld [smem:$0x3FFE];
	[sflag:s23] =	ssyncadd.s32 $0xFFFFFFFF  }
0xa5: {  	s26 =	simm.s32 $execute0_lowered;
	[smem:$0x3FD2] =	sst s25  }
0xa6: {  	s5 =	sshll.u32 s26, $0x1;
	_ =	strace $0x80000046;
	[dreg:$0x1] =	wrdreg $0xFFFFFFFF  }
0xa7: {  	s28 =	simm.s32 $_size_execute0_lowered;
	s3 =	sadd.s32 s3, s5;
	[dreg:$0x0] =	wrdreg $0x0  }
0xa8: {  	s5 =	sshll.u32 s28, $0x1;
	[dreg:$0x2] =	wrdreg s3  }
0xa9: {  	[dreg:$0x3] =	wrdreg s5  }
0xaa: {  	[dreg:$0x4] =	wrdreg $0xC0  }
0xab: {  	_ =	task [dreg:s7], $0x5FFFF  }
0xac: {  	[dreg:$0x1] =	wrdreg $0xFFFFFFFF  }
0xad: {  	[dreg:$0x0] =	wrdreg $0x60  }
0xae: {  	[dreg:$0x2] =	wrdreg s2  }
0xaf: {  	[dreg:$0x3] =	wrdreg s24  }
0xb0: {  	[dreg:$0x4] =	wrdreg $0xC4000  }
0xb1: {  	[dreg:$0x5] =	wrdreg $0x9  }
0xb2: {  	_ =	task.clear_ibuf [dreg:s7], $0x6FFFF;
	_ =	strace $0x90000046  }
0xb3: {  	s29 =	simm.s32 $0x9;
	_ =	strace $0x80000048  }
0xb4: {  	_ =	swait.ge [sflag:s29], $0x1  }
0xb5: {  	[sflag:s29] =	ssyncadd.s32 $0xFFFFFFFF  }
0xb6: {  	_ =	strace $0x90000048  }
0xb7: {  	_ =	sfence  }
0xb8: {  	s30 =	sld [smem:$0x0];
	_ =	sdelay $0x2  }
0xb9: {  	s31 =	sshll.u32 s1, $0xD;
	s1 =	sshrl.u32 s1, $0x2  }
0xba: {  	s3 =	sand.u32 $0x4000, s31;
	s1 =	sadd.s32 s1, s30  }
0xbb: {  	s0 =	sor.u32 s3, s0;
	s1 =	sshll.u32 s1, $0x11  }
0xbc: {  	s0 =	sor.u32 s1, s0  }
0xbd: {  	s0 =	sadd.s32 $0x8F2B, s0  }
0xbe: {  	[sflag:s0] =	ssyncadd.remote.s32 $0x1  }
0xbf: {  	_ =	sfence.sel $0xFFFF  }
0xc0: {  	[dreg:$0x0] =	wrdreg $0xFFFFFFFF;
	(pc) =	sbr.abs _section_cstart, $3  }
0xc1: {  	[dreg:$0x1] =	wrdreg $0xFFFFFFFF  }
0xc2: {  	_ =	task.clear_ibuf [dreg:s7], $0x2FFFF;
	_ =	strace $0x9FFFFFFF  }
0xc3: {  	(tm) =	ssettm $0x7FFFFFFF  }
tec
execute0_lowered:
.L_overlay_start_1:
0x0: {  	(tag) =	ssettag $0x1  }
0x1: {  	s1 =	rddreg [dreg:$0x0]  }
0x2: {  	s0 =	srdreg.scid;
	s5 =	rddreg [dreg:$0x1]  }
0x3: {  	s9 =	stileid.u32;
	s3 =	rddreg [dreg:$0x2]  }
0x4: {  	s4 =	simm.s32 $0x0;
	s12 =	simm.s32 $0x8400;
	s13 =	simm.s32 $0x8400  }
0x5: {  	s28 =	simm.s32 $0x2;
	s29 =	simm.s32 $0x180;
	s6 =	smul.u32 $0x8800, s9  }
0x6: {  	s30 =	simm.s32 $0x3;
	s31 =	simm.s32 $0x280;
	s7 =	smul.u32 $0x4F000, s9  }
0x7: {  	s0 =	sand.u32 $0x1, s0;
	[smem:$0x7FF] =	sst s4;
	s14 =	smul.u32 $0x13C00, s9  }
0x8: {  	s19 =	sadd.s32 $0x24800, s5;
	s2 =	smul.u32 $0x88000, s0;
	_ =	strace $0x80000047  }
0x9: {  	[dreg:$0x4] =	wrdreg s19;
	s20 =	ssub.s32 $0x2, s0;
	p0 =	seq.s32 s0, $0x0  }
0xa: {  	s0 =	smul.u32 $0x13C000, s0;
	s8 =	sshrl.u32 s20, $0x1;
	s21 =	sshrl.u32 s7, $0x2  }
0xb: {  	s15 =	sadd.s32 $0x4000, s14;
	s16 =	sadd.s32 $0x8000, s14;
	s17 =	sadd.s32 $0xC000, s14  }
0xc: {  	s18 =	sadd.s32 $0x10000, s14;
	s13 =	simm.s32 @!p0 $0x1B00;
	s2 =	sadd.s32 s6, s2  }
0xd: {  	s19 =	ssub.s32 s20, s8;
	s6 =	sadd.s32 s21, s3;
	s7 =	sadd.s32 s15, s3  }
0xe: {  	s8 =	sadd.s32 s16, s3;
	s9 =	sadd.s32 s17, s3;
	s10 =	sadd.s32 s18, s3  }
0xf: {  	s22 =	sadd.s32 s14, s0;
	s23 =	sadd.s32 s0, s15;
	s25 =	sadd.s32 s0, s16  }
0x10: {  	s17 =	sadd.s32 s0, s17;
	s0 =	sadd.s32 s0, s18;
	s20 =	simm.s32 $0x400  }
0x11: {  	s21 =	simm.s32 $0x4;
	s2 =	sshrl.u32 s2, $0x3;
	s15 =	sshrl.u32 s23, $0x3  }
0x12: {  	s26 =	sshrl.u32 s17, $0x3;
	s0 =	sshrl.u32 s0, $0x3;
	s19 =	smax.u32 s19, $0x1  }
0x13: {  	s23 =	simm.s32 $0x100;
	s2 =	sadd.s32 s2, s5;
	s5 =	sadd.s32 $0x25000, s5  }
0x14: {  	s11 =	sadd.s32 $0x2800, s2;
	s2 =	sshrl.u32 s22, $0x3;
	s24 =	sadd.s32 s5, s15  }
0x15: {  	s17 =	sadd.s32 s5, s26;
	s18 =	sadd.s32 s5, s0;
	s22 =	simm.s32 $0x80  }
0x16: {  	s26 =	simm.s32 $0x1;
	s2 =	sadd.s32 s5, s2;
	[dreg:$0x6] =	wrdreg s24  }
0x17: {  	s24 =	simm.s32 $0x4400;
	[dreg:$0x5] =	wrdreg s2;
	s2 =	sshrl.u32 s25, $0x3  }
0x18: {  	s25 =	simm.s32 $0x200;
	s16 =	sadd.s32 s5, s2;
	s2 =	simm.s32 $0x0  }
.LBB2_1:
0x19: {  	s0 =	rddreg [dreg:$0x4]  }
0x1a: {  	[tilespmem:s20], [sflag:$0x4] =	stream.linear.gather [hbm4b:s0+s4], $0x4000, $0x38;
	v63 =	vld [tilespmem:$0x0]  }
0x1b: {  	_ =	swait.ge [sflag:s21], $0x4000  }
0x1c: {  	[sflag:s21] =	ssyncset.done $0x0  }
0x1d: {  	[sflag:s21] =	ssyncadd.s32 $0xFFFFC000  }
0x1e: {  	[spmem:s6] =	stream.linear.scatter [tilespmem:s20], [sflag:$0x4], $0x4000, $0x38;
	v63 =	vld [tilespmem:$0x0]  }
0x1f: {  	_ =	swait.ge [sflag:s21], $0x4000  }
0x20: {  	[sflag:s21] =	ssyncset.done $0x0  }
0x21: {  	[sflag:s21] =	ssyncadd.s32 $0xFFFFC000  }
0x22: {  	[spmem:s7] =	stream.linear.scatter [tilespmem:s20], [sflag:$0x4], $0x4000, $0x38;
	v63 =	vld [tilespmem:$0x0]  }
0x23: {  	_ =	swait.ge [sflag:s21], $0x4000  }
0x24: {  	[sflag:s21] =	ssyncset.done $0x0  }
0x25: {  	[sflag:s21] =	ssyncadd.s32 $0xFFFFC000  }
0x26: {  	[spmem:s8] =	stream.linear.scatter [tilespmem:s20], [sflag:$0x4], $0x4000, $0x38;
	v63 =	vld [tilespmem:$0x0]  }
0x27: {  	_ =	swait.ge [sflag:s21], $0x4000  }
0x28: {  	[sflag:s21] =	ssyncset.done $0x0  }
0x29: {  	[sflag:s21] =	ssyncadd.s32 $0xFFFFC000  }
0x2a: {  	[spmem:s9] =	stream.linear.scatter [tilespmem:s20], [sflag:$0x4], $0x4000, $0x38;
	v63 =	vld [tilespmem:$0x0]  }
0x2b: {  	_ =	swait.ge [sflag:s21], $0x4000  }
0x2c: {  	[sflag:s21] =	ssyncset.done $0x0  }
0x2d: {  	[sflag:s21] =	ssyncadd.s32 $0xFFFFC000  }
0x2e: {  	[spmem:s10] =	stream.linear.scatter [tilespmem:s20], [sflag:$0x4], $0x3C00, $0x38;
	v63 =	vld [tilespmem:$0x0]  }
0x2f: {  	_ =	swait.ge [sflag:s21], $0x3C00  }
0x30: {  	[sflag:s21] =	ssyncset.done $0x0  }
0x31: {  	[sflag:s21] =	ssyncadd.s32 $0xFFFFC400  }
0x32: {  	[tilespmem:s4], [sflag:$0x4] =	stream.linear.gather [hbm4b:s11+s4], $0x100, $0x38;
	v63 =	vld [tilespmem:$0x0]  }
0x33: {  	_ =	swait.ge [sflag:s21], $0x100  }
0x34: {  	[sflag:s21] =	ssyncset.done $0x0  }
0x35: {  	[sflag:s21] =	ssyncadd.s32 $0xFFFFFF00  }
0x36: {  	[tilespmem:s20], [sflag:$0x1] =	stream.indirect.gather [hbm4b:s1+s22], $0x80, s4, s22, $0xb8;
	v63 =	vld [tilespmem:$0x0]  }
0x37: {  	s15 =	sadd.s32 $0x20, s11  }
0x38: {  	[tilespmem:s23], [sflag:$0x4] =	stream.linear.gather [hbm4b:s15+s4], $0x100, $0x38;
	v63 =	vld [tilespmem:$0x0]  }
0x39: {  	_ =	swait.ge [sflag:s21], $0x100  }
0x3a: {  	[sflag:s21] =	ssyncset.done $0x0  }
0x3b: {  	[sflag:s21] =	ssyncadd.s32 $0xFFFFFF00  }
0x3c: {  	[tilespmem:s24], [sflag:$0x2] =	stream.indirect.gather [hbm4b:s1+s22], $0x80, s23, s22, $0xb8;
	v63 =	vld [tilespmem:$0x0]  }
0x3d: {  	s5 =	sadd.s32 $0x40, s11  }
0x3e: {  	[tilespmem:s25], [sflag:$0x4] =	stream.linear.gather [hbm4b:s5+s4], $0x100, $0x38;
	v63 =	vld [tilespmem:$0x0]  }
0x3f: {  	_ =	swait.ge [sflag:s21], $0x100  }
0x40: {  	[sflag:s21] =	ssyncset.done $0x0  }
0x41: {  	[sflag:s21] =	ssyncadd.s32 $0xFFFFFF00  }
0x42: {  	[tilespmem:s12], [sflag:$0x3] =	stream.indirect.gather [hbm4b:s1+s22], $0x80, s25, s22, $0xb8;
	v63 =	vld [tilespmem:$0x0]  }
0x43: {  	[bflag:$0x0] =	sbarrier.arrive $0xFFFF  }
0x44: {  	_ =	swait.ge [sflag:s26], $0x4000  }
0x45: {  	[sflag:s26] =	ssyncset.done $0x0  }
0x46: {  	[sflag:s26] =	ssyncadd.s32 $0xFFFFC000  }
0x47: {  	[spmem:s3] =	stream.indirect.scatter.add.f32 [tilespmem:s20], [sflag:$0x4], $0x80, s22, s22, $0xb8;
	v63 =	vld [tilespmem:$0x0]  }
0x48: {  	_ =	swait.ge [sflag:s21], $0x4000  }
0x49: {  	s5 =	sadd.s32 $0xA0, s11;
	[sflag:s21] =	ssyncset.done $0x0  }
0x4a: {  	s14 =	sadd.s32 $0xFFFFFFC0, s5;
	[sflag:s21] =	ssyncadd.s32 $0xFFFFC000  }
0x4b: {  	[tilespmem:s4], [sflag:$0x4] =	stream.linear.gather [hbm4b:s14+s4], $0x100, $0x38;
	v63 =	vld [tilespmem:$0x0]  }
0x4c: {  	_ =	swait.ge [sflag:s21], $0x100  }
0x4d: {  	[sflag:s21] =	ssyncset.done $0x0  }
0x4e: {  	[sflag:s21] =	ssyncadd.s32 $0xFFFFFF00  }
0x4f: {  	[tilespmem:s20], [sflag:$0x1] =	stream.indirect.gather [hbm4b:s1+s22], $0x80, s4, s22, $0xb8;
	v63 =	vld [tilespmem:$0x0]  }
0x50: {  	_ =	swait.ge [sflag:s28], $0x4000  }
0x51: {  	[sflag:s28] =	ssyncset.done $0x0  }
0x52: {  	s15 =	sand.u32 $0x7FFFFF00, s4;
	[sflag:s28] =	ssyncadd.s32 $0xFFFFC000  }
0x53: {  	[spmem:s3] =	stream.indirect.scatter.add.f32 [tilespmem:s24], [sflag:$0x4], $0x80, s29, s22, $0xb8;
	v63 =	vld [tilespmem:$0x0]  }
0x54: {  	s0 =	sadd.s32 $0x400, s15;
	_ =	swait.ge [sflag:s21], $0x4000  }
0x55: {  	s0 =	sshrl.u32 s0, $0x3;
	[sflag:s21] =	ssyncset.done $0x0  }
0x56: {  	s0 =	sadd.s32 s11, s0;
	[sflag:s21] =	ssyncadd.s32 $0xFFFFC000  }
0x57: {  	[tilespmem:s23], [sflag:$0x4] =	stream.linear.gather [hbm4b:s0+s4], $0x100, $0x38;
	v63 =	vld [tilespmem:$0x0]  }
0x58: {  	_ =	swait.ge [sflag:s21], $0x100  }
0x59: {  	[sflag:s21] =	ssyncset.done $0x0  }
0x5a: {  	[sflag:s21] =	ssyncadd.s32 $0xFFFFFF00  }
0x5b: {  	[tilespmem:s24], [sflag:$0x2] =	stream.indirect.gather [hbm4b:s1+s22], $0x80, s23, s22, $0xb8;
	v63 =	vld [tilespmem:$0x0]  }
0x5c: {  	_ =	swait.ge [sflag:s30], $0x4000  }
0x5d: {  	[sflag:s30] =	ssyncset.done $0x0  }
0x5e: {  	[sflag:s30] =	ssyncadd.s32 $0xFFFFC000  }
0x5f: {  	[spmem:s3] =	stream.indirect.scatter.add.f32 [tilespmem:s12], [sflag:$0x4], $0x80, s31, s22, $0xb8;
	v63 =	vld [tilespmem:$0x0]  }
0x60: {  	_ =	swait.ge [sflag:s21], $0x4000  }
0x61: {  	p0 =	sne.s32 s13, $0x300;
	[sflag:s21] =	ssyncset.done $0x0  }
.Ltmp0:
0x62: {  	[sflag:s21] =	ssyncadd.s32 $0xFFFFC000;
	(pc) =	sbr.rel @!p0 .LBB2_3-.Ltmp0, $4  }
0x63: {  	[tilespmem:s25], [sflag:$0x4] =	stream.linear.gather [hbm4b:s5+s4], $0x100, $0x38;
	v63 =	vld [tilespmem:$0x0]  }
0x64: {  	_ =	swait.ge [sflag:s21], $0x100  }
0x65: {  	[sflag:s21] =	ssyncset.done $0x0  }
0x66: {  	s0 =	simm.s32 $0x300;
	s5 =	sadd.s32 $0x60, s5;
	[sflag:s21] =	ssyncadd.s32 $0xFFFFFF00  }
.LBB2_2:
0x67: {  	[tilespmem:s12], [sflag:$0x3] =	stream.indirect.gather [hbm4b:s1+s22], $0x80, s25, s22, $0xb8;
	v63 =	vld [tilespmem:$0x0]  }
0x68: {  	s14 =	smov.u32 s0;
	s0 =	sadd.s32 $0x300, s0;
	_ =	swait.ge [sflag:s26], $0x4000  }
0x69: {  	p0 =	sne.s32 s13, s0;
	[sflag:s26] =	ssyncset.done $0x0  }
0x6a: {  	[sflag:s26] =	ssyncadd.s32 $0xFFFFC000  }
0x6b: {  	[spmem:s3] =	stream.indirect.scatter.add.f32 [tilespmem:s20], [sflag:$0x4], $0x80, s22, s22, $0xb8;
	v63 =	vld [tilespmem:$0x0]  }
0x6c: {  	_ =	swait.ge [sflag:s21], $0x4000  }
0x6d: {  	[sflag:s21] =	ssyncset.done $0x0  }
0x6e: {  	s15 =	sadd.s32 $0xFFFFFFC0, s5;
	[sflag:s21] =	ssyncadd.s32 $0xFFFFC000  }
0x6f: {  	[tilespmem:s4], [sflag:$0x4] =	stream.linear.gather [hbm4b:s15+s4], $0x100, $0x38;
	v63 =	vld [tilespmem:$0x0]  }
0x70: {  	_ =	swait.ge [sflag:s21], $0x100  }
0x71: {  	[sflag:s21] =	ssyncset.done $0x0  }
0x72: {  	[sflag:s21] =	ssyncadd.s32 $0xFFFFFF00  }
0x73: {  	[tilespmem:s20], [sflag:$0x1] =	stream.indirect.gather [hbm4b:s1+s22], $0x80, s4, s22, $0xb8;
	v63 =	vld [tilespmem:$0x0]  }
0x74: {  	_ =	swait.ge [sflag:s28], $0x4000  }
0x75: {  	[sflag:s28] =	ssyncset.done $0x0  }
0x76: {  	s14 =	sand.u32 $0x7FFFFF00, s14;
	[sflag:s28] =	ssyncadd.s32 $0xFFFFC000  }
0x77: {  	[spmem:s3] =	stream.indirect.scatter.add.f32 [tilespmem:s24], [sflag:$0x4], $0x80, s29, s22, $0xb8;
	v63 =	vld [tilespmem:$0x0]  }
0x78: {  	s14 =	sadd.s32 $0x400, s14;
	_ =	swait.ge [sflag:s21], $0x4000  }
0x79: {  	s14 =	sshrl.u32 s14, $0x3;
	[sflag:s21] =	ssyncset.done $0x0  }
0x7a: {  	s14 =	sadd.s32 s11, s14;
	[sflag:s21] =	ssyncadd.s32 $0xFFFFC000  }
0x7b: {  	[tilespmem:s23], [sflag:$0x4] =	stream.linear.gather [hbm4b:s14+s4], $0x100, $0x38;
	v63 =	vld [tilespmem:$0x0]  }
0x7c: {  	_ =	swait.ge [sflag:s21], $0x100  }
0x7d: {  	[sflag:s21] =	ssyncset.done $0x0  }
0x7e: {  	[sflag:s21] =	ssyncadd.s32 $0xFFFFFF00  }
0x7f: {  	[tilespmem:s24], [sflag:$0x2] =	stream.indirect.gather [hbm4b:s1+s22], $0x80, s23, s22, $0xb8;
	v63 =	vld [tilespmem:$0x0]  }
0x80: {  	_ =	swait.ge [sflag:s30], $0x4000  }
0x81: {  	[sflag:s30] =	ssyncset.done $0x0  }
0x82: {  	[sflag:s30] =	ssyncadd.s32 $0xFFFFC000  }
0x83: {  	[spmem:s3] =	stream.indirect.scatter.add.f32 [tilespmem:s12], [sflag:$0x4], $0x80, s31, s22, $0xb8;
	v63 =	vld [tilespmem:$0x0]  }
0x84: {  	_ =	swait.ge [sflag:s21], $0x4000  }
0x85: {  	[sflag:s21] =	ssyncset.done $0x0  }
.Ltmp1:
0x86: {  	[sflag:s21] =	ssyncadd.s32 $0xFFFFC000;
	(pc) =	sbr.rel @p0 .LBB2_2-.Ltmp1, $4  }
0x87: {  	[tilespmem:s25], [sflag:$0x4] =	stream.linear.gather [hbm4b:s5+s4], $0x100, $0x38;
	v63 =	vld [tilespmem:$0x0]  }
0x88: {  	_ =	swait.ge [sflag:s21], $0x100  }
0x89: {  	[sflag:s21] =	ssyncset.done $0x0  }
0x8a: {  	s5 =	sadd.s32 $0x60, s5;
	[sflag:s21] =	ssyncadd.s32 $0xFFFFFF00  }
.LBB2_3:
0x8b: {  	[tilespmem:s12], [sflag:$0x3] =	stream.indirect.gather [hbm4b:s1+s22], $0x80, s25, s22, $0xb8;
	v63 =	vld [tilespmem:$0x0]  }
0x8c: {  	_ =	swait.ge [sflag:s26], $0x4000  }
0x8d: {  	[sflag:s26] =	ssyncset.done $0x0  }
0x8e: {  	[sflag:s26] =	ssyncadd.s32 $0xFFFFC000  }
0x8f: {  	_ =	swait.ge [sflag:s28], $0x4000  }
0x90: {  	[sflag:s28] =	ssyncset.done $0x0  }
0x91: {  	[sflag:s28] =	ssyncadd.s32 $0xFFFFC000  }
0x92: {  	_ =	swait.ge [sflag:s30], $0x4000  }
0x93: {  	[sflag:s30] =	ssyncset.done $0x0  }
0x94: {  	[sflag:s30] =	ssyncadd.s32 $0xFFFFC000  }
0x95: {  	[bflag:$0x0] =	sbarrier.arrive $0xFFFF  }
0x96: {  	[tilespmem:s20], [sflag:$0x4] =	stream.linear.gather [spmem:s6], $0x4000, $0x38;
	v63 =	vld [tilespmem:$0x0]  }
0x97: {  	_ =	swait.ge [sflag:s21], $0x4000  }
0x98: {  	[sflag:s21] =	ssyncset.done $0x0  }
0x99: {  	s0 =	rddreg [dreg:$0x5];
	[sflag:s21] =	ssyncadd.s32 $0xFFFFC000  }
0x9a: {  	[hbm4b:s0+s4] =	stream.linear.scatter [tilespmem:s20], [sflag:$0x4], $0x4000, $0x38;
	v63 =	vld [tilespmem:$0x0]  }
0x9b: {  	_ =	swait.ge [sflag:s21], $0x4000  }
0x9c: {  	[sflag:s21] =	ssyncset.done $0x0  }
0x9d: {  	[sflag:s21] =	ssyncadd.s32 $0xFFFFC000  }
0x9e: {  	[tilespmem:s20], [sflag:$0x4] =	stream.linear.gather [spmem:s7], $0x4000, $0x38;
	v63 =	vld [tilespmem:$0x0]  }
0x9f: {  	_ =	swait.ge [sflag:s21], $0x4000  }
0xa0: {  	[sflag:s21] =	ssyncset.done $0x0  }
0xa1: {  	s15 =	rddreg [dreg:$0x6];
	[sflag:s21] =	ssyncadd.s32 $0xFFFFC000  }
0xa2: {  	[hbm4b:s15+s4] =	stream.linear.scatter [tilespmem:s20], [sflag:$0x4], $0x4000, $0x38;
	v63 =	vld [tilespmem:$0x0]  }
0xa3: {  	_ =	swait.ge [sflag:s21], $0x4000  }
0xa4: {  	[sflag:s21] =	ssyncset.done $0x0  }
0xa5: {  	[sflag:s21] =	ssyncadd.s32 $0xFFFFC000  }
0xa6: {  	[tilespmem:s20], [sflag:$0x4] =	stream.linear.gather [spmem:s8], $0x4000, $0x38;
	v63 =	vld [tilespmem:$0x0]  }
0xa7: {  	_ =	swait.ge [sflag:s21], $0x4000  }
0xa8: {  	[sflag:s21] =	ssyncset.done $0x0  }
0xa9: {  	[sflag:s21] =	ssyncadd.s32 $0xFFFFC000  }
0xaa: {  	[hbm4b:s16+s4] =	stream.linear.scatter [tilespmem:s20], [sflag:$0x4], $0x4000, $0x38;
	v63 =	vld [tilespmem:$0x0]  }
0xab: {  	_ =	swait.ge [sflag:s21], $0x4000  }
0xac: {  	[sflag:s21] =	ssyncset.done $0x0  }
0xad: {  	[sflag:s21] =	ssyncadd.s32 $0xFFFFC000  }
0xae: {  	[tilespmem:s20], [sflag:$0x4] =	stream.linear.gather [spmem:s9], $0x4000, $0x38;
	v63 =	vld [tilespmem:$0x0]  }
0xaf: {  	_ =	swait.ge [sflag:s21], $0x4000  }
0xb0: {  	[sflag:s21] =	ssyncset.done $0x0  }
0xb1: {  	[sflag:s21] =	ssyncadd.s32 $0xFFFFC000  }
0xb2: {  	[hbm4b:s17+s4] =	stream.linear.scatter [tilespmem:s20], [sflag:$0x4], $0x4000, $0x38;
	v63 =	vld [tilespmem:$0x0]  }
0xb3: {  	_ =	swait.ge [sflag:s21], $0x4000  }
0xb4: {  	[sflag:s21] =	ssyncset.done $0x0  }
0xb5: {  	[sflag:s21] =	ssyncadd.s32 $0xFFFFC000  }
0xb6: {  	[tilespmem:s20], [sflag:$0x4] =	stream.linear.gather [spmem:s10], $0x3C00, $0x38;
	v63 =	vld [tilespmem:$0x0]  }
0xb7: {  	s2 =	sadd.s32 $0x1, s2;
	_ =	swait.ge [sflag:s21], $0x3C00  }
0xb8: {  	p0 =	sne.s32 s2, s19;
	[sflag:s21] =	ssyncset.done $0x0  }
.Ltmp2:
0xb9: {  	[sflag:s21] =	ssyncadd.s32 $0xFFFFC400;
	(pc) =	sbr.rel @p0 .LBB2_1-.Ltmp2, $4  }
0xba: {  	[hbm4b:s18+s4] =	stream.linear.scatter [tilespmem:s20], [sflag:$0x4], $0x3C00, $0x38;
	v63 =	vld [tilespmem:$0x0]  }
0xbb: {  	_ =	swait.ge [sflag:s21], $0x3C00  }
0xbc: {  	[sflag:s21] =	ssyncset.done $0x0  }
0xbd: {  	[sflag:s21] =	ssyncadd.s32 $0xFFFFC400  }
0xbe: {  	_ =	sfence.sel $0x180000  }
0xbf: {  	[bflag:$0x0] =	sbarrier.arrive $0xFFFF  }
0xc0: {  	_ =	strace $0x90000047  }
0xc1: {  	s0 =	stileid.u32;
	[bflag:$0x2] =	sbarrier.arrive $0xFFFF  }
0xc2: {  	p0 =	sne.s32 s0, $0x0;
	s0 =	rddreg [dreg:$0x3]  }
0xc3: {  	s0 =	sadd.s32 @!p0 $0x100000, s0  }
0xc4: {  	[sflag:s0] =	ssyncadd.tile.s32 @!p0 $0x1;
	_ =	shalt  }
.Lfunc_end2:
_tile_overlayer_lowered:
.L_overlay_start_2:
0xc5: {  	(tag) =	ssettag $0x2  }
0xc6: {  	s0 =	rddreg [dreg:$0x0];
	s2 =	stileid.u32  }
0xc7: {  	s1 =	rddreg [dreg:$0x1];
	p0 =	sne.s32 s2, $0x0  }
0xc8: {  	s3 =	rddreg [dreg:$0x2];
	[bflag:$0x3] =	sbarrier.arrive $0xFFFF;
	s2 =	simm.s32 @!p0 $0x1C04  }
0xc9: {  	[timem:s3], [sflag:s2] =	dma.local @!p0 [hbm:s0], s1  }
0xca: {  	s0 =	simm.s32 @!p0 $0x4  }
0xcb: {  	_ =	swait.ge @!p0 [sflag:s0], s1  }
0xcc: {  	s1 =	ssub.s32 @!p0 $0x0, s1;
	[sflag:s0] =	ssyncset.done @!p0 $0x0  }
0xcd: {  	[sflag:s0] =	ssyncadd.s32 @!p0 s1  }
0xce: {  	[bflag:$0x3] =	sbarrier.arrive $0xFFFF  }
0xcf: {  	_ =	shalt  }

// kernel: kernel.9.cloned.1.call-start
scs
__scs_entry_jumppad:
0x0: {  	(pc) =	sbr.rel $0x88, $3  }
0x1: {  	(tag) =	ssettag $0x0;
	lr =	simm.s32 $0x1  }
0x2: {  	[smem:$0x3F90] =	sst lr;
	_ =	strace $0xD0000000  }
0x3: {  	_ = 	snop  }
0x4: {  	_ = 	snop  }
0x5: {  	_ = 	snop  }
0x6: {  	_ = 	snop  }
0x7: {  	_ = 	snop  }
__scs_overlays_trampoline_lowered:
0x8: {  	[smem:$0x3F9F] =	sst s0  }
0x9: {  	[smem:$0x3FA0] =	sst s1  }
0xa: {  	[smem:$0x3FA1] =	sst s2  }
0xb: {  	[smem:$0x3FA2] =	sst s3  }
0xc: {  	[smem:$0x3FA3] =	sst s4  }
0xd: {  	[smem:$0x3FA4] =	sst s5  }
0xe: {  	[smem:$0x3FA5] =	sst s6  }
0xf: {  	[smem:$0x3FA6] =	sst s7  }
0x10: {  	[smem:$0x3FA7] =	sst s8  }
0x11: {  	[smem:$0x3FA8] =	sst s9;
	s0 =	simm.s32 @!p0 $0x0  }
0x12: {  	s1 =	sld [smem:$0x3F8E];
	s0 =	simm.s32 @p0 $0x1  }
0x13: {  	[smem:$0x3FA9] =	sst s0;
	s0 =	simm.s32 @!p1 $0x0  }
0x14: {  	s2 =	sld [smem:$0x3F8D];
	s0 =	simm.s32 @p1 $0x1  }
0x15: {  	[smem:$0x3FAA] =	sst s0;
	s0 =	simm.s32 @!p2 $0x0  }
0x16: {  	s3 =	sld [smem:$0x3FDB];
	s0 =	simm.s32 @p2 $0x1  }
0x17: {  	s4 =	simm.s32 $0x1BF5;
	[smem:$0x3FAC] =	sst s0  }
0x18: {  	s0 =	sld [smem:$0x3F8F];
	_ =	swait.ge [sflag:s4], $0x0  }
0x19: {  	s7 =	sld [smem:$0x3F90]  }
0x1a: {  	s8 =	sadd.s32 $0xFFFFE003, lr  }
0x1b: {  	s9 =	sadd.s32 $0xFFFFFEF7, lr;
	s5 =	simm.s32 $0xFFFFFFFF;
	p2 =	slt.u32 s8, $0xFFFFF086  }
0x1c: {  	p1 =	slt.u32 s9, $0xF7A;
	s5 =	simm.s32 @!p2 $0x0  }
0x1d: {  	s5 =	simm.s32 @p1 $0x1;
	p0 =	seq.s32 s7, s2  }
0x1e: {  	s7 =	smul.u32 @!p0 $0xF7A, s2;
	p2 =	seq.s32 @!p0 s5, $0x0  }
0x1f: {  	s9 =	smul.u32 $0xF7A, s1;
	s8 =	simm.s32 @!p0 $0x1BF5;
	p2 =	por !p2, p0  }
0x20: {  	[sflag:s8] =	ssyncset.s32 @!p0 $0xFFFFF086;
	s6 =	sadd.s32 @!p0 s3, s7;
	s7 =	simm.s32 @!p0 $0x108  }
0x21: {  	s3 =	sadd.s32 s3, s9;
	s6 =	sadd.s32 @!p0 $0x88, s6;
	s7 =	simm.s32 @p2 $0x1082  }
0x22: {  	[simem:s7], [sflag:s8] =	dma.local @!p0 [hbm:s6], $0xF7A  }
0x23: {  	s9 =	sor.u32 $0xD0000000, s2;
	s6 =	simm.s32 $0x108;
	_ =	swait.ge @!p0 [sflag:s8], $0x0  }
0x24: {  	s3 =	sadd.s32 $0x88, s3;
	s6 =	simm.s32 @!p1 $0x1082;
	[sflag:s4] =	ssyncset.s32 $0xFFFFF086  }
0x25: {  	[simem:s6], [sflag:s4] =	dma.local [hbm:s3], $0xF7A  }
0x26: {  	[smem:$0x3F90] =	sst s1;
	(tag) =	ssettag s2;
	_ =	strace s9  }
0x27: {  	s1 =	sld [smem:$0x3FA0]  }
0x28: {  	s2 =	sld [smem:$0x3FA1]  }
0x29: {  	s4 =	sld [smem:$0x3FA3]  }
0x2a: {  	p0 =	seq.s32 s5, $0x0;
	s5 =	sld [smem:$0x3FA4]  }
0x2b: {  	s6 =	sld [smem:$0x3FA5]  }
0x2c: {  	s7 =	sld [smem:$0x3FA6]  }
0x2d: {  	s3 =	simm.s32 $0x108;
	s8 =	sld [smem:$0x3FA7]  }
0x2e: {  	s3 =	simm.s32 @!p0 $0x1082;
	s9 =	sld [smem:$0x3FA8]  }
0x2f: {  	lr =	sadd.s32 s0, s3;
	s0 =	sld [smem:$0x3F9F]  }
0x30: {  	s3 =	sld [smem:$0x3FA2]  }
0x31: {  	[smem:$0x3FAB] =	sst s10  }
0x32: {  	s10 =	sld [smem:$0x3FA9];
	_ =	sdelay $0x3  }
0x33: {  	p0 =	seq.s32 s10, $0x1;
	s10 =	sld [smem:$0x3FAB];
	_ =	sdelay $0x3  }
0x34: {  	[smem:$0x3FAB] =	sst s10  }
0x35: {  	s10 =	sld [smem:$0x3FAA];
	_ =	sdelay $0x3  }
0x36: {  	p1 =	seq.s32 s10, $0x1;
	s10 =	sld [smem:$0x3FAB];
	_ =	sdelay $0x3  }
0x37: {  	[smem:$0x3FAB] =	sst s10  }
0x38: {  	s10 =	sld [smem:$0x3FAC]  }
0x39: {  	_ = 	snop;
	(pc) =	sbr.ind lr, $3  }
0x3a: {  	_ = 	snop  }
0x3b: {  	_ = 	snop  }
0x3c: {  	p2 =	seq.s32 s10, $0x1;
	s10 =	sld [smem:$0x3FAB]  }
0x3d: {  	_ =	shalt  }
0x3e: {  	_ =	shalt  }
0x3f: {  	_ =	shalt  }
0x40: {  	_ =	shalt  }
0x41: {  	_ =	shalt  }
0x42: {  	_ =	shalt  }
0x43: {  	_ =	shalt  }
0x44: {  	_ =	shalt  }
0x45: {  	_ =	shalt  }
0x46: {  	_ =	shalt  }
0x47: {  	_ =	shalt  }
0x48: {  	_ =	shalt  }
0x49: {  	_ =	shalt  }
0x4a: {  	_ =	shalt  }
0x4b: {  	_ =	shalt  }
0x4c: {  	_ =	shalt  }
0x4d: {  	_ =	shalt  }
0x4e: {  	_ =	shalt  }
0x4f: {  	_ =	shalt  }
0x50: {  	_ =	shalt  }
0x51: {  	_ =	shalt  }
0x52: {  	_ =	shalt  }
0x53: {  	_ =	shalt  }
0x54: {  	_ =	shalt  }
0x55: {  	_ =	shalt  }
0x56: {  	_ =	shalt  }
0x57: {  	_ =	shalt  }
0x58: {  	_ =	shalt  }
0x59: {  	_ =	shalt  }
0x5a: {  	_ =	shalt  }
0x5b: {  	_ =	shalt  }
0x5c: {  	_ =	shalt  }
0x5d: {  	_ =	shalt  }
0x5e: {  	_ =	shalt  }
0x5f: {  	_ =	shalt  }
0x60: {  	_ =	shalt  }
0x61: {  	_ =	shalt  }
0x62: {  	_ =	shalt  }
0x63: {  	_ =	shalt  }
0x64: {  	_ =	shalt  }
0x65: {  	_ =	shalt  }
0x66: {  	_ =	shalt  }
0x67: {  	_ =	shalt  }
0x68: {  	_ =	shalt  }
0x69: {  	_ =	shalt  }
0x6a: {  	_ =	shalt  }
0x6b: {  	_ =	shalt  }
0x6c: {  	_ =	shalt  }
0x6d: {  	_ =	shalt  }
0x6e: {  	_ =	shalt  }
0x6f: {  	_ =	shalt  }
0x70: {  	_ =	shalt  }
0x71: {  	_ =	shalt  }
0x72: {  	_ =	shalt  }
0x73: {  	_ =	shalt  }
0x74: {  	_ =	shalt  }
0x75: {  	_ =	shalt  }
0x76: {  	_ =	shalt  }
0x77: {  	_ =	shalt  }
0x78: {  	_ =	shalt  }
0x79: {  	_ =	shalt  }
0x7a: {  	_ =	shalt  }
0x7b: {  	_ =	shalt  }
0x7c: {  	_ =	shalt  }
0x7d: {  	_ =	shalt  }
0x7e: {  	_ =	shalt  }
0x7f: {  	_ =	shalt  }
0x80: {  	_ =	shalt  }
0x81: {  	_ =	shalt  }
0x82: {  	_ =	shalt  }
0x83: {  	_ =	shalt  }
0x84: {  	_ =	shalt  }
0x85: {  	_ =	shalt  }
0x86: {  	_ =	shalt  }
0x87: {  	_ =	shalt  }
.Lfunc_end0:
.L_simem_size_0:
called_computation.1_lowered:
.L_overlay_start_0:
0x88: {  	s2 =	sld [smem:$0x3FD9]  }
0x89: {  	s3 =	sld [smem:$0x3FFE];
	_ =	sdelay $0x1  }
0x8a: {  	s1 =	srdreg.scid  }
0x8b: {  	s0 =	sand.u32 $0x1, s1  }
0x8c: {  	s16 =	sshll.u32 s0, $0xA;
	s2 =	sadd.s32 s3, s2  }
0x8d: {  	s2 =	sadd.s32 s2, s16  }
0x8e: {  	[smem:$0x3FB7] =	sst s2  }
0x8f: {  	_ = 	snop  }
0x90: {  	(tm) =	ssettm $0x1  }
0x91: {  	s17 =	sld [smem:$0x3FFB];
	_ =	sdelay $0x3  }
0x92: {  	_ =	strace s17  }
0x93: {  	s2 =	sld [smem:$0x3FFC];
	_ =	sdelay $0x3  }
0x94: {  	_ =	strace s2  }
0x95: {  	s2 =	sld [smem:$0x3FFD];
	_ =	sdelay $0x3  }
0x96: {  	_ =	strace s2  }
0x97: {  	_ =	strace $0x8FFFFFFF  }
0x98: {  	s18 =	sld [smem:$0x3FDB];
	_ =	sdelay $0x1  }
0x99: {  	s19 =	simm.s32 $_scs_section_size  }
0x9a: {  	s4 =	simm.s32 $_size__tile_overlayer_lowered;
	s5 =	simm.s32 $_tile_overlayer_lowered  }
0x9b: {  	s22 =	simm.s32 $0x1BFF;
	s21 =	sshll.u32 s5, $0x1;
	s2 =	sadd.s32 s19, s18  }
0x9c: {  	s6 =	simm.s32 $0x0;
	s20 =	sshll.u32 s4, $0x1;
	s4 =	sadd.s32 s21, s2  }
0x9d: {  	[timem:s6], [sflag:s22] =	dma.local [hbm:s4], s20  }
0x9e: {  	_ =	swait.ge [sflag:s22], s20  }
0x9f: {  	s3 =	ssub.s32 $0x0, s20;
	[sflag:s22] =	ssyncset.done $0x0  }
0xa0: {  	[sflag:s22] =	ssyncadd.s32 s3;
	_ =	sdelay $0x1  }
0xa1: {  	s23 =	simm.s32 $0x1B8B  }
0xa2: {  	_ =	swait.ge [sflag:s23], $0x1  }
0xa3: {  	[sflag:s23] =	ssyncset.done $0x0  }
0xa4: {  	s25 =	simm.s32 $0x1B8E;
	s24 =	sld [smem:$0x3FFE];
	[sflag:s23] =	ssyncadd.s32 $0xFFFFFFFF  }
0xa5: {  	s26 =	simm.s32 $execute0_lowered;
	[smem:$0x3FD2] =	sst s25  }
0xa6: {  	s4 =	sshll.u32 s26, $0x1;
	_ =	strace $0x80000049;
	[dreg:$0x1] =	wrdreg $0xFFFFFFFF  }
0xa7: {  	s28 =	simm.s32 $_size_execute0_lowered;
	s2 =	sadd.s32 s2, s4;
	[dreg:$0x0] =	wrdreg $0x0  }
0xa8: {  	s4 =	sshll.u32 s28, $0x1;
	[dreg:$0x2] =	wrdreg s2  }
0xa9: {  	[dreg:$0x3] =	wrdreg s4  }
0xaa: {  	[dreg:$0x4] =	wrdreg $0xC0  }
0xab: {  	_ =	task [dreg:s6], $0x5FFFF  }
0xac: {  	[dreg:$0x1] =	wrdreg $0xFFFFFFFF  }
0xad: {  	[dreg:$0x0] =	wrdreg $0x60  }
0xae: {  	[dreg:$0x2] =	wrdreg s24  }
0xaf: {  	[dreg:$0x3] =	wrdreg $0xC4000  }
0xb0: {  	[dreg:$0x4] =	wrdreg $0x9  }
0xb1: {  	_ =	task.clear_ibuf [dreg:s6], $0x5FFFF;
	_ =	strace $0x90000049  }
0xb2: {  	s29 =	simm.s32 $0x9;
	_ =	strace $0x8000004B  }
0xb3: {  	_ =	swait.ge [sflag:s29], $0x1  }
0xb4: {  	[sflag:s29] =	ssyncadd.s32 $0xFFFFFFFF  }
0xb5: {  	_ =	strace $0x9000004B  }
0xb6: {  	_ =	sfence  }
0xb7: {  	s30 =	sld [smem:$0x0];
	_ =	sdelay $0x2  }
0xb8: {  	s31 =	sshll.u32 s1, $0xD;
	s1 =	sshrl.u32 s1, $0x2  }
0xb9: {  	s3 =	sand.u32 $0x4000, s31;
	s1 =	sadd.s32 s1, s30  }
0xba: {  	s0 =	sor.u32 s3, s0;
	s1 =	sshll.u32 s1, $0x11  }
0xbb: {  	s0 =	sor.u32 s1, s0  }
0xbc: {  	s0 =	sadd.s32 $0x8F2B, s0  }
0xbd: {  	[sflag:s0] =	ssyncadd.remote.s32 $0x1  }
0xbe: {  	_ =	sfence.sel $0xFFFF  }
0xbf: {  	[dreg:$0x0] =	wrdreg $0xFFFFFFFF;
	(pc) =	sbr.abs _section_cstart, $3  }
0xc0: {  	[dreg:$0x1] =	wrdreg $0xFFFFFFFF  }
0xc1: {  	_ =	task.clear_ibuf [dreg:s6], $0x2FFFF;
	_ =	strace $0x9FFFFFFF  }
0xc2: {  	(tm) =	ssettm $0x7FFFFFFF  }
0xc3: {  	_ =	shalt  }
tec
execute0_lowered:
.L_overlay_start_1:
0x0: {  	(tag) =	ssettag $0x1  }
0x1: {  	s0 =	srdreg.scid;
	s5 =	rddreg [dreg:$0x0]  }
0x2: {  	s9 =	stileid.u32;
	s2 =	rddreg [dreg:$0x1];
	s3 =	simm.s32 $0x0  }
0x3: {  	s12 =	simm.s32 $0x8400;
	s13 =	simm.s32 $0x8400;
	s28 =	simm.s32 $0x2  }
0x4: {  	s29 =	simm.s32 $0x180;
	s30 =	simm.s32 $0x3;
	s4 =	smul.u32 $0x8800, s9  }
0x5: {  	s31 =	simm.s32 $0x280;
	s0 =	sand.u32 $0x1, s0;
	s7 =	smul.u32 $0x4F000, s9  }
0x6: {  	[smem:$0x7FF] =	sst s3;
	s6 =	sadd.s32 $0x24800, s5;
	s14 =	smul.u32 $0x13C00, s9  }
0x7: {  	s1 =	smul.u32 $0x88000, s0;
	_ =	strace $0x8000004A;
	[dreg:$0x3] =	wrdreg s6  }
0x8: {  	s20 =	ssub.s32 $0x2, s0;
	p0 =	seq.s32 s0, $0x0;
	s0 =	smul.u32 $0x13C000, s0  }
0x9: {  	s8 =	sshrl.u32 s20, $0x1;
	s21 =	sshrl.u32 s7, $0x2;
	s15 =	sadd.s32 $0x4000, s14  }
0xa: {  	s16 =	sadd.s32 $0x8000, s14;
	s17 =	sadd.s32 $0xC000, s14;
	s18 =	sadd.s32 $0x10000, s14  }
0xb: {  	s13 =	simm.s32 @!p0 $0x1B00;
	s1 =	sadd.s32 s4, s1;
	s4 =	sadd.s32 $0x25000, s5  }
0xc: {  	s19 =	ssub.s32 s20, s8;
	s6 =	sadd.s32 s21, s2;
	s7 =	sadd.s32 s15, s2  }
0xd: {  	s8 =	sadd.s32 s16, s2;
	s9 =	sadd.s32 s17, s2;
	s10 =	sadd.s32 s18, s2  }
0xe: {  	s22 =	sadd.s32 s14, s0;
	s23 =	sadd.s32 s0, s15;
	s25 =	sadd.s32 s0, s16  }
0xf: {  	s17 =	sadd.s32 s0, s17;
	s0 =	sadd.s32 s0, s18;
	s20 =	simm.s32 $0x400  }
0x10: {  	s21 =	simm.s32 $0x4;
	s1 =	sshrl.u32 s1, $0x3;
	s15 =	sshrl.u32 s23, $0x3  }
0x11: {  	s26 =	sshrl.u32 s17, $0x3;
	s0 =	sshrl.u32 s0, $0x3;
	s19 =	smax.u32 s19, $0x1  }
0x12: {  	s23 =	simm.s32 $0x100;
	s1 =	sadd.s32 s1, s5;
	s5 =	sadd.s32 $0x4C200, s5  }
0x13: {  	s11 =	sadd.s32 $0x2800, s1;
	s1 =	sshrl.u32 s22, $0x3;
	s24 =	sadd.s32 s5, s15  }
0x14: {  	s17 =	sadd.s32 s5, s26;
	s18 =	sadd.s32 s5, s0;
	s22 =	simm.s32 $0x80  }
0x15: {  	s26 =	simm.s32 $0x1;
	s1 =	sadd.s32 s5, s1;
	[dreg:$0x5] =	wrdreg s24  }
0x16: {  	s24 =	simm.s32 $0x4400;
	[dreg:$0x4] =	wrdreg s1;
	s1 =	sshrl.u32 s25, $0x3  }
0x17: {  	s25 =	simm.s32 $0x200;
	s16 =	sadd.s32 s5, s1;
	s1 =	simm.s32 $0x0  }
.LBB2_1:
0x18: {  	s0 =	rddreg [dreg:$0x3]  }
0x19: {  	[tilespmem:s20], [sflag:$0x4] =	stream.linear.gather [hbm4b:s0+s3], $0x4000, $0x38;
	v63 =	vld [tilespmem:$0x0]  }
0x1a: {  	_ =	swait.ge [sflag:s21], $0x4000  }
0x1b: {  	[sflag:s21] =	ssyncset.done $0x0  }
0x1c: {  	[sflag:s21] =	ssyncadd.s32 $0xFFFFC000  }
0x1d: {  	[spmem:s6] =	stream.linear.scatter [tilespmem:s20], [sflag:$0x4], $0x4000, $0x38;
	v63 =	vld [tilespmem:$0x0]  }
0x1e: {  	_ =	swait.ge [sflag:s21], $0x4000  }
0x1f: {  	[sflag:s21] =	ssyncset.done $0x0  }
0x20: {  	[sflag:s21] =	ssyncadd.s32 $0xFFFFC000  }
0x21: {  	[spmem:s7] =	stream.linear.scatter [tilespmem:s20], [sflag:$0x4], $0x4000, $0x38;
	v63 =	vld [tilespmem:$0x0]  }
0x22: {  	_ =	swait.ge [sflag:s21], $0x4000  }
0x23: {  	[sflag:s21] =	ssyncset.done $0x0  }
0x24: {  	[sflag:s21] =	ssyncadd.s32 $0xFFFFC000  }
0x25: {  	[spmem:s8] =	stream.linear.scatter [tilespmem:s20], [sflag:$0x4], $0x4000, $0x38;
	v63 =	vld [tilespmem:$0x0]  }
0x26: {  	_ =	swait.ge [sflag:s21], $0x4000  }
0x27: {  	[sflag:s21] =	ssyncset.done $0x0  }
0x28: {  	[sflag:s21] =	ssyncadd.s32 $0xFFFFC000  }
0x29: {  	[spmem:s9] =	stream.linear.scatter [tilespmem:s20], [sflag:$0x4], $0x4000, $0x38;
	v63 =	vld [tilespmem:$0x0]  }
0x2a: {  	_ =	swait.ge [sflag:s21], $0x4000  }
0x2b: {  	[sflag:s21] =	ssyncset.done $0x0  }
0x2c: {  	[sflag:s21] =	ssyncadd.s32 $0xFFFFC000  }
0x2d: {  	[spmem:s10] =	stream.linear.scatter [tilespmem:s20], [sflag:$0x4], $0x3C00, $0x38;
	v63 =	vld [tilespmem:$0x0]  }
0x2e: {  	_ =	swait.ge [sflag:s21], $0x3C00  }
0x2f: {  	[sflag:s21] =	ssyncset.done $0x0  }
0x30: {  	[sflag:s21] =	ssyncadd.s32 $0xFFFFC400  }
0x31: {  	[tilespmem:s3], [sflag:$0x4] =	stream.linear.gather [hbm4b:s11+s3], $0x100, $0x38;
	v63 =	vld [tilespmem:$0x0]  }
0x32: {  	_ =	swait.ge [sflag:s21], $0x100  }
0x33: {  	[sflag:s21] =	ssyncset.done $0x0  }
0x34: {  	[sflag:s21] =	ssyncadd.s32 $0xFFFFFF00  }
0x35: {  	[tilespmem:s20], [sflag:$0x1] =	stream.indirect.gather [hbm4b:s4+s22], $0x80, s3, s22, $0xb8;
	v63 =	vld [tilespmem:$0x0]  }
0x36: {  	s15 =	sadd.s32 $0x20, s11  }
0x37: {  	[tilespmem:s23], [sflag:$0x4] =	stream.linear.gather [hbm4b:s15+s3], $0x100, $0x38;
	v63 =	vld [tilespmem:$0x0]  }
0x38: {  	_ =	swait.ge [sflag:s21], $0x100  }
0x39: {  	[sflag:s21] =	ssyncset.done $0x0  }
0x3a: {  	[sflag:s21] =	ssyncadd.s32 $0xFFFFFF00  }
0x3b: {  	[tilespmem:s24], [sflag:$0x2] =	stream.indirect.gather [hbm4b:s4+s22], $0x80, s23, s22, $0xb8;
	v63 =	vld [tilespmem:$0x0]  }
0x3c: {  	s5 =	sadd.s32 $0x40, s11  }
0x3d: {  	[tilespmem:s25], [sflag:$0x4] =	stream.linear.gather [hbm4b:s5+s3], $0x100, $0x38;
	v63 =	vld [tilespmem:$0x0]  }
0x3e: {  	_ =	swait.ge [sflag:s21], $0x100  }
0x3f: {  	[sflag:s21] =	ssyncset.done $0x0  }
0x40: {  	[sflag:s21] =	ssyncadd.s32 $0xFFFFFF00  }
0x41: {  	[tilespmem:s12], [sflag:$0x3] =	stream.indirect.gather [hbm4b:s4+s22], $0x80, s25, s22, $0xb8;
	v63 =	vld [tilespmem:$0x0]  }
0x42: {  	[bflag:$0x0] =	sbarrier.arrive $0xFFFF  }
0x43: {  	_ =	swait.ge [sflag:s26], $0x4000  }
0x44: {  	[sflag:s26] =	ssyncset.done $0x0  }
0x45: {  	[sflag:s26] =	ssyncadd.s32 $0xFFFFC000  }
0x46: {  	[spmem:s2] =	stream.indirect.scatter.add.f32 [tilespmem:s20], [sflag:$0x4], $0x80, s22, s22, $0xb8;
	v63 =	vld [tilespmem:$0x0]  }
0x47: {  	_ =	swait.ge [sflag:s21], $0x4000  }
0x48: {  	s5 =	sadd.s32 $0xA0, s11;
	[sflag:s21] =	ssyncset.done $0x0  }
0x49: {  	s14 =	sadd.s32 $0xFFFFFFC0, s5;
	[sflag:s21] =	ssyncadd.s32 $0xFFFFC000  }
0x4a: {  	[tilespmem:s3], [sflag:$0x4] =	stream.linear.gather [hbm4b:s14+s3], $0x100, $0x38;
	v63 =	vld [tilespmem:$0x0]  }
0x4b: {  	_ =	swait.ge [sflag:s21], $0x100  }
0x4c: {  	[sflag:s21] =	ssyncset.done $0x0  }
0x4d: {  	[sflag:s21] =	ssyncadd.s32 $0xFFFFFF00  }
0x4e: {  	[tilespmem:s20], [sflag:$0x1] =	stream.indirect.gather [hbm4b:s4+s22], $0x80, s3, s22, $0xb8;
	v63 =	vld [tilespmem:$0x0]  }
0x4f: {  	_ =	swait.ge [sflag:s28], $0x4000  }
0x50: {  	[sflag:s28] =	ssyncset.done $0x0  }
0x51: {  	s15 =	sand.u32 $0x7FFFFF00, s3;
	[sflag:s28] =	ssyncadd.s32 $0xFFFFC000  }
0x52: {  	[spmem:s2] =	stream.indirect.scatter.add.f32 [tilespmem:s24], [sflag:$0x4], $0x80, s29, s22, $0xb8;
	v63 =	vld [tilespmem:$0x0]  }
0x53: {  	s0 =	sadd.s32 $0x400, s15;
	_ =	swait.ge [sflag:s21], $0x4000  }
0x54: {  	s0 =	sshrl.u32 s0, $0x3;
	[sflag:s21] =	ssyncset.done $0x0  }
0x55: {  	s0 =	sadd.s32 s11, s0;
	[sflag:s21] =	ssyncadd.s32 $0xFFFFC000  }
0x56: {  	[tilespmem:s23], [sflag:$0x4] =	stream.linear.gather [hbm4b:s0+s3], $0x100, $0x38;
	v63 =	vld [tilespmem:$0x0]  }
0x57: {  	_ =	swait.ge [sflag:s21], $0x100  }
0x58: {  	[sflag:s21] =	ssyncset.done $0x0  }
0x59: {  	[sflag:s21] =	ssyncadd.s32 $0xFFFFFF00  }
0x5a: {  	[tilespmem:s24], [sflag:$0x2] =	stream.indirect.gather [hbm4b:s4+s22], $0x80, s23, s22, $0xb8;
	v63 =	vld [tilespmem:$0x0]  }
0x5b: {  	_ =	swait.ge [sflag:s30], $0x4000  }
0x5c: {  	[sflag:s30] =	ssyncset.done $0x0  }
0x5d: {  	[sflag:s30] =	ssyncadd.s32 $0xFFFFC000  }
0x5e: {  	[spmem:s2] =	stream.indirect.scatter.add.f32 [tilespmem:s12], [sflag:$0x4], $0x80, s31, s22, $0xb8;
	v63 =	vld [tilespmem:$0x0]  }
0x5f: {  	_ =	swait.ge [sflag:s21], $0x4000  }
0x60: {  	p0 =	sne.s32 s13, $0x300;
	[sflag:s21] =	ssyncset.done $0x0  }
.Ltmp0:
0x61: {  	[sflag:s21] =	ssyncadd.s32 $0xFFFFC000;
	(pc) =	sbr.rel @!p0 .LBB2_3-.Ltmp0, $4  }
0x62: {  	[tilespmem:s25], [sflag:$0x4] =	stream.linear.gather [hbm4b:s5+s3], $0x100, $0x38;
	v63 =	vld [tilespmem:$0x0]  }
0x63: {  	_ =	swait.ge [sflag:s21], $0x100  }
0x64: {  	[sflag:s21] =	ssyncset.done $0x0  }
0x65: {  	s0 =	simm.s32 $0x300;
	s5 =	sadd.s32 $0x60, s5;
	[sflag:s21] =	ssyncadd.s32 $0xFFFFFF00  }
.LBB2_2:
0x66: {  	[tilespmem:s12], [sflag:$0x3] =	stream.indirect.gather [hbm4b:s4+s22], $0x80, s25, s22, $0xb8;
	v63 =	vld [tilespmem:$0x0]  }
0x67: {  	s14 =	smov.u32 s0;
	s0 =	sadd.s32 $0x300, s0;
	_ =	swait.ge [sflag:s26], $0x4000  }
0x68: {  	p0 =	sne.s32 s13, s0;
	[sflag:s26] =	ssyncset.done $0x0  }
0x69: {  	[sflag:s26] =	ssyncadd.s32 $0xFFFFC000  }
0x6a: {  	[spmem:s2] =	stream.indirect.scatter.add.f32 [tilespmem:s20], [sflag:$0x4], $0x80, s22, s22, $0xb8;
	v63 =	vld [tilespmem:$0x0]  }
0x6b: {  	_ =	swait.ge [sflag:s21], $0x4000  }
0x6c: {  	[sflag:s21] =	ssyncset.done $0x0  }
0x6d: {  	s15 =	sadd.s32 $0xFFFFFFC0, s5;
	[sflag:s21] =	ssyncadd.s32 $0xFFFFC000  }
0x6e: {  	[tilespmem:s3], [sflag:$0x4] =	stream.linear.gather [hbm4b:s15+s3], $0x100, $0x38;
	v63 =	vld [tilespmem:$0x0]  }
0x6f: {  	_ =	swait.ge [sflag:s21], $0x100  }
0x70: {  	[sflag:s21] =	ssyncset.done $0x0  }
0x71: {  	[sflag:s21] =	ssyncadd.s32 $0xFFFFFF00  }
0x72: {  	[tilespmem:s20], [sflag:$0x1] =	stream.indirect.gather [hbm4b:s4+s22], $0x80, s3, s22, $0xb8;
	v63 =	vld [tilespmem:$0x0]  }
0x73: {  	_ =	swait.ge [sflag:s28], $0x4000  }
0x74: {  	[sflag:s28] =	ssyncset.done $0x0  }
0x75: {  	s14 =	sand.u32 $0x7FFFFF00, s14;
	[sflag:s28] =	ssyncadd.s32 $0xFFFFC000  }
0x76: {  	[spmem:s2] =	stream.indirect.scatter.add.f32 [tilespmem:s24], [sflag:$0x4], $0x80, s29, s22, $0xb8;
	v63 =	vld [tilespmem:$0x0]  }
0x77: {  	s14 =	sadd.s32 $0x400, s14;
	_ =	swait.ge [sflag:s21], $0x4000  }
0x78: {  	s14 =	sshrl.u32 s14, $0x3;
	[sflag:s21] =	ssyncset.done $0x0  }
0x79: {  	s14 =	sadd.s32 s11, s14;
	[sflag:s21] =	ssyncadd.s32 $0xFFFFC000  }
0x7a: {  	[tilespmem:s23], [sflag:$0x4] =	stream.linear.gather [hbm4b:s14+s3], $0x100, $0x38;
	v63 =	vld [tilespmem:$0x0]  }
0x7b: {  	_ =	swait.ge [sflag:s21], $0x100  }
0x7c: {  	[sflag:s21] =	ssyncset.done $0x0  }
0x7d: {  	[sflag:s21] =	ssyncadd.s32 $0xFFFFFF00  }
0x7e: {  	[tilespmem:s24], [sflag:$0x2] =	stream.indirect.gather [hbm4b:s4+s22], $0x80, s23, s22, $0xb8;
	v63 =	vld [tilespmem:$0x0]  }
0x7f: {  	_ =	swait.ge [sflag:s30], $0x4000  }
0x80: {  	[sflag:s30] =	ssyncset.done $0x0  }
0x81: {  	[sflag:s30] =	ssyncadd.s32 $0xFFFFC000  }
0x82: {  	[spmem:s2] =	stream.indirect.scatter.add.f32 [tilespmem:s12], [sflag:$0x4], $0x80, s31, s22, $0xb8;
	v63 =	vld [tilespmem:$0x0]  }
0x83: {  	_ =	swait.ge [sflag:s21], $0x4000  }
0x84: {  	[sflag:s21] =	ssyncset.done $0x0  }
.Ltmp1:
0x85: {  	[sflag:s21] =	ssyncadd.s32 $0xFFFFC000;
	(pc) =	sbr.rel @p0 .LBB2_2-.Ltmp1, $4  }
0x86: {  	[tilespmem:s25], [sflag:$0x4] =	stream.linear.gather [hbm4b:s5+s3], $0x100, $0x38;
	v63 =	vld [tilespmem:$0x0]  }
0x87: {  	_ =	swait.ge [sflag:s21], $0x100  }
0x88: {  	[sflag:s21] =	ssyncset.done $0x0  }
0x89: {  	s5 =	sadd.s32 $0x60, s5;
	[sflag:s21] =	ssyncadd.s32 $0xFFFFFF00  }
.LBB2_3:
0x8a: {  	[tilespmem:s12], [sflag:$0x3] =	stream.indirect.gather [hbm4b:s4+s22], $0x80, s25, s22, $0xb8;
	v63 =	vld [tilespmem:$0x0]  }
0x8b: {  	_ =	swait.ge [sflag:s26], $0x4000  }
0x8c: {  	[sflag:s26] =	ssyncset.done $0x0  }
0x8d: {  	[sflag:s26] =	ssyncadd.s32 $0xFFFFC000  }
0x8e: {  	_ =	swait.ge [sflag:s28], $0x4000  }
0x8f: {  	[sflag:s28] =	ssyncset.done $0x0  }
0x90: {  	[sflag:s28] =	ssyncadd.s32 $0xFFFFC000  }
0x91: {  	_ =	swait.ge [sflag:s30], $0x4000  }
0x92: {  	[sflag:s30] =	ssyncset.done $0x0  }
0x93: {  	[sflag:s30] =	ssyncadd.s32 $0xFFFFC000  }
0x94: {  	[bflag:$0x0] =	sbarrier.arrive $0xFFFF  }
0x95: {  	[tilespmem:s20], [sflag:$0x4] =	stream.linear.gather [spmem:s6], $0x4000, $0x38;
	v63 =	vld [tilespmem:$0x0]  }
0x96: {  	_ =	swait.ge [sflag:s21], $0x4000  }
0x97: {  	[sflag:s21] =	ssyncset.done $0x0  }
0x98: {  	s0 =	rddreg [dreg:$0x4];
	[sflag:s21] =	ssyncadd.s32 $0xFFFFC000  }
0x99: {  	[hbm4b:s0+s3] =	stream.linear.scatter [tilespmem:s20], [sflag:$0x4], $0x4000, $0x38;
	v63 =	vld [tilespmem:$0x0]  }
0x9a: {  	_ =	swait.ge [sflag:s21], $0x4000  }
0x9b: {  	[sflag:s21] =	ssyncset.done $0x0  }
0x9c: {  	[sflag:s21] =	ssyncadd.s32 $0xFFFFC000  }
0x9d: {  	[tilespmem:s20], [sflag:$0x4] =	stream.linear.gather [spmem:s7], $0x4000, $0x38;
	v63 =	vld [tilespmem:$0x0]  }
0x9e: {  	_ =	swait.ge [sflag:s21], $0x4000  }
0x9f: {  	[sflag:s21] =	ssyncset.done $0x0  }
0xa0: {  	s15 =	rddreg [dreg:$0x5];
	[sflag:s21] =	ssyncadd.s32 $0xFFFFC000  }
0xa1: {  	[hbm4b:s15+s3] =	stream.linear.scatter [tilespmem:s20], [sflag:$0x4], $0x4000, $0x38;
	v63 =	vld [tilespmem:$0x0]  }
0xa2: {  	_ =	swait.ge [sflag:s21], $0x4000  }
0xa3: {  	[sflag:s21] =	ssyncset.done $0x0  }
0xa4: {  	[sflag:s21] =	ssyncadd.s32 $0xFFFFC000  }
0xa5: {  	[tilespmem:s20], [sflag:$0x4] =	stream.linear.gather [spmem:s8], $0x4000, $0x38;
	v63 =	vld [tilespmem:$0x0]  }
0xa6: {  	_ =	swait.ge [sflag:s21], $0x4000  }
0xa7: {  	[sflag:s21] =	ssyncset.done $0x0  }
0xa8: {  	[sflag:s21] =	ssyncadd.s32 $0xFFFFC000  }
0xa9: {  	[hbm4b:s16+s3] =	stream.linear.scatter [tilespmem:s20], [sflag:$0x4], $0x4000, $0x38;
	v63 =	vld [tilespmem:$0x0]  }
0xaa: {  	_ =	swait.ge [sflag:s21], $0x4000  }
0xab: {  	[sflag:s21] =	ssyncset.done $0x0  }
0xac: {  	[sflag:s21] =	ssyncadd.s32 $0xFFFFC000  }
0xad: {  	[tilespmem:s20], [sflag:$0x4] =	stream.linear.gather [spmem:s9], $0x4000, $0x38;
	v63 =	vld [tilespmem:$0x0]  }
0xae: {  	_ =	swait.ge [sflag:s21], $0x4000  }
0xaf: {  	[sflag:s21] =	ssyncset.done $0x0  }
0xb0: {  	[sflag:s21] =	ssyncadd.s32 $0xFFFFC000  }
0xb1: {  	[hbm4b:s17+s3] =	stream.linear.scatter [tilespmem:s20], [sflag:$0x4], $0x4000, $0x38;
	v63 =	vld [tilespmem:$0x0]  }
0xb2: {  	_ =	swait.ge [sflag:s21], $0x4000  }
0xb3: {  	[sflag:s21] =	ssyncset.done $0x0  }
0xb4: {  	[sflag:s21] =	ssyncadd.s32 $0xFFFFC000  }
0xb5: {  	[tilespmem:s20], [sflag:$0x4] =	stream.linear.gather [spmem:s10], $0x3C00, $0x38;
	v63 =	vld [tilespmem:$0x0]  }
0xb6: {  	s1 =	sadd.s32 $0x1, s1;
	_ =	swait.ge [sflag:s21], $0x3C00  }
0xb7: {  	p0 =	sne.s32 s1, s19;
	[sflag:s21] =	ssyncset.done $0x0  }
.Ltmp2:
0xb8: {  	[sflag:s21] =	ssyncadd.s32 $0xFFFFC400;
	(pc) =	sbr.rel @p0 .LBB2_1-.Ltmp2, $4  }
0xb9: {  	[hbm4b:s18+s3] =	stream.linear.scatter [tilespmem:s20], [sflag:$0x4], $0x3C00, $0x38;
	v63 =	vld [tilespmem:$0x0]  }
0xba: {  	_ =	swait.ge [sflag:s21], $0x3C00  }
0xbb: {  	[sflag:s21] =	ssyncset.done $0x0  }
0xbc: {  	[sflag:s21] =	ssyncadd.s32 $0xFFFFC400  }
0xbd: {  	_ =	sfence.sel $0x180000  }
0xbe: {  	[bflag:$0x0] =	sbarrier.arrive $0xFFFF  }
0xbf: {  	_ =	strace $0x9000004A  }
0xc0: {  	s0 =	stileid.u32;
	[bflag:$0x2] =	sbarrier.arrive $0xFFFF  }
0xc1: {  	p0 =	sne.s32 s0, $0x0;
	s0 =	rddreg [dreg:$0x2]  }
0xc2: {  	s0 =	sadd.s32 @!p0 $0x100000, s0  }
0xc3: {  	[sflag:s0] =	ssyncadd.tile.s32 @!p0 $0x1;
	_ =	shalt  }
.Lfunc_end2:
_tile_overlayer_lowered:
.L_overlay_start_2:
0xc4: {  	(tag) =	ssettag $0x2  }
0xc5: {  	s0 =	rddreg [dreg:$0x0];
	s2 =	stileid.u32  }
0xc6: {  	s1 =	rddreg [dreg:$0x1];
	p0 =	sne.s32 s2, $0x0  }
0xc7: {  	s3 =	rddreg [dreg:$0x2];
	[bflag:$0x3] =	sbarrier.arrive $0xFFFF;
	s2 =	simm.s32 @!p0 $0x1C04  }
0xc8: {  	[timem:s3], [sflag:s2] =	dma.local @!p0 [hbm:s0], s1  }
0xc9: {  	s0 =	simm.s32 @!p0 $0x4  }
0xca: {  	_ =	swait.ge @!p0 [sflag:s0], s1  }
0xcb: {  	s1 =	ssub.s32 @!p0 $0x0, s1;
	[sflag:s0] =	ssyncset.done @!p0 $0x0  }
0xcc: {  	[sflag:s0] =	ssyncadd.s32 @!p0 s1  }
0xcd: {  	[bflag:$0x3] =	sbarrier.arrive $0xFFFF  }
0xce: {  	_ =	shalt  }

</sc_bundles>
